<compile_context>
chip_gen: v7x
topology: tpu7x:2x2x1
jax: 0.10.2.dev20260603
libtpu: 0.0.44.dev20260713+nightly
codegen_flags: <defaults>
</compile_context>

<pallas_src>
import functools

import jax
import jax.numpy as jnp
from jax import lax
from jax.experimental import pallas as pl
from jax.experimental.pallas import tpu as pltpu
from jax.experimental.pallas import tpu_sc as plsc

N = 10000
E = 320000
D = 128
H = 16
C = 40

NC, NS, L = 2, 16, 16
NW = NC * NS
N_PAD = 10240
KC = 512
NCH = E // KC
CH_BASE = NCH // NW
CH_EXTRA = NCH - CH_BASE * NW
RPT = N_PAD // NS
NSLOT = 4
NSTEP = 4 * ((CH_BASE + 1 + 2) // 4 + 1)


def _worker_range(wid):
    nch = CH_BASE + (wid < CH_EXTRA).astype(jnp.int32)
    ch0 = wid * CH_BASE + jnp.minimum(wid, CH_EXTRA)
    return ch0, nch


def _load_idx(e2d, sbuf, dbuf, sem_i, ch0, wid):
    pltpu.async_copy(e2d.at[0, pl.ds(ch0 * KC, CH_BASE * KC)],
                     sbuf.at[pl.ds(0, CH_BASE * KC)], sem_i)
    pltpu.async_copy(e2d.at[1, pl.ds(ch0 * KC, CH_BASE * KC)],
                     dbuf.at[pl.ds(0, CH_BASE * KC)], sem_i)

    @pl.when(wid < CH_EXTRA)
    def _():
        pltpu.async_copy(e2d.at[0, pl.ds((ch0 + CH_BASE) * KC, KC)],
                         sbuf.at[pl.ds(CH_BASE * KC, KC)], sem_i)
        pltpu.async_copy(e2d.at[1, pl.ds((ch0 + CH_BASE) * KC, KC)],
                         dbuf.at[pl.ds(CH_BASE * KC, KC)], sem_i)


def _drain_idx(e2d, sbuf, dbuf, sem_i, ch0, wid):
    pltpu.make_async_copy(e2d.at[0, pl.ds(ch0 * KC, CH_BASE * KC)],
                          sbuf.at[pl.ds(0, CH_BASE * KC)], sem_i).wait()
    pltpu.make_async_copy(e2d.at[1, pl.ds(ch0 * KC, CH_BASE * KC)],
                          dbuf.at[pl.ds(0, CH_BASE * KC)], sem_i).wait()

    @pl.when(wid < CH_EXTRA)
    def _():
        pltpu.make_async_copy(e2d.at[0, pl.ds((ch0 + CH_BASE) * KC, KC)],
                              sbuf.at[pl.ds(CH_BASE * KC, KC)], sem_i).wait()
        pltpu.make_async_copy(e2d.at[1, pl.ds((ch0 + CH_BASE) * KC, KC)],
                              dbuf.at[pl.ds(CH_BASE * KC, KC)], sem_i).wait()


def _agg_pipeline(table, sbuf, dbuf, rows, nch, accum, deg_local,
                  sem_g, sem_s):
    ones16 = jnp.ones((H,), jnp.float32)

    def step(c, q):
        q2 = (q + 2) % NSLOT

        @pl.when(jnp.logical_and(c >= 2, c - 2 < nch))
        def _():
            pltpu.make_async_copy(
                rows.at[q2], accum.at[dbuf.at[pl.ds(0, KC)]],
                sem_s[q2]).wait()

        @pl.when(c + 2 < nch)
        def _():
            pltpu.async_copy(table.at[sbuf.at[pl.ds((c + 2) * KC, KC)]],
                             rows.at[q2], sem_g[q2])

        @pl.when(c < nch)
        def _():
            if deg_local is not None:
                for k in range(KC // H):
                    dvec = dbuf[pl.ds(c * KC + k * H, H)]
                    plsc.addupdate_scatter(deg_local, [dvec], ones16)
            pltpu.make_async_copy(
                table.at[sbuf.at[pl.ds(0, KC)]], rows.at[q],
                sem_g[q]).wait()
            pltpu.async_copy(rows.at[q],
                             accum.at[dbuf.at[pl.ds(c * KC, KC)]],
                             sem_s[q], add=True)

    pltpu.async_copy(table.at[sbuf.at[pl.ds(0, KC)]], rows.at[0], sem_g[0])
    pltpu.async_copy(table.at[sbuf.at[pl.ds(KC, KC)]], rows.at[1], sem_g[1])

    def outer(i, _):
        for q in range(NSLOT):
            step(i * NSLOT + q, q)
        return 0
    lax.fori_loop(0, NSTEP // NSLOT, outer, 0)


def _zero_fill(buf, n):
    def f(i, _):
        buf[i] = jnp.zeros((H,), jnp.float32)
        return 0
    lax.fori_loop(0, n, f, 0)


def _sc_l1_body(table, e2d, agg_out, deg_out,
                sbuf, dbuf, rows, zbuf, deg_local, dred, accum, deg_stage,
                sem_i, sem_p, sg0, sg1, sg2, sg3, ss0, ss1, ss2, ss3):
    sem_g, sem_s = (sg0, sg1, sg2, sg3), (ss0, ss1, ss2, ss3)
    cid = lax.axis_index("c")
    sid = lax.axis_index("s")
    wid = sid * NC + cid
    row0 = sid * RPT
    ch0, nch = _worker_range(wid)

    _load_idx(e2d, sbuf, dbuf, sem_i, ch0, wid)
    _zero_fill(zbuf, RPT)
    pltpu.sync_copy(zbuf, accum.at[pl.ds(row0, RPT)])

    def fz(i, _):
        deg_local[pl.ds(i * H, H)] = jnp.zeros((H,), jnp.float32)
        return 0
    lax.fori_loop(0, N_PAD // H, fz, 0)
    _drain_idx(e2d, sbuf, dbuf, sem_i, ch0, wid)
    plsc.subcore_barrier()

    _agg_pipeline(table, sbuf, dbuf, rows, nch, accum, deg_local,
                  sem_g, sem_s)

    pltpu.sync_copy(deg_local, deg_stage.at[sid])
    plsc.subcore_barrier()
    for k in range(NS):
        pltpu.async_copy(deg_stage.at[k, pl.ds(row0, RPT)], dred.at[k],
                         sem_p)
    for k in range(NS):
        pltpu.make_async_copy(deg_stage.at[k, pl.ds(row0, RPT)],
                              dred.at[k], sem_p).wait()

    def fr(i, _):
        acc = dred[0, pl.ds(i * H, H)]
        for k in range(1, NS):
            acc = acc + dred[k, pl.ds(i * H, H)]
        deg_local[pl.ds(i * H, H)] = acc
        return 0
    lax.fori_loop(0, RPT // H, fr, 0)

    out_off = cid * N_PAD + row0
    pltpu.sync_copy(deg_local.at[pl.ds(0, RPT)],
                    deg_out.at[pl.ds(out_off, RPT)])
    pltpu.sync_copy(accum.at[pl.ds(row0, RPT)],
                    agg_out.at[pl.ds(out_off, RPT)])


def _sc_l2_body(agg_in, deg_in, e2d, b1h, mu_out,
                sbuf, dbuf, rows, zbuf, a0, a1, d0, d1, b1v, htab, accum,
                sem_i, sem_p, sg0, sg1, sg2, sg3, ss0, ss1, ss2, ss3):
    sem_g, sem_s = (sg0, sg1, sg2, sg3), (ss0, ss1, ss2, ss3)
    cid = lax.axis_index("c")
    sid = lax.axis_index("s")
    wid = sid * NC + cid
    row0 = sid * RPT
    ch0, nch = _worker_range(wid)

    _load_idx(e2d, sbuf, dbuf, sem_i, ch0, wid)
    pltpu.async_copy(agg_in.at[pl.ds(row0, RPT)], a0, sem_p)
    pltpu.async_copy(agg_in.at[pl.ds(N_PAD + row0, RPT)], a1, sem_p)
    pltpu.async_copy(deg_in.at[pl.ds(row0, RPT)], d0, sem_p)
    pltpu.async_copy(deg_in.at[pl.ds(N_PAD + row0, RPT)], d1, sem_p)
    pltpu.async_copy(b1h, b1v, sem_p)

    _zero_fill(zbuf, RPT)
    pltpu.sync_copy(zbuf, accum.at[pl.ds(row0, RPT)])

    pltpu.make_async_copy(agg_in.at[pl.ds(row0, RPT)], a0, sem_p).wait()
    pltpu.make_async_copy(agg_in.at[pl.ds(row0, RPT)], a1, sem_p).wait()
    pltpu.make_async_copy(deg_in.at[pl.ds(row0, RPT)], d0, sem_p).wait()
    pltpu.make_async_copy(deg_in.at[pl.ds(row0, RPT)], d1, sem_p).wait()
    pltpu.make_async_copy(b1h, b1v, sem_p).wait()

    bvec = b1v[0]

    def hblk(i, _):
        dv = jnp.maximum(d0[pl.ds(i * H, H)] + d1[pl.ds(i * H, H)], 1.0)
        rv = jnp.ones((H,), jnp.float32) / dv
        for m in range(H):
            r = i * H + m
            rm = jnp.full((H,), rv[m], jnp.float32)
            a0[r] = jnp.maximum((a0[r] + a1[r]) * rm + bvec, 0.0)
        return 0
    lax.fori_loop(0, RPT // H, hblk, 0)
    pltpu.sync_copy(a0, htab.at[pl.ds(row0, RPT)])
    _drain_idx(e2d, sbuf, dbuf, sem_i, ch0, wid)
    plsc.subcore_barrier()

    _agg_pipeline(htab, sbuf, dbuf, rows, nch, accum, None, sem_g, sem_s)

    plsc.subcore_barrier()
    pltpu.sync_copy(accum.at[pl.ds(row0, RPT)], zbuf)

    def mblk(i, _):
        dv = jnp.maximum(d0[pl.ds(i * H, H)] + d1[pl.ds(i * H, H)], 1.0)
        rv = jnp.ones((H,), jnp.float32) / dv
        for m in range(H):
            r = i * H + m
            zbuf[r] = zbuf[r] * jnp.full((H,), rv[m], jnp.float32)
        return 0
    lax.fori_loop(0, RPT // H, mblk, 0)
    pltpu.sync_copy(zbuf, mu_out.at[pl.ds(cid * N_PAD + row0, RPT)])


_SC_MESH = plsc.VectorSubcoreMesh(
    core_axis_name="c", subcore_axis_name="s",
    num_cores=NC, num_subcores=NS)
_SC_PARAMS = pltpu.CompilerParams(use_tc_tiling_on_sc=False,
                                  needs_layout_passes=False)


def _make_sc_l1():
    scratch = [
        pltpu.VMEM(((CH_BASE + 1) * KC,), jnp.int32),
        pltpu.VMEM(((CH_BASE + 1) * KC,), jnp.int32),
        pltpu.VMEM((NSLOT, KC, H), jnp.float32),
        pltpu.VMEM((RPT, H), jnp.float32),
        pltpu.VMEM((N_PAD,), jnp.float32),
        pltpu.VMEM((NS, RPT), jnp.float32),
        pltpu.VMEM_SHARED((N_PAD, H), jnp.float32),
        pltpu.VMEM_SHARED((NS, N_PAD), jnp.float32),
    ] + [pltpu.SemaphoreType.DMA] * 10
    return pl.kernel(
        _sc_l1_body,
        out_type=(jax.ShapeDtypeStruct((NC * N_PAD, H), jnp.float32),
                  jax.ShapeDtypeStruct((NC * N_PAD,), jnp.float32)),
        mesh=_SC_MESH,
        scratch_types=scratch,
        compiler_params=_SC_PARAMS,
    )


def _make_sc_l2():
    scratch = [
        pltpu.VMEM(((CH_BASE + 1) * KC,), jnp.int32),
        pltpu.VMEM(((CH_BASE + 1) * KC,), jnp.int32),
        pltpu.VMEM((NSLOT, KC, H), jnp.float32),
        pltpu.VMEM((RPT, H), jnp.float32),
        pltpu.VMEM((RPT, H), jnp.float32),
        pltpu.VMEM((RPT, H), jnp.float32),
        pltpu.VMEM((RPT,), jnp.float32),
        pltpu.VMEM((RPT,), jnp.float32),
        pltpu.VMEM((1, H), jnp.float32),
        pltpu.VMEM_SHARED((N_PAD, H), jnp.float32),
        pltpu.VMEM_SHARED((N_PAD, H), jnp.float32),
    ] + [pltpu.SemaphoreType.DMA] * 10
    return pl.kernel(
        _sc_l2_body,
        out_type=jax.ShapeDtypeStruct((NC * N_PAD, H), jnp.float32),
        mesh=_SC_MESH,
        scratch_types=scratch,
        compiler_params=_SC_PARAMS,
    )


def _mm_body(x_ref, w_ref, o_ref):
    o_ref[...] = jnp.dot(x_ref[...], w_ref[...],
                         preferred_element_type=jnp.float32)


def _out_body(m0, m1, w_ref, b_ref, o_ref):
    z = jnp.dot(m0[...] + m1[...], w_ref[...],
                preferred_element_type=jnp.float32) + b_ref[...]
    m = jnp.max(z, axis=1, keepdims=True)
    lse = jnp.log(jnp.sum(jnp.exp(z - m), axis=1, keepdims=True)) + m
    o_ref[...] = z - lse


def kernel(x, edge_index, W1, b1, W2, b2):
    e2d = edge_index
    NB = N_PAD // 1024

    y1p = pl.pallas_call(
        _mm_body,
        grid=(5,),
        in_specs=[pl.BlockSpec((2048, D), lambda i: (i, 0)),
                  pl.BlockSpec((D, H), lambda i: (0, 0))],
        out_specs=pl.BlockSpec((2048, H), lambda i: (i, 0)),
        out_shape=jax.ShapeDtypeStruct((N_PAD, H), jnp.float32),
    )(x, W1)

    agg1, degp = _make_sc_l1()(y1p, e2d)

    mu2 = _make_sc_l2()(agg1, degp, e2d, b1.reshape(1, H))

    bspec = lambda off: pl.BlockSpec((2048, H), lambda i: (i + off, 0))
    out = pl.pallas_call(
        _out_body,
        grid=(5,),
        in_specs=[bspec(0), bspec(5),
                  pl.BlockSpec((H, C), lambda i: (0, 0)),
                  pl.BlockSpec((1, C), lambda i: (0, 0))],
        out_specs=pl.BlockSpec((2048, C), lambda i: (i, 0)),
        out_shape=jax.ShapeDtypeStruct((N, C), jnp.float32),
    )(mu2, mu2, W2, b2.reshape(1, C))
    return out

# --- scband reference (transcript-rebuilt; emitter-appended) ---
"""Pipeline reference for scband-mmgnn-48326972014857 (READ-ONLY COPY).

The authoritative reference and input builder live on the scoring server;
editing this copy changes nothing except your own understanding.
"""

import jax, jax.numpy as jnp
import numpy as np

N, E, D_FEAT, HIDDEN, N_CLASSES = 10000, 320000, 128, 16, 40

def setup_inputs(seed: int = 0) -> dict:
    key = jax.random.key(seed)
    ks = jax.random.split(key, 6)
    x = jax.random.normal(ks[0], (N, D_FEAT), dtype=jnp.float32)
    edge_index = jax.random.randint(ks[1], (2, E), 0, N, dtype=jnp.int32)
    W1 = jax.random.normal(ks[2], (D_FEAT, HIDDEN), dtype=jnp.float32) * (1.0 / np.sqrt(D_FEAT))
    b1 = jnp.zeros((HIDDEN,), dtype=jnp.float32)
    W2 = jax.random.normal(ks[3], (HIDDEN, N_CLASSES), dtype=jnp.float32) * (1.0 / np.sqrt(HIDDEN))
    b2 = jnp.zeros((N_CLASSES,), dtype=jnp.float32)
    return {"x": x, "edge_index": edge_index, "W1": W1, "b1": b1, "W2": W2, "b2": b2}

def reference(x, edge_index, W1, b1, W2, b2):
    # MMGNN forward (eval mode): 2 MM_Conv layers with moment=1 (row-normalized
    # adjacency -> mean aggregation of neighbor features), mode='sum', then
    # ReLU between layers (dropout is identity at eval) and log_softmax output.
    n = x.shape[0]
    src = edge_index[0]  # col of adj_t (source / gathered-from node)
    dst = edge_index[1]  # row of adj_t (destination / aggregated-into node)
    # row-normalization of adj_t (use_adj_norm with norm='row'): divide by in-degree
    deg = jax.ops.segment_sum(jnp.ones(src.shape[0], dtype=jnp.float32), dst, num_segments=n)
    deg = jnp.clip(deg, 1.0, None)

    def mm_conv(h, W, b):
        gathered = jnp.take(h, src, axis=0)                      # gather over edges
        agg = jax.ops.segment_sum(gathered, dst, num_segments=n) # scatter-add to dst
        mu1 = agg / deg[:, None]                                 # 1st moment (mean)
        return mu1 @ W + b

    h = jax.nn.relu(mm_conv(x, W1, b1))
    out = mm_conv(h, W2, b2)
    return jax.nn.log_softmax(out, axis=1)

if __name__ == "__main__":
    import jax
    _d = setup_inputs()
    print(jax.jit(kernel)(*tuple(_d.values())))

</pallas_src>

<mosaic_0001>
#map = affine_map<(d0, d1) -> (0, 0)>
#map1 = affine_map<(d0, d1) -> (0)>
module attributes {stable_mosaic.version = 14 : i64} {
  func.func @_sc_l1_body(%arg0: i32, %arg1: i32, %arg2: memref<10240x16xf32, #tpu.memory_space<hbm>>, %arg3: memref<2x320000xi32, #tpu.memory_space<hbm>>, %arg4: memref<20480x16xf32, #tpu.memory_space<hbm>>, %arg5: memref<20480xf32, #tpu.memory_space<hbm>>, %arg6: memref<10240xi32, #tpu.memory_space<vmem>>, %arg7: memref<10240xi32, #tpu.memory_space<vmem>>, %arg8: memref<4x512x16xf32, #tpu.memory_space<vmem>>, %arg9: memref<640x16xf32, #tpu.memory_space<vmem>>, %arg10: memref<10240xf32, #tpu.memory_space<vmem>>, %arg11: memref<16x640xf32, #tpu.memory_space<vmem>>, %arg12: memref<10240x16xf32, #tpu.memory_space<vmem_shared>>, %arg13: memref<16x10240xf32, #tpu.memory_space<vmem_shared>>, %arg14: memref<!tpu.dma_semaphore, #tpu.memory_space<semaphore_mem>>, %arg15: memref<!tpu.dma_semaphore, #tpu.memory_space<semaphore_mem>>, %arg16: memref<!tpu.dma_semaphore, #tpu.memory_space<semaphore_mem>>, %arg17: memref<!tpu.dma_semaphore, #tpu.memory_space<semaphore_mem>>, %arg18: memref<!tpu.dma_semaphore, #tpu.memory_space<semaphore_mem>>, %arg19: memref<!tpu.dma_semaphore, #tpu.memory_space<semaphore_mem>>, %arg20: memref<!tpu.dma_semaphore, #tpu.memory_space<semaphore_mem>>, %arg21: memref<!tpu.dma_semaphore, #tpu.memory_space<semaphore_mem>>, %arg22: memref<!tpu.dma_semaphore, #tpu.memory_space<semaphore_mem>>, %arg23: memref<!tpu.dma_semaphore, #tpu.memory_space<semaphore_mem>>) attributes {dimension_semantics = [#tpu.dimension_semantics<core_parallel>, #tpu.dimension_semantics<subcore_parallel>], iteration_bounds = array<i64: 2, 16>, scalar_prefetch = 0 : i64, scratch_operands = 18 : i64, tpu.core_type = #tpu.core_type<sc_vector_subcore>, window_params = [{transform_indices = #map}, {transform_indices = #map}, {transform_indices = #map}, {transform_indices = #map1}]} {
    %mul3A = arith.constant 2 : i32
    %mul3A_0 = arith.muli %arg1, %mul3A : i32
    %add3A = arith.addi %mul3A_0, %arg0 : i32
    %mul3A_1 = arith.constant 640 : i32
    %mul3A_2 = arith.muli %arg1, %mul3A_1 : i32
    %lt3A = arith.constant 17 : i32
    %lt3A_3 = arith.cmpi slt, %add3A, %lt3A : i32
    %convert_element_type3A = arith.extui %lt3A_3 : i1 to i32
    %add3A_4 = arith.constant 19 : i32
    %add3A_5 = arith.addi %add3A_4, %convert_element_type3A : i32
    %mul3A_6 = arith.constant 19 : i32
    %mul3A_7 = arith.muli %add3A, %mul3A_6 : i32
    %min3A = arith.constant 17 : i32
    %min3A_8 = arith.minsi %add3A, %min3A : i32
    %add3A_9 = arith.addi %mul3A_7, %min3A_8 : i32
    %mul3A_10 = arith.constant 512 : i32
    %mul3A_11 = arith.muli %add3A_9, %mul3A_10 : i32
    %dma_start3A = arith.constant 0 : i32
    %dma_start3A_12 = arith.constant 0 : i32
    %dma_start3A_13 = tpu.memref_slice %arg6[%dma_start3A_12] : memref<10240xi32, #tpu.memory_space<vmem>> -> memref<9728xi32, #tpu.memory_space<vmem>>
    %dma_start3A_14 = tpu.memref_slice %arg3[%dma_start3A, %mul3A_11] : memref<2x320000xi32, #tpu.memory_space<hbm>> -> memref<1x9728xi32, #tpu.memory_space<hbm>>
    %dma_start3A_15 = tpu.memref_squeeze %dma_start3A_14 : memref<1x9728xi32, #tpu.memory_space<hbm>> -> memref<9728xi32, #tpu.memory_space<hbm>>
    %dma_start3A_16 = arith.constant 0 : i32
    %dma_start3A_17 = tpu.memref_slice %arg6[%dma_start3A_16] : memref<10240xi32, #tpu.memory_space<vmem>> -> memref<9728xi32, #tpu.memory_space<vmem>>
    %dma_start3A_18 = tpu.memref_slice %arg3[%dma_start3A, %mul3A_11] : memref<2x320000xi32, #tpu.memory_space<hbm>> -> memref<1x9728xi32, #tpu.memory_space<hbm>>
    %dma_start3A_19 = tpu.memref_squeeze %dma_start3A_18 : memref<1x9728xi32, #tpu.memory_space<hbm>> -> memref<9728xi32, #tpu.memory_space<hbm>>
    tpu.enqueue_dma source(%dma_start3A_19 : memref<9728xi32, #tpu.memory_space<hbm>>) target(%dma_start3A_17 : memref<9728xi32, #tpu.memory_space<vmem>>) target_semaphore(%arg14 : memref<!tpu.dma_semaphore, #tpu.memory_space<semaphore_mem>>)
    %mul3A_20 = arith.constant 512 : i32
    %mul3A_21 = arith.muli %add3A_9, %mul3A_20 : i32
    %dma_start3A_22 = arith.constant 1 : i32
    %dma_start3A_23 = arith.constant 0 : i32
    %dma_start3A_24 = tpu.memref_slice %arg7[%dma_start3A_23] : memref<10240xi32, #tpu.memory_space<vmem>> -> memref<9728xi32, #tpu.memory_space<vmem>>
    %dma_start3A_25 = tpu.memref_slice %arg3[%dma_start3A_22, %mul3A_21] : memref<2x320000xi32, #tpu.memory_space<hbm>> -> memref<1x9728xi32, #tpu.memory_space<hbm>>
    %dma_start3A_26 = tpu.memref_squeeze %dma_start3A_25 : memref<1x9728xi32, #tpu.memory_space<hbm>> -> memref<9728xi32, #tpu.memory_space<hbm>>
    %dma_start3A_27 = arith.constant 0 : i32
    %dma_start3A_28 = tpu.memref_slice %arg7[%dma_start3A_27] : memref<10240xi32, #tpu.memory_space<vmem>> -> memref<9728xi32, #tpu.memory_space<vmem>>
    %dma_start3A_29 = tpu.memref_slice %arg3[%dma_start3A_22, %mul3A_21] : memref<2x320000xi32, #tpu.memory_space<hbm>> -> memref<1x9728xi32, #tpu.memory_space<hbm>>
    %dma_start3A_30 = tpu.memref_squeeze %dma_start3A_29 : memref<1x9728xi32, #tpu.memory_space<hbm>> -> memref<9728xi32, #tpu.memory_space<hbm>>
    tpu.enqueue_dma source(%dma_start3A_30 : memref<9728xi32, #tpu.memory_space<hbm>>) target(%dma_start3A_28 : memref<9728xi32, #tpu.memory_space<vmem>>) target_semaphore(%arg14 : memref<!tpu.dma_semaphore, #tpu.memory_space<semaphore_mem>>)
    %lt3A_31 = arith.constant 17 : i32
    %lt3A_32 = arith.cmpi slt, %add3A, %lt3A_31 : i32
    %convert_element_type3A_33 = arith.extui %lt3A_32 : i1 to i32
    %cond3A = arith.constant 0 : i32
    %cond3A_34 = arith.cmpi ne, %convert_element_type3A_33, %cond3A : i32
    scf.if %cond3A_34 {
      %add3A_497 = arith.constant 19 : i32
      %add3A_498 = arith.addi %add3A_9, %add3A_497 : i32
      %mul3A_499 = arith.constant 512 : i32
      %mul3A_500 = arith.muli %add3A_498, %mul3A_499 : i32
      %dma_start3A_501 = arith.constant 0 : i32
      %dma_start3A_502 = arith.constant 9728 : i32
      %dma_start3A_503 = tpu.memref_slice %arg6[%dma_start3A_502] : memref<10240xi32, #tpu.memory_space<vmem>> -> memref<512xi32, #tpu.memory_space<vmem>>
      %dma_start3A_504 = tpu.memref_slice %arg3[%dma_start3A_501, %mul3A_500] : memref<2x320000xi32, #tpu.memory_space<hbm>> -> memref<1x512xi32, #tpu.memory_space<hbm>>
      %dma_start3A_505 = tpu.memref_squeeze %dma_start3A_504 : memref<1x512xi32, #tpu.memory_space<hbm>> -> memref<512xi32, #tpu.memory_space<hbm>>
      %dma_start3A_506 = arith.constant 9728 : i32
      %dma_start3A_507 = tpu.memref_slice %arg6[%dma_start3A_506] : memref<10240xi32, #tpu.memory_space<vmem>> -> memref<512xi32, #tpu.memory_space<vmem>>
      %dma_start3A_508 = tpu.memref_slice %arg3[%dma_start3A_501, %mul3A_500] : memref<2x320000xi32, #tpu.memory_space<hbm>> -> memref<1x512xi32, #tpu.memory_space<hbm>>
      %dma_start3A_509 = tpu.memref_squeeze %dma_start3A_508 : memref<1x512xi32, #tpu.memory_space<hbm>> -> memref<512xi32, #tpu.memory_space<hbm>>
      tpu.enqueue_dma source(%dma_start3A_509 : memref<512xi32, #tpu.memory_space<hbm>>) target(%dma_start3A_507 : memref<512xi32, #tpu.memory_space<vmem>>) target_semaphore(%arg14 : memref<!tpu.dma_semaphore, #tpu.memory_space<semaphore_mem>>)
      %add3A_510 = arith.constant 19 : i32
      %add3A_511 = arith.addi %add3A_9, %add3A_510 : i32
      %mul3A_512 = arith.constant 512 : i32
      %mul3A_513 = arith.muli %add3A_511, %mul3A_512 : i32
      %dma_start3A_514 = arith.constant 1 : i32
      %dma_start3A_515 = arith.constant 9728 : i32
      %dma_start3A_516 = tpu.memref_slice %arg7[%dma_start3A_515] : memref<10240xi32, #tpu.memory_space<vmem>> -> memref<512xi32, #tpu.memory_space<vmem>>
      %dma_start3A_517 = tpu.memref_slice %arg3[%dma_start3A_514, %mul3A_513] : memref<2x320000xi32, #tpu.memory_space<hbm>> -> memref<1x512xi32, #tpu.memory_space<hbm>>
      %dma_start3A_518 = tpu.memref_squeeze %dma_start3A_517 : memref<1x512xi32, #tpu.memory_space<hbm>> -> memref<512xi32, #tpu.memory_space<hbm>>
      %dma_start3A_519 = arith.constant 9728 : i32
      %dma_start3A_520 = tpu.memref_slice %arg7[%dma_start3A_519] : memref<10240xi32, #tpu.memory_space<vmem>> -> memref<512xi32, #tpu.memory_space<vmem>>
      %dma_start3A_521 = tpu.memref_slice %arg3[%dma_start3A_514, %mul3A_513] : memref<2x320000xi32, #tpu.memory_space<hbm>> -> memref<1x512xi32, #tpu.memory_space<hbm>>
      %dma_start3A_522 = tpu.memref_squeeze %dma_start3A_521 : memref<1x512xi32, #tpu.memory_space<hbm>> -> memref<512xi32, #tpu.memory_space<hbm>>
      tpu.enqueue_dma source(%dma_start3A_522 : memref<512xi32, #tpu.memory_space<hbm>>) target(%dma_start3A_520 : memref<512xi32, #tpu.memory_space<vmem>>) target_semaphore(%arg14 : memref<!tpu.dma_semaphore, #tpu.memory_space<semaphore_mem>>)
    } else {
    }
    %scan3A = arith.constant 0 : i32
    %scan3A_35 = arith.constant 0 : i32
    %scan3A_36 = arith.constant 640 : i32
    %scan3A_37 = arith.addi %scan3A_35, %scan3A_36 : i32
    %scan3A_38 = arith.constant 1 : i32
    %scan3A_39 = scf.for %scan3A_497 = %scan3A_35 to %scan3A_37 step %scan3A_38 iter_args(%scan3A_498 = %scan3A) -> (i32)  : i32 {
      %broadcast_in_dim3A_499 = arith.constant 0.000000e+00 : f32
      %broadcast_in_dim3A_500 = vector.broadcast %broadcast_in_dim3A_499 : f32 to vector<16xf32>
      %swap3A = arith.index_cast %scan3A_497 : i32 to index
      %swap3A_501 = arith.constant 0 : index
      %swap3A_502 = tpu.vector_load %arg9[%swap3A, %swap3A_501] {strides = array<i32>} : memref<640x16xf32, #tpu.memory_space<vmem>>, vector<16xf32>,
      tpu.vector_store %arg9[%swap3A, %swap3A_501], %broadcast_in_dim3A_500 {strides = array<i32>} : memref<640x16xf32, #tpu.memory_space<vmem>>, vector<16xf32>,
      %scan3A_503 = arith.constant 0 : i32
      scf.yield %scan3A_503 : i32
    }
    %scan3A_40 = arith.constant 640 : i32
    "tpu.region"() ({
      %run_scoped3A = tpu.sem_alloc : memref<!tpu.dma_semaphore, #tpu.memory_space<semaphore_mem>>
      %dma_start3A_497 = arith.constant 0 : i32
      %dma_start3A_498 = tpu.memref_slice %arg12[%mul3A_2, %dma_start3A_497] : memref<10240x16xf32, #tpu.memory_space<vmem_shared>> -> memref<640x16xf32, #tpu.memory_space<vmem_shared>>
      %dma_start3A_499 = arith.constant 0 : i32
      %dma_start3A_500 = tpu.memref_slice %arg12[%mul3A_2, %dma_start3A_499] : memref<10240x16xf32, #tpu.memory_space<vmem_shared>> -> memref<640x16xf32, #tpu.memory_space<vmem_shared>>
      tpu.enqueue_dma source(%arg9 : memref<640x16xf32, #tpu.memory_space<vmem>>) target(%dma_start3A_500 : memref<640x16xf32, #tpu.memory_space<vmem_shared>>) target_semaphore(%run_scoped3A : memref<!tpu.dma_semaphore, #tpu.memory_space<semaphore_mem>>)
      %dma_wait3A_501 = arith.constant 0 : i32
      %dma_wait3A_502 = tpu.memref_slice %arg12[%mul3A_2, %dma_wait3A_501] : memref<10240x16xf32, #tpu.memory_space<vmem_shared>> -> memref<640x16xf32, #tpu.memory_space<vmem_shared>>
      %dma_wait3A_503 = arith.constant 0 : i32
      %dma_wait3A_504 = tpu.memref_slice %arg12[%mul3A_2, %dma_wait3A_503] : memref<10240x16xf32, #tpu.memory_space<vmem_shared>> -> memref<640x16xf32, #tpu.memory_space<vmem_shared>>
      tpu.wait_dma2 semaphore(%run_scoped3A : memref<!tpu.dma_semaphore, #tpu.memory_space<semaphore_mem>>) src(%arg9 : memref<640x16xf32, #tpu.memory_space<vmem>>) dst(%dma_wait3A_504 : memref<640x16xf32, #tpu.memory_space<vmem_shared>>)
      tpu.yield
    }) : () -> ()
    %scan3A_41 = arith.constant 0 : i32
    %scan3A_42 = arith.constant 0 : i32
    %scan3A_43 = arith.constant 640 : i32
    %scan3A_44 = arith.addi %scan3A_42, %scan3A_43 : i32
    %scan3A_45 = arith.constant 1 : i32
    %scan3A_46 = scf.for %scan3A_497 = %scan3A_42 to %scan3A_44 step %scan3A_45 iter_args(%scan3A_498 = %scan3A_41) -> (i32)  : i32 {
      %broadcast_in_dim3A_499 = arith.constant 0.000000e+00 : f32
      %broadcast_in_dim3A_500 = vector.broadcast %broadcast_in_dim3A_499 : f32 to vector<16xf32>
      %mul3A_501 = arith.constant 16 : i32
      %mul3A_502 = arith.muli %scan3A_497, %mul3A_501 : i32
      %swap3A = arith.index_cast %mul3A_502 : i32 to index
      %swap3A_503 = tpu.vector_load %arg10[%swap3A] {strides = array<i32>} : memref<10240xf32, #tpu.memory_space<vmem>>, vector<16xf32>,
      tpu.vector_store %arg10[%swap3A], %broadcast_in_dim3A_500 {strides = array<i32>} : memref<10240xf32, #tpu.memory_space<vmem>>, vector<16xf32>,
      %scan3A_504 = arith.constant 0 : i32
      scf.yield %scan3A_504 : i32
    }
    %scan3A_47 = arith.constant 640 : i32
    %mul3A_48 = arith.constant 512 : i32
    %mul3A_49 = arith.muli %add3A_9, %mul3A_48 : i32
    %dma_wait3A = arith.constant 0 : i32
    %dma_wait3A_50 = arith.constant 0 : i32
    %dma_wait3A_51 = tpu.memref_slice %arg6[%dma_wait3A_50] : memref<10240xi32, #tpu.memory_space<vmem>> -> memref<9728xi32, #tpu.memory_space<vmem>>
    %dma_wait3A_52 = tpu.memref_slice %arg3[%dma_wait3A, %mul3A_49] : memref<2x320000xi32, #tpu.memory_space<hbm>> -> memref<1x9728xi32, #tpu.memory_space<hbm>>
    %dma_wait3A_53 = tpu.memref_squeeze %dma_wait3A_52 : memref<1x9728xi32, #tpu.memory_space<hbm>> -> memref<9728xi32, #tpu.memory_space<hbm>>
    %dma_wait3A_54 = arith.constant 0 : i32
    %dma_wait3A_55 = tpu.memref_slice %arg6[%dma_wait3A_54] : memref<10240xi32, #tpu.memory_space<vmem>> -> memref<9728xi32, #tpu.memory_space<vmem>>
    %dma_wait3A_56 = tpu.memref_slice %arg3[%dma_wait3A, %mul3A_49] : memref<2x320000xi32, #tpu.memory_space<hbm>> -> memref<1x9728xi32, #tpu.memory_space<hbm>>
    %dma_wait3A_57 = tpu.memref_squeeze %dma_wait3A_56 : memref<1x9728xi32, #tpu.memory_space<hbm>> -> memref<9728xi32, #tpu.memory_space<hbm>>
    tpu.wait_dma2 semaphore(%arg14 : memref<!tpu.dma_semaphore, #tpu.memory_space<semaphore_mem>>) src(%dma_wait3A_57 : memref<9728xi32, #tpu.memory_space<hbm>>) dst(%dma_wait3A_55 : memref<9728xi32, #tpu.memory_space<vmem>>)
    %mul3A_58 = arith.constant 512 : i32
    %mul3A_59 = arith.muli %add3A_9, %mul3A_58 : i32
    %dma_wait3A_60 = arith.constant 1 : i32
    %dma_wait3A_61 = arith.constant 0 : i32
    %dma_wait3A_62 = tpu.memref_slice %arg7[%dma_wait3A_61] : memref<10240xi32, #tpu.memory_space<vmem>> -> memref<9728xi32, #tpu.memory_space<vmem>>
    %dma_wait3A_63 = tpu.memref_slice %arg3[%dma_wait3A_60, %mul3A_59] : memref<2x320000xi32, #tpu.memory_space<hbm>> -> memref<1x9728xi32, #tpu.memory_space<hbm>>
    %dma_wait3A_64 = tpu.memref_squeeze %dma_wait3A_63 : memref<1x9728xi32, #tpu.memory_space<hbm>> -> memref<9728xi32, #tpu.memory_space<hbm>>
    %dma_wait3A_65 = arith.constant 0 : i32
    %dma_wait3A_66 = tpu.memref_slice %arg7[%dma_wait3A_65] : memref<10240xi32, #tpu.memory_space<vmem>> -> memref<9728xi32, #tpu.memory_space<vmem>>
    %dma_wait3A_67 = tpu.memref_slice %arg3[%dma_wait3A_60, %mul3A_59] : memref<2x320000xi32, #tpu.memory_space<hbm>> -> memref<1x9728xi32, #tpu.memory_space<hbm>>
    %dma_wait3A_68 = tpu.memref_squeeze %dma_wait3A_67 : memref<1x9728xi32, #tpu.memory_space<hbm>> -> memref<9728xi32, #tpu.memory_space<hbm>>
    tpu.wait_dma2 semaphore(%arg14 : memref<!tpu.dma_semaphore, #tpu.memory_space<semaphore_mem>>) src(%dma_wait3A_68 : memref<9728xi32, #tpu.memory_space<hbm>>) dst(%dma_wait3A_66 : memref<9728xi32, #tpu.memory_space<vmem>>)
    %lt3A_69 = arith.constant 17 : i32
    %lt3A_70 = arith.cmpi slt, %add3A, %lt3A_69 : i32
    %convert_element_type3A_71 = arith.extui %lt3A_70 : i1 to i32
    %cond3A_72 = arith.constant 0 : i32
    %cond3A_73 = arith.cmpi ne, %convert_element_type3A_71, %cond3A_72 : i32
    scf.if %cond3A_73 {
      %add3A_497 = arith.constant 19 : i32
      %add3A_498 = arith.addi %add3A_9, %add3A_497 : i32
      %mul3A_499 = arith.constant 512 : i32
      %mul3A_500 = arith.muli %add3A_498, %mul3A_499 : i32
      %dma_wait3A_501 = arith.constant 0 : i32
      %dma_wait3A_502 = arith.constant 9728 : i32
      %dma_wait3A_503 = tpu.memref_slice %arg6[%dma_wait3A_502] : memref<10240xi32, #tpu.memory_space<vmem>> -> memref<512xi32, #tpu.memory_space<vmem>>
      %dma_wait3A_504 = tpu.memref_slice %arg3[%dma_wait3A_501, %mul3A_500] : memref<2x320000xi32, #tpu.memory_space<hbm>> -> memref<1x512xi32, #tpu.memory_space<hbm>>
      %dma_wait3A_505 = tpu.memref_squeeze %dma_wait3A_504 : memref<1x512xi32, #tpu.memory_space<hbm>> -> memref<512xi32, #tpu.memory_space<hbm>>
      %dma_wait3A_506 = arith.constant 9728 : i32
      %dma_wait3A_507 = tpu.memref_slice %arg6[%dma_wait3A_506] : memref<10240xi32, #tpu.memory_space<vmem>> -> memref<512xi32, #tpu.memory_space<vmem>>
      %dma_wait3A_508 = tpu.memref_slice %arg3[%dma_wait3A_501, %mul3A_500] : memref<2x320000xi32, #tpu.memory_space<hbm>> -> memref<1x512xi32, #tpu.memory_space<hbm>>
      %dma_wait3A_509 = tpu.memref_squeeze %dma_wait3A_508 : memref<1x512xi32, #tpu.memory_space<hbm>> -> memref<512xi32, #tpu.memory_space<hbm>>
      tpu.wait_dma2 semaphore(%arg14 : memref<!tpu.dma_semaphore, #tpu.memory_space<semaphore_mem>>) src(%dma_wait3A_509 : memref<512xi32, #tpu.memory_space<hbm>>) dst(%dma_wait3A_507 : memref<512xi32, #tpu.memory_space<vmem>>)
      %add3A_510 = arith.constant 19 : i32
      %add3A_511 = arith.addi %add3A_9, %add3A_510 : i32
      %mul3A_512 = arith.constant 512 : i32
      %mul3A_513 = arith.muli %add3A_511, %mul3A_512 : i32
      %dma_wait3A_514 = arith.constant 1 : i32
      %dma_wait3A_515 = arith.constant 9728 : i32
      %dma_wait3A_516 = tpu.memref_slice %arg7[%dma_wait3A_515] : memref<10240xi32, #tpu.memory_space<vmem>> -> memref<512xi32, #tpu.memory_space<vmem>>
      %dma_wait3A_517 = tpu.memref_slice %arg3[%dma_wait3A_514, %mul3A_513] : memref<2x320000xi32, #tpu.memory_space<hbm>> -> memref<1x512xi32, #tpu.memory_space<hbm>>
      %dma_wait3A_518 = tpu.memref_squeeze %dma_wait3A_517 : memref<1x512xi32, #tpu.memory_space<hbm>> -> memref<512xi32, #tpu.memory_space<hbm>>
      %dma_wait3A_519 = arith.constant 9728 : i32
      %dma_wait3A_520 = tpu.memref_slice %arg7[%dma_wait3A_519] : memref<10240xi32, #tpu.memory_space<vmem>> -> memref<512xi32, #tpu.memory_space<vmem>>
      %dma_wait3A_521 = tpu.memref_slice %arg3[%dma_wait3A_514, %mul3A_513] : memref<2x320000xi32, #tpu.memory_space<hbm>> -> memref<1x512xi32, #tpu.memory_space<hbm>>
      %dma_wait3A_522 = tpu.memref_squeeze %dma_wait3A_521 : memref<1x512xi32, #tpu.memory_space<hbm>> -> memref<512xi32, #tpu.memory_space<hbm>>
      tpu.wait_dma2 semaphore(%arg14 : memref<!tpu.dma_semaphore, #tpu.memory_space<semaphore_mem>>) src(%dma_wait3A_522 : memref<512xi32, #tpu.memory_space<hbm>>) dst(%dma_wait3A_520 : memref<512xi32, #tpu.memory_space<vmem>>)
    } else {
    }
    %barrier3A = arith.constant 0 : index
    tpu.barrier barrier_id(%barrier3A)
    %broadcast_in_dim3A = arith.constant 1.000000e+00 : f32
    %broadcast_in_dim3A_74 = vector.broadcast %broadcast_in_dim3A : f32 to vector<16xf32>
    %dma_start3A_75 = arith.constant 0 : i32
    %dma_start3A_76 = arith.constant 0 : i32
    %dma_start3A_77 = arith.constant 0 : i32
    %dma_start3A_78 = tpu.memref_slice %arg8[%dma_start3A_75, %dma_start3A_76, %dma_start3A_77] : memref<4x512x16xf32, #tpu.memory_space<vmem>> -> memref<1x512x16xf32, #tpu.memory_space<vmem>>
    %dma_start3A_79 = tpu.memref_squeeze %dma_start3A_78 : memref<1x512x16xf32, #tpu.memory_space<vmem>> -> memref<512x16xf32, #tpu.memory_space<vmem>>
    %dma_start3A_80 = arith.constant 0 : i32
    %dma_start3A_81 = tpu.memref_slice %arg6[%dma_start3A_80] : memref<10240xi32, #tpu.memory_space<vmem>> -> memref<512xi32, #tpu.memory_space<vmem>>
    %dma_start3A_82 = arith.constant 0 : i32
    %dma_start3A_83 = arith.constant 0 : i32
    %dma_start3A_84 = tpu.memref_slice %arg2[%dma_start3A_82, %dma_start3A_83] : memref<10240x16xf32, #tpu.memory_space<hbm>> -> memref<10240x16xf32, #tpu.memory_space<hbm>>
    tpu.enqueue_indirect_dma source(%dma_start3A_84 : memref<10240x16xf32, #tpu.memory_space<hbm>>) target(%dma_start3A_79 : memref<512x16xf32, #tpu.memory_space<vmem>>) offsets(%dma_start3A_81 : memref<512xi32, #tpu.memory_space<vmem>>) semaphore(%arg16 : memref<!tpu.dma_semaphore, #tpu.memory_space<semaphore_mem>>)
    %dma_start3A_85 = arith.constant 1 : i32
    %dma_start3A_86 = arith.constant 0 : i32
    %dma_start3A_87 = arith.constant 0 : i32
    %dma_start3A_88 = tpu.memref_slice %arg8[%dma_start3A_85, %dma_start3A_86, %dma_start3A_87] : memref<4x512x16xf32, #tpu.memory_space<vmem>> -> memref<1x512x16xf32, #tpu.memory_space<vmem>>
    %dma_start3A_89 = tpu.memref_squeeze %dma_start3A_88 : memref<1x512x16xf32, #tpu.memory_space<vmem>> -> memref<512x16xf32, #tpu.memory_space<vmem>>
    %dma_start3A_90 = arith.constant 512 : i32
    %dma_start3A_91 = tpu.memref_slice %arg6[%dma_start3A_90] : memref<10240xi32, #tpu.memory_space<vmem>> -> memref<512xi32, #tpu.memory_space<vmem>>
    %dma_start3A_92 = arith.constant 0 : i32
    %dma_start3A_93 = arith.constant 0 : i32
    %dma_start3A_94 = tpu.memref_slice %arg2[%dma_start3A_92, %dma_start3A_93] : memref<10240x16xf32, #tpu.memory_space<hbm>> -> memref<10240x16xf32, #tpu.memory_space<hbm>>
    tpu.enqueue_indirect_dma source(%dma_start3A_94 : memref<10240x16xf32, #tpu.memory_space<hbm>>) target(%dma_start3A_89 : memref<512x16xf32, #tpu.memory_space<vmem>>) offsets(%dma_start3A_91 : memref<512xi32, #tpu.memory_space<vmem>>) semaphore(%arg17 : memref<!tpu.dma_semaphore, #tpu.memory_space<semaphore_mem>>)
    %scan3A_95 = arith.constant 0 : i32
    %scan3A_96 = arith.constant 0 : i32
    %scan3A_97 = arith.constant 6 : i32
    %scan3A_98 = arith.addi %scan3A_96, %scan3A_97 : i32
    %scan3A_99 = arith.constant 1 : i32
    %scan3A_100 = scf.for %scan3A_497 = %scan3A_96 to %scan3A_98 step %scan3A_99 iter_args(%scan3A_498 = %scan3A_95) -> (i32)  : i32 {
      %mul3A_499 = arith.constant 4 : i32
      %mul3A_500 = arith.muli %scan3A_497, %mul3A_499 : i32
      %add3A_501 = arith.constant 0 : i32
      %add3A_502 = arith.addi %mul3A_500, %add3A_501 : i32
      %ge3A = arith.constant 2 : i32
      %ge3A_503 = arith.cmpi sge, %add3A_502, %ge3A : i32
      %sub3A = arith.constant 2 : i32
      %sub3A_504 = arith.subi %add3A_502, %sub3A : i32
      %lt3A_505 = arith.cmpi slt, %sub3A_504, %add3A_5 : i32
      %and3A = arith.andi %ge3A_503, %lt3A_505 : i1
      %convert_element_type3A_506 = arith.extui %and3A : i1 to i32
      %cond3A_507 = arith.constant 0 : i32
      %cond3A_508 = arith.cmpi ne, %convert_element_type3A_506, %cond3A_507 : i32
      scf.if %cond3A_508 {
        %dma_wait3A_589 = arith.constant 2 : i32
        %dma_wait3A_590 = arith.constant 0 : i32
        %dma_wait3A_591 = arith.constant 0 : i32
        %dma_wait3A_592 = tpu.memref_slice %arg8[%dma_wait3A_589, %dma_wait3A_590, %dma_wait3A_591] : memref<4x512x16xf32, #tpu.memory_space<vmem>> -> memref<1x512x16xf32, #tpu.memory_space<vmem>>
        %dma_wait3A_593 = tpu.memref_squeeze %dma_wait3A_592 : memref<1x512x16xf32, #tpu.memory_space<vmem>> -> memref<512x16xf32, #tpu.memory_space<vmem>>
        %dma_wait3A_594 = arith.constant 0 : i32
        %dma_wait3A_595 = tpu.memref_slice %arg7[%dma_wait3A_594] : memref<10240xi32, #tpu.memory_space<vmem>> -> memref<512xi32, #tpu.memory_space<vmem>>
        %dma_wait3A_596 = arith.constant 0 : i32
        %dma_wait3A_597 = arith.constant 0 : i32
        %dma_wait3A_598 = tpu.memref_slice %arg12[%dma_wait3A_596, %dma_wait3A_597] : memref<10240x16xf32, #tpu.memory_space<vmem_shared>> -> memref<10240x16xf32, #tpu.memory_space<vmem_shared>>
        tpu.wait_indirect_dma semaphore(%arg22 : memref<!tpu.dma_semaphore, #tpu.memory_space<semaphore_mem>>) src(%dma_wait3A_593 : memref<512x16xf32, #tpu.memory_space<vmem>>) dst(%dma_wait3A_598 : memref<10240x16xf32, #tpu.memory_space<vmem_shared>>)
      } else {
      }
      %add3A_509 = arith.constant 2 : i32
      %add3A_510 = arith.addi %add3A_502, %add3A_509 : i32
      %lt3A_511 = arith.cmpi slt, %add3A_510, %add3A_5 : i32
      %convert_element_type3A_512 = arith.extui %lt3A_511 : i1 to i32
      %cond3A_513 = arith.constant 0 : i32
      %cond3A_514 = arith.cmpi ne, %convert_element_type3A_512, %cond3A_513 : i32
      scf.if %cond3A_514 {
        %add3A_589 = arith.constant 2 : i32
        %add3A_590 = arith.addi %add3A_502, %add3A_589 : i32
        %mul3A_591 = arith.constant 512 : i32
        %mul3A_592 = arith.muli %add3A_590, %mul3A_591 : i32
        %dma_start3A_593 = arith.constant 2 : i32
        %dma_start3A_594 = arith.constant 0 : i32
        %dma_start3A_595 = arith.constant 0 : i32
        %dma_start3A_596 = tpu.memref_slice %arg8[%dma_start3A_593, %dma_start3A_594, %dma_start3A_595] : memref<4x512x16xf32, #tpu.memory_space<vmem>> -> memref<1x512x16xf32, #tpu.memory_space<vmem>>
        %dma_start3A_597 = tpu.memref_squeeze %dma_start3A_596 : memref<1x512x16xf32, #tpu.memory_space<vmem>> -> memref<512x16xf32, #tpu.memory_space<vmem>>
        %dma_start3A_598 = tpu.memref_slice %arg6[%mul3A_592] : memref<10240xi32, #tpu.memory_space<vmem>> -> memref<512xi32, #tpu.memory_space<vmem>>
        %dma_start3A_599 = arith.constant 0 : i32
        %dma_start3A_600 = arith.constant 0 : i32
        %dma_start3A_601 = tpu.memref_slice %arg2[%dma_start3A_599, %dma_start3A_600] : memref<10240x16xf32, #tpu.memory_space<hbm>> -> memref<10240x16xf32, #tpu.memory_space<hbm>>
        tpu.enqueue_indirect_dma source(%dma_start3A_601 : memref<10240x16xf32, #tpu.memory_space<hbm>>) target(%dma_start3A_597 : memref<512x16xf32, #tpu.memory_space<vmem>>) offsets(%dma_start3A_598 : memref<512xi32, #tpu.memory_space<vmem>>) semaphore(%arg18 : memref<!tpu.dma_semaphore, #tpu.memory_space<semaphore_mem>>)
      } else {
      }
      %lt3A_515 = arith.cmpi slt, %add3A_502, %add3A_5 : i32
      %convert_element_type3A_516 = arith.extui %lt3A_515 : i1 to i32
      %cond3A_517 = arith.constant 0 : i32
      %cond3A_518 = arith.cmpi ne, %convert_element_type3A_516, %cond3A_517 : i32
      scf.if %cond3A_518 {
        %mul3A_589 = arith.constant 512 : i32
        %mul3A_590 = arith.muli %add3A_502, %mul3A_589 : i32
        %add3A_591 = arith.constant 0 : i32
        %add3A_592 = arith.addi %mul3A_590, %add3A_591 : i32
        %get3A = arith.index_cast %add3A_592 : i32 to index
        %get3A_593 = tpu.vector_load %arg7[%get3A] {strides = array<i32>} : memref<10240xi32, #tpu.memory_space<vmem>>, vector<16xi32>,
        tpu.vector_store_idx %arg10[%get3A_593], %broadcast_in_dim3A_74 {add = true} : memref<10240xf32, #tpu.memory_space<vmem>>[vector<16xi32>], vector<16xf32>,
        %mul3A_594 = arith.constant 512 : i32
        %mul3A_595 = arith.muli %add3A_502, %mul3A_594 : i32
        %add3A_596 = arith.constant 16 : i32
        %add3A_597 = arith.addi %mul3A_595, %add3A_596 : i32
        %get3A_598 = arith.index_cast %add3A_597 : i32 to index
        %get3A_599 = tpu.vector_load %arg7[%get3A_598] {strides = array<i32>} : memref<10240xi32, #tpu.memory_space<vmem>>, vector<16xi32>,
        tpu.vector_store_idx %arg10[%get3A_599], %broadcast_in_dim3A_74 {add = true} : memref<10240xf32, #tpu.memory_space<vmem>>[vector<16xi32>], vector<16xf32>,
        %mul3A_600 = arith.constant 512 : i32
        %mul3A_601 = arith.muli %add3A_502, %mul3A_600 : i32
        %add3A_602 = arith.constant 32 : i32
        %add3A_603 = arith.addi %mul3A_601, %add3A_602 : i32
        %get3A_604 = arith.index_cast %add3A_603 : i32 to index
        %get3A_605 = tpu.vector_load %arg7[%get3A_604] {strides = array<i32>} : memref<10240xi32, #tpu.memory_space<vmem>>, vector<16xi32>,
        tpu.vector_store_idx %arg10[%get3A_605], %broadcast_in_dim3A_74 {add = true} : memref<10240xf32, #tpu.memory_space<vmem>>[vector<16xi32>], vector<16xf32>,
        %mul3A_606 = arith.constant 512 : i32
        %mul3A_607 = arith.muli %add3A_502, %mul3A_606 : i32
        %add3A_608 = arith.constant 48 : i32
        %add3A_609 = arith.addi %mul3A_607, %add3A_608 : i32
        %get3A_610 = arith.index_cast %add3A_609 : i32 to index
        %get3A_611 = tpu.vector_load %arg7[%get3A_610] {strides = array<i32>} : memref<10240xi32, #tpu.memory_space<vmem>>, vector<16xi32>,
        tpu.vector_store_idx %arg10[%get3A_611], %broadcast_in_dim3A_74 {add = true} : memref<10240xf32, #tpu.memory_space<vmem>>[vector<16xi32>], vector<16xf32>,
        %mul3A_612 = arith.constant 512 : i32
        %mul3A_613 = arith.muli %add3A_502, %mul3A_612 : i32
        %add3A_614 = arith.constant 64 : i32
        %add3A_615 = arith.addi %mul3A_613, %add3A_614 : i32
        %get3A_616 = arith.index_cast %add3A_615 : i32 to index
        %get3A_617 = tpu.vector_load %arg7[%get3A_616] {strides = array<i32>} : memref<10240xi32, #tpu.memory_space<vmem>>, vector<16xi32>,
        tpu.vector_store_idx %arg10[%get3A_617], %broadcast_in_dim3A_74 {add = true} : memref<10240xf32, #tpu.memory_space<vmem>>[vector<16xi32>], vector<16xf32>,
        %mul3A_618 = arith.constant 512 : i32
        %mul3A_619 = arith.muli %add3A_502, %mul3A_618 : i32
        %add3A_620 = arith.constant 80 : i32
        %add3A_621 = arith.addi %mul3A_619, %add3A_620 : i32
        %get3A_622 = arith.index_cast %add3A_621 : i32 to index
        %get3A_623 = tpu.vector_load %arg7[%get3A_622] {strides = array<i32>} : memref<10240xi32, #tpu.memory_space<vmem>>, vector<16xi32>,
        tpu.vector_store_idx %arg10[%get3A_623], %broadcast_in_dim3A_74 {add = true} : memref<10240xf32, #tpu.memory_space<vmem>>[vector<16xi32>], vector<16xf32>,
        %mul3A_624 = arith.constant 512 : i32
        %mul3A_625 = arith.muli %add3A_502, %mul3A_624 : i32
        %add3A_626 = arith.constant 96 : i32
        %add3A_627 = arith.addi %mul3A_625, %add3A_626 : i32
        %get3A_628 = arith.index_cast %add3A_627 : i32 to index
        %get3A_629 = tpu.vector_load %arg7[%get3A_628] {strides = array<i32>} : memref<10240xi32, #tpu.memory_space<vmem>>, vector<16xi32>,
        tpu.vector_store_idx %arg10[%get3A_629], %broadcast_in_dim3A_74 {add = true} : memref<10240xf32, #tpu.memory_space<vmem>>[vector<16xi32>], vector<16xf32>,
        %mul3A_630 = arith.constant 512 : i32
        %mul3A_631 = arith.muli %add3A_502, %mul3A_630 : i32
        %add3A_632 = arith.constant 112 : i32
        %add3A_633 = arith.addi %mul3A_631, %add3A_632 : i32
        %get3A_634 = arith.index_cast %add3A_633 : i32 to index
        %get3A_635 = tpu.vector_load %arg7[%get3A_634] {strides = array<i32>} : memref<10240xi32, #tpu.memory_space<vmem>>, vector<16xi32>,
        tpu.vector_store_idx %arg10[%get3A_635], %broadcast_in_dim3A_74 {add = true} : memref<10240xf32, #tpu.memory_space<vmem>>[vector<16xi32>], vector<16xf32>,
        %mul3A_636 = arith.constant 512 : i32
        %mul3A_637 = arith.muli %add3A_502, %mul3A_636 : i32
        %add3A_638 = arith.constant 128 : i32
        %add3A_639 = arith.addi %mul3A_637, %add3A_638 : i32
        %get3A_640 = arith.index_cast %add3A_639 : i32 to index
        %get3A_641 = tpu.vector_load %arg7[%get3A_640] {strides = array<i32>} : memref<10240xi32, #tpu.memory_space<vmem>>, vector<16xi32>,
        tpu.vector_store_idx %arg10[%get3A_641], %broadcast_in_dim3A_74 {add = true} : memref<10240xf32, #tpu.memory_space<vmem>>[vector<16xi32>], vector<16xf32>,
        %mul3A_642 = arith.constant 512 : i32
        %mul3A_643 = arith.muli %add3A_502, %mul3A_642 : i32
        %add3A_644 = arith.constant 144 : i32
        %add3A_645 = arith.addi %mul3A_643, %add3A_644 : i32
        %get3A_646 = arith.index_cast %add3A_645 : i32 to index
        %get3A_647 = tpu.vector_load %arg7[%get3A_646] {strides = array<i32>} : memref<10240xi32, #tpu.memory_space<vmem>>, vector<16xi32>,
        tpu.vector_store_idx %arg10[%get3A_647], %broadcast_in_dim3A_74 {add = true} : memref<10240xf32, #tpu.memory_space<vmem>>[vector<16xi32>], vector<16xf32>,
        %mul3A_648 = arith.constant 512 : i32
        %mul3A_649 = arith.muli %add3A_502, %mul3A_648 : i32
        %add3A_650 = arith.constant 160 : i32
        %add3A_651 = arith.addi %mul3A_649, %add3A_650 : i32
        %get3A_652 = arith.index_cast %add3A_651 : i32 to index
        %get3A_653 = tpu.vector_load %arg7[%get3A_652] {strides = array<i32>} : memref<10240xi32, #tpu.memory_space<vmem>>, vector<16xi32>,
        tpu.vector_store_idx %arg10[%get3A_653], %broadcast_in_dim3A_74 {add = true} : memref<10240xf32, #tpu.memory_space<vmem>>[vector<16xi32>], vector<16xf32>,
        %mul3A_654 = arith.constant 512 : i32
        %mul3A_655 = arith.muli %add3A_502, %mul3A_654 : i32
        %add3A_656 = arith.constant 176 : i32
        %add3A_657 = arith.addi %mul3A_655, %add3A_656 : i32
        %get3A_658 = arith.index_cast %add3A_657 : i32 to index
        %get3A_659 = tpu.vector_load %arg7[%get3A_658] {strides = array<i32>} : memref<10240xi32, #tpu.memory_space<vmem>>, vector<16xi32>,
        tpu.vector_store_idx %arg10[%get3A_659], %broadcast_in_dim3A_74 {add = true} : memref<10240xf32, #tpu.memory_space<vmem>>[vector<16xi32>], vector<16xf32>,
        %mul3A_660 = arith.constant 512 : i32
        %mul3A_661 = arith.muli %add3A_502, %mul3A_660 : i32
        %add3A_662 = arith.constant 192 : i32
        %add3A_663 = arith.addi %mul3A_661, %add3A_662 : i32
        %get3A_664 = arith.index_cast %add3A_663 : i32 to index
        %get3A_665 = tpu.vector_load %arg7[%get3A_664] {strides = array<i32>} : memref<10240xi32, #tpu.memory_space<vmem>>, vector<16xi32>,
        tpu.vector_store_idx %arg10[%get3A_665], %broadcast_in_dim3A_74 {add = true} : memref<10240xf32, #tpu.memory_space<vmem>>[vector<16xi32>], vector<16xf32>,
        %mul3A_666 = arith.constant 512 : i32
        %mul3A_667 = arith.muli %add3A_502, %mul3A_666 : i32
        %add3A_668 = arith.constant 208 : i32
        %add3A_669 = arith.addi %mul3A_667, %add3A_668 : i32
        %get3A_670 = arith.index_cast %add3A_669 : i32 to index
        %get3A_671 = tpu.vector_load %arg7[%get3A_670] {strides = array<i32>} : memref<10240xi32, #tpu.memory_space<vmem>>, vector<16xi32>,
        tpu.vector_store_idx %arg10[%get3A_671], %broadcast_in_dim3A_74 {add = true} : memref<10240xf32, #tpu.memory_space<vmem>>[vector<16xi32>], vector<16xf32>,
        %mul3A_672 = arith.constant 512 : i32
        %mul3A_673 = arith.muli %add3A_502, %mul3A_672 : i32
        %add3A_674 = arith.constant 224 : i32
        %add3A_675 = arith.addi %mul3A_673, %add3A_674 : i32
        %get3A_676 = arith.index_cast %add3A_675 : i32 to index
        %get3A_677 = tpu.vector_load %arg7[%get3A_676] {strides = array<i32>} : memref<10240xi32, #tpu.memory_space<vmem>>, vector<16xi32>,
        tpu.vector_store_idx %arg10[%get3A_677], %broadcast_in_dim3A_74 {add = true} : memref<10240xf32, #tpu.memory_space<vmem>>[vector<16xi32>], vector<16xf32>,
        %mul3A_678 = arith.constant 512 : i32
        %mul3A_679 = arith.muli %add3A_502, %mul3A_678 : i32
        %add3A_680 = arith.constant 240 : i32
        %add3A_681 = arith.addi %mul3A_679, %add3A_680 : i32
        %get3A_682 = arith.index_cast %add3A_681 : i32 to index
        %get3A_683 = tpu.vector_load %arg7[%get3A_682] {strides = array<i32>} : memref<10240xi32, #tpu.memory_space<vmem>>, vector<16xi32>,
        tpu.vector_store_idx %arg10[%get3A_683], %broadcast_in_dim3A_74 {add = true} : memref<10240xf32, #tpu.memory_space<vmem>>[vector<16xi32>], vector<16xf32>,
        %mul3A_684 = arith.constant 512 : i32
        %mul3A_685 = arith.muli %add3A_502, %mul3A_684 : i32
        %add3A_686 = arith.constant 256 : i32
        %add3A_687 = arith.addi %mul3A_685, %add3A_686 : i32
        %get3A_688 = arith.index_cast %add3A_687 : i32 to index
        %get3A_689 = tpu.vector_load %arg7[%get3A_688] {strides = array<i32>} : memref<10240xi32, #tpu.memory_space<vmem>>, vector<16xi32>,
        tpu.vector_store_idx %arg10[%get3A_689], %broadcast_in_dim3A_74 {add = true} : memref<10240xf32, #tpu.memory_space<vmem>>[vector<16xi32>], vector<16xf32>,
        %mul3A_690 = arith.constant 512 : i32
        %mul3A_691 = arith.muli %add3A_502, %mul3A_690 : i32
        %add3A_692 = arith.constant 272 : i32
        %add3A_693 = arith.addi %mul3A_691, %add3A_692 : i32
        %get3A_694 = arith.index_cast %add3A_693 : i32 to index
        %get3A_695 = tpu.vector_load %arg7[%get3A_694] {strides = array<i32>} : memref<10240xi32, #tpu.memory_space<vmem>>, vector<16xi32>,
        tpu.vector_store_idx %arg10[%get3A_695], %broadcast_in_dim3A_74 {add = true} : memref<10240xf32, #tpu.memory_space<vmem>>[vector<16xi32>], vector<16xf32>,
        %mul3A_696 = arith.constant 512 : i32
        %mul3A_697 = arith.muli %add3A_502, %mul3A_696 : i32
        %add3A_698 = arith.constant 288 : i32
        %add3A_699 = arith.addi %mul3A_697, %add3A_698 : i32
        %get3A_700 = arith.index_cast %add3A_699 : i32 to index
        %get3A_701 = tpu.vector_load %arg7[%get3A_700] {strides = array<i32>} : memref<10240xi32, #tpu.memory_space<vmem>>, vector<16xi32>,
        tpu.vector_store_idx %arg10[%get3A_701], %broadcast_in_dim3A_74 {add = true} : memref<10240xf32, #tpu.memory_space<vmem>>[vector<16xi32>], vector<16xf32>,
        %mul3A_702 = arith.constant 512 : i32
        %mul3A_703 = arith.muli %add3A_502, %mul3A_702 : i32
        %add3A_704 = arith.constant 304 : i32
        %add3A_705 = arith.addi %mul3A_703, %add3A_704 : i32
        %get3A_706 = arith.index_cast %add3A_705 : i32 to index
        %get3A_707 = tpu.vector_load %arg7[%get3A_706] {strides = array<i32>} : memref<10240xi32, #tpu.memory_space<vmem>>, vector<16xi32>,
        tpu.vector_store_idx %arg10[%get3A_707], %broadcast_in_dim3A_74 {add = true} : memref<10240xf32, #tpu.memory_space<vmem>>[vector<16xi32>], vector<16xf32>,
        %mul3A_708 = arith.constant 512 : i32
        %mul3A_709 = arith.muli %add3A_502, %mul3A_708 : i32
        %add3A_710 = arith.constant 320 : i32
        %add3A_711 = arith.addi %mul3A_709, %add3A_710 : i32
        %get3A_712 = arith.index_cast %add3A_711 : i32 to index
        %get3A_713 = tpu.vector_load %arg7[%get3A_712] {strides = array<i32>} : memref<10240xi32, #tpu.memory_space<vmem>>, vector<16xi32>,
        tpu.vector_store_idx %arg10[%get3A_713], %broadcast_in_dim3A_74 {add = true} : memref<10240xf32, #tpu.memory_space<vmem>>[vector<16xi32>], vector<16xf32>,
        %mul3A_714 = arith.constant 512 : i32
        %mul3A_715 = arith.muli %add3A_502, %mul3A_714 : i32
        %add3A_716 = arith.constant 336 : i32
        %add3A_717 = arith.addi %mul3A_715, %add3A_716 : i32
        %get3A_718 = arith.index_cast %add3A_717 : i32 to index
        %get3A_719 = tpu.vector_load %arg7[%get3A_718] {strides = array<i32>} : memref<10240xi32, #tpu.memory_space<vmem>>, vector<16xi32>,
        tpu.vector_store_idx %arg10[%get3A_719], %broadcast_in_dim3A_74 {add = true} : memref<10240xf32, #tpu.memory_space<vmem>>[vector<16xi32>], vector<16xf32>,
        %mul3A_720 = arith.constant 512 : i32
        %mul3A_721 = arith.muli %add3A_502, %mul3A_720 : i32
        %add3A_722 = arith.constant 352 : i32
        %add3A_723 = arith.addi %mul3A_721, %add3A_722 : i32
        %get3A_724 = arith.index_cast %add3A_723 : i32 to index
        %get3A_725 = tpu.vector_load %arg7[%get3A_724] {strides = array<i32>} : memref<10240xi32, #tpu.memory_space<vmem>>, vector<16xi32>,
        tpu.vector_store_idx %arg10[%get3A_725], %broadcast_in_dim3A_74 {add = true} : memref<10240xf32, #tpu.memory_space<vmem>>[vector<16xi32>], vector<16xf32>,
        %mul3A_726 = arith.constant 512 : i32
        %mul3A_727 = arith.muli %add3A_502, %mul3A_726 : i32
        %add3A_728 = arith.constant 368 : i32
        %add3A_729 = arith.addi %mul3A_727, %add3A_728 : i32
        %get3A_730 = arith.index_cast %add3A_729 : i32 to index
        %get3A_731 = tpu.vector_load %arg7[%get3A_730] {strides = array<i32>} : memref<10240xi32, #tpu.memory_space<vmem>>, vector<16xi32>,
        tpu.vector_store_idx %arg10[%get3A_731], %broadcast_in_dim3A_74 {add = true} : memref<10240xf32, #tpu.memory_space<vmem>>[vector<16xi32>], vector<16xf32>,
        %mul3A_732 = arith.constant 512 : i32
        %mul3A_733 = arith.muli %add3A_502, %mul3A_732 : i32
        %add3A_734 = arith.constant 384 : i32
        %add3A_735 = arith.addi %mul3A_733, %add3A_734 : i32
        %get3A_736 = arith.index_cast %add3A_735 : i32 to index
        %get3A_737 = tpu.vector_load %arg7[%get3A_736] {strides = array<i32>} : memref<10240xi32, #tpu.memory_space<vmem>>, vector<16xi32>,
        tpu.vector_store_idx %arg10[%get3A_737], %broadcast_in_dim3A_74 {add = true} : memref<10240xf32, #tpu.memory_space<vmem>>[vector<16xi32>], vector<16xf32>,
        %mul3A_738 = arith.constant 512 : i32
        %mul3A_739 = arith.muli %add3A_502, %mul3A_738 : i32
        %add3A_740 = arith.constant 400 : i32
        %add3A_741 = arith.addi %mul3A_739, %add3A_740 : i32
        %get3A_742 = arith.index_cast %add3A_741 : i32 to index
        %get3A_743 = tpu.vector_load %arg7[%get3A_742] {strides = array<i32>} : memref<10240xi32, #tpu.memory_space<vmem>>, vector<16xi32>,
        tpu.vector_store_idx %arg10[%get3A_743], %broadcast_in_dim3A_74 {add = true} : memref<10240xf32, #tpu.memory_space<vmem>>[vector<16xi32>], vector<16xf32>,
        %mul3A_744 = arith.constant 512 : i32
        %mul3A_745 = arith.muli %add3A_502, %mul3A_744 : i32
        %add3A_746 = arith.constant 416 : i32
        %add3A_747 = arith.addi %mul3A_745, %add3A_746 : i32
        %get3A_748 = arith.index_cast %add3A_747 : i32 to index
        %get3A_749 = tpu.vector_load %arg7[%get3A_748] {strides = array<i32>} : memref<10240xi32, #tpu.memory_space<vmem>>, vector<16xi32>,
        tpu.vector_store_idx %arg10[%get3A_749], %broadcast_in_dim3A_74 {add = true} : memref<10240xf32, #tpu.memory_space<vmem>>[vector<16xi32>], vector<16xf32>,
        %mul3A_750 = arith.constant 512 : i32
        %mul3A_751 = arith.muli %add3A_502, %mul3A_750 : i32
        %add3A_752 = arith.constant 432 : i32
        %add3A_753 = arith.addi %mul3A_751, %add3A_752 : i32
        %get3A_754 = arith.index_cast %add3A_753 : i32 to index
        %get3A_755 = tpu.vector_load %arg7[%get3A_754] {strides = array<i32>} : memref<10240xi32, #tpu.memory_space<vmem>>, vector<16xi32>,
        tpu.vector_store_idx %arg10[%get3A_755], %broadcast_in_dim3A_74 {add = true} : memref<10240xf32, #tpu.memory_space<vmem>>[vector<16xi32>], vector<16xf32>,
        %mul3A_756 = arith.constant 512 : i32
        %mul3A_757 = arith.muli %add3A_502, %mul3A_756 : i32
        %add3A_758 = arith.constant 448 : i32
        %add3A_759 = arith.addi %mul3A_757, %add3A_758 : i32
        %get3A_760 = arith.index_cast %add3A_759 : i32 to index
        %get3A_761 = tpu.vector_load %arg7[%get3A_760] {strides = array<i32>} : memref<10240xi32, #tpu.memory_space<vmem>>, vector<16xi32>,
        tpu.vector_store_idx %arg10[%get3A_761], %broadcast_in_dim3A_74 {add = true} : memref<10240xf32, #tpu.memory_space<vmem>>[vector<16xi32>], vector<16xf32>,
        %mul3A_762 = arith.constant 512 : i32
        %mul3A_763 = arith.muli %add3A_502, %mul3A_762 : i32
        %add3A_764 = arith.constant 464 : i32
        %add3A_765 = arith.addi %mul3A_763, %add3A_764 : i32
        %get3A_766 = arith.index_cast %add3A_765 : i32 to index
        %get3A_767 = tpu.vector_load %arg7[%get3A_766] {strides = array<i32>} : memref<10240xi32, #tpu.memory_space<vmem>>, vector<16xi32>,
        tpu.vector_store_idx %arg10[%get3A_767], %broadcast_in_dim3A_74 {add = true} : memref<10240xf32, #tpu.memory_space<vmem>>[vector<16xi32>], vector<16xf32>,
        %mul3A_768 = arith.constant 512 : i32
        %mul3A_769 = arith.muli %add3A_502, %mul3A_768 : i32
        %add3A_770 = arith.constant 480 : i32
        %add3A_771 = arith.addi %mul3A_769, %add3A_770 : i32
        %get3A_772 = arith.index_cast %add3A_771 : i32 to index
        %get3A_773 = tpu.vector_load %arg7[%get3A_772] {strides = array<i32>} : memref<10240xi32, #tpu.memory_space<vmem>>, vector<16xi32>,
        tpu.vector_store_idx %arg10[%get3A_773], %broadcast_in_dim3A_74 {add = true} : memref<10240xf32, #tpu.memory_space<vmem>>[vector<16xi32>], vector<16xf32>,
        %mul3A_774 = arith.constant 512 : i32
        %mul3A_775 = arith.muli %add3A_502, %mul3A_774 : i32
        %add3A_776 = arith.constant 496 : i32
        %add3A_777 = arith.addi %mul3A_775, %add3A_776 : i32
        %get3A_778 = arith.index_cast %add3A_777 : i32 to index
        %get3A_779 = tpu.vector_load %arg7[%get3A_778] {strides = array<i32>} : memref<10240xi32, #tpu.memory_space<vmem>>, vector<16xi32>,
        tpu.vector_store_idx %arg10[%get3A_779], %broadcast_in_dim3A_74 {add = true} : memref<10240xf32, #tpu.memory_space<vmem>>[vector<16xi32>], vector<16xf32>,
        %dma_wait3A_780 = arith.constant 0 : i32
        %dma_wait3A_781 = arith.constant 0 : i32
        %dma_wait3A_782 = arith.constant 0 : i32
        %dma_wait3A_783 = tpu.memref_slice %arg8[%dma_wait3A_780, %dma_wait3A_781, %dma_wait3A_782] : memref<4x512x16xf32, #tpu.memory_space<vmem>> -> memref<1x512x16xf32, #tpu.memory_space<vmem>>
        %dma_wait3A_784 = tpu.memref_squeeze %dma_wait3A_783 : memref<1x512x16xf32, #tpu.memory_space<vmem>> -> memref<512x16xf32, #tpu.memory_space<vmem>>
        %dma_wait3A_785 = arith.constant 0 : i32
        %dma_wait3A_786 = tpu.memref_slice %arg6[%dma_wait3A_785] : memref<10240xi32, #tpu.memory_space<vmem>> -> memref<512xi32, #tpu.memory_space<vmem>>
        %dma_wait3A_787 = arith.constant 0 : i32
        %dma_wait3A_788 = arith.constant 0 : i32
        %dma_wait3A_789 = tpu.memref_slice %arg2[%dma_wait3A_787, %dma_wait3A_788] : memref<10240x16xf32, #tpu.memory_space<hbm>> -> memref<10240x16xf32, #tpu.memory_space<hbm>>
        tpu.wait_indirect_dma semaphore(%arg16 : memref<!tpu.dma_semaphore, #tpu.memory_space<semaphore_mem>>) src(%dma_wait3A_789 : memref<10240x16xf32, #tpu.memory_space<hbm>>) dst(%dma_wait3A_784 : memref<512x16xf32, #tpu.memory_space<vmem>>)
        %mul3A_790 = arith.constant 512 : i32
        %mul3A_791 = arith.muli %add3A_502, %mul3A_790 : i32
        %dma_start3A_792 = arith.constant 0 : i32
        %dma_start3A_793 = arith.constant 0 : i32
        %dma_start3A_794 = arith.constant 0 : i32
        %dma_start3A_795 = tpu.memref_slice %arg8[%dma_start3A_792, %dma_start3A_793, %dma_start3A_794] : memref<4x512x16xf32, #tpu.memory_space<vmem>> -> memref<1x512x16xf32, #tpu.memory_space<vmem>>
        %dma_start3A_796 = tpu.memref_squeeze %dma_start3A_795 : memref<1x512x16xf32, #tpu.memory_space<vmem>> -> memref<512x16xf32, #tpu.memory_space<vmem>>
        %dma_start3A_797 = tpu.memref_slice %arg7[%mul3A_791] : memref<10240xi32, #tpu.memory_space<vmem>> -> memref<512xi32, #tpu.memory_space<vmem>>
        %dma_start3A_798 = arith.constant 0 : i32
        %dma_start3A_799 = arith.constant 0 : i32
        %dma_start3A_800 = tpu.memref_slice %arg12[%dma_start3A_798, %dma_start3A_799] : memref<10240x16xf32, #tpu.memory_space<vmem_shared>> -> memref<10240x16xf32, #tpu.memory_space<vmem_shared>>
        tpu.enqueue_indirect_dma source(%dma_start3A_796 : memref<512x16xf32, #tpu.memory_space<vmem>>) target(%dma_start3A_800 : memref<10240x16xf32, #tpu.memory_space<vmem_shared>>) offsets(%dma_start3A_797 : memref<512xi32, #tpu.memory_space<vmem>>) semaphore(%arg20 : memref<!tpu.dma_semaphore, #tpu.memory_space<semaphore_mem>>) {add = true}
      } else {
      }
      %mul3A_519 = arith.constant 4 : i32
      %mul3A_520 = arith.muli %scan3A_497, %mul3A_519 : i32
      %add3A_521 = arith.constant 1 : i32
      %add3A_522 = arith.addi %mul3A_520, %add3A_521 : i32
      %ge3A_523 = arith.constant 2 : i32
      %ge3A_524 = arith.cmpi sge, %add3A_522, %ge3A_523 : i32
      %sub3A_525 = arith.constant 2 : i32
      %sub3A_526 = arith.subi %add3A_522, %sub3A_525 : i32
      %lt3A_527 = arith.cmpi slt, %sub3A_526, %add3A_5 : i32
      %and3A_528 = arith.andi %ge3A_524, %lt3A_527 : i1
      %convert_element_type3A_529 = arith.extui %and3A_528 : i1 to i32
      %cond3A_530 = arith.constant 0 : i32
      %cond3A_531 = arith.cmpi ne, %convert_element_type3A_529, %cond3A_530 : i32
      scf.if %cond3A_531 {
        %dma_wait3A_589 = arith.constant 3 : i32
        %dma_wait3A_590 = arith.constant 0 : i32
        %dma_wait3A_591 = arith.constant 0 : i32
        %dma_wait3A_592 = tpu.memref_slice %arg8[%dma_wait3A_589, %dma_wait3A_590, %dma_wait3A_591] : memref<4x512x16xf32, #tpu.memory_space<vmem>> -> memref<1x512x16xf32, #tpu.memory_space<vmem>>
        %dma_wait3A_593 = tpu.memref_squeeze %dma_wait3A_592 : memref<1x512x16xf32, #tpu.memory_space<vmem>> -> memref<512x16xf32, #tpu.memory_space<vmem>>
        %dma_wait3A_594 = arith.constant 0 : i32
        %dma_wait3A_595 = tpu.memref_slice %arg7[%dma_wait3A_594] : memref<10240xi32, #tpu.memory_space<vmem>> -> memref<512xi32, #tpu.memory_space<vmem>>
        %dma_wait3A_596 = arith.constant 0 : i32
        %dma_wait3A_597 = arith.constant 0 : i32
        %dma_wait3A_598 = tpu.memref_slice %arg12[%dma_wait3A_596, %dma_wait3A_597] : memref<10240x16xf32, #tpu.memory_space<vmem_shared>> -> memref<10240x16xf32, #tpu.memory_space<vmem_shared>>
        tpu.wait_indirect_dma semaphore(%arg23 : memref<!tpu.dma_semaphore, #tpu.memory_space<semaphore_mem>>) src(%dma_wait3A_593 : memref<512x16xf32, #tpu.memory_space<vmem>>) dst(%dma_wait3A_598 : memref<10240x16xf32, #tpu.memory_space<vmem_shared>>)
      } else {
      }
      %add3A_532 = arith.constant 2 : i32
      %add3A_533 = arith.addi %add3A_522, %add3A_532 : i32
      %lt3A_534 = arith.cmpi slt, %add3A_533, %add3A_5 : i32
      %convert_element_type3A_535 = arith.extui %lt3A_534 : i1 to i32
      %cond3A_536 = arith.constant 0 : i32
      %cond3A_537 = arith.cmpi ne, %convert_element_type3A_535, %cond3A_536 : i32
      scf.if %cond3A_537 {
        %add3A_589 = arith.constant 2 : i32
        %add3A_590 = arith.addi %add3A_522, %add3A_589 : i32
        %mul3A_591 = arith.constant 512 : i32
        %mul3A_592 = arith.muli %add3A_590, %mul3A_591 : i32
        %dma_start3A_593 = arith.constant 3 : i32
        %dma_start3A_594 = arith.constant 0 : i32
        %dma_start3A_595 = arith.constant 0 : i32
        %dma_start3A_596 = tpu.memref_slice %arg8[%dma_start3A_593, %dma_start3A_594, %dma_start3A_595] : memref<4x512x16xf32, #tpu.memory_space<vmem>> -> memref<1x512x16xf32, #tpu.memory_space<vmem>>
        %dma_start3A_597 = tpu.memref_squeeze %dma_start3A_596 : memref<1x512x16xf32, #tpu.memory_space<vmem>> -> memref<512x16xf32, #tpu.memory_space<vmem>>
        %dma_start3A_598 = tpu.memref_slice %arg6[%mul3A_592] : memref<10240xi32, #tpu.memory_space<vmem>> -> memref<512xi32, #tpu.memory_space<vmem>>
        %dma_start3A_599 = arith.constant 0 : i32
        %dma_start3A_600 = arith.constant 0 : i32
        %dma_start3A_601 = tpu.memref_slice %arg2[%dma_start3A_599, %dma_start3A_600] : memref<10240x16xf32, #tpu.memory_space<hbm>> -> memref<10240x16xf32, #tpu.memory_space<hbm>>
        tpu.enqueue_indirect_dma source(%dma_start3A_601 : memref<10240x16xf32, #tpu.memory_space<hbm>>) target(%dma_start3A_597 : memref<512x16xf32, #tpu.memory_space<vmem>>) offsets(%dma_start3A_598 : memref<512xi32, #tpu.memory_space<vmem>>) semaphore(%arg19 : memref<!tpu.dma_semaphore, #tpu.memory_space<semaphore_mem>>)
      } else {
      }
      %lt3A_538 = arith.cmpi slt, %add3A_522, %add3A_5 : i32
      %convert_element_type3A_539 = arith.extui %lt3A_538 : i1 to i32
      %cond3A_540 = arith.constant 0 : i32
      %cond3A_541 = arith.cmpi ne, %convert_element_type3A_539, %cond3A_540 : i32
      scf.if %cond3A_541 {
        %mul3A_589 = arith.constant 512 : i32
        %mul3A_590 = arith.muli %add3A_522, %mul3A_589 : i32
        %add3A_591 = arith.constant 0 : i32
        %add3A_592 = arith.addi %mul3A_590, %add3A_591 : i32
        %get3A = arith.index_cast %add3A_592 : i32 to index
        %get3A_593 = tpu.vector_load %arg7[%get3A] {strides = array<i32>} : memref<10240xi32, #tpu.memory_space<vmem>>, vector<16xi32>,
        tpu.vector_store_idx %arg10[%get3A_593], %broadcast_in_dim3A_74 {add = true} : memref<10240xf32, #tpu.memory_space<vmem>>[vector<16xi32>], vector<16xf32>,
        %mul3A_594 = arith.constant 512 : i32
        %mul3A_595 = arith.muli %add3A_522, %mul3A_594 : i32
        %add3A_596 = arith.constant 16 : i32
        %add3A_597 = arith.addi %mul3A_595, %add3A_596 : i32
        %get3A_598 = arith.index_cast %add3A_597 : i32 to index
        %get3A_599 = tpu.vector_load %arg7[%get3A_598] {strides = array<i32>} : memref<10240xi32, #tpu.memory_space<vmem>>, vector<16xi32>,
        tpu.vector_store_idx %arg10[%get3A_599], %broadcast_in_dim3A_74 {add = true} : memref<10240xf32, #tpu.memory_space<vmem>>[vector<16xi32>], vector<16xf32>,
        %mul3A_600 = arith.constant 512 : i32
        %mul3A_601 = arith.muli %add3A_522, %mul3A_600 : i32
        %add3A_602 = arith.constant 32 : i32
        %add3A_603 = arith.addi %mul3A_601, %add3A_602 : i32
        %get3A_604 = arith.index_cast %add3A_603 : i32 to index
        %get3A_605 = tpu.vector_load %arg7[%get3A_604] {strides = array<i32>} : memref<10240xi32, #tpu.memory_space<vmem>>, vector<16xi32>,
        tpu.vector_store_idx %arg10[%get3A_605], %broadcast_in_dim3A_74 {add = true} : memref<10240xf32, #tpu.memory_space<vmem>>[vector<16xi32>], vector<16xf32>,
        %mul3A_606 = arith.constant 512 : i32
        %mul3A_607 = arith.muli %add3A_522, %mul3A_606 : i32
        %add3A_608 = arith.constant 48 : i32
        %add3A_609 = arith.addi %mul3A_607, %add3A_608 : i32
        %get3A_610 = arith.index_cast %add3A_609 : i32 to index
        %get3A_611 = tpu.vector_load %arg7[%get3A_610] {strides = array<i32>} : memref<10240xi32, #tpu.memory_space<vmem>>, vector<16xi32>,
        tpu.vector_store_idx %arg10[%get3A_611], %broadcast_in_dim3A_74 {add = true} : memref<10240xf32, #tpu.memory_space<vmem>>[vector<16xi32>], vector<16xf32>,
        %mul3A_612 = arith.constant 512 : i32
        %mul3A_613 = arith.muli %add3A_522, %mul3A_612 : i32
        %add3A_614 = arith.constant 64 : i32
        %add3A_615 = arith.addi %mul3A_613, %add3A_614 : i32
        %get3A_616 = arith.index_cast %add3A_615 : i32 to index
        %get3A_617 = tpu.vector_load %arg7[%get3A_616] {strides = array<i32>} : memref<10240xi32, #tpu.memory_space<vmem>>, vector<16xi32>,
        tpu.vector_store_idx %arg10[%get3A_617], %broadcast_in_dim3A_74 {add = true} : memref<10240xf32, #tpu.memory_space<vmem>>[vector<16xi32>], vector<16xf32>,
        %mul3A_618 = arith.constant 512 : i32
        %mul3A_619 = arith.muli %add3A_522, %mul3A_618 : i32
        %add3A_620 = arith.constant 80 : i32
        %add3A_621 = arith.addi %mul3A_619, %add3A_620 : i32
        %get3A_622 = arith.index_cast %add3A_621 : i32 to index
        %get3A_623 = tpu.vector_load %arg7[%get3A_622] {strides = array<i32>} : memref<10240xi32, #tpu.memory_space<vmem>>, vector<16xi32>,
        tpu.vector_store_idx %arg10[%get3A_623], %broadcast_in_dim3A_74 {add = true} : memref<10240xf32, #tpu.memory_space<vmem>>[vector<16xi32>], vector<16xf32>,
        %mul3A_624 = arith.constant 512 : i32
        %mul3A_625 = arith.muli %add3A_522, %mul3A_624 : i32
        %add3A_626 = arith.constant 96 : i32
        %add3A_627 = arith.addi %mul3A_625, %add3A_626 : i32
        %get3A_628 = arith.index_cast %add3A_627 : i32 to index
        %get3A_629 = tpu.vector_load %arg7[%get3A_628] {strides = array<i32>} : memref<10240xi32, #tpu.memory_space<vmem>>, vector<16xi32>,
        tpu.vector_store_idx %arg10[%get3A_629], %broadcast_in_dim3A_74 {add = true} : memref<10240xf32, #tpu.memory_space<vmem>>[vector<16xi32>], vector<16xf32>,
        %mul3A_630 = arith.constant 512 : i32
        %mul3A_631 = arith.muli %add3A_522, %mul3A_630 : i32
        %add3A_632 = arith.constant 112 : i32
        %add3A_633 = arith.addi %mul3A_631, %add3A_632 : i32
        %get3A_634 = arith.index_cast %add3A_633 : i32 to index
        %get3A_635 = tpu.vector_load %arg7[%get3A_634] {strides = array<i32>} : memref<10240xi32, #tpu.memory_space<vmem>>, vector<16xi32>,
        tpu.vector_store_idx %arg10[%get3A_635], %broadcast_in_dim3A_74 {add = true} : memref<10240xf32, #tpu.memory_space<vmem>>[vector<16xi32>], vector<16xf32>,
        %mul3A_636 = arith.constant 512 : i32
        %mul3A_637 = arith.muli %add3A_522, %mul3A_636 : i32
        %add3A_638 = arith.constant 128 : i32
        %add3A_639 = arith.addi %mul3A_637, %add3A_638 : i32
        %get3A_640 = arith.index_cast %add3A_639 : i32 to index
        %get3A_641 = tpu.vector_load %arg7[%get3A_640] {strides = array<i32>} : memref<10240xi32, #tpu.memory_space<vmem>>, vector<16xi32>,
        tpu.vector_store_idx %arg10[%get3A_641], %broadcast_in_dim3A_74 {add = true} : memref<10240xf32, #tpu.memory_space<vmem>>[vector<16xi32>], vector<16xf32>,
        %mul3A_642 = arith.constant 512 : i32
        %mul3A_643 = arith.muli %add3A_522, %mul3A_642 : i32
        %add3A_644 = arith.constant 144 : i32
        %add3A_645 = arith.addi %mul3A_643, %add3A_644 : i32
        %get3A_646 = arith.index_cast %add3A_645 : i32 to index
        %get3A_647 = tpu.vector_load %arg7[%get3A_646] {strides = array<i32>} : memref<10240xi32, #tpu.memory_space<vmem>>, vector<16xi32>,
        tpu.vector_store_idx %arg10[%get3A_647], %broadcast_in_dim3A_74 {add = true} : memref<10240xf32, #tpu.memory_space<vmem>>[vector<16xi32>], vector<16xf32>,
        %mul3A_648 = arith.constant 512 : i32
        %mul3A_649 = arith.muli %add3A_522, %mul3A_648 : i32
        %add3A_650 = arith.constant 160 : i32
        %add3A_651 = arith.addi %mul3A_649, %add3A_650 : i32
        %get3A_652 = arith.index_cast %add3A_651 : i32 to index
        %get3A_653 = tpu.vector_load %arg7[%get3A_652] {strides = array<i32>} : memref<10240xi32, #tpu.memory_space<vmem>>, vector<16xi32>,
        tpu.vector_store_idx %arg10[%get3A_653], %broadcast_in_dim3A_74 {add = true} : memref<10240xf32, #tpu.memory_space<vmem>>[vector<16xi32>], vector<16xf32>,
        %mul3A_654 = arith.constant 512 : i32
        %mul3A_655 = arith.muli %add3A_522, %mul3A_654 : i32
        %add3A_656 = arith.constant 176 : i32
        %add3A_657 = arith.addi %mul3A_655, %add3A_656 : i32
        %get3A_658 = arith.index_cast %add3A_657 : i32 to index
        %get3A_659 = tpu.vector_load %arg7[%get3A_658] {strides = array<i32>} : memref<10240xi32, #tpu.memory_space<vmem>>, vector<16xi32>,
        tpu.vector_store_idx %arg10[%get3A_659], %broadcast_in_dim3A_74 {add = true} : memref<10240xf32, #tpu.memory_space<vmem>>[vector<16xi32>], vector<16xf32>,
        %mul3A_660 = arith.constant 512 : i32
        %mul3A_661 = arith.muli %add3A_522, %mul3A_660 : i32
        %add3A_662 = arith.constant 192 : i32
        %add3A_663 = arith.addi %mul3A_661, %add3A_662 : i32
        %get3A_664 = arith.index_cast %add3A_663 : i32 to index
        %get3A_665 = tpu.vector_load %arg7[%get3A_664] {strides = array<i32>} : memref<10240xi32, #tpu.memory_space<vmem>>, vector<16xi32>,
        tpu.vector_store_idx %arg10[%get3A_665], %broadcast_in_dim3A_74 {add = true} : memref<10240xf32, #tpu.memory_space<vmem>>[vector<16xi32>], vector<16xf32>,
        %mul3A_666 = arith.constant 512 : i32
        %mul3A_667 = arith.muli %add3A_522, %mul3A_666 : i32
        %add3A_668 = arith.constant 208 : i32
        %add3A_669 = arith.addi %mul3A_667, %add3A_668 : i32
        %get3A_670 = arith.index_cast %add3A_669 : i32 to index
        %get3A_671 = tpu.vector_load %arg7[%get3A_670] {strides = array<i32>} : memref<10240xi32, #tpu.memory_space<vmem>>, vector<16xi32>,
        tpu.vector_store_idx %arg10[%get3A_671], %broadcast_in_dim3A_74 {add = true} : memref<10240xf32, #tpu.memory_space<vmem>>[vector<16xi32>], vector<16xf32>,
        %mul3A_672 = arith.constant 512 : i32
        %mul3A_673 = arith.muli %add3A_522, %mul3A_672 : i32
        %add3A_674 = arith.constant 224 : i32
        %add3A_675 = arith.addi %mul3A_673, %add3A_674 : i32
        %get3A_676 = arith.index_cast %add3A_675 : i32 to index
        %get3A_677 = tpu.vector_load %arg7[%get3A_676] {strides = array<i32>} : memref<10240xi32, #tpu.memory_space<vmem>>, vector<16xi32>,
        tpu.vector_store_idx %arg10[%get3A_677], %broadcast_in_dim3A_74 {add = true} : memref<10240xf32, #tpu.memory_space<vmem>>[vector<16xi32>], vector<16xf32>,
        %mul3A_678 = arith.constant 512 : i32
        %mul3A_679 = arith.muli %add3A_522, %mul3A_678 : i32
        %add3A_680 = arith.constant 240 : i32
        %add3A_681 = arith.addi %mul3A_679, %add3A_680 : i32
        %get3A_682 = arith.index_cast %add3A_681 : i32 to index
        %get3A_683 = tpu.vector_load %arg7[%get3A_682] {strides = array<i32>} : memref<10240xi32, #tpu.memory_space<vmem>>, vector<16xi32>,
        tpu.vector_store_idx %arg10[%get3A_683], %broadcast_in_dim3A_74 {add = true} : memref<10240xf32, #tpu.memory_space<vmem>>[vector<16xi32>], vector<16xf32>,
        %mul3A_684 = arith.constant 512 : i32
        %mul3A_685 = arith.muli %add3A_522, %mul3A_684 : i32
        %add3A_686 = arith.constant 256 : i32
        %add3A_687 = arith.addi %mul3A_685, %add3A_686 : i32
        %get3A_688 = arith.index_cast %add3A_687 : i32 to index
        %get3A_689 = tpu.vector_load %arg7[%get3A_688] {strides = array<i32>} : memref<10240xi32, #tpu.memory_space<vmem>>, vector<16xi32>,
        tpu.vector_store_idx %arg10[%get3A_689], %broadcast_in_dim3A_74 {add = true} : memref<10240xf32, #tpu.memory_space<vmem>>[vector<16xi32>], vector<16xf32>,
        %mul3A_690 = arith.constant 512 : i32
        %mul3A_691 = arith.muli %add3A_522, %mul3A_690 : i32
        %add3A_692 = arith.constant 272 : i32
        %add3A_693 = arith.addi %mul3A_691, %add3A_692 : i32
        %get3A_694 = arith.index_cast %add3A_693 : i32 to index
        %get3A_695 = tpu.vector_load %arg7[%get3A_694] {strides = array<i32>} : memref<10240xi32, #tpu.memory_space<vmem>>, vector<16xi32>,
        tpu.vector_store_idx %arg10[%get3A_695], %broadcast_in_dim3A_74 {add = true} : memref<10240xf32, #tpu.memory_space<vmem>>[vector<16xi32>], vector<16xf32>,
        %mul3A_696 = arith.constant 512 : i32
        %mul3A_697 = arith.muli %add3A_522, %mul3A_696 : i32
        %add3A_698 = arith.constant 288 : i32
        %add3A_699 = arith.addi %mul3A_697, %add3A_698 : i32
        %get3A_700 = arith.index_cast %add3A_699 : i32 to index
        %get3A_701 = tpu.vector_load %arg7[%get3A_700] {strides = array<i32>} : memref<10240xi32, #tpu.memory_space<vmem>>, vector<16xi32>,
        tpu.vector_store_idx %arg10[%get3A_701], %broadcast_in_dim3A_74 {add = true} : memref<10240xf32, #tpu.memory_space<vmem>>[vector<16xi32>], vector<16xf32>,
        %mul3A_702 = arith.constant 512 : i32
        %mul3A_703 = arith.muli %add3A_522, %mul3A_702 : i32
        %add3A_704 = arith.constant 304 : i32
        %add3A_705 = arith.addi %mul3A_703, %add3A_704 : i32
        %get3A_706 = arith.index_cast %add3A_705 : i32 to index
        %get3A_707 = tpu.vector_load %arg7[%get3A_706] {strides = array<i32>} : memref<10240xi32, #tpu.memory_space<vmem>>, vector<16xi32>,
        tpu.vector_store_idx %arg10[%get3A_707], %broadcast_in_dim3A_74 {add = true} : memref<10240xf32, #tpu.memory_space<vmem>>[vector<16xi32>], vector<16xf32>,
        %mul3A_708 = arith.constant 512 : i32
        %mul3A_709 = arith.muli %add3A_522, %mul3A_708 : i32
        %add3A_710 = arith.constant 320 : i32
        %add3A_711 = arith.addi %mul3A_709, %add3A_710 : i32
        %get3A_712 = arith.index_cast %add3A_711 : i32 to index
        %get3A_713 = tpu.vector_load %arg7[%get3A_712] {strides = array<i32>} : memref<10240xi32, #tpu.memory_space<vmem>>, vector<16xi32>,
        tpu.vector_store_idx %arg10[%get3A_713], %broadcast_in_dim3A_74 {add = true} : memref<10240xf32, #tpu.memory_space<vmem>>[vector<16xi32>], vector<16xf32>,
        %mul3A_714 = arith.constant 512 : i32
        %mul3A_715 = arith.muli %add3A_522, %mul3A_714 : i32
        %add3A_716 = arith.constant 336 : i32
        %add3A_717 = arith.addi %mul3A_715, %add3A_716 : i32
        %get3A_718 = arith.index_cast %add3A_717 : i32 to index
        %get3A_719 = tpu.vector_load %arg7[%get3A_718] {strides = array<i32>} : memref<10240xi32, #tpu.memory_space<vmem>>, vector<16xi32>,
        tpu.vector_store_idx %arg10[%get3A_719], %broadcast_in_dim3A_74 {add = true} : memref<10240xf32, #tpu.memory_space<vmem>>[vector<16xi32>], vector<16xf32>,
        %mul3A_720 = arith.constant 512 : i32
        %mul3A_721 = arith.muli %add3A_522, %mul3A_720 : i32
        %add3A_722 = arith.constant 352 : i32
        %add3A_723 = arith.addi %mul3A_721, %add3A_722 : i32
        %get3A_724 = arith.index_cast %add3A_723 : i32 to index
        %get3A_725 = tpu.vector_load %arg7[%get3A_724] {strides = array<i32>} : memref<10240xi32, #tpu.memory_space<vmem>>, vector<16xi32>,
        tpu.vector_store_idx %arg10[%get3A_725], %broadcast_in_dim3A_74 {add = true} : memref<10240xf32, #tpu.memory_space<vmem>>[vector<16xi32>], vector<16xf32>,
        %mul3A_726 = arith.constant 512 : i32
        %mul3A_727 = arith.muli %add3A_522, %mul3A_726 : i32
        %add3A_728 = arith.constant 368 : i32
        %add3A_729 = arith.addi %mul3A_727, %add3A_728 : i32
        %get3A_730 = arith.index_cast %add3A_729 : i32 to index
        %get3A_731 = tpu.vector_load %arg7[%get3A_730] {strides = array<i32>} : memref<10240xi32, #tpu.memory_space<vmem>>, vector<16xi32>,
        tpu.vector_store_idx %arg10[%get3A_731], %broadcast_in_dim3A_74 {add = true} : memref<10240xf32, #tpu.memory_space<vmem>>[vector<16xi32>], vector<16xf32>,
        %mul3A_732 = arith.constant 512 : i32
        %mul3A_733 = arith.muli %add3A_522, %mul3A_732 : i32
        %add3A_734 = arith.constant 384 : i32
        %add3A_735 = arith.addi %mul3A_733, %add3A_734 : i32
        %get3A_736 = arith.index_cast %add3A_735 : i32 to index
        %get3A_737 = tpu.vector_load %arg7[%get3A_736] {strides = array<i32>} : memref<10240xi32, #tpu.memory_space<vmem>>, vector<16xi32>,
        tpu.vector_store_idx %arg10[%get3A_737], %broadcast_in_dim3A_74 {add = true} : memref<10240xf32, #tpu.memory_space<vmem>>[vector<16xi32>], vector<16xf32>,
        %mul3A_738 = arith.constant 512 : i32
        %mul3A_739 = arith.muli %add3A_522, %mul3A_738 : i32
        %add3A_740 = arith.constant 400 : i32
        %add3A_741 = arith.addi %mul3A_739, %add3A_740 : i32
        %get3A_742 = arith.index_cast %add3A_741 : i32 to index
        %get3A_743 = tpu.vector_load %arg7[%get3A_742] {strides = array<i32>} : memref<10240xi32, #tpu.memory_space<vmem>>, vector<16xi32>,
        tpu.vector_store_idx %arg10[%get3A_743], %broadcast_in_dim3A_74 {add = true} : memref<10240xf32, #tpu.memory_space<vmem>>[vector<16xi32>], vector<16xf32>,
        %mul3A_744 = arith.constant 512 : i32
        %mul3A_745 = arith.muli %add3A_522, %mul3A_744 : i32
        %add3A_746 = arith.constant 416 : i32
        %add3A_747 = arith.addi %mul3A_745, %add3A_746 : i32
        %get3A_748 = arith.index_cast %add3A_747 : i32 to index
        %get3A_749 = tpu.vector_load %arg7[%get3A_748] {strides = array<i32>} : memref<10240xi32, #tpu.memory_space<vmem>>, vector<16xi32>,
        tpu.vector_store_idx %arg10[%get3A_749], %broadcast_in_dim3A_74 {add = true} : memref<10240xf32, #tpu.memory_space<vmem>>[vector<16xi32>], vector<16xf32>,
        %mul3A_750 = arith.constant 512 : i32
        %mul3A_751 = arith.muli %add3A_522, %mul3A_750 : i32
        %add3A_752 = arith.constant 432 : i32
        %add3A_753 = arith.addi %mul3A_751, %add3A_752 : i32
        %get3A_754 = arith.index_cast %add3A_753 : i32 to index
        %get3A_755 = tpu.vector_load %arg7[%get3A_754] {strides = array<i32>} : memref<10240xi32, #tpu.memory_space<vmem>>, vector<16xi32>,
        tpu.vector_store_idx %arg10[%get3A_755], %broadcast_in_dim3A_74 {add = true} : memref<10240xf32, #tpu.memory_space<vmem>>[vector<16xi32>], vector<16xf32>,
        %mul3A_756 = arith.constant 512 : i32
        %mul3A_757 = arith.muli %add3A_522, %mul3A_756 : i32
        %add3A_758 = arith.constant 448 : i32
        %add3A_759 = arith.addi %mul3A_757, %add3A_758 : i32
        %get3A_760 = arith.index_cast %add3A_759 : i32 to index
        %get3A_761 = tpu.vector_load %arg7[%get3A_760] {strides = array<i32>} : memref<10240xi32, #tpu.memory_space<vmem>>, vector<16xi32>,
        tpu.vector_store_idx %arg10[%get3A_761], %broadcast_in_dim3A_74 {add = true} : memref<10240xf32, #tpu.memory_space<vmem>>[vector<16xi32>], vector<16xf32>,
        %mul3A_762 = arith.constant 512 : i32
        %mul3A_763 = arith.muli %add3A_522, %mul3A_762 : i32
        %add3A_764 = arith.constant 464 : i32
        %add3A_765 = arith.addi %mul3A_763, %add3A_764 : i32
        %get3A_766 = arith.index_cast %add3A_765 : i32 to index
        %get3A_767 = tpu.vector_load %arg7[%get3A_766] {strides = array<i32>} : memref<10240xi32, #tpu.memory_space<vmem>>, vector<16xi32>,
        tpu.vector_store_idx %arg10[%get3A_767], %broadcast_in_dim3A_74 {add = true} : memref<10240xf32, #tpu.memory_space<vmem>>[vector<16xi32>], vector<16xf32>,
        %mul3A_768 = arith.constant 512 : i32
        %mul3A_769 = arith.muli %add3A_522, %mul3A_768 : i32
        %add3A_770 = arith.constant 480 : i32
        %add3A_771 = arith.addi %mul3A_769, %add3A_770 : i32
        %get3A_772 = arith.index_cast %add3A_771 : i32 to index
        %get3A_773 = tpu.vector_load %arg7[%get3A_772] {strides = array<i32>} : memref<10240xi32, #tpu.memory_space<vmem>>, vector<16xi32>,
        tpu.vector_store_idx %arg10[%get3A_773], %broadcast_in_dim3A_74 {add = true} : memref<10240xf32, #tpu.memory_space<vmem>>[vector<16xi32>], vector<16xf32>,
        %mul3A_774 = arith.constant 512 : i32
        %mul3A_775 = arith.muli %add3A_522, %mul3A_774 : i32
        %add3A_776 = arith.constant 496 : i32
        %add3A_777 = arith.addi %mul3A_775, %add3A_776 : i32
        %get3A_778 = arith.index_cast %add3A_777 : i32 to index
        %get3A_779 = tpu.vector_load %arg7[%get3A_778] {strides = array<i32>} : memref<10240xi32, #tpu.memory_space<vmem>>, vector<16xi32>,
        tpu.vector_store_idx %arg10[%get3A_779], %broadcast_in_dim3A_74 {add = true} : memref<10240xf32, #tpu.memory_space<vmem>>[vector<16xi32>], vector<16xf32>,
        %dma_wait3A_780 = arith.constant 1 : i32
        %dma_wait3A_781 = arith.constant 0 : i32
        %dma_wait3A_782 = arith.constant 0 : i32
        %dma_wait3A_783 = tpu.memref_slice %arg8[%dma_wait3A_780, %dma_wait3A_781, %dma_wait3A_782] : memref<4x512x16xf32, #tpu.memory_space<vmem>> -> memref<1x512x16xf32, #tpu.memory_space<vmem>>
        %dma_wait3A_784 = tpu.memref_squeeze %dma_wait3A_783 : memref<1x512x16xf32, #tpu.memory_space<vmem>> -> memref<512x16xf32, #tpu.memory_space<vmem>>
        %dma_wait3A_785 = arith.constant 0 : i32
        %dma_wait3A_786 = tpu.memref_slice %arg6[%dma_wait3A_785] : memref<10240xi32, #tpu.memory_space<vmem>> -> memref<512xi32, #tpu.memory_space<vmem>>
        %dma_wait3A_787 = arith.constant 0 : i32
        %dma_wait3A_788 = arith.constant 0 : i32
        %dma_wait3A_789 = tpu.memref_slice %arg2[%dma_wait3A_787, %dma_wait3A_788] : memref<10240x16xf32, #tpu.memory_space<hbm>> -> memref<10240x16xf32, #tpu.memory_space<hbm>>
        tpu.wait_indirect_dma semaphore(%arg17 : memref<!tpu.dma_semaphore, #tpu.memory_space<semaphore_mem>>) src(%dma_wait3A_789 : memref<10240x16xf32, #tpu.memory_space<hbm>>) dst(%dma_wait3A_784 : memref<512x16xf32, #tpu.memory_space<vmem>>)
        %mul3A_790 = arith.constant 512 : i32
        %mul3A_791 = arith.muli %add3A_522, %mul3A_790 : i32
        %dma_start3A_792 = arith.constant 1 : i32
        %dma_start3A_793 = arith.constant 0 : i32
        %dma_start3A_794 = arith.constant 0 : i32
        %dma_start3A_795 = tpu.memref_slice %arg8[%dma_start3A_792, %dma_start3A_793, %dma_start3A_794] : memref<4x512x16xf32, #tpu.memory_space<vmem>> -> memref<1x512x16xf32, #tpu.memory_space<vmem>>
        %dma_start3A_796 = tpu.memref_squeeze %dma_start3A_795 : memref<1x512x16xf32, #tpu.memory_space<vmem>> -> memref<512x16xf32, #tpu.memory_space<vmem>>
        %dma_start3A_797 = tpu.memref_slice %arg7[%mul3A_791] : memref<10240xi32, #tpu.memory_space<vmem>> -> memref<512xi32, #tpu.memory_space<vmem>>
        %dma_start3A_798 = arith.constant 0 : i32
        %dma_start3A_799 = arith.constant 0 : i32
        %dma_start3A_800 = tpu.memref_slice %arg12[%dma_start3A_798, %dma_start3A_799] : memref<10240x16xf32, #tpu.memory_space<vmem_shared>> -> memref<10240x16xf32, #tpu.memory_space<vmem_shared>>
        tpu.enqueue_indirect_dma source(%dma_start3A_796 : memref<512x16xf32, #tpu.memory_space<vmem>>) target(%dma_start3A_800 : memref<10240x16xf32, #tpu.memory_space<vmem_shared>>) offsets(%dma_start3A_797 : memref<512xi32, #tpu.memory_space<vmem>>) semaphore(%arg21 : memref<!tpu.dma_semaphore, #tpu.memory_space<semaphore_mem>>) {add = true}
      } else {
      }
      %mul3A_542 = arith.constant 4 : i32
      %mul3A_543 = arith.muli %scan3A_497, %mul3A_542 : i32
      %add3A_544 = arith.constant 2 : i32
      %add3A_545 = arith.addi %mul3A_543, %add3A_544 : i32
      %ge3A_546 = arith.constant 2 : i32
      %ge3A_547 = arith.cmpi sge, %add3A_545, %ge3A_546 : i32
      %sub3A_548 = arith.constant 2 : i32
      %sub3A_549 = arith.subi %add3A_545, %sub3A_548 : i32
      %lt3A_550 = arith.cmpi slt, %sub3A_549, %add3A_5 : i32
      %and3A_551 = arith.andi %ge3A_547, %lt3A_550 : i1
      %convert_element_type3A_552 = arith.extui %and3A_551 : i1 to i32
      %cond3A_553 = arith.constant 0 : i32
      %cond3A_554 = arith.cmpi ne, %convert_element_type3A_552, %cond3A_553 : i32
      scf.if %cond3A_554 {
        %dma_wait3A_589 = arith.constant 0 : i32
        %dma_wait3A_590 = arith.constant 0 : i32
        %dma_wait3A_591 = arith.constant 0 : i32
        %dma_wait3A_592 = tpu.memref_slice %arg8[%dma_wait3A_589, %dma_wait3A_590, %dma_wait3A_591] : memref<4x512x16xf32, #tpu.memory_space<vmem>> -> memref<1x512x16xf32, #tpu.memory_space<vmem>>
        %dma_wait3A_593 = tpu.memref_squeeze %dma_wait3A_592 : memref<1x512x16xf32, #tpu.memory_space<vmem>> -> memref<512x16xf32, #tpu.memory_space<vmem>>
        %dma_wait3A_594 = arith.constant 0 : i32
        %dma_wait3A_595 = tpu.memref_slice %arg7[%dma_wait3A_594] : memref<10240xi32, #tpu.memory_space<vmem>> -> memref<512xi32, #tpu.memory_space<vmem>>
        %dma_wait3A_596 = arith.constant 0 : i32
        %dma_wait3A_597 = arith.constant 0 : i32
        %dma_wait3A_598 = tpu.memref_slice %arg12[%dma_wait3A_596, %dma_wait3A_597] : memref<10240x16xf32, #tpu.memory_space<vmem_shared>> -> memref<10240x16xf32, #tpu.memory_space<vmem_shared>>
        tpu.wait_indirect_dma semaphore(%arg20 : memref<!tpu.dma_semaphore, #tpu.memory_space<semaphore_mem>>) src(%dma_wait3A_593 : memref<512x16xf32, #tpu.memory_space<vmem>>) dst(%dma_wait3A_598 : memref<10240x16xf32, #tpu.memory_space<vmem_shared>>)
      } else {
      }
      %add3A_555 = arith.constant 2 : i32
      %add3A_556 = arith.addi %add3A_545, %add3A_555 : i32
      %lt3A_557 = arith.cmpi slt, %add3A_556, %add3A_5 : i32
      %convert_element_type3A_558 = arith.extui %lt3A_557 : i1 to i32
      %cond3A_559 = arith.constant 0 : i32
      %cond3A_560 = arith.cmpi ne, %convert_element_type3A_558, %cond3A_559 : i32
      scf.if %cond3A_560 {
        %add3A_589 = arith.constant 2 : i32
        %add3A_590 = arith.addi %add3A_545, %add3A_589 : i32
        %mul3A_591 = arith.constant 512 : i32
        %mul3A_592 = arith.muli %add3A_590, %mul3A_591 : i32
        %dma_start3A_593 = arith.constant 0 : i32
        %dma_start3A_594 = arith.constant 0 : i32
        %dma_start3A_595 = arith.constant 0 : i32
        %dma_start3A_596 = tpu.memref_slice %arg8[%dma_start3A_593, %dma_start3A_594, %dma_start3A_595] : memref<4x512x16xf32, #tpu.memory_space<vmem>> -> memref<1x512x16xf32, #tpu.memory_space<vmem>>
        %dma_start3A_597 = tpu.memref_squeeze %dma_start3A_596 : memref<1x512x16xf32, #tpu.memory_space<vmem>> -> memref<512x16xf32, #tpu.memory_space<vmem>>
        %dma_start3A_598 = tpu.memref_slice %arg6[%mul3A_592] : memref<10240xi32, #tpu.memory_space<vmem>> -> memref<512xi32, #tpu.memory_space<vmem>>
        %dma_start3A_599 = arith.constant 0 : i32
        %dma_start3A_600 = arith.constant 0 : i32
        %dma_start3A_601 = tpu.memref_slice %arg2[%dma_start3A_599, %dma_start3A_600] : memref<10240x16xf32, #tpu.memory_space<hbm>> -> memref<10240x16xf32, #tpu.memory_space<hbm>>
        tpu.enqueue_indirect_dma source(%dma_start3A_601 : memref<10240x16xf32, #tpu.memory_space<hbm>>) target(%dma_start3A_597 : memref<512x16xf32, #tpu.memory_space<vmem>>) offsets(%dma_start3A_598 : memref<512xi32, #tpu.memory_space<vmem>>) semaphore(%arg16 : memref<!tpu.dma_semaphore, #tpu.memory_space<semaphore_mem>>)
      } else {
      }
      %lt3A_561 = arith.cmpi slt, %add3A_545, %add3A_5 : i32
      %convert_element_type3A_562 = arith.extui %lt3A_561 : i1 to i32
      %cond3A_563 = arith.constant 0 : i32
      %cond3A_564 = arith.cmpi ne, %convert_element_type3A_562, %cond3A_563 : i32
      scf.if %cond3A_564 {
        %mul3A_589 = arith.constant 512 : i32
        %mul3A_590 = arith.muli %add3A_545, %mul3A_589 : i32
        %add3A_591 = arith.constant 0 : i32
        %add3A_592 = arith.addi %mul3A_590, %add3A_591 : i32
        %get3A = arith.index_cast %add3A_592 : i32 to index
        %get3A_593 = tpu.vector_load %arg7[%get3A] {strides = array<i32>} : memref<10240xi32, #tpu.memory_space<vmem>>, vector<16xi32>,
        tpu.vector_store_idx %arg10[%get3A_593], %broadcast_in_dim3A_74 {add = true} : memref<10240xf32, #tpu.memory_space<vmem>>[vector<16xi32>], vector<16xf32>,
        %mul3A_594 = arith.constant 512 : i32
        %mul3A_595 = arith.muli %add3A_545, %mul3A_594 : i32
        %add3A_596 = arith.constant 16 : i32
        %add3A_597 = arith.addi %mul3A_595, %add3A_596 : i32
        %get3A_598 = arith.index_cast %add3A_597 : i32 to index
        %get3A_599 = tpu.vector_load %arg7[%get3A_598] {strides = array<i32>} : memref<10240xi32, #tpu.memory_space<vmem>>, vector<16xi32>,
        tpu.vector_store_idx %arg10[%get3A_599], %broadcast_in_dim3A_74 {add = true} : memref<10240xf32, #tpu.memory_space<vmem>>[vector<16xi32>], vector<16xf32>,
        %mul3A_600 = arith.constant 512 : i32
        %mul3A_601 = arith.muli %add3A_545, %mul3A_600 : i32
        %add3A_602 = arith.constant 32 : i32
        %add3A_603 = arith.addi %mul3A_601, %add3A_602 : i32
        %get3A_604 = arith.index_cast %add3A_603 : i32 to index
        %get3A_605 = tpu.vector_load %arg7[%get3A_604] {strides = array<i32>} : memref<10240xi32, #tpu.memory_space<vmem>>, vector<16xi32>,
        tpu.vector_store_idx %arg10[%get3A_605], %broadcast_in_dim3A_74 {add = true} : memref<10240xf32, #tpu.memory_space<vmem>>[vector<16xi32>], vector<16xf32>,
        %mul3A_606 = arith.constant 512 : i32
        %mul3A_607 = arith.muli %add3A_545, %mul3A_606 : i32
        %add3A_608 = arith.constant 48 : i32
        %add3A_609 = arith.addi %mul3A_607, %add3A_608 : i32
        %get3A_610 = arith.index_cast %add3A_609 : i32 to index
        %get3A_611 = tpu.vector_load %arg7[%get3A_610] {strides = array<i32>} : memref<10240xi32, #tpu.memory_space<vmem>>, vector<16xi32>,
        tpu.vector_store_idx %arg10[%get3A_611], %broadcast_in_dim3A_74 {add = true} : memref<10240xf32, #tpu.memory_space<vmem>>[vector<16xi32>], vector<16xf32>,
        %mul3A_612 = arith.constant 512 : i32
        %mul3A_613 = arith.muli %add3A_545, %mul3A_612 : i32
        %add3A_614 = arith.constant 64 : i32
        %add3A_615 = arith.addi %mul3A_613, %add3A_614 : i32
        %get3A_616 = arith.index_cast %add3A_615 : i32 to index
        %get3A_617 = tpu.vector_load %arg7[%get3A_616] {strides = array<i32>} : memref<10240xi32, #tpu.memory_space<vmem>>, vector<16xi32>,
        tpu.vector_store_idx %arg10[%get3A_617], %broadcast_in_dim3A_74 {add = true} : memref<10240xf32, #tpu.memory_space<vmem>>[vector<16xi32>], vector<16xf32>,
        %mul3A_618 = arith.constant 512 : i32
        %mul3A_619 = arith.muli %add3A_545, %mul3A_618 : i32
        %add3A_620 = arith.constant 80 : i32
        %add3A_621 = arith.addi %mul3A_619, %add3A_620 : i32
        %get3A_622 = arith.index_cast %add3A_621 : i32 to index
        %get3A_623 = tpu.vector_load %arg7[%get3A_622] {strides = array<i32>} : memref<10240xi32, #tpu.memory_space<vmem>>, vector<16xi32>,
        tpu.vector_store_idx %arg10[%get3A_623], %broadcast_in_dim3A_74 {add = true} : memref<10240xf32, #tpu.memory_space<vmem>>[vector<16xi32>], vector<16xf32>,
        %mul3A_624 = arith.constant 512 : i32
        %mul3A_625 = arith.muli %add3A_545, %mul3A_624 : i32
        %add3A_626 = arith.constant 96 : i32
        %add3A_627 = arith.addi %mul3A_625, %add3A_626 : i32
        %get3A_628 = arith.index_cast %add3A_627 : i32 to index
        %get3A_629 = tpu.vector_load %arg7[%get3A_628] {strides = array<i32>} : memref<10240xi32, #tpu.memory_space<vmem>>, vector<16xi32>,
        tpu.vector_store_idx %arg10[%get3A_629], %broadcast_in_dim3A_74 {add = true} : memref<10240xf32, #tpu.memory_space<vmem>>[vector<16xi32>], vector<16xf32>,
        %mul3A_630 = arith.constant 512 : i32
        %mul3A_631 = arith.muli %add3A_545, %mul3A_630 : i32
        %add3A_632 = arith.constant 112 : i32
        %add3A_633 = arith.addi %mul3A_631, %add3A_632 : i32
        %get3A_634 = arith.index_cast %add3A_633 : i32 to index
        %get3A_635 = tpu.vector_load %arg7[%get3A_634] {strides = array<i32>} : memref<10240xi32, #tpu.memory_space<vmem>>, vector<16xi32>,
        tpu.vector_store_idx %arg10[%get3A_635], %broadcast_in_dim3A_74 {add = true} : memref<10240xf32, #tpu.memory_space<vmem>>[vector<16xi32>], vector<16xf32>,
        %mul3A_636 = arith.constant 512 : i32
        %mul3A_637 = arith.muli %add3A_545, %mul3A_636 : i32
        %add3A_638 = arith.constant 128 : i32
        %add3A_639 = arith.addi %mul3A_637, %add3A_638 : i32
        %get3A_640 = arith.index_cast %add3A_639 : i32 to index
        %get3A_641 = tpu.vector_load %arg7[%get3A_640] {strides = array<i32>} : memref<10240xi32, #tpu.memory_space<vmem>>, vector<16xi32>,
        tpu.vector_store_idx %arg10[%get3A_641], %broadcast_in_dim3A_74 {add = true} : memref<10240xf32, #tpu.memory_space<vmem>>[vector<16xi32>], vector<16xf32>,
        %mul3A_642 = arith.constant 512 : i32
        %mul3A_643 = arith.muli %add3A_545, %mul3A_642 : i32
        %add3A_644 = arith.constant 144 : i32
        %add3A_645 = arith.addi %mul3A_643, %add3A_644 : i32
        %get3A_646 = arith.index_cast %add3A_645 : i32 to index
        %get3A_647 = tpu.vector_load %arg7[%get3A_646] {strides = array<i32>} : memref<10240xi32, #tpu.memory_space<vmem>>, vector<16xi32>,
        tpu.vector_store_idx %arg10[%get3A_647], %broadcast_in_dim3A_74 {add = true} : memref<10240xf32, #tpu.memory_space<vmem>>[vector<16xi32>], vector<16xf32>,
        %mul3A_648 = arith.constant 512 : i32
        %mul3A_649 = arith.muli %add3A_545, %mul3A_648 : i32
        %add3A_650 = arith.constant 160 : i32
        %add3A_651 = arith.addi %mul3A_649, %add3A_650 : i32
        %get3A_652 = arith.index_cast %add3A_651 : i32 to index
        %get3A_653 = tpu.vector_load %arg7[%get3A_652] {strides = array<i32>} : memref<10240xi32, #tpu.memory_space<vmem>>, vector<16xi32>,
        tpu.vector_store_idx %arg10[%get3A_653], %broadcast_in_dim3A_74 {add = true} : memref<10240xf32, #tpu.memory_space<vmem>>[vector<16xi32>], vector<16xf32>,
        %mul3A_654 = arith.constant 512 : i32
        %mul3A_655 = arith.muli %add3A_545, %mul3A_654 : i32
        %add3A_656 = arith.constant 176 : i32
        %add3A_657 = arith.addi %mul3A_655, %add3A_656 : i32
        %get3A_658 = arith.index_cast %add3A_657 : i32 to index
        %get3A_659 = tpu.vector_load %arg7[%get3A_658] {strides = array<i32>} : memref<10240xi32, #tpu.memory_space<vmem>>, vector<16xi32>,
        tpu.vector_store_idx %arg10[%get3A_659], %broadcast_in_dim3A_74 {add = true} : memref<10240xf32, #tpu.memory_space<vmem>>[vector<16xi32>], vector<16xf32>,
        %mul3A_660 = arith.constant 512 : i32
        %mul3A_661 = arith.muli %add3A_545, %mul3A_660 : i32
        %add3A_662 = arith.constant 192 : i32
        %add3A_663 = arith.addi %mul3A_661, %add3A_662 : i32
        %get3A_664 = arith.index_cast %add3A_663 : i32 to index
        %get3A_665 = tpu.vector_load %arg7[%get3A_664] {strides = array<i32>} : memref<10240xi32, #tpu.memory_space<vmem>>, vector<16xi32>,
        tpu.vector_store_idx %arg10[%get3A_665], %broadcast_in_dim3A_74 {add = true} : memref<10240xf32, #tpu.memory_space<vmem>>[vector<16xi32>], vector<16xf32>,
        %mul3A_666 = arith.constant 512 : i32
        %mul3A_667 = arith.muli %add3A_545, %mul3A_666 : i32
        %add3A_668 = arith.constant 208 : i32
        %add3A_669 = arith.addi %mul3A_667, %add3A_668 : i32
        %get3A_670 = arith.index_cast %add3A_669 : i32 to index
        %get3A_671 = tpu.vector_load %arg7[%get3A_670] {strides = array<i32>} : memref<10240xi32, #tpu.memory_space<vmem>>, vector<16xi32>,
        tpu.vector_store_idx %arg10[%get3A_671], %broadcast_in_dim3A_74 {add = true} : memref<10240xf32, #tpu.memory_space<vmem>>[vector<16xi32>], vector<16xf32>,
        %mul3A_672 = arith.constant 512 : i32
        %mul3A_673 = arith.muli %add3A_545, %mul3A_672 : i32
        %add3A_674 = arith.constant 224 : i32
        %add3A_675 = arith.addi %mul3A_673, %add3A_674 : i32
        %get3A_676 = arith.index_cast %add3A_675 : i32 to index
        %get3A_677 = tpu.vector_load %arg7[%get3A_676] {strides = array<i32>} : memref<10240xi32, #tpu.memory_space<vmem>>, vector<16xi32>,
        tpu.vector_store_idx %arg10[%get3A_677], %broadcast_in_dim3A_74 {add = true} : memref<10240xf32, #tpu.memory_space<vmem>>[vector<16xi32>], vector<16xf32>,
        %mul3A_678 = arith.constant 512 : i32
        %mul3A_679 = arith.muli %add3A_545, %mul3A_678 : i32
        %add3A_680 = arith.constant 240 : i32
        %add3A_681 = arith.addi %mul3A_679, %add3A_680 : i32
        %get3A_682 = arith.index_cast %add3A_681 : i32 to index
        %get3A_683 = tpu.vector_load %arg7[%get3A_682] {strides = array<i32>} : memref<10240xi32, #tpu.memory_space<vmem>>, vector<16xi32>,
        tpu.vector_store_idx %arg10[%get3A_683], %broadcast_in_dim3A_74 {add = true} : memref<10240xf32, #tpu.memory_space<vmem>>[vector<16xi32>], vector<16xf32>,
        %mul3A_684 = arith.constant 512 : i32
        %mul3A_685 = arith.muli %add3A_545, %mul3A_684 : i32
        %add3A_686 = arith.constant 256 : i32
        %add3A_687 = arith.addi %mul3A_685, %add3A_686 : i32
        %get3A_688 = arith.index_cast %add3A_687 : i32 to index
        %get3A_689 = tpu.vector_load %arg7[%get3A_688] {strides = array<i32>} : memref<10240xi32, #tpu.memory_space<vmem>>, vector<16xi32>,
        tpu.vector_store_idx %arg10[%get3A_689], %broadcast_in_dim3A_74 {add = true} : memref<10240xf32, #tpu.memory_space<vmem>>[vector<16xi32>], vector<16xf32>,
        %mul3A_690 = arith.constant 512 : i32
        %mul3A_691 = arith.muli %add3A_545, %mul3A_690 : i32
        %add3A_692 = arith.constant 272 : i32
        %add3A_693 = arith.addi %mul3A_691, %add3A_692 : i32
        %get3A_694 = arith.index_cast %add3A_693 : i32 to index
        %get3A_695 = tpu.vector_load %arg7[%get3A_694] {strides = array<i32>} : memref<10240xi32, #tpu.memory_space<vmem>>, vector<16xi32>,
        tpu.vector_store_idx %arg10[%get3A_695], %broadcast_in_dim3A_74 {add = true} : memref<10240xf32, #tpu.memory_space<vmem>>[vector<16xi32>], vector<16xf32>,
        %mul3A_696 = arith.constant 512 : i32
        %mul3A_697 = arith.muli %add3A_545, %mul3A_696 : i32
        %add3A_698 = arith.constant 288 : i32
        %add3A_699 = arith.addi %mul3A_697, %add3A_698 : i32
        %get3A_700 = arith.index_cast %add3A_699 : i32 to index
        %get3A_701 = tpu.vector_load %arg7[%get3A_700] {strides = array<i32>} : memref<10240xi32, #tpu.memory_space<vmem>>, vector<16xi32>,
        tpu.vector_store_idx %arg10[%get3A_701], %broadcast_in_dim3A_74 {add = true} : memref<10240xf32, #tpu.memory_space<vmem>>[vector<16xi32>], vector<16xf32>,
        %mul3A_702 = arith.constant 512 : i32
        %mul3A_703 = arith.muli %add3A_545, %mul3A_702 : i32
        %add3A_704 = arith.constant 304 : i32
        %add3A_705 = arith.addi %mul3A_703, %add3A_704 : i32
        %get3A_706 = arith.index_cast %add3A_705 : i32 to index
        %get3A_707 = tpu.vector_load %arg7[%get3A_706] {strides = array<i32>} : memref<10240xi32, #tpu.memory_space<vmem>>, vector<16xi32>,
        tpu.vector_store_idx %arg10[%get3A_707], %broadcast_in_dim3A_74 {add = true} : memref<10240xf32, #tpu.memory_space<vmem>>[vector<16xi32>], vector<16xf32>,
        %mul3A_708 = arith.constant 512 : i32
        %mul3A_709 = arith.muli %add3A_545, %mul3A_708 : i32
        %add3A_710 = arith.constant 320 : i32
        %add3A_711 = arith.addi %mul3A_709, %add3A_710 : i32
        %get3A_712 = arith.index_cast %add3A_711 : i32 to index
        %get3A_713 = tpu.vector_load %arg7[%get3A_712] {strides = array<i32>} : memref<10240xi32, #tpu.memory_space<vmem>>, vector<16xi32>,
        tpu.vector_store_idx %arg10[%get3A_713], %broadcast_in_dim3A_74 {add = true} : memref<10240xf32, #tpu.memory_space<vmem>>[vector<16xi32>], vector<16xf32>,
        %mul3A_714 = arith.constant 512 : i32
        %mul3A_715 = arith.muli %add3A_545, %mul3A_714 : i32
        %add3A_716 = arith.constant 336 : i32
        %add3A_717 = arith.addi %mul3A_715, %add3A_716 : i32
        %get3A_718 = arith.index_cast %add3A_717 : i32 to index
        %get3A_719 = tpu.vector_load %arg7[%get3A_718] {strides = array<i32>} : memref<10240xi32, #tpu.memory_space<vmem>>, vector<16xi32>,
        tpu.vector_store_idx %arg10[%get3A_719], %broadcast_in_dim3A_74 {add = true} : memref<10240xf32, #tpu.memory_space<vmem>>[vector<16xi32>], vector<16xf32>,
        %mul3A_720 = arith.constant 512 : i32
        %mul3A_721 = arith.muli %add3A_545, %mul3A_720 : i32
        %add3A_722 = arith.constant 352 : i32
        %add3A_723 = arith.addi %mul3A_721, %add3A_722 : i32
        %get3A_724 = arith.index_cast %add3A_723 : i32 to index
        %get3A_725 = tpu.vector_load %arg7[%get3A_724] {strides = array<i32>} : memref<10240xi32, #tpu.memory_space<vmem>>, vector<16xi32>,
        tpu.vector_store_idx %arg10[%get3A_725], %broadcast_in_dim3A_74 {add = true} : memref<10240xf32, #tpu.memory_space<vmem>>[vector<16xi32>], vector<16xf32>,
        %mul3A_726 = arith.constant 512 : i32
        %mul3A_727 = arith.muli %add3A_545, %mul3A_726 : i32
        %add3A_728 = arith.constant 368 : i32
        %add3A_729 = arith.addi %mul3A_727, %add3A_728 : i32
        %get3A_730 = arith.index_cast %add3A_729 : i32 to index
        %get3A_731 = tpu.vector_load %arg7[%get3A_730] {strides = array<i32>} : memref<10240xi32, #tpu.memory_space<vmem>>, vector<16xi32>,
        tpu.vector_store_idx %arg10[%get3A_731], %broadcast_in_dim3A_74 {add = true} : memref<10240xf32, #tpu.memory_space<vmem>>[vector<16xi32>], vector<16xf32>,
        %mul3A_732 = arith.constant 512 : i32
        %mul3A_733 = arith.muli %add3A_545, %mul3A_732 : i32
        %add3A_734 = arith.constant 384 : i32
        %add3A_735 = arith.addi %mul3A_733, %add3A_734 : i32
        %get3A_736 = arith.index_cast %add3A_735 : i32 to index
        %get3A_737 = tpu.vector_load %arg7[%get3A_736] {strides = array<i32>} : memref<10240xi32, #tpu.memory_space<vmem>>, vector<16xi32>,
        tpu.vector_store_idx %arg10[%get3A_737], %broadcast_in_dim3A_74 {add = true} : memref<10240xf32, #tpu.memory_space<vmem>>[vector<16xi32>], vector<16xf32>,
        %mul3A_738 = arith.constant 512 : i32
        %mul3A_739 = arith.muli %add3A_545, %mul3A_738 : i32
        %add3A_740 = arith.constant 400 : i32
        %add3A_741 = arith.addi %mul3A_739, %add3A_740 : i32
        %get3A_742 = arith.index_cast %add3A_741 : i32 to index
        %get3A_743 = tpu.vector_load %arg7[%get3A_742] {strides = array<i32>} : memref<10240xi32, #tpu.memory_space<vmem>>, vector<16xi32>,
        tpu.vector_store_idx %arg10[%get3A_743], %broadcast_in_dim3A_74 {add = true} : memref<10240xf32, #tpu.memory_space<vmem>>[vector<16xi32>], vector<16xf32>,
        %mul3A_744 = arith.constant 512 : i32
        %mul3A_745 = arith.muli %add3A_545, %mul3A_744 : i32
        %add3A_746 = arith.constant 416 : i32
        %add3A_747 = arith.addi %mul3A_745, %add3A_746 : i32
        %get3A_748 = arith.index_cast %add3A_747 : i32 to index
        %get3A_749 = tpu.vector_load %arg7[%get3A_748] {strides = array<i32>} : memref<10240xi32, #tpu.memory_space<vmem>>, vector<16xi32>,
        tpu.vector_store_idx %arg10[%get3A_749], %broadcast_in_dim3A_74 {add = true} : memref<10240xf32, #tpu.memory_space<vmem>>[vector<16xi32>], vector<16xf32>,
        %mul3A_750 = arith.constant 512 : i32
        %mul3A_751 = arith.muli %add3A_545, %mul3A_750 : i32
        %add3A_752 = arith.constant 432 : i32
        %add3A_753 = arith.addi %mul3A_751, %add3A_752 : i32
        %get3A_754 = arith.index_cast %add3A_753 : i32 to index
        %get3A_755 = tpu.vector_load %arg7[%get3A_754] {strides = array<i32>} : memref<10240xi32, #tpu.memory_space<vmem>>, vector<16xi32>,
        tpu.vector_store_idx %arg10[%get3A_755], %broadcast_in_dim3A_74 {add = true} : memref<10240xf32, #tpu.memory_space<vmem>>[vector<16xi32>], vector<16xf32>,
        %mul3A_756 = arith.constant 512 : i32
        %mul3A_757 = arith.muli %add3A_545, %mul3A_756 : i32
        %add3A_758 = arith.constant 448 : i32
        %add3A_759 = arith.addi %mul3A_757, %add3A_758 : i32
        %get3A_760 = arith.index_cast %add3A_759 : i32 to index
        %get3A_761 = tpu.vector_load %arg7[%get3A_760] {strides = array<i32>} : memref<10240xi32, #tpu.memory_space<vmem>>, vector<16xi32>,
        tpu.vector_store_idx %arg10[%get3A_761], %broadcast_in_dim3A_74 {add = true} : memref<10240xf32, #tpu.memory_space<vmem>>[vector<16xi32>], vector<16xf32>,
        %mul3A_762 = arith.constant 512 : i32
        %mul3A_763 = arith.muli %add3A_545, %mul3A_762 : i32
        %add3A_764 = arith.constant 464 : i32
        %add3A_765 = arith.addi %mul3A_763, %add3A_764 : i32
        %get3A_766 = arith.index_cast %add3A_765 : i32 to index
        %get3A_767 = tpu.vector_load %arg7[%get3A_766] {strides = array<i32>} : memref<10240xi32, #tpu.memory_space<vmem>>, vector<16xi32>,
        tpu.vector_store_idx %arg10[%get3A_767], %broadcast_in_dim3A_74 {add = true} : memref<10240xf32, #tpu.memory_space<vmem>>[vector<16xi32>], vector<16xf32>,
        %mul3A_768 = arith.constant 512 : i32
        %mul3A_769 = arith.muli %add3A_545, %mul3A_768 : i32
        %add3A_770 = arith.constant 480 : i32
        %add3A_771 = arith.addi %mul3A_769, %add3A_770 : i32
        %get3A_772 = arith.index_cast %add3A_771 : i32 to index
        %get3A_773 = tpu.vector_load %arg7[%get3A_772] {strides = array<i32>} : memref<10240xi32, #tpu.memory_space<vmem>>, vector<16xi32>,
        tpu.vector_store_idx %arg10[%get3A_773], %broadcast_in_dim3A_74 {add = true} : memref<10240xf32, #tpu.memory_space<vmem>>[vector<16xi32>], vector<16xf32>,
        %mul3A_774 = arith.constant 512 : i32
        %mul3A_775 = arith.muli %add3A_545, %mul3A_774 : i32
        %add3A_776 = arith.constant 496 : i32
        %add3A_777 = arith.addi %mul3A_775, %add3A_776 : i32
        %get3A_778 = arith.index_cast %add3A_777 : i32 to index
        %get3A_779 = tpu.vector_load %arg7[%get3A_778] {strides = array<i32>} : memref<10240xi32, #tpu.memory_space<vmem>>, vector<16xi32>,
        tpu.vector_store_idx %arg10[%get3A_779], %broadcast_in_dim3A_74 {add = true} : memref<10240xf32, #tpu.memory_space<vmem>>[vector<16xi32>], vector<16xf32>,
        %dma_wait3A_780 = arith.constant 2 : i32
        %dma_wait3A_781 = arith.constant 0 : i32
        %dma_wait3A_782 = arith.constant 0 : i32
        %dma_wait3A_783 = tpu.memref_slice %arg8[%dma_wait3A_780, %dma_wait3A_781, %dma_wait3A_782] : memref<4x512x16xf32, #tpu.memory_space<vmem>> -> memref<1x512x16xf32, #tpu.memory_space<vmem>>
        %dma_wait3A_784 = tpu.memref_squeeze %dma_wait3A_783 : memref<1x512x16xf32, #tpu.memory_space<vmem>> -> memref<512x16xf32, #tpu.memory_space<vmem>>
        %dma_wait3A_785 = arith.constant 0 : i32
        %dma_wait3A_786 = tpu.memref_slice %arg6[%dma_wait3A_785] : memref<10240xi32, #tpu.memory_space<vmem>> -> memref<512xi32, #tpu.memory_space<vmem>>
        %dma_wait3A_787 = arith.constant 0 : i32
        %dma_wait3A_788 = arith.constant 0 : i32
        %dma_wait3A_789 = tpu.memref_slice %arg2[%dma_wait3A_787, %dma_wait3A_788] : memref<10240x16xf32, #tpu.memory_space<hbm>> -> memref<10240x16xf32, #tpu.memory_space<hbm>>
        tpu.wait_indirect_dma semaphore(%arg18 : memref<!tpu.dma_semaphore, #tpu.memory_space<semaphore_mem>>) src(%dma_wait3A_789 : memref<10240x16xf32, #tpu.memory_space<hbm>>) dst(%dma_wait3A_784 : memref<512x16xf32, #tpu.memory_space<vmem>>)
        %mul3A_790 = arith.constant 512 : i32
        %mul3A_791 = arith.muli %add3A_545, %mul3A_790 : i32
        %dma_start3A_792 = arith.constant 2 : i32
        %dma_start3A_793 = arith.constant 0 : i32
        %dma_start3A_794 = arith.constant 0 : i32
        %dma_start3A_795 = tpu.memref_slice %arg8[%dma_start3A_792, %dma_start3A_793, %dma_start3A_794] : memref<4x512x16xf32, #tpu.memory_space<vmem>> -> memref<1x512x16xf32, #tpu.memory_space<vmem>>
        %dma_start3A_796 = tpu.memref_squeeze %dma_start3A_795 : memref<1x512x16xf32, #tpu.memory_space<vmem>> -> memref<512x16xf32, #tpu.memory_space<vmem>>
        %dma_start3A_797 = tpu.memref_slice %arg7[%mul3A_791] : memref<10240xi32, #tpu.memory_space<vmem>> -> memref<512xi32, #tpu.memory_space<vmem>>
        %dma_start3A_798 = arith.constant 0 : i32
        %dma_start3A_799 = arith.constant 0 : i32
        %dma_start3A_800 = tpu.memref_slice %arg12[%dma_start3A_798, %dma_start3A_799] : memref<10240x16xf32, #tpu.memory_space<vmem_shared>> -> memref<10240x16xf32, #tpu.memory_space<vmem_shared>>
        tpu.enqueue_indirect_dma source(%dma_start3A_796 : memref<512x16xf32, #tpu.memory_space<vmem>>) target(%dma_start3A_800 : memref<10240x16xf32, #tpu.memory_space<vmem_shared>>) offsets(%dma_start3A_797 : memref<512xi32, #tpu.memory_space<vmem>>) semaphore(%arg22 : memref<!tpu.dma_semaphore, #tpu.memory_space<semaphore_mem>>) {add = true}
      } else {
      }
      %mul3A_565 = arith.constant 4 : i32
      %mul3A_566 = arith.muli %scan3A_497, %mul3A_565 : i32
      %add3A_567 = arith.constant 3 : i32
      %add3A_568 = arith.addi %mul3A_566, %add3A_567 : i32
      %ge3A_569 = arith.constant 2 : i32
      %ge3A_570 = arith.cmpi sge, %add3A_568, %ge3A_569 : i32
      %sub3A_571 = arith.constant 2 : i32
      %sub3A_572 = arith.subi %add3A_568, %sub3A_571 : i32
      %lt3A_573 = arith.cmpi slt, %sub3A_572, %add3A_5 : i32
      %and3A_574 = arith.andi %ge3A_570, %lt3A_573 : i1
      %convert_element_type3A_575 = arith.extui %and3A_574 : i1 to i32
      %cond3A_576 = arith.constant 0 : i32
      %cond3A_577 = arith.cmpi ne, %convert_element_type3A_575, %cond3A_576 : i32
      scf.if %cond3A_577 {
        %dma_wait3A_589 = arith.constant 1 : i32
        %dma_wait3A_590 = arith.constant 0 : i32
        %dma_wait3A_591 = arith.constant 0 : i32
        %dma_wait3A_592 = tpu.memref_slice %arg8[%dma_wait3A_589, %dma_wait3A_590, %dma_wait3A_591] : memref<4x512x16xf32, #tpu.memory_space<vmem>> -> memref<1x512x16xf32, #tpu.memory_space<vmem>>
        %dma_wait3A_593 = tpu.memref_squeeze %dma_wait3A_592 : memref<1x512x16xf32, #tpu.memory_space<vmem>> -> memref<512x16xf32, #tpu.memory_space<vmem>>
        %dma_wait3A_594 = arith.constant 0 : i32
        %dma_wait3A_595 = tpu.memref_slice %arg7[%dma_wait3A_594] : memref<10240xi32, #tpu.memory_space<vmem>> -> memref<512xi32, #tpu.memory_space<vmem>>
        %dma_wait3A_596 = arith.constant 0 : i32
        %dma_wait3A_597 = arith.constant 0 : i32
        %dma_wait3A_598 = tpu.memref_slice %arg12[%dma_wait3A_596, %dma_wait3A_597] : memref<10240x16xf32, #tpu.memory_space<vmem_shared>> -> memref<10240x16xf32, #tpu.memory_space<vmem_shared>>
        tpu.wait_indirect_dma semaphore(%arg21 : memref<!tpu.dma_semaphore, #tpu.memory_space<semaphore_mem>>) src(%dma_wait3A_593 : memref<512x16xf32, #tpu.memory_space<vmem>>) dst(%dma_wait3A_598 : memref<10240x16xf32, #tpu.memory_space<vmem_shared>>)
      } else {
      }
      %add3A_578 = arith.constant 2 : i32
      %add3A_579 = arith.addi %add3A_568, %add3A_578 : i32
      %lt3A_580 = arith.cmpi slt, %add3A_579, %add3A_5 : i32
      %convert_element_type3A_581 = arith.extui %lt3A_580 : i1 to i32
      %cond3A_582 = arith.constant 0 : i32
      %cond3A_583 = arith.cmpi ne, %convert_element_type3A_581, %cond3A_582 : i32
      scf.if %cond3A_583 {
        %add3A_589 = arith.constant 2 : i32
        %add3A_590 = arith.addi %add3A_568, %add3A_589 : i32
        %mul3A_591 = arith.constant 512 : i32
        %mul3A_592 = arith.muli %add3A_590, %mul3A_591 : i32
        %dma_start3A_593 = arith.constant 1 : i32
        %dma_start3A_594 = arith.constant 0 : i32
        %dma_start3A_595 = arith.constant 0 : i32
        %dma_start3A_596 = tpu.memref_slice %arg8[%dma_start3A_593, %dma_start3A_594, %dma_start3A_595] : memref<4x512x16xf32, #tpu.memory_space<vmem>> -> memref<1x512x16xf32, #tpu.memory_space<vmem>>
        %dma_start3A_597 = tpu.memref_squeeze %dma_start3A_596 : memref<1x512x16xf32, #tpu.memory_space<vmem>> -> memref<512x16xf32, #tpu.memory_space<vmem>>
        %dma_start3A_598 = tpu.memref_slice %arg6[%mul3A_592] : memref<10240xi32, #tpu.memory_space<vmem>> -> memref<512xi32, #tpu.memory_space<vmem>>
        %dma_start3A_599 = arith.constant 0 : i32
        %dma_start3A_600 = arith.constant 0 : i32
        %dma_start3A_601 = tpu.memref_slice %arg2[%dma_start3A_599, %dma_start3A_600] : memref<10240x16xf32, #tpu.memory_space<hbm>> -> memref<10240x16xf32, #tpu.memory_space<hbm>>
        tpu.enqueue_indirect_dma source(%dma_start3A_601 : memref<10240x16xf32, #tpu.memory_space<hbm>>) target(%dma_start3A_597 : memref<512x16xf32, #tpu.memory_space<vmem>>) offsets(%dma_start3A_598 : memref<512xi32, #tpu.memory_space<vmem>>) semaphore(%arg17 : memref<!tpu.dma_semaphore, #tpu.memory_space<semaphore_mem>>)
      } else {
      }
      %lt3A_584 = arith.cmpi slt, %add3A_568, %add3A_5 : i32
      %convert_element_type3A_585 = arith.extui %lt3A_584 : i1 to i32
      %cond3A_586 = arith.constant 0 : i32
      %cond3A_587 = arith.cmpi ne, %convert_element_type3A_585, %cond3A_586 : i32
      scf.if %cond3A_587 {
        %mul3A_589 = arith.constant 512 : i32
        %mul3A_590 = arith.muli %add3A_568, %mul3A_589 : i32
        %add3A_591 = arith.constant 0 : i32
        %add3A_592 = arith.addi %mul3A_590, %add3A_591 : i32
        %get3A = arith.index_cast %add3A_592 : i32 to index
        %get3A_593 = tpu.vector_load %arg7[%get3A] {strides = array<i32>} : memref<10240xi32, #tpu.memory_space<vmem>>, vector<16xi32>,
        tpu.vector_store_idx %arg10[%get3A_593], %broadcast_in_dim3A_74 {add = true} : memref<10240xf32, #tpu.memory_space<vmem>>[vector<16xi32>], vector<16xf32>,
        %mul3A_594 = arith.constant 512 : i32
        %mul3A_595 = arith.muli %add3A_568, %mul3A_594 : i32
        %add3A_596 = arith.constant 16 : i32
        %add3A_597 = arith.addi %mul3A_595, %add3A_596 : i32
        %get3A_598 = arith.index_cast %add3A_597 : i32 to index
        %get3A_599 = tpu.vector_load %arg7[%get3A_598] {strides = array<i32>} : memref<10240xi32, #tpu.memory_space<vmem>>, vector<16xi32>,
        tpu.vector_store_idx %arg10[%get3A_599], %broadcast_in_dim3A_74 {add = true} : memref<10240xf32, #tpu.memory_space<vmem>>[vector<16xi32>], vector<16xf32>,
        %mul3A_600 = arith.constant 512 : i32
        %mul3A_601 = arith.muli %add3A_568, %mul3A_600 : i32
        %add3A_602 = arith.constant 32 : i32
        %add3A_603 = arith.addi %mul3A_601, %add3A_602 : i32
        %get3A_604 = arith.index_cast %add3A_603 : i32 to index
        %get3A_605 = tpu.vector_load %arg7[%get3A_604] {strides = array<i32>} : memref<10240xi32, #tpu.memory_space<vmem>>, vector<16xi32>,
        tpu.vector_store_idx %arg10[%get3A_605], %broadcast_in_dim3A_74 {add = true} : memref<10240xf32, #tpu.memory_space<vmem>>[vector<16xi32>], vector<16xf32>,
        %mul3A_606 = arith.constant 512 : i32
        %mul3A_607 = arith.muli %add3A_568, %mul3A_606 : i32
        %add3A_608 = arith.constant 48 : i32
        %add3A_609 = arith.addi %mul3A_607, %add3A_608 : i32
        %get3A_610 = arith.index_cast %add3A_609 : i32 to index
        %get3A_611 = tpu.vector_load %arg7[%get3A_610] {strides = array<i32>} : memref<10240xi32, #tpu.memory_space<vmem>>, vector<16xi32>,
        tpu.vector_store_idx %arg10[%get3A_611], %broadcast_in_dim3A_74 {add = true} : memref<10240xf32, #tpu.memory_space<vmem>>[vector<16xi32>], vector<16xf32>,
        %mul3A_612 = arith.constant 512 : i32
        %mul3A_613 = arith.muli %add3A_568, %mul3A_612 : i32
        %add3A_614 = arith.constant 64 : i32
        %add3A_615 = arith.addi %mul3A_613, %add3A_614 : i32
        %get3A_616 = arith.index_cast %add3A_615 : i32 to index
        %get3A_617 = tpu.vector_load %arg7[%get3A_616] {strides = array<i32>} : memref<10240xi32, #tpu.memory_space<vmem>>, vector<16xi32>,
        tpu.vector_store_idx %arg10[%get3A_617], %broadcast_in_dim3A_74 {add = true} : memref<10240xf32, #tpu.memory_space<vmem>>[vector<16xi32>], vector<16xf32>,
        %mul3A_618 = arith.constant 512 : i32
        %mul3A_619 = arith.muli %add3A_568, %mul3A_618 : i32
        %add3A_620 = arith.constant 80 : i32
        %add3A_621 = arith.addi %mul3A_619, %add3A_620 : i32
        %get3A_622 = arith.index_cast %add3A_621 : i32 to index
        %get3A_623 = tpu.vector_load %arg7[%get3A_622] {strides = array<i32>} : memref<10240xi32, #tpu.memory_space<vmem>>, vector<16xi32>,
        tpu.vector_store_idx %arg10[%get3A_623], %broadcast_in_dim3A_74 {add = true} : memref<10240xf32, #tpu.memory_space<vmem>>[vector<16xi32>], vector<16xf32>,
        %mul3A_624 = arith.constant 512 : i32
        %mul3A_625 = arith.muli %add3A_568, %mul3A_624 : i32
        %add3A_626 = arith.constant 96 : i32
        %add3A_627 = arith.addi %mul3A_625, %add3A_626 : i32
        %get3A_628 = arith.index_cast %add3A_627 : i32 to index
        %get3A_629 = tpu.vector_load %arg7[%get3A_628] {strides = array<i32>} : memref<10240xi32, #tpu.memory_space<vmem>>, vector<16xi32>,
        tpu.vector_store_idx %arg10[%get3A_629], %broadcast_in_dim3A_74 {add = true} : memref<10240xf32, #tpu.memory_space<vmem>>[vector<16xi32>], vector<16xf32>,
        %mul3A_630 = arith.constant 512 : i32
        %mul3A_631 = arith.muli %add3A_568, %mul3A_630 : i32
        %add3A_632 = arith.constant 112 : i32
        %add3A_633 = arith.addi %mul3A_631, %add3A_632 : i32
        %get3A_634 = arith.index_cast %add3A_633 : i32 to index
        %get3A_635 = tpu.vector_load %arg7[%get3A_634] {strides = array<i32>} : memref<10240xi32, #tpu.memory_space<vmem>>, vector<16xi32>,
        tpu.vector_store_idx %arg10[%get3A_635], %broadcast_in_dim3A_74 {add = true} : memref<10240xf32, #tpu.memory_space<vmem>>[vector<16xi32>], vector<16xf32>,
        %mul3A_636 = arith.constant 512 : i32
        %mul3A_637 = arith.muli %add3A_568, %mul3A_636 : i32
        %add3A_638 = arith.constant 128 : i32
        %add3A_639 = arith.addi %mul3A_637, %add3A_638 : i32
        %get3A_640 = arith.index_cast %add3A_639 : i32 to index
        %get3A_641 = tpu.vector_load %arg7[%get3A_640] {strides = array<i32>} : memref<10240xi32, #tpu.memory_space<vmem>>, vector<16xi32>,
        tpu.vector_store_idx %arg10[%get3A_641], %broadcast_in_dim3A_74 {add = true} : memref<10240xf32, #tpu.memory_space<vmem>>[vector<16xi32>], vector<16xf32>,
        %mul3A_642 = arith.constant 512 : i32
        %mul3A_643 = arith.muli %add3A_568, %mul3A_642 : i32
        %add3A_644 = arith.constant 144 : i32
        %add3A_645 = arith.addi %mul3A_643, %add3A_644 : i32
        %get3A_646 = arith.index_cast %add3A_645 : i32 to index
        %get3A_647 = tpu.vector_load %arg7[%get3A_646] {strides = array<i32>} : memref<10240xi32, #tpu.memory_space<vmem>>, vector<16xi32>,
        tpu.vector_store_idx %arg10[%get3A_647], %broadcast_in_dim3A_74 {add = true} : memref<10240xf32, #tpu.memory_space<vmem>>[vector<16xi32>], vector<16xf32>,
        %mul3A_648 = arith.constant 512 : i32
        %mul3A_649 = arith.muli %add3A_568, %mul3A_648 : i32
        %add3A_650 = arith.constant 160 : i32
        %add3A_651 = arith.addi %mul3A_649, %add3A_650 : i32
        %get3A_652 = arith.index_cast %add3A_651 : i32 to index
        %get3A_653 = tpu.vector_load %arg7[%get3A_652] {strides = array<i32>} : memref<10240xi32, #tpu.memory_space<vmem>>, vector<16xi32>,
        tpu.vector_store_idx %arg10[%get3A_653], %broadcast_in_dim3A_74 {add = true} : memref<10240xf32, #tpu.memory_space<vmem>>[vector<16xi32>], vector<16xf32>,
        %mul3A_654 = arith.constant 512 : i32
        %mul3A_655 = arith.muli %add3A_568, %mul3A_654 : i32
        %add3A_656 = arith.constant 176 : i32
        %add3A_657 = arith.addi %mul3A_655, %add3A_656 : i32
        %get3A_658 = arith.index_cast %add3A_657 : i32 to index
        %get3A_659 = tpu.vector_load %arg7[%get3A_658] {strides = array<i32>} : memref<10240xi32, #tpu.memory_space<vmem>>, vector<16xi32>,
        tpu.vector_store_idx %arg10[%get3A_659], %broadcast_in_dim3A_74 {add = true} : memref<10240xf32, #tpu.memory_space<vmem>>[vector<16xi32>], vector<16xf32>,
        %mul3A_660 = arith.constant 512 : i32
        %mul3A_661 = arith.muli %add3A_568, %mul3A_660 : i32
        %add3A_662 = arith.constant 192 : i32
        %add3A_663 = arith.addi %mul3A_661, %add3A_662 : i32
        %get3A_664 = arith.index_cast %add3A_663 : i32 to index
        %get3A_665 = tpu.vector_load %arg7[%get3A_664] {strides = array<i32>} : memref<10240xi32, #tpu.memory_space<vmem>>, vector<16xi32>,
        tpu.vector_store_idx %arg10[%get3A_665], %broadcast_in_dim3A_74 {add = true} : memref<10240xf32, #tpu.memory_space<vmem>>[vector<16xi32>], vector<16xf32>,
        %mul3A_666 = arith.constant 512 : i32
        %mul3A_667 = arith.muli %add3A_568, %mul3A_666 : i32
        %add3A_668 = arith.constant 208 : i32
        %add3A_669 = arith.addi %mul3A_667, %add3A_668 : i32
        %get3A_670 = arith.index_cast %add3A_669 : i32 to index
        %get3A_671 = tpu.vector_load %arg7[%get3A_670] {strides = array<i32>} : memref<10240xi32, #tpu.memory_space<vmem>>, vector<16xi32>,
        tpu.vector_store_idx %arg10[%get3A_671], %broadcast_in_dim3A_74 {add = true} : memref<10240xf32, #tpu.memory_space<vmem>>[vector<16xi32>], vector<16xf32>,
        %mul3A_672 = arith.constant 512 : i32
        %mul3A_673 = arith.muli %add3A_568, %mul3A_672 : i32
        %add3A_674 = arith.constant 224 : i32
        %add3A_675 = arith.addi %mul3A_673, %add3A_674 : i32
        %get3A_676 = arith.index_cast %add3A_675 : i32 to index
        %get3A_677 = tpu.vector_load %arg7[%get3A_676] {strides = array<i32>} : memref<10240xi32, #tpu.memory_space<vmem>>, vector<16xi32>,
        tpu.vector_store_idx %arg10[%get3A_677], %broadcast_in_dim3A_74 {add = true} : memref<10240xf32, #tpu.memory_space<vmem>>[vector<16xi32>], vector<16xf32>,
        %mul3A_678 = arith.constant 512 : i32
        %mul3A_679 = arith.muli %add3A_568, %mul3A_678 : i32
        %add3A_680 = arith.constant 240 : i32
        %add3A_681 = arith.addi %mul3A_679, %add3A_680 : i32
        %get3A_682 = arith.index_cast %add3A_681 : i32 to index
        %get3A_683 = tpu.vector_load %arg7[%get3A_682] {strides = array<i32>} : memref<10240xi32, #tpu.memory_space<vmem>>, vector<16xi32>,
        tpu.vector_store_idx %arg10[%get3A_683], %broadcast_in_dim3A_74 {add = true} : memref<10240xf32, #tpu.memory_space<vmem>>[vector<16xi32>], vector<16xf32>,
        %mul3A_684 = arith.constant 512 : i32
        %mul3A_685 = arith.muli %add3A_568, %mul3A_684 : i32
        %add3A_686 = arith.constant 256 : i32
        %add3A_687 = arith.addi %mul3A_685, %add3A_686 : i32
        %get3A_688 = arith.index_cast %add3A_687 : i32 to index
        %get3A_689 = tpu.vector_load %arg7[%get3A_688] {strides = array<i32>} : memref<10240xi32, #tpu.memory_space<vmem>>, vector<16xi32>,
        tpu.vector_store_idx %arg10[%get3A_689], %broadcast_in_dim3A_74 {add = true} : memref<10240xf32, #tpu.memory_space<vmem>>[vector<16xi32>], vector<16xf32>,
        %mul3A_690 = arith.constant 512 : i32
        %mul3A_691 = arith.muli %add3A_568, %mul3A_690 : i32
        %add3A_692 = arith.constant 272 : i32
        %add3A_693 = arith.addi %mul3A_691, %add3A_692 : i32
        %get3A_694 = arith.index_cast %add3A_693 : i32 to index
        %get3A_695 = tpu.vector_load %arg7[%get3A_694] {strides = array<i32>} : memref<10240xi32, #tpu.memory_space<vmem>>, vector<16xi32>,
        tpu.vector_store_idx %arg10[%get3A_695], %broadcast_in_dim3A_74 {add = true} : memref<10240xf32, #tpu.memory_space<vmem>>[vector<16xi32>], vector<16xf32>,
        %mul3A_696 = arith.constant 512 : i32
        %mul3A_697 = arith.muli %add3A_568, %mul3A_696 : i32
        %add3A_698 = arith.constant 288 : i32
        %add3A_699 = arith.addi %mul3A_697, %add3A_698 : i32
        %get3A_700 = arith.index_cast %add3A_699 : i32 to index
        %get3A_701 = tpu.vector_load %arg7[%get3A_700] {strides = array<i32>} : memref<10240xi32, #tpu.memory_space<vmem>>, vector<16xi32>,
        tpu.vector_store_idx %arg10[%get3A_701], %broadcast_in_dim3A_74 {add = true} : memref<10240xf32, #tpu.memory_space<vmem>>[vector<16xi32>], vector<16xf32>,
        %mul3A_702 = arith.constant 512 : i32
        %mul3A_703 = arith.muli %add3A_568, %mul3A_702 : i32
        %add3A_704 = arith.constant 304 : i32
        %add3A_705 = arith.addi %mul3A_703, %add3A_704 : i32
        %get3A_706 = arith.index_cast %add3A_705 : i32 to index
        %get3A_707 = tpu.vector_load %arg7[%get3A_706] {strides = array<i32>} : memref<10240xi32, #tpu.memory_space<vmem>>, vector<16xi32>,
        tpu.vector_store_idx %arg10[%get3A_707], %broadcast_in_dim3A_74 {add = true} : memref<10240xf32, #tpu.memory_space<vmem>>[vector<16xi32>], vector<16xf32>,
        %mul3A_708 = arith.constant 512 : i32
        %mul3A_709 = arith.muli %add3A_568, %mul3A_708 : i32
        %add3A_710 = arith.constant 320 : i32
        %add3A_711 = arith.addi %mul3A_709, %add3A_710 : i32
        %get3A_712 = arith.index_cast %add3A_711 : i32 to index
        %get3A_713 = tpu.vector_load %arg7[%get3A_712] {strides = array<i32>} : memref<10240xi32, #tpu.memory_space<vmem>>, vector<16xi32>,
        tpu.vector_store_idx %arg10[%get3A_713], %broadcast_in_dim3A_74 {add = true} : memref<10240xf32, #tpu.memory_space<vmem>>[vector<16xi32>], vector<16xf32>,
        %mul3A_714 = arith.constant 512 : i32
        %mul3A_715 = arith.muli %add3A_568, %mul3A_714 : i32
        %add3A_716 = arith.constant 336 : i32
        %add3A_717 = arith.addi %mul3A_715, %add3A_716 : i32
        %get3A_718 = arith.index_cast %add3A_717 : i32 to index
        %get3A_719 = tpu.vector_load %arg7[%get3A_718] {strides = array<i32>} : memref<10240xi32, #tpu.memory_space<vmem>>, vector<16xi32>,
        tpu.vector_store_idx %arg10[%get3A_719], %broadcast_in_dim3A_74 {add = true} : memref<10240xf32, #tpu.memory_space<vmem>>[vector<16xi32>], vector<16xf32>,
        %mul3A_720 = arith.constant 512 : i32
        %mul3A_721 = arith.muli %add3A_568, %mul3A_720 : i32
        %add3A_722 = arith.constant 352 : i32
        %add3A_723 = arith.addi %mul3A_721, %add3A_722 : i32
        %get3A_724 = arith.index_cast %add3A_723 : i32 to index
        %get3A_725 = tpu.vector_load %arg7[%get3A_724] {strides = array<i32>} : memref<10240xi32, #tpu.memory_space<vmem>>, vector<16xi32>,
        tpu.vector_store_idx %arg10[%get3A_725], %broadcast_in_dim3A_74 {add = true} : memref<10240xf32, #tpu.memory_space<vmem>>[vector<16xi32>], vector<16xf32>,
        %mul3A_726 = arith.constant 512 : i32
        %mul3A_727 = arith.muli %add3A_568, %mul3A_726 : i32
        %add3A_728 = arith.constant 368 : i32
        %add3A_729 = arith.addi %mul3A_727, %add3A_728 : i32
        %get3A_730 = arith.index_cast %add3A_729 : i32 to index
        %get3A_731 = tpu.vector_load %arg7[%get3A_730] {strides = array<i32>} : memref<10240xi32, #tpu.memory_space<vmem>>, vector<16xi32>,
        tpu.vector_store_idx %arg10[%get3A_731], %broadcast_in_dim3A_74 {add = true} : memref<10240xf32, #tpu.memory_space<vmem>>[vector<16xi32>], vector<16xf32>,
        %mul3A_732 = arith.constant 512 : i32
        %mul3A_733 = arith.muli %add3A_568, %mul3A_732 : i32
        %add3A_734 = arith.constant 384 : i32
        %add3A_735 = arith.addi %mul3A_733, %add3A_734 : i32
        %get3A_736 = arith.index_cast %add3A_735 : i32 to index
        %get3A_737 = tpu.vector_load %arg7[%get3A_736] {strides = array<i32>} : memref<10240xi32, #tpu.memory_space<vmem>>, vector<16xi32>,
        tpu.vector_store_idx %arg10[%get3A_737], %broadcast_in_dim3A_74 {add = true} : memref<10240xf32, #tpu.memory_space<vmem>>[vector<16xi32>], vector<16xf32>,
        %mul3A_738 = arith.constant 512 : i32
        %mul3A_739 = arith.muli %add3A_568, %mul3A_738 : i32
        %add3A_740 = arith.constant 400 : i32
        %add3A_741 = arith.addi %mul3A_739, %add3A_740 : i32
        %get3A_742 = arith.index_cast %add3A_741 : i32 to index
        %get3A_743 = tpu.vector_load %arg7[%get3A_742] {strides = array<i32>} : memref<10240xi32, #tpu.memory_space<vmem>>, vector<16xi32>,
        tpu.vector_store_idx %arg10[%get3A_743], %broadcast_in_dim3A_74 {add = true} : memref<10240xf32, #tpu.memory_space<vmem>>[vector<16xi32>], vector<16xf32>,
        %mul3A_744 = arith.constant 512 : i32
        %mul3A_745 = arith.muli %add3A_568, %mul3A_744 : i32
        %add3A_746 = arith.constant 416 : i32
        %add3A_747 = arith.addi %mul3A_745, %add3A_746 : i32
        %get3A_748 = arith.index_cast %add3A_747 : i32 to index
        %get3A_749 = tpu.vector_load %arg7[%get3A_748] {strides = array<i32>} : memref<10240xi32, #tpu.memory_space<vmem>>, vector<16xi32>,
        tpu.vector_store_idx %arg10[%get3A_749], %broadcast_in_dim3A_74 {add = true} : memref<10240xf32, #tpu.memory_space<vmem>>[vector<16xi32>], vector<16xf32>,
        %mul3A_750 = arith.constant 512 : i32
        %mul3A_751 = arith.muli %add3A_568, %mul3A_750 : i32
        %add3A_752 = arith.constant 432 : i32
        %add3A_753 = arith.addi %mul3A_751, %add3A_752 : i32
        %get3A_754 = arith.index_cast %add3A_753 : i32 to index
        %get3A_755 = tpu.vector_load %arg7[%get3A_754] {strides = array<i32>} : memref<10240xi32, #tpu.memory_space<vmem>>, vector<16xi32>,
        tpu.vector_store_idx %arg10[%get3A_755], %broadcast_in_dim3A_74 {add = true} : memref<10240xf32, #tpu.memory_space<vmem>>[vector<16xi32>], vector<16xf32>,
        %mul3A_756 = arith.constant 512 : i32
        %mul3A_757 = arith.muli %add3A_568, %mul3A_756 : i32
        %add3A_758 = arith.constant 448 : i32
        %add3A_759 = arith.addi %mul3A_757, %add3A_758 : i32
        %get3A_760 = arith.index_cast %add3A_759 : i32 to index
        %get3A_761 = tpu.vector_load %arg7[%get3A_760] {strides = array<i32>} : memref<10240xi32, #tpu.memory_space<vmem>>, vector<16xi32>,
        tpu.vector_store_idx %arg10[%get3A_761], %broadcast_in_dim3A_74 {add = true} : memref<10240xf32, #tpu.memory_space<vmem>>[vector<16xi32>], vector<16xf32>,
        %mul3A_762 = arith.constant 512 : i32
        %mul3A_763 = arith.muli %add3A_568, %mul3A_762 : i32
        %add3A_764 = arith.constant 464 : i32
        %add3A_765 = arith.addi %mul3A_763, %add3A_764 : i32
        %get3A_766 = arith.index_cast %add3A_765 : i32 to index
        %get3A_767 = tpu.vector_load %arg7[%get3A_766] {strides = array<i32>} : memref<10240xi32, #tpu.memory_space<vmem>>, vector<16xi32>,
        tpu.vector_store_idx %arg10[%get3A_767], %broadcast_in_dim3A_74 {add = true} : memref<10240xf32, #tpu.memory_space<vmem>>[vector<16xi32>], vector<16xf32>,
        %mul3A_768 = arith.constant 512 : i32
        %mul3A_769 = arith.muli %add3A_568, %mul3A_768 : i32
        %add3A_770 = arith.constant 480 : i32
        %add3A_771 = arith.addi %mul3A_769, %add3A_770 : i32
        %get3A_772 = arith.index_cast %add3A_771 : i32 to index
        %get3A_773 = tpu.vector_load %arg7[%get3A_772] {strides = array<i32>} : memref<10240xi32, #tpu.memory_space<vmem>>, vector<16xi32>,
        tpu.vector_store_idx %arg10[%get3A_773], %broadcast_in_dim3A_74 {add = true} : memref<10240xf32, #tpu.memory_space<vmem>>[vector<16xi32>], vector<16xf32>,
        %mul3A_774 = arith.constant 512 : i32
        %mul3A_775 = arith.muli %add3A_568, %mul3A_774 : i32
        %add3A_776 = arith.constant 496 : i32
        %add3A_777 = arith.addi %mul3A_775, %add3A_776 : i32
        %get3A_778 = arith.index_cast %add3A_777 : i32 to index
        %get3A_779 = tpu.vector_load %arg7[%get3A_778] {strides = array<i32>} : memref<10240xi32, #tpu.memory_space<vmem>>, vector<16xi32>,
        tpu.vector_store_idx %arg10[%get3A_779], %broadcast_in_dim3A_74 {add = true} : memref<10240xf32, #tpu.memory_space<vmem>>[vector<16xi32>], vector<16xf32>,
        %dma_wait3A_780 = arith.constant 3 : i32
        %dma_wait3A_781 = arith.constant 0 : i32
        %dma_wait3A_782 = arith.constant 0 : i32
        %dma_wait3A_783 = tpu.memref_slice %arg8[%dma_wait3A_780, %dma_wait3A_781, %dma_wait3A_782] : memref<4x512x16xf32, #tpu.memory_space<vmem>> -> memref<1x512x16xf32, #tpu.memory_space<vmem>>
        %dma_wait3A_784 = tpu.memref_squeeze %dma_wait3A_783 : memref<1x512x16xf32, #tpu.memory_space<vmem>> -> memref<512x16xf32, #tpu.memory_space<vmem>>
        %dma_wait3A_785 = arith.constant 0 : i32
        %dma_wait3A_786 = tpu.memref_slice %arg6[%dma_wait3A_785] : memref<10240xi32, #tpu.memory_space<vmem>> -> memref<512xi32, #tpu.memory_space<vmem>>
        %dma_wait3A_787 = arith.constant 0 : i32
        %dma_wait3A_788 = arith.constant 0 : i32
        %dma_wait3A_789 = tpu.memref_slice %arg2[%dma_wait3A_787, %dma_wait3A_788] : memref<10240x16xf32, #tpu.memory_space<hbm>> -> memref<10240x16xf32, #tpu.memory_space<hbm>>
        tpu.wait_indirect_dma semaphore(%arg19 : memref<!tpu.dma_semaphore, #tpu.memory_space<semaphore_mem>>) src(%dma_wait3A_789 : memref<10240x16xf32, #tpu.memory_space<hbm>>) dst(%dma_wait3A_784 : memref<512x16xf32, #tpu.memory_space<vmem>>)
        %mul3A_790 = arith.constant 512 : i32
        %mul3A_791 = arith.muli %add3A_568, %mul3A_790 : i32
        %dma_start3A_792 = arith.constant 3 : i32
        %dma_start3A_793 = arith.constant 0 : i32
        %dma_start3A_794 = arith.constant 0 : i32
        %dma_start3A_795 = tpu.memref_slice %arg8[%dma_start3A_792, %dma_start3A_793, %dma_start3A_794] : memref<4x512x16xf32, #tpu.memory_space<vmem>> -> memref<1x512x16xf32, #tpu.memory_space<vmem>>
        %dma_start3A_796 = tpu.memref_squeeze %dma_start3A_795 : memref<1x512x16xf32, #tpu.memory_space<vmem>> -> memref<512x16xf32, #tpu.memory_space<vmem>>
        %dma_start3A_797 = tpu.memref_slice %arg7[%mul3A_791] : memref<10240xi32, #tpu.memory_space<vmem>> -> memref<512xi32, #tpu.memory_space<vmem>>
        %dma_start3A_798 = arith.constant 0 : i32
        %dma_start3A_799 = arith.constant 0 : i32
        %dma_start3A_800 = tpu.memref_slice %arg12[%dma_start3A_798, %dma_start3A_799] : memref<10240x16xf32, #tpu.memory_space<vmem_shared>> -> memref<10240x16xf32, #tpu.memory_space<vmem_shared>>
        tpu.enqueue_indirect_dma source(%dma_start3A_796 : memref<512x16xf32, #tpu.memory_space<vmem>>) target(%dma_start3A_800 : memref<10240x16xf32, #tpu.memory_space<vmem_shared>>) offsets(%dma_start3A_797 : memref<512xi32, #tpu.memory_space<vmem>>) semaphore(%arg23 : memref<!tpu.dma_semaphore, #tpu.memory_space<semaphore_mem>>) {add = true}
      } else {
      }
      %scan3A_588 = arith.constant 0 : i32
      scf.yield %scan3A_588 : i32
    }
    %scan3A_101 = arith.constant 6 : i32
    "tpu.region"() ({
      %run_scoped3A = tpu.sem_alloc : memref<!tpu.dma_semaphore, #tpu.memory_space<semaphore_mem>>
      %dma_start3A_497 = arith.constant 0 : i32
      %dma_start3A_498 = tpu.memref_slice %arg13[%arg1, %dma_start3A_497] : memref<16x10240xf32, #tpu.memory_space<vmem_shared>> -> memref<1x10240xf32, #tpu.memory_space<vmem_shared>>
      %dma_start3A_499 = tpu.memref_squeeze %dma_start3A_498 : memref<1x10240xf32, #tpu.memory_space<vmem_shared>> -> memref<10240xf32, #tpu.memory_space<vmem_shared>>
      %dma_start3A_500 = arith.constant 0 : i32
      %dma_start3A_501 = tpu.memref_slice %arg13[%arg1, %dma_start3A_500] : memref<16x10240xf32, #tpu.memory_space<vmem_shared>> -> memref<1x10240xf32, #tpu.memory_space<vmem_shared>>
      %dma_start3A_502 = tpu.memref_squeeze %dma_start3A_501 : memref<1x10240xf32, #tpu.memory_space<vmem_shared>> -> memref<10240xf32, #tpu.memory_space<vmem_shared>>
      tpu.enqueue_dma source(%arg10 : memref<10240xf32, #tpu.memory_space<vmem>>) target(%dma_start3A_502 : memref<10240xf32, #tpu.memory_space<vmem_shared>>) target_semaphore(%run_scoped3A : memref<!tpu.dma_semaphore, #tpu.memory_space<semaphore_mem>>)
      %dma_wait3A_503 = arith.constant 0 : i32
      %dma_wait3A_504 = tpu.memref_slice %arg13[%arg1, %dma_wait3A_503] : memref<16x10240xf32, #tpu.memory_space<vmem_shared>> -> memref<1x10240xf32, #tpu.memory_space<vmem_shared>>
      %dma_wait3A_505 = tpu.memref_squeeze %dma_wait3A_504 : memref<1x10240xf32, #tpu.memory_space<vmem_shared>> -> memref<10240xf32, #tpu.memory_space<vmem_shared>>
      %dma_wait3A_506 = arith.constant 0 : i32
      %dma_wait3A_507 = tpu.memref_slice %arg13[%arg1, %dma_wait3A_506] : memref<16x10240xf32, #tpu.memory_space<vmem_shared>> -> memref<1x10240xf32, #tpu.memory_space<vmem_shared>>
      %dma_wait3A_508 = tpu.memref_squeeze %dma_wait3A_507 : memref<1x10240xf32, #tpu.memory_space<vmem_shared>> -> memref<10240xf32, #tpu.memory_space<vmem_shared>>
      tpu.wait_dma2 semaphore(%run_scoped3A : memref<!tpu.dma_semaphore, #tpu.memory_space<semaphore_mem>>) src(%arg10 : memref<10240xf32, #tpu.memory_space<vmem>>) dst(%dma_wait3A_508 : memref<10240xf32, #tpu.memory_space<vmem_shared>>)
      tpu.yield
    }) : () -> ()
    %barrier3A_102 = arith.constant 0 : index
    tpu.barrier barrier_id(%barrier3A_102)
    %dma_start3A_103 = arith.constant 0 : i32
    %dma_start3A_104 = arith.constant 0 : i32
    %dma_start3A_105 = arith.constant 0 : i32
    %dma_start3A_106 = tpu.memref_slice %arg11[%dma_start3A_104, %dma_start3A_105] : memref<16x640xf32, #tpu.memory_space<vmem>> -> memref<1x640xf32, #tpu.memory_space<vmem>>
    %dma_start3A_107 = tpu.memref_squeeze %dma_start3A_106 : memref<1x640xf32, #tpu.memory_space<vmem>> -> memref<640xf32, #tpu.memory_space<vmem>>
    %dma_start3A_108 = tpu.memref_slice %arg13[%dma_start3A_103, %mul3A_2] : memref<16x10240xf32, #tpu.memory_space<vmem_shared>> -> memref<1x640xf32, #tpu.memory_space<vmem_shared>>
    %dma_start3A_109 = tpu.memref_squeeze %dma_start3A_108 : memref<1x640xf32, #tpu.memory_space<vmem_shared>> -> memref<640xf32, #tpu.memory_space<vmem_shared>>
    %dma_start3A_110 = arith.constant 0 : i32
    %dma_start3A_111 = tpu.memref_slice %arg11[%dma_start3A_104, %dma_start3A_110] : memref<16x640xf32, #tpu.memory_space<vmem>> -> memref<1x640xf32, #tpu.memory_space<vmem>>
    %dma_start3A_112 = tpu.memref_squeeze %dma_start3A_111 : memref<1x640xf32, #tpu.memory_space<vmem>> -> memref<640xf32, #tpu.memory_space<vmem>>
    %dma_start3A_113 = tpu.memref_slice %arg13[%dma_start3A_103, %mul3A_2] : memref<16x10240xf32, #tpu.memory_space<vmem_shared>> -> memref<1x640xf32, #tpu.memory_space<vmem_shared>>
    %dma_start3A_114 = tpu.memref_squeeze %dma_start3A_113 : memref<1x640xf32, #tpu.memory_space<vmem_shared>> -> memref<640xf32, #tpu.memory_space<vmem_shared>>
    tpu.enqueue_dma source(%dma_start3A_114 : memref<640xf32, #tpu.memory_space<vmem_shared>>) target(%dma_start3A_112 : memref<640xf32, #tpu.memory_space<vmem>>) target_semaphore(%arg15 : memref<!tpu.dma_semaphore, #tpu.memory_space<semaphore_mem>>)
    %dma_start3A_115 = arith.constant 1 : i32
    %dma_start3A_116 = arith.constant 1 : i32
    %dma_start3A_117 = arith.constant 0 : i32
    %dma_start3A_118 = tpu.memref_slice %arg11[%dma_start3A_116, %dma_start3A_117] : memref<16x640xf32, #tpu.memory_space<vmem>> -> memref<1x640xf32, #tpu.memory_space<vmem>>
    %dma_start3A_119 = tpu.memref_squeeze %dma_start3A_118 : memref<1x640xf32, #tpu.memory_space<vmem>> -> memref<640xf32, #tpu.memory_space<vmem>>
    %dma_start3A_120 = tpu.memref_slice %arg13[%dma_start3A_115, %mul3A_2] : memref<16x10240xf32, #tpu.memory_space<vmem_shared>> -> memref<1x640xf32, #tpu.memory_space<vmem_shared>>
    %dma_start3A_121 = tpu.memref_squeeze %dma_start3A_120 : memref<1x640xf32, #tpu.memory_space<vmem_shared>> -> memref<640xf32, #tpu.memory_space<vmem_shared>>
    %dma_start3A_122 = arith.constant 0 : i32
    %dma_start3A_123 = tpu.memref_slice %arg11[%dma_start3A_116, %dma_start3A_122] : memref<16x640xf32, #tpu.memory_space<vmem>> -> memref<1x640xf32, #tpu.memory_space<vmem>>
    %dma_start3A_124 = tpu.memref_squeeze %dma_start3A_123 : memref<1x640xf32, #tpu.memory_space<vmem>> -> memref<640xf32, #tpu.memory_space<vmem>>
    %dma_start3A_125 = tpu.memref_slice %arg13[%dma_start3A_115, %mul3A_2] : memref<16x10240xf32, #tpu.memory_space<vmem_shared>> -> memref<1x640xf32, #tpu.memory_space<vmem_shared>>
    %dma_start3A_126 = tpu.memref_squeeze %dma_start3A_125 : memref<1x640xf32, #tpu.memory_space<vmem_shared>> -> memref<640xf32, #tpu.memory_space<vmem_shared>>
    tpu.enqueue_dma source(%dma_start3A_126 : memref<640xf32, #tpu.memory_space<vmem_shared>>) target(%dma_start3A_124 : memref<640xf32, #tpu.memory_space<vmem>>) target_semaphore(%arg15 : memref<!tpu.dma_semaphore, #tpu.memory_space<semaphore_mem>>)
    %dma_start3A_127 = arith.constant 2 : i32
    %dma_start3A_128 = arith.constant 2 : i32
    %dma_start3A_129 = arith.constant 0 : i32
    %dma_start3A_130 = tpu.memref_slice %arg11[%dma_start3A_128, %dma_start3A_129] : memref<16x640xf32, #tpu.memory_space<vmem>> -> memref<1x640xf32, #tpu.memory_space<vmem>>
    %dma_start3A_131 = tpu.memref_squeeze %dma_start3A_130 : memref<1x640xf32, #tpu.memory_space<vmem>> -> memref<640xf32, #tpu.memory_space<vmem>>
    %dma_start3A_132 = tpu.memref_slice %arg13[%dma_start3A_127, %mul3A_2] : memref<16x10240xf32, #tpu.memory_space<vmem_shared>> -> memref<1x640xf32, #tpu.memory_space<vmem_shared>>
    %dma_start3A_133 = tpu.memref_squeeze %dma_start3A_132 : memref<1x640xf32, #tpu.memory_space<vmem_shared>> -> memref<640xf32, #tpu.memory_space<vmem_shared>>
    %dma_start3A_134 = arith.constant 0 : i32
    %dma_start3A_135 = tpu.memref_slice %arg11[%dma_start3A_128, %dma_start3A_134] : memref<16x640xf32, #tpu.memory_space<vmem>> -> memref<1x640xf32, #tpu.memory_space<vmem>>
    %dma_start3A_136 = tpu.memref_squeeze %dma_start3A_135 : memref<1x640xf32, #tpu.memory_space<vmem>> -> memref<640xf32, #tpu.memory_space<vmem>>
    %dma_start3A_137 = tpu.memref_slice %arg13[%dma_start3A_127, %mul3A_2] : memref<16x10240xf32, #tpu.memory_space<vmem_shared>> -> memref<1x640xf32, #tpu.memory_space<vmem_shared>>
    %dma_start3A_138 = tpu.memref_squeeze %dma_start3A_137 : memref<1x640xf32, #tpu.memory_space<vmem_shared>> -> memref<640xf32, #tpu.memory_space<vmem_shared>>
    tpu.enqueue_dma source(%dma_start3A_138 : memref<640xf32, #tpu.memory_space<vmem_shared>>) target(%dma_start3A_136 : memref<640xf32, #tpu.memory_space<vmem>>) target_semaphore(%arg15 : memref<!tpu.dma_semaphore, #tpu.memory_space<semaphore_mem>>)
    %dma_start3A_139 = arith.constant 3 : i32
    %dma_start3A_140 = arith.constant 3 : i32
    %dma_start3A_141 = arith.constant 0 : i32
    %dma_start3A_142 = tpu.memref_slice %arg11[%dma_start3A_140, %dma_start3A_141] : memref<16x640xf32, #tpu.memory_space<vmem>> -> memref<1x640xf32, #tpu.memory_space<vmem>>
    %dma_start3A_143 = tpu.memref_squeeze %dma_start3A_142 : memref<1x640xf32, #tpu.memory_space<vmem>> -> memref<640xf32, #tpu.memory_space<vmem>>
    %dma_start3A_144 = tpu.memref_slice %arg13[%dma_start3A_139, %mul3A_2] : memref<16x10240xf32, #tpu.memory_space<vmem_shared>> -> memref<1x640xf32, #tpu.memory_space<vmem_shared>>
    %dma_start3A_145 = tpu.memref_squeeze %dma_start3A_144 : memref<1x640xf32, #tpu.memory_space<vmem_shared>> -> memref<640xf32, #tpu.memory_space<vmem_shared>>
    %dma_start3A_146 = arith.constant 0 : i32
    %dma_start3A_147 = tpu.memref_slice %arg11[%dma_start3A_140, %dma_start3A_146] : memref<16x640xf32, #tpu.memory_space<vmem>> -> memref<1x640xf32, #tpu.memory_space<vmem>>
    %dma_start3A_148 = tpu.memref_squeeze %dma_start3A_147 : memref<1x640xf32, #tpu.memory_space<vmem>> -> memref<640xf32, #tpu.memory_space<vmem>>
    %dma_start3A_149 = tpu.memref_slice %arg13[%dma_start3A_139, %mul3A_2] : memref<16x10240xf32, #tpu.memory_space<vmem_shared>> -> memref<1x640xf32, #tpu.memory_space<vmem_shared>>
    %dma_start3A_150 = tpu.memref_squeeze %dma_start3A_149 : memref<1x640xf32, #tpu.memory_space<vmem_shared>> -> memref<640xf32, #tpu.memory_space<vmem_shared>>
    tpu.enqueue_dma source(%dma_start3A_150 : memref<640xf32, #tpu.memory_space<vmem_shared>>) target(%dma_start3A_148 : memref<640xf32, #tpu.memory_space<vmem>>) target_semaphore(%arg15 : memref<!tpu.dma_semaphore, #tpu.memory_space<semaphore_mem>>)
    %dma_start3A_151 = arith.constant 4 : i32
    %dma_start3A_152 = arith.constant 4 : i32
    %dma_start3A_153 = arith.constant 0 : i32
    %dma_start3A_154 = tpu.memref_slice %arg11[%dma_start3A_152, %dma_start3A_153] : memref<16x640xf32, #tpu.memory_space<vmem>> -> memref<1x640xf32, #tpu.memory_space<vmem>>
    %dma_start3A_155 = tpu.memref_squeeze %dma_start3A_154 : memref<1x640xf32, #tpu.memory_space<vmem>> -> memref<640xf32, #tpu.memory_space<vmem>>
    %dma_start3A_156 = tpu.memref_slice %arg13[%dma_start3A_151, %mul3A_2] : memref<16x10240xf32, #tpu.memory_space<vmem_shared>> -> memref<1x640xf32, #tpu.memory_space<vmem_shared>>
    %dma_start3A_157 = tpu.memref_squeeze %dma_start3A_156 : memref<1x640xf32, #tpu.memory_space<vmem_shared>> -> memref<640xf32, #tpu.memory_space<vmem_shared>>
    %dma_start3A_158 = arith.constant 0 : i32
    %dma_start3A_159 = tpu.memref_slice %arg11[%dma_start3A_152, %dma_start3A_158] : memref<16x640xf32, #tpu.memory_space<vmem>> -> memref<1x640xf32, #tpu.memory_space<vmem>>
    %dma_start3A_160 = tpu.memref_squeeze %dma_start3A_159 : memref<1x640xf32, #tpu.memory_space<vmem>> -> memref<640xf32, #tpu.memory_space<vmem>>
    %dma_start3A_161 = tpu.memref_slice %arg13[%dma_start3A_151, %mul3A_2] : memref<16x10240xf32, #tpu.memory_space<vmem_shared>> -> memref<1x640xf32, #tpu.memory_space<vmem_shared>>
    %dma_start3A_162 = tpu.memref_squeeze %dma_start3A_161 : memref<1x640xf32, #tpu.memory_space<vmem_shared>> -> memref<640xf32, #tpu.memory_space<vmem_shared>>
    tpu.enqueue_dma source(%dma_start3A_162 : memref<640xf32, #tpu.memory_space<vmem_shared>>) target(%dma_start3A_160 : memref<640xf32, #tpu.memory_space<vmem>>) target_semaphore(%arg15 : memref<!tpu.dma_semaphore, #tpu.memory_space<semaphore_mem>>)
    %dma_start3A_163 = arith.constant 5 : i32
    %dma_start3A_164 = arith.constant 5 : i32
    %dma_start3A_165 = arith.constant 0 : i32
    %dma_start3A_166 = tpu.memref_slice %arg11[%dma_start3A_164, %dma_start3A_165] : memref<16x640xf32, #tpu.memory_space<vmem>> -> memref<1x640xf32, #tpu.memory_space<vmem>>
    %dma_start3A_167 = tpu.memref_squeeze %dma_start3A_166 : memref<1x640xf32, #tpu.memory_space<vmem>> -> memref<640xf32, #tpu.memory_space<vmem>>
    %dma_start3A_168 = tpu.memref_slice %arg13[%dma_start3A_163, %mul3A_2] : memref<16x10240xf32, #tpu.memory_space<vmem_shared>> -> memref<1x640xf32, #tpu.memory_space<vmem_shared>>
    %dma_start3A_169 = tpu.memref_squeeze %dma_start3A_168 : memref<1x640xf32, #tpu.memory_space<vmem_shared>> -> memref<640xf32, #tpu.memory_space<vmem_shared>>
    %dma_start3A_170 = arith.constant 0 : i32
    %dma_start3A_171 = tpu.memref_slice %arg11[%dma_start3A_164, %dma_start3A_170] : memref<16x640xf32, #tpu.memory_space<vmem>> -> memref<1x640xf32, #tpu.memory_space<vmem>>
    %dma_start3A_172 = tpu.memref_squeeze %dma_start3A_171 : memref<1x640xf32, #tpu.memory_space<vmem>> -> memref<640xf32, #tpu.memory_space<vmem>>
    %dma_start3A_173 = tpu.memref_slice %arg13[%dma_start3A_163, %mul3A_2] : memref<16x10240xf32, #tpu.memory_space<vmem_shared>> -> memref<1x640xf32, #tpu.memory_space<vmem_shared>>
    %dma_start3A_174 = tpu.memref_squeeze %dma_start3A_173 : memref<1x640xf32, #tpu.memory_space<vmem_shared>> -> memref<640xf32, #tpu.memory_space<vmem_shared>>
    tpu.enqueue_dma source(%dma_start3A_174 : memref<640xf32, #tpu.memory_space<vmem_shared>>) target(%dma_start3A_172 : memref<640xf32, #tpu.memory_space<vmem>>) target_semaphore(%arg15 : memref<!tpu.dma_semaphore, #tpu.memory_space<semaphore_mem>>)
    %dma_start3A_175 = arith.constant 6 : i32
    %dma_start3A_176 = arith.constant 6 : i32
    %dma_start3A_177 = arith.constant 0 : i32
    %dma_start3A_178 = tpu.memref_slice %arg11[%dma_start3A_176, %dma_start3A_177] : memref<16x640xf32, #tpu.memory_space<vmem>> -> memref<1x640xf32, #tpu.memory_space<vmem>>
    %dma_start3A_179 = tpu.memref_squeeze %dma_start3A_178 : memref<1x640xf32, #tpu.memory_space<vmem>> -> memref<640xf32, #tpu.memory_space<vmem>>
    %dma_start3A_180 = tpu.memref_slice %arg13[%dma_start3A_175, %mul3A_2] : memref<16x10240xf32, #tpu.memory_space<vmem_shared>> -> memref<1x640xf32, #tpu.memory_space<vmem_shared>>
    %dma_start3A_181 = tpu.memref_squeeze %dma_start3A_180 : memref<1x640xf32, #tpu.memory_space<vmem_shared>> -> memref<640xf32, #tpu.memory_space<vmem_shared>>
    %dma_start3A_182 = arith.constant 0 : i32
    %dma_start3A_183 = tpu.memref_slice %arg11[%dma_start3A_176, %dma_start3A_182] : memref<16x640xf32, #tpu.memory_space<vmem>> -> memref<1x640xf32, #tpu.memory_space<vmem>>
    %dma_start3A_184 = tpu.memref_squeeze %dma_start3A_183 : memref<1x640xf32, #tpu.memory_space<vmem>> -> memref<640xf32, #tpu.memory_space<vmem>>
    %dma_start3A_185 = tpu.memref_slice %arg13[%dma_start3A_175, %mul3A_2] : memref<16x10240xf32, #tpu.memory_space<vmem_shared>> -> memref<1x640xf32, #tpu.memory_space<vmem_shared>>
    %dma_start3A_186 = tpu.memref_squeeze %dma_start3A_185 : memref<1x640xf32, #tpu.memory_space<vmem_shared>> -> memref<640xf32, #tpu.memory_space<vmem_shared>>
    tpu.enqueue_dma source(%dma_start3A_186 : memref<640xf32, #tpu.memory_space<vmem_shared>>) target(%dma_start3A_184 : memref<640xf32, #tpu.memory_space<vmem>>) target_semaphore(%arg15 : memref<!tpu.dma_semaphore, #tpu.memory_space<semaphore_mem>>)
    %dma_start3A_187 = arith.constant 7 : i32
    %dma_start3A_188 = arith.constant 7 : i32
    %dma_start3A_189 = arith.constant 0 : i32
    %dma_start3A_190 = tpu.memref_slice %arg11[%dma_start3A_188, %dma_start3A_189] : memref<16x640xf32, #tpu.memory_space<vmem>> -> memref<1x640xf32, #tpu.memory_space<vmem>>
    %dma_start3A_191 = tpu.memref_squeeze %dma_start3A_190 : memref<1x640xf32, #tpu.memory_space<vmem>> -> memref<640xf32, #tpu.memory_space<vmem>>
    %dma_start3A_192 = tpu.memref_slice %arg13[%dma_start3A_187, %mul3A_2] : memref<16x10240xf32, #tpu.memory_space<vmem_shared>> -> memref<1x640xf32, #tpu.memory_space<vmem_shared>>
    %dma_start3A_193 = tpu.memref_squeeze %dma_start3A_192 : memref<1x640xf32, #tpu.memory_space<vmem_shared>> -> memref<640xf32, #tpu.memory_space<vmem_shared>>
    %dma_start3A_194 = arith.constant 0 : i32
    %dma_start3A_195 = tpu.memref_slice %arg11[%dma_start3A_188, %dma_start3A_194] : memref<16x640xf32, #tpu.memory_space<vmem>> -> memref<1x640xf32, #tpu.memory_space<vmem>>
    %dma_start3A_196 = tpu.memref_squeeze %dma_start3A_195 : memref<1x640xf32, #tpu.memory_space<vmem>> -> memref<640xf32, #tpu.memory_space<vmem>>
    %dma_start3A_197 = tpu.memref_slice %arg13[%dma_start3A_187, %mul3A_2] : memref<16x10240xf32, #tpu.memory_space<vmem_shared>> -> memref<1x640xf32, #tpu.memory_space<vmem_shared>>
    %dma_start3A_198 = tpu.memref_squeeze %dma_start3A_197 : memref<1x640xf32, #tpu.memory_space<vmem_shared>> -> memref<640xf32, #tpu.memory_space<vmem_shared>>
    tpu.enqueue_dma source(%dma_start3A_198 : memref<640xf32, #tpu.memory_space<vmem_shared>>) target(%dma_start3A_196 : memref<640xf32, #tpu.memory_space<vmem>>) target_semaphore(%arg15 : memref<!tpu.dma_semaphore, #tpu.memory_space<semaphore_mem>>)
    %dma_start3A_199 = arith.constant 8 : i32
    %dma_start3A_200 = arith.constant 8 : i32
    %dma_start3A_201 = arith.constant 0 : i32
    %dma_start3A_202 = tpu.memref_slice %arg11[%dma_start3A_200, %dma_start3A_201] : memref<16x640xf32, #tpu.memory_space<vmem>> -> memref<1x640xf32, #tpu.memory_space<vmem>>
    %dma_start3A_203 = tpu.memref_squeeze %dma_start3A_202 : memref<1x640xf32, #tpu.memory_space<vmem>> -> memref<640xf32, #tpu.memory_space<vmem>>
    %dma_start3A_204 = tpu.memref_slice %arg13[%dma_start3A_199, %mul3A_2] : memref<16x10240xf32, #tpu.memory_space<vmem_shared>> -> memref<1x640xf32, #tpu.memory_space<vmem_shared>>
    %dma_start3A_205 = tpu.memref_squeeze %dma_start3A_204 : memref<1x640xf32, #tpu.memory_space<vmem_shared>> -> memref<640xf32, #tpu.memory_space<vmem_shared>>
    %dma_start3A_206 = arith.constant 0 : i32
    %dma_start3A_207 = tpu.memref_slice %arg11[%dma_start3A_200, %dma_start3A_206] : memref<16x640xf32, #tpu.memory_space<vmem>> -> memref<1x640xf32, #tpu.memory_space<vmem>>
    %dma_start3A_208 = tpu.memref_squeeze %dma_start3A_207 : memref<1x640xf32, #tpu.memory_space<vmem>> -> memref<640xf32, #tpu.memory_space<vmem>>
    %dma_start3A_209 = tpu.memref_slice %arg13[%dma_start3A_199, %mul3A_2] : memref<16x10240xf32, #tpu.memory_space<vmem_shared>> -> memref<1x640xf32, #tpu.memory_space<vmem_shared>>
    %dma_start3A_210 = tpu.memref_squeeze %dma_start3A_209 : memref<1x640xf32, #tpu.memory_space<vmem_shared>> -> memref<640xf32, #tpu.memory_space<vmem_shared>>
    tpu.enqueue_dma source(%dma_start3A_210 : memref<640xf32, #tpu.memory_space<vmem_shared>>) target(%dma_start3A_208 : memref<640xf32, #tpu.memory_space<vmem>>) target_semaphore(%arg15 : memref<!tpu.dma_semaphore, #tpu.memory_space<semaphore_mem>>)
    %dma_start3A_211 = arith.constant 9 : i32
    %dma_start3A_212 = arith.constant 9 : i32
    %dma_start3A_213 = arith.constant 0 : i32
    %dma_start3A_214 = tpu.memref_slice %arg11[%dma_start3A_212, %dma_start3A_213] : memref<16x640xf32, #tpu.memory_space<vmem>> -> memref<1x640xf32, #tpu.memory_space<vmem>>
    %dma_start3A_215 = tpu.memref_squeeze %dma_start3A_214 : memref<1x640xf32, #tpu.memory_space<vmem>> -> memref<640xf32, #tpu.memory_space<vmem>>
    %dma_start3A_216 = tpu.memref_slice %arg13[%dma_start3A_211, %mul3A_2] : memref<16x10240xf32, #tpu.memory_space<vmem_shared>> -> memref<1x640xf32, #tpu.memory_space<vmem_shared>>
    %dma_start3A_217 = tpu.memref_squeeze %dma_start3A_216 : memref<1x640xf32, #tpu.memory_space<vmem_shared>> -> memref<640xf32, #tpu.memory_space<vmem_shared>>
    %dma_start3A_218 = arith.constant 0 : i32
    %dma_start3A_219 = tpu.memref_slice %arg11[%dma_start3A_212, %dma_start3A_218] : memref<16x640xf32, #tpu.memory_space<vmem>> -> memref<1x640xf32, #tpu.memory_space<vmem>>
    %dma_start3A_220 = tpu.memref_squeeze %dma_start3A_219 : memref<1x640xf32, #tpu.memory_space<vmem>> -> memref<640xf32, #tpu.memory_space<vmem>>
    %dma_start3A_221 = tpu.memref_slice %arg13[%dma_start3A_211, %mul3A_2] : memref<16x10240xf32, #tpu.memory_space<vmem_shared>> -> memref<1x640xf32, #tpu.memory_space<vmem_shared>>
    %dma_start3A_222 = tpu.memref_squeeze %dma_start3A_221 : memref<1x640xf32, #tpu.memory_space<vmem_shared>> -> memref<640xf32, #tpu.memory_space<vmem_shared>>
    tpu.enqueue_dma source(%dma_start3A_222 : memref<640xf32, #tpu.memory_space<vmem_shared>>) target(%dma_start3A_220 : memref<640xf32, #tpu.memory_space<vmem>>) target_semaphore(%arg15 : memref<!tpu.dma_semaphore, #tpu.memory_space<semaphore_mem>>)
    %dma_start3A_223 = arith.constant 10 : i32
    %dma_start3A_224 = arith.constant 10 : i32
    %dma_start3A_225 = arith.constant 0 : i32
    %dma_start3A_226 = tpu.memref_slice %arg11[%dma_start3A_224, %dma_start3A_225] : memref<16x640xf32, #tpu.memory_space<vmem>> -> memref<1x640xf32, #tpu.memory_space<vmem>>
    %dma_start3A_227 = tpu.memref_squeeze %dma_start3A_226 : memref<1x640xf32, #tpu.memory_space<vmem>> -> memref<640xf32, #tpu.memory_space<vmem>>
    %dma_start3A_228 = tpu.memref_slice %arg13[%dma_start3A_223, %mul3A_2] : memref<16x10240xf32, #tpu.memory_space<vmem_shared>> -> memref<1x640xf32, #tpu.memory_space<vmem_shared>>
    %dma_start3A_229 = tpu.memref_squeeze %dma_start3A_228 : memref<1x640xf32, #tpu.memory_space<vmem_shared>> -> memref<640xf32, #tpu.memory_space<vmem_shared>>
    %dma_start3A_230 = arith.constant 0 : i32
    %dma_start3A_231 = tpu.memref_slice %arg11[%dma_start3A_224, %dma_start3A_230] : memref<16x640xf32, #tpu.memory_space<vmem>> -> memref<1x640xf32, #tpu.memory_space<vmem>>
    %dma_start3A_232 = tpu.memref_squeeze %dma_start3A_231 : memref<1x640xf32, #tpu.memory_space<vmem>> -> memref<640xf32, #tpu.memory_space<vmem>>
    %dma_start3A_233 = tpu.memref_slice %arg13[%dma_start3A_223, %mul3A_2] : memref<16x10240xf32, #tpu.memory_space<vmem_shared>> -> memref<1x640xf32, #tpu.memory_space<vmem_shared>>
    %dma_start3A_234 = tpu.memref_squeeze %dma_start3A_233 : memref<1x640xf32, #tpu.memory_space<vmem_shared>> -> memref<640xf32, #tpu.memory_space<vmem_shared>>
    tpu.enqueue_dma source(%dma_start3A_234 : memref<640xf32, #tpu.memory_space<vmem_shared>>) target(%dma_start3A_232 : memref<640xf32, #tpu.memory_space<vmem>>) target_semaphore(%arg15 : memref<!tpu.dma_semaphore, #tpu.memory_space<semaphore_mem>>)
    %dma_start3A_235 = arith.constant 11 : i32
    %dma_start3A_236 = arith.constant 11 : i32
    %dma_start3A_237 = arith.constant 0 : i32
    %dma_start3A_238 = tpu.memref_slice %arg11[%dma_start3A_236, %dma_start3A_237] : memref<16x640xf32, #tpu.memory_space<vmem>> -> memref<1x640xf32, #tpu.memory_space<vmem>>
    %dma_start3A_239 = tpu.memref_squeeze %dma_start3A_238 : memref<1x640xf32, #tpu.memory_space<vmem>> -> memref<640xf32, #tpu.memory_space<vmem>>
    %dma_start3A_240 = tpu.memref_slice %arg13[%dma_start3A_235, %mul3A_2] : memref<16x10240xf32, #tpu.memory_space<vmem_shared>> -> memref<1x640xf32, #tpu.memory_space<vmem_shared>>
    %dma_start3A_241 = tpu.memref_squeeze %dma_start3A_240 : memref<1x640xf32, #tpu.memory_space<vmem_shared>> -> memref<640xf32, #tpu.memory_space<vmem_shared>>
    %dma_start3A_242 = arith.constant 0 : i32
    %dma_start3A_243 = tpu.memref_slice %arg11[%dma_start3A_236, %dma_start3A_242] : memref<16x640xf32, #tpu.memory_space<vmem>> -> memref<1x640xf32, #tpu.memory_space<vmem>>
    %dma_start3A_244 = tpu.memref_squeeze %dma_start3A_243 : memref<1x640xf32, #tpu.memory_space<vmem>> -> memref<640xf32, #tpu.memory_space<vmem>>
    %dma_start3A_245 = tpu.memref_slice %arg13[%dma_start3A_235, %mul3A_2] : memref<16x10240xf32, #tpu.memory_space<vmem_shared>> -> memref<1x640xf32, #tpu.memory_space<vmem_shared>>
    %dma_start3A_246 = tpu.memref_squeeze %dma_start3A_245 : memref<1x640xf32, #tpu.memory_space<vmem_shared>> -> memref<640xf32, #tpu.memory_space<vmem_shared>>
    tpu.enqueue_dma source(%dma_start3A_246 : memref<640xf32, #tpu.memory_space<vmem_shared>>) target(%dma_start3A_244 : memref<640xf32, #tpu.memory_space<vmem>>) target_semaphore(%arg15 : memref<!tpu.dma_semaphore, #tpu.memory_space<semaphore_mem>>)
    %dma_start3A_247 = arith.constant 12 : i32
    %dma_start3A_248 = arith.constant 12 : i32
    %dma_start3A_249 = arith.constant 0 : i32
    %dma_start3A_250 = tpu.memref_slice %arg11[%dma_start3A_248, %dma_start3A_249] : memref<16x640xf32, #tpu.memory_space<vmem>> -> memref<1x640xf32, #tpu.memory_space<vmem>>
    %dma_start3A_251 = tpu.memref_squeeze %dma_start3A_250 : memref<1x640xf32, #tpu.memory_space<vmem>> -> memref<640xf32, #tpu.memory_space<vmem>>
    %dma_start3A_252 = tpu.memref_slice %arg13[%dma_start3A_247, %mul3A_2] : memref<16x10240xf32, #tpu.memory_space<vmem_shared>> -> memref<1x640xf32, #tpu.memory_space<vmem_shared>>
    %dma_start3A_253 = tpu.memref_squeeze %dma_start3A_252 : memref<1x640xf32, #tpu.memory_space<vmem_shared>> -> memref<640xf32, #tpu.memory_space<vmem_shared>>
    %dma_start3A_254 = arith.constant 0 : i32
    %dma_start3A_255 = tpu.memref_slice %arg11[%dma_start3A_248, %dma_start3A_254] : memref<16x640xf32, #tpu.memory_space<vmem>> -> memref<1x640xf32, #tpu.memory_space<vmem>>
    %dma_start3A_256 = tpu.memref_squeeze %dma_start3A_255 : memref<1x640xf32, #tpu.memory_space<vmem>> -> memref<640xf32, #tpu.memory_space<vmem>>
    %dma_start3A_257 = tpu.memref_slice %arg13[%dma_start3A_247, %mul3A_2] : memref<16x10240xf32, #tpu.memory_space<vmem_shared>> -> memref<1x640xf32, #tpu.memory_space<vmem_shared>>
    %dma_start3A_258 = tpu.memref_squeeze %dma_start3A_257 : memref<1x640xf32, #tpu.memory_space<vmem_shared>> -> memref<640xf32, #tpu.memory_space<vmem_shared>>
    tpu.enqueue_dma source(%dma_start3A_258 : memref<640xf32, #tpu.memory_space<vmem_shared>>) target(%dma_start3A_256 : memref<640xf32, #tpu.memory_space<vmem>>) target_semaphore(%arg15 : memref<!tpu.dma_semaphore, #tpu.memory_space<semaphore_mem>>)
    %dma_start3A_259 = arith.constant 13 : i32
    %dma_start3A_260 = arith.constant 13 : i32
    %dma_start3A_261 = arith.constant 0 : i32
    %dma_start3A_262 = tpu.memref_slice %arg11[%dma_start3A_260, %dma_start3A_261] : memref<16x640xf32, #tpu.memory_space<vmem>> -> memref<1x640xf32, #tpu.memory_space<vmem>>
    %dma_start3A_263 = tpu.memref_squeeze %dma_start3A_262 : memref<1x640xf32, #tpu.memory_space<vmem>> -> memref<640xf32, #tpu.memory_space<vmem>>
    %dma_start3A_264 = tpu.memref_slice %arg13[%dma_start3A_259, %mul3A_2] : memref<16x10240xf32, #tpu.memory_space<vmem_shared>> -> memref<1x640xf32, #tpu.memory_space<vmem_shared>>
    %dma_start3A_265 = tpu.memref_squeeze %dma_start3A_264 : memref<1x640xf32, #tpu.memory_space<vmem_shared>> -> memref<640xf32, #tpu.memory_space<vmem_shared>>
    %dma_start3A_266 = arith.constant 0 : i32
    %dma_start3A_267 = tpu.memref_slice %arg11[%dma_start3A_260, %dma_start3A_266] : memref<16x640xf32, #tpu.memory_space<vmem>> -> memref<1x640xf32, #tpu.memory_space<vmem>>
    %dma_start3A_268 = tpu.memref_squeeze %dma_start3A_267 : memref<1x640xf32, #tpu.memory_space<vmem>> -> memref<640xf32, #tpu.memory_space<vmem>>
    %dma_start3A_269 = tpu.memref_slice %arg13[%dma_start3A_259, %mul3A_2] : memref<16x10240xf32, #tpu.memory_space<vmem_shared>> -> memref<1x640xf32, #tpu.memory_space<vmem_shared>>
    %dma_start3A_270 = tpu.memref_squeeze %dma_start3A_269 : memref<1x640xf32, #tpu.memory_space<vmem_shared>> -> memref<640xf32, #tpu.memory_space<vmem_shared>>
    tpu.enqueue_dma source(%dma_start3A_270 : memref<640xf32, #tpu.memory_space<vmem_shared>>) target(%dma_start3A_268 : memref<640xf32, #tpu.memory_space<vmem>>) target_semaphore(%arg15 : memref<!tpu.dma_semaphore, #tpu.memory_space<semaphore_mem>>)
    %dma_start3A_271 = arith.constant 14 : i32
    %dma_start3A_272 = arith.constant 14 : i32
    %dma_start3A_273 = arith.constant 0 : i32
    %dma_start3A_274 = tpu.memref_slice %arg11[%dma_start3A_272, %dma_start3A_273] : memref<16x640xf32, #tpu.memory_space<vmem>> -> memref<1x640xf32, #tpu.memory_space<vmem>>
    %dma_start3A_275 = tpu.memref_squeeze %dma_start3A_274 : memref<1x640xf32, #tpu.memory_space<vmem>> -> memref<640xf32, #tpu.memory_space<vmem>>
    %dma_start3A_276 = tpu.memref_slice %arg13[%dma_start3A_271, %mul3A_2] : memref<16x10240xf32, #tpu.memory_space<vmem_shared>> -> memref<1x640xf32, #tpu.memory_space<vmem_shared>>
    %dma_start3A_277 = tpu.memref_squeeze %dma_start3A_276 : memref<1x640xf32, #tpu.memory_space<vmem_shared>> -> memref<640xf32, #tpu.memory_space<vmem_shared>>
    %dma_start3A_278 = arith.constant 0 : i32
    %dma_start3A_279 = tpu.memref_slice %arg11[%dma_start3A_272, %dma_start3A_278] : memref<16x640xf32, #tpu.memory_space<vmem>> -> memref<1x640xf32, #tpu.memory_space<vmem>>
    %dma_start3A_280 = tpu.memref_squeeze %dma_start3A_279 : memref<1x640xf32, #tpu.memory_space<vmem>> -> memref<640xf32, #tpu.memory_space<vmem>>
    %dma_start3A_281 = tpu.memref_slice %arg13[%dma_start3A_271, %mul3A_2] : memref<16x10240xf32, #tpu.memory_space<vmem_shared>> -> memref<1x640xf32, #tpu.memory_space<vmem_shared>>
    %dma_start3A_282 = tpu.memref_squeeze %dma_start3A_281 : memref<1x640xf32, #tpu.memory_space<vmem_shared>> -> memref<640xf32, #tpu.memory_space<vmem_shared>>
    tpu.enqueue_dma source(%dma_start3A_282 : memref<640xf32, #tpu.memory_space<vmem_shared>>) target(%dma_start3A_280 : memref<640xf32, #tpu.memory_space<vmem>>) target_semaphore(%arg15 : memref<!tpu.dma_semaphore, #tpu.memory_space<semaphore_mem>>)
    %dma_start3A_283 = arith.constant 15 : i32
    %dma_start3A_284 = arith.constant 15 : i32
    %dma_start3A_285 = arith.constant 0 : i32
    %dma_start3A_286 = tpu.memref_slice %arg11[%dma_start3A_284, %dma_start3A_285] : memref<16x640xf32, #tpu.memory_space<vmem>> -> memref<1x640xf32, #tpu.memory_space<vmem>>
    %dma_start3A_287 = tpu.memref_squeeze %dma_start3A_286 : memref<1x640xf32, #tpu.memory_space<vmem>> -> memref<640xf32, #tpu.memory_space<vmem>>
    %dma_start3A_288 = tpu.memref_slice %arg13[%dma_start3A_283, %mul3A_2] : memref<16x10240xf32, #tpu.memory_space<vmem_shared>> -> memref<1x640xf32, #tpu.memory_space<vmem_shared>>
    %dma_start3A_289 = tpu.memref_squeeze %dma_start3A_288 : memref<1x640xf32, #tpu.memory_space<vmem_shared>> -> memref<640xf32, #tpu.memory_space<vmem_shared>>
    %dma_start3A_290 = arith.constant 0 : i32
    %dma_start3A_291 = tpu.memref_slice %arg11[%dma_start3A_284, %dma_start3A_290] : memref<16x640xf32, #tpu.memory_space<vmem>> -> memref<1x640xf32, #tpu.memory_space<vmem>>
    %dma_start3A_292 = tpu.memref_squeeze %dma_start3A_291 : memref<1x640xf32, #tpu.memory_space<vmem>> -> memref<640xf32, #tpu.memory_space<vmem>>
    %dma_start3A_293 = tpu.memref_slice %arg13[%dma_start3A_283, %mul3A_2] : memref<16x10240xf32, #tpu.memory_space<vmem_shared>> -> memref<1x640xf32, #tpu.memory_space<vmem_shared>>
    %dma_start3A_294 = tpu.memref_squeeze %dma_start3A_293 : memref<1x640xf32, #tpu.memory_space<vmem_shared>> -> memref<640xf32, #tpu.memory_space<vmem_shared>>
    tpu.enqueue_dma source(%dma_start3A_294 : memref<640xf32, #tpu.memory_space<vmem_shared>>) target(%dma_start3A_292 : memref<640xf32, #tpu.memory_space<vmem>>) target_semaphore(%arg15 : memref<!tpu.dma_semaphore, #tpu.memory_space<semaphore_mem>>)
    %dma_wait3A_295 = arith.constant 0 : i32
    %dma_wait3A_296 = arith.constant 0 : i32
    %dma_wait3A_297 = arith.constant 0 : i32
    %dma_wait3A_298 = tpu.memref_slice %arg11[%dma_wait3A_296, %dma_wait3A_297] : memref<16x640xf32, #tpu.memory_space<vmem>> -> memref<1x640xf32, #tpu.memory_space<vmem>>
    %dma_wait3A_299 = tpu.memref_squeeze %dma_wait3A_298 : memref<1x640xf32, #tpu.memory_space<vmem>> -> memref<640xf32, #tpu.memory_space<vmem>>
    %dma_wait3A_300 = tpu.memref_slice %arg13[%dma_wait3A_295, %mul3A_2] : memref<16x10240xf32, #tpu.memory_space<vmem_shared>> -> memref<1x640xf32, #tpu.memory_space<vmem_shared>>
    %dma_wait3A_301 = tpu.memref_squeeze %dma_wait3A_300 : memref<1x640xf32, #tpu.memory_space<vmem_shared>> -> memref<640xf32, #tpu.memory_space<vmem_shared>>
    %dma_wait3A_302 = arith.constant 0 : i32
    %dma_wait3A_303 = tpu.memref_slice %arg11[%dma_wait3A_296, %dma_wait3A_302] : memref<16x640xf32, #tpu.memory_space<vmem>> -> memref<1x640xf32, #tpu.memory_space<vmem>>
    %dma_wait3A_304 = tpu.memref_squeeze %dma_wait3A_303 : memref<1x640xf32, #tpu.memory_space<vmem>> -> memref<640xf32, #tpu.memory_space<vmem>>
    %dma_wait3A_305 = tpu.memref_slice %arg13[%dma_wait3A_295, %mul3A_2] : memref<16x10240xf32, #tpu.memory_space<vmem_shared>> -> memref<1x640xf32, #tpu.memory_space<vmem_shared>>
    %dma_wait3A_306 = tpu.memref_squeeze %dma_wait3A_305 : memref<1x640xf32, #tpu.memory_space<vmem_shared>> -> memref<640xf32, #tpu.memory_space<vmem_shared>>
    tpu.wait_dma2 semaphore(%arg15 : memref<!tpu.dma_semaphore, #tpu.memory_space<semaphore_mem>>) src(%dma_wait3A_306 : memref<640xf32, #tpu.memory_space<vmem_shared>>) dst(%dma_wait3A_304 : memref<640xf32, #tpu.memory_space<vmem>>)
    %dma_wait3A_307 = arith.constant 1 : i32
    %dma_wait3A_308 = arith.constant 1 : i32
    %dma_wait3A_309 = arith.constant 0 : i32
    %dma_wait3A_310 = tpu.memref_slice %arg11[%dma_wait3A_308, %dma_wait3A_309] : memref<16x640xf32, #tpu.memory_space<vmem>> -> memref<1x640xf32, #tpu.memory_space<vmem>>
    %dma_wait3A_311 = tpu.memref_squeeze %dma_wait3A_310 : memref<1x640xf32, #tpu.memory_space<vmem>> -> memref<640xf32, #tpu.memory_space<vmem>>
    %dma_wait3A_312 = tpu.memref_slice %arg13[%dma_wait3A_307, %mul3A_2] : memref<16x10240xf32, #tpu.memory_space<vmem_shared>> -> memref<1x640xf32, #tpu.memory_space<vmem_shared>>
    %dma_wait3A_313 = tpu.memref_squeeze %dma_wait3A_312 : memref<1x640xf32, #tpu.memory_space<vmem_shared>> -> memref<640xf32, #tpu.memory_space<vmem_shared>>
    %dma_wait3A_314 = arith.constant 0 : i32
    %dma_wait3A_315 = tpu.memref_slice %arg11[%dma_wait3A_308, %dma_wait3A_314] : memref<16x640xf32, #tpu.memory_space<vmem>> -> memref<1x640xf32, #tpu.memory_space<vmem>>
    %dma_wait3A_316 = tpu.memref_squeeze %dma_wait3A_315 : memref<1x640xf32, #tpu.memory_space<vmem>> -> memref<640xf32, #tpu.memory_space<vmem>>
    %dma_wait3A_317 = tpu.memref_slice %arg13[%dma_wait3A_307, %mul3A_2] : memref<16x10240xf32, #tpu.memory_space<vmem_shared>> -> memref<1x640xf32, #tpu.memory_space<vmem_shared>>
    %dma_wait3A_318 = tpu.memref_squeeze %dma_wait3A_317 : memref<1x640xf32, #tpu.memory_space<vmem_shared>> -> memref<640xf32, #tpu.memory_space<vmem_shared>>
    tpu.wait_dma2 semaphore(%arg15 : memref<!tpu.dma_semaphore, #tpu.memory_space<semaphore_mem>>) src(%dma_wait3A_318 : memref<640xf32, #tpu.memory_space<vmem_shared>>) dst(%dma_wait3A_316 : memref<640xf32, #tpu.memory_space<vmem>>)
    %dma_wait3A_319 = arith.constant 2 : i32
    %dma_wait3A_320 = arith.constant 2 : i32
    %dma_wait3A_321 = arith.constant 0 : i32
    %dma_wait3A_322 = tpu.memref_slice %arg11[%dma_wait3A_320, %dma_wait3A_321] : memref<16x640xf32, #tpu.memory_space<vmem>> -> memref<1x640xf32, #tpu.memory_space<vmem>>
    %dma_wait3A_323 = tpu.memref_squeeze %dma_wait3A_322 : memref<1x640xf32, #tpu.memory_space<vmem>> -> memref<640xf32, #tpu.memory_space<vmem>>
    %dma_wait3A_324 = tpu.memref_slice %arg13[%dma_wait3A_319, %mul3A_2] : memref<16x10240xf32, #tpu.memory_space<vmem_shared>> -> memref<1x640xf32, #tpu.memory_space<vmem_shared>>
    %dma_wait3A_325 = tpu.memref_squeeze %dma_wait3A_324 : memref<1x640xf32, #tpu.memory_space<vmem_shared>> -> memref<640xf32, #tpu.memory_space<vmem_shared>>
    %dma_wait3A_326 = arith.constant 0 : i32
    %dma_wait3A_327 = tpu.memref_slice %arg11[%dma_wait3A_320, %dma_wait3A_326] : memref<16x640xf32, #tpu.memory_space<vmem>> -> memref<1x640xf32, #tpu.memory_space<vmem>>
    %dma_wait3A_328 = tpu.memref_squeeze %dma_wait3A_327 : memref<1x640xf32, #tpu.memory_space<vmem>> -> memref<640xf32, #tpu.memory_space<vmem>>
    %dma_wait3A_329 = tpu.memref_slice %arg13[%dma_wait3A_319, %mul3A_2] : memref<16x10240xf32, #tpu.memory_space<vmem_shared>> -> memref<1x640xf32, #tpu.memory_space<vmem_shared>>
    %dma_wait3A_330 = tpu.memref_squeeze %dma_wait3A_329 : memref<1x640xf32, #tpu.memory_space<vmem_shared>> -> memref<640xf32, #tpu.memory_space<vmem_shared>>
    tpu.wait_dma2 semaphore(%arg15 : memref<!tpu.dma_semaphore, #tpu.memory_space<semaphore_mem>>) src(%dma_wait3A_330 : memref<640xf32, #tpu.memory_space<vmem_shared>>) dst(%dma_wait3A_328 : memref<640xf32, #tpu.memory_space<vmem>>)
    %dma_wait3A_331 = arith.constant 3 : i32
    %dma_wait3A_332 = arith.constant 3 : i32
    %dma_wait3A_333 = arith.constant 0 : i32
    %dma_wait3A_334 = tpu.memref_slice %arg11[%dma_wait3A_332, %dma_wait3A_333] : memref<16x640xf32, #tpu.memory_space<vmem>> -> memref<1x640xf32, #tpu.memory_space<vmem>>
    %dma_wait3A_335 = tpu.memref_squeeze %dma_wait3A_334 : memref<1x640xf32, #tpu.memory_space<vmem>> -> memref<640xf32, #tpu.memory_space<vmem>>
    %dma_wait3A_336 = tpu.memref_slice %arg13[%dma_wait3A_331, %mul3A_2] : memref<16x10240xf32, #tpu.memory_space<vmem_shared>> -> memref<1x640xf32, #tpu.memory_space<vmem_shared>>
    %dma_wait3A_337 = tpu.memref_squeeze %dma_wait3A_336 : memref<1x640xf32, #tpu.memory_space<vmem_shared>> -> memref<640xf32, #tpu.memory_space<vmem_shared>>
    %dma_wait3A_338 = arith.constant 0 : i32
    %dma_wait3A_339 = tpu.memref_slice %arg11[%dma_wait3A_332, %dma_wait3A_338] : memref<16x640xf32, #tpu.memory_space<vmem>> -> memref<1x640xf32, #tpu.memory_space<vmem>>
    %dma_wait3A_340 = tpu.memref_squeeze %dma_wait3A_339 : memref<1x640xf32, #tpu.memory_space<vmem>> -> memref<640xf32, #tpu.memory_space<vmem>>
    %dma_wait3A_341 = tpu.memref_slice %arg13[%dma_wait3A_331, %mul3A_2] : memref<16x10240xf32, #tpu.memory_space<vmem_shared>> -> memref<1x640xf32, #tpu.memory_space<vmem_shared>>
    %dma_wait3A_342 = tpu.memref_squeeze %dma_wait3A_341 : memref<1x640xf32, #tpu.memory_space<vmem_shared>> -> memref<640xf32, #tpu.memory_space<vmem_shared>>
    tpu.wait_dma2 semaphore(%arg15 : memref<!tpu.dma_semaphore, #tpu.memory_space<semaphore_mem>>) src(%dma_wait3A_342 : memref<640xf32, #tpu.memory_space<vmem_shared>>) dst(%dma_wait3A_340 : memref<640xf32, #tpu.memory_space<vmem>>)
    %dma_wait3A_343 = arith.constant 4 : i32
    %dma_wait3A_344 = arith.constant 4 : i32
    %dma_wait3A_345 = arith.constant 0 : i32
    %dma_wait3A_346 = tpu.memref_slice %arg11[%dma_wait3A_344, %dma_wait3A_345] : memref<16x640xf32, #tpu.memory_space<vmem>> -> memref<1x640xf32, #tpu.memory_space<vmem>>
    %dma_wait3A_347 = tpu.memref_squeeze %dma_wait3A_346 : memref<1x640xf32, #tpu.memory_space<vmem>> -> memref<640xf32, #tpu.memory_space<vmem>>
    %dma_wait3A_348 = tpu.memref_slice %arg13[%dma_wait3A_343, %mul3A_2] : memref<16x10240xf32, #tpu.memory_space<vmem_shared>> -> memref<1x640xf32, #tpu.memory_space<vmem_shared>>
    %dma_wait3A_349 = tpu.memref_squeeze %dma_wait3A_348 : memref<1x640xf32, #tpu.memory_space<vmem_shared>> -> memref<640xf32, #tpu.memory_space<vmem_shared>>
    %dma_wait3A_350 = arith.constant 0 : i32
    %dma_wait3A_351 = tpu.memref_slice %arg11[%dma_wait3A_344, %dma_wait3A_350] : memref<16x640xf32, #tpu.memory_space<vmem>> -> memref<1x640xf32, #tpu.memory_space<vmem>>
    %dma_wait3A_352 = tpu.memref_squeeze %dma_wait3A_351 : memref<1x640xf32, #tpu.memory_space<vmem>> -> memref<640xf32, #tpu.memory_space<vmem>>
    %dma_wait3A_353 = tpu.memref_slice %arg13[%dma_wait3A_343, %mul3A_2] : memref<16x10240xf32, #tpu.memory_space<vmem_shared>> -> memref<1x640xf32, #tpu.memory_space<vmem_shared>>
    %dma_wait3A_354 = tpu.memref_squeeze %dma_wait3A_353 : memref<1x640xf32, #tpu.memory_space<vmem_shared>> -> memref<640xf32, #tpu.memory_space<vmem_shared>>
    tpu.wait_dma2 semaphore(%arg15 : memref<!tpu.dma_semaphore, #tpu.memory_space<semaphore_mem>>) src(%dma_wait3A_354 : memref<640xf32, #tpu.memory_space<vmem_shared>>) dst(%dma_wait3A_352 : memref<640xf32, #tpu.memory_space<vmem>>)
    %dma_wait3A_355 = arith.constant 5 : i32
    %dma_wait3A_356 = arith.constant 5 : i32
    %dma_wait3A_357 = arith.constant 0 : i32
    %dma_wait3A_358 = tpu.memref_slice %arg11[%dma_wait3A_356, %dma_wait3A_357] : memref<16x640xf32, #tpu.memory_space<vmem>> -> memref<1x640xf32, #tpu.memory_space<vmem>>
    %dma_wait3A_359 = tpu.memref_squeeze %dma_wait3A_358 : memref<1x640xf32, #tpu.memory_space<vmem>> -> memref<640xf32, #tpu.memory_space<vmem>>
    %dma_wait3A_360 = tpu.memref_slice %arg13[%dma_wait3A_355, %mul3A_2] : memref<16x10240xf32, #tpu.memory_space<vmem_shared>> -> memref<1x640xf32, #tpu.memory_space<vmem_shared>>
    %dma_wait3A_361 = tpu.memref_squeeze %dma_wait3A_360 : memref<1x640xf32, #tpu.memory_space<vmem_shared>> -> memref<640xf32, #tpu.memory_space<vmem_shared>>
    %dma_wait3A_362 = arith.constant 0 : i32
    %dma_wait3A_363 = tpu.memref_slice %arg11[%dma_wait3A_356, %dma_wait3A_362] : memref<16x640xf32, #tpu.memory_space<vmem>> -> memref<1x640xf32, #tpu.memory_space<vmem>>
    %dma_wait3A_364 = tpu.memref_squeeze %dma_wait3A_363 : memref<1x640xf32, #tpu.memory_space<vmem>> -> memref<640xf32, #tpu.memory_space<vmem>>
    %dma_wait3A_365 = tpu.memref_slice %arg13[%dma_wait3A_355, %mul3A_2] : memref<16x10240xf32, #tpu.memory_space<vmem_shared>> -> memref<1x640xf32, #tpu.memory_space<vmem_shared>>
    %dma_wait3A_366 = tpu.memref_squeeze %dma_wait3A_365 : memref<1x640xf32, #tpu.memory_space<vmem_shared>> -> memref<640xf32, #tpu.memory_space<vmem_shared>>
    tpu.wait_dma2 semaphore(%arg15 : memref<!tpu.dma_semaphore, #tpu.memory_space<semaphore_mem>>) src(%dma_wait3A_366 : memref<640xf32, #tpu.memory_space<vmem_shared>>) dst(%dma_wait3A_364 : memref<640xf32, #tpu.memory_space<vmem>>)
    %dma_wait3A_367 = arith.constant 6 : i32
    %dma_wait3A_368 = arith.constant 6 : i32
    %dma_wait3A_369 = arith.constant 0 : i32
    %dma_wait3A_370 = tpu.memref_slice %arg11[%dma_wait3A_368, %dma_wait3A_369] : memref<16x640xf32, #tpu.memory_space<vmem>> -> memref<1x640xf32, #tpu.memory_space<vmem>>
    %dma_wait3A_371 = tpu.memref_squeeze %dma_wait3A_370 : memref<1x640xf32, #tpu.memory_space<vmem>> -> memref<640xf32, #tpu.memory_space<vmem>>
    %dma_wait3A_372 = tpu.memref_slice %arg13[%dma_wait3A_367, %mul3A_2] : memref<16x10240xf32, #tpu.memory_space<vmem_shared>> -> memref<1x640xf32, #tpu.memory_space<vmem_shared>>
    %dma_wait3A_373 = tpu.memref_squeeze %dma_wait3A_372 : memref<1x640xf32, #tpu.memory_space<vmem_shared>> -> memref<640xf32, #tpu.memory_space<vmem_shared>>
    %dma_wait3A_374 = arith.constant 0 : i32
    %dma_wait3A_375 = tpu.memref_slice %arg11[%dma_wait3A_368, %dma_wait3A_374] : memref<16x640xf32, #tpu.memory_space<vmem>> -> memref<1x640xf32, #tpu.memory_space<vmem>>
    %dma_wait3A_376 = tpu.memref_squeeze %dma_wait3A_375 : memref<1x640xf32, #tpu.memory_space<vmem>> -> memref<640xf32, #tpu.memory_space<vmem>>
    %dma_wait3A_377 = tpu.memref_slice %arg13[%dma_wait3A_367, %mul3A_2] : memref<16x10240xf32, #tpu.memory_space<vmem_shared>> -> memref<1x640xf32, #tpu.memory_space<vmem_shared>>
    %dma_wait3A_378 = tpu.memref_squeeze %dma_wait3A_377 : memref<1x640xf32, #tpu.memory_space<vmem_shared>> -> memref<640xf32, #tpu.memory_space<vmem_shared>>
    tpu.wait_dma2 semaphore(%arg15 : memref<!tpu.dma_semaphore, #tpu.memory_space<semaphore_mem>>) src(%dma_wait3A_378 : memref<640xf32, #tpu.memory_space<vmem_shared>>) dst(%dma_wait3A_376 : memref<640xf32, #tpu.memory_space<vmem>>)
    %dma_wait3A_379 = arith.constant 7 : i32
    %dma_wait3A_380 = arith.constant 7 : i32
    %dma_wait3A_381 = arith.constant 0 : i32
    %dma_wait3A_382 = tpu.memref_slice %arg11[%dma_wait3A_380, %dma_wait3A_381] : memref<16x640xf32, #tpu.memory_space<vmem>> -> memref<1x640xf32, #tpu.memory_space<vmem>>
    %dma_wait3A_383 = tpu.memref_squeeze %dma_wait3A_382 : memref<1x640xf32, #tpu.memory_space<vmem>> -> memref<640xf32, #tpu.memory_space<vmem>>
    %dma_wait3A_384 = tpu.memref_slice %arg13[%dma_wait3A_379, %mul3A_2] : memref<16x10240xf32, #tpu.memory_space<vmem_shared>> -> memref<1x640xf32, #tpu.memory_space<vmem_shared>>
    %dma_wait3A_385 = tpu.memref_squeeze %dma_wait3A_384 : memref<1x640xf32, #tpu.memory_space<vmem_shared>> -> memref<640xf32, #tpu.memory_space<vmem_shared>>
    %dma_wait3A_386 = arith.constant 0 : i32
    %dma_wait3A_387 = tpu.memref_slice %arg11[%dma_wait3A_380, %dma_wait3A_386] : memref<16x640xf32, #tpu.memory_space<vmem>> -> memref<1x640xf32, #tpu.memory_space<vmem>>
    %dma_wait3A_388 = tpu.memref_squeeze %dma_wait3A_387 : memref<1x640xf32, #tpu.memory_space<vmem>> -> memref<640xf32, #tpu.memory_space<vmem>>
    %dma_wait3A_389 = tpu.memref_slice %arg13[%dma_wait3A_379, %mul3A_2] : memref<16x10240xf32, #tpu.memory_space<vmem_shared>> -> memref<1x640xf32, #tpu.memory_space<vmem_shared>>
    %dma_wait3A_390 = tpu.memref_squeeze %dma_wait3A_389 : memref<1x640xf32, #tpu.memory_space<vmem_shared>> -> memref<640xf32, #tpu.memory_space<vmem_shared>>
    tpu.wait_dma2 semaphore(%arg15 : memref<!tpu.dma_semaphore, #tpu.memory_space<semaphore_mem>>) src(%dma_wait3A_390 : memref<640xf32, #tpu.memory_space<vmem_shared>>) dst(%dma_wait3A_388 : memref<640xf32, #tpu.memory_space<vmem>>)
    %dma_wait3A_391 = arith.constant 8 : i32
    %dma_wait3A_392 = arith.constant 8 : i32
    %dma_wait3A_393 = arith.constant 0 : i32
    %dma_wait3A_394 = tpu.memref_slice %arg11[%dma_wait3A_392, %dma_wait3A_393] : memref<16x640xf32, #tpu.memory_space<vmem>> -> memref<1x640xf32, #tpu.memory_space<vmem>>
    %dma_wait3A_395 = tpu.memref_squeeze %dma_wait3A_394 : memref<1x640xf32, #tpu.memory_space<vmem>> -> memref<640xf32, #tpu.memory_space<vmem>>
    %dma_wait3A_396 = tpu.memref_slice %arg13[%dma_wait3A_391, %mul3A_2] : memref<16x10240xf32, #tpu.memory_space<vmem_shared>> -> memref<1x640xf32, #tpu.memory_space<vmem_shared>>
    %dma_wait3A_397 = tpu.memref_squeeze %dma_wait3A_396 : memref<1x640xf32, #tpu.memory_space<vmem_shared>> -> memref<640xf32, #tpu.memory_space<vmem_shared>>
    %dma_wait3A_398 = arith.constant 0 : i32
    %dma_wait3A_399 = tpu.memref_slice %arg11[%dma_wait3A_392, %dma_wait3A_398] : memref<16x640xf32, #tpu.memory_space<vmem>> -> memref<1x640xf32, #tpu.memory_space<vmem>>
    %dma_wait3A_400 = tpu.memref_squeeze %dma_wait3A_399 : memref<1x640xf32, #tpu.memory_space<vmem>> -> memref<640xf32, #tpu.memory_space<vmem>>
    %dma_wait3A_401 = tpu.memref_slice %arg13[%dma_wait3A_391, %mul3A_2] : memref<16x10240xf32, #tpu.memory_space<vmem_shared>> -> memref<1x640xf32, #tpu.memory_space<vmem_shared>>
    %dma_wait3A_402 = tpu.memref_squeeze %dma_wait3A_401 : memref<1x640xf32, #tpu.memory_space<vmem_shared>> -> memref<640xf32, #tpu.memory_space<vmem_shared>>
    tpu.wait_dma2 semaphore(%arg15 : memref<!tpu.dma_semaphore, #tpu.memory_space<semaphore_mem>>) src(%dma_wait3A_402 : memref<640xf32, #tpu.memory_space<vmem_shared>>) dst(%dma_wait3A_400 : memref<640xf32, #tpu.memory_space<vmem>>)
    %dma_wait3A_403 = arith.constant 9 : i32
    %dma_wait3A_404 = arith.constant 9 : i32
    %dma_wait3A_405 = arith.constant 0 : i32
    %dma_wait3A_406 = tpu.memref_slice %arg11[%dma_wait3A_404, %dma_wait3A_405] : memref<16x640xf32, #tpu.memory_space<vmem>> -> memref<1x640xf32, #tpu.memory_space<vmem>>
    %dma_wait3A_407 = tpu.memref_squeeze %dma_wait3A_406 : memref<1x640xf32, #tpu.memory_space<vmem>> -> memref<640xf32, #tpu.memory_space<vmem>>
    %dma_wait3A_408 = tpu.memref_slice %arg13[%dma_wait3A_403, %mul3A_2] : memref<16x10240xf32, #tpu.memory_space<vmem_shared>> -> memref<1x640xf32, #tpu.memory_space<vmem_shared>>
    %dma_wait3A_409 = tpu.memref_squeeze %dma_wait3A_408 : memref<1x640xf32, #tpu.memory_space<vmem_shared>> -> memref<640xf32, #tpu.memory_space<vmem_shared>>
    %dma_wait3A_410 = arith.constant 0 : i32
    %dma_wait3A_411 = tpu.memref_slice %arg11[%dma_wait3A_404, %dma_wait3A_410] : memref<16x640xf32, #tpu.memory_space<vmem>> -> memref<1x640xf32, #tpu.memory_space<vmem>>
    %dma_wait3A_412 = tpu.memref_squeeze %dma_wait3A_411 : memref<1x640xf32, #tpu.memory_space<vmem>> -> memref<640xf32, #tpu.memory_space<vmem>>
    %dma_wait3A_413 = tpu.memref_slice %arg13[%dma_wait3A_403, %mul3A_2] : memref<16x10240xf32, #tpu.memory_space<vmem_shared>> -> memref<1x640xf32, #tpu.memory_space<vmem_shared>>
    %dma_wait3A_414 = tpu.memref_squeeze %dma_wait3A_413 : memref<1x640xf32, #tpu.memory_space<vmem_shared>> -> memref<640xf32, #tpu.memory_space<vmem_shared>>
    tpu.wait_dma2 semaphore(%arg15 : memref<!tpu.dma_semaphore, #tpu.memory_space<semaphore_mem>>) src(%dma_wait3A_414 : memref<640xf32, #tpu.memory_space<vmem_shared>>) dst(%dma_wait3A_412 : memref<640xf32, #tpu.memory_space<vmem>>)
    %dma_wait3A_415 = arith.constant 10 : i32
    %dma_wait3A_416 = arith.constant 10 : i32
    %dma_wait3A_417 = arith.constant 0 : i32
    %dma_wait3A_418 = tpu.memref_slice %arg11[%dma_wait3A_416, %dma_wait3A_417] : memref<16x640xf32, #tpu.memory_space<vmem>> -> memref<1x640xf32, #tpu.memory_space<vmem>>
    %dma_wait3A_419 = tpu.memref_squeeze %dma_wait3A_418 : memref<1x640xf32, #tpu.memory_space<vmem>> -> memref<640xf32, #tpu.memory_space<vmem>>
    %dma_wait3A_420 = tpu.memref_slice %arg13[%dma_wait3A_415, %mul3A_2] : memref<16x10240xf32, #tpu.memory_space<vmem_shared>> -> memref<1x640xf32, #tpu.memory_space<vmem_shared>>
    %dma_wait3A_421 = tpu.memref_squeeze %dma_wait3A_420 : memref<1x640xf32, #tpu.memory_space<vmem_shared>> -> memref<640xf32, #tpu.memory_space<vmem_shared>>
    %dma_wait3A_422 = arith.constant 0 : i32
    %dma_wait3A_423 = tpu.memref_slice %arg11[%dma_wait3A_416, %dma_wait3A_422] : memref<16x640xf32, #tpu.memory_space<vmem>> -> memref<1x640xf32, #tpu.memory_space<vmem>>
    %dma_wait3A_424 = tpu.memref_squeeze %dma_wait3A_423 : memref<1x640xf32, #tpu.memory_space<vmem>> -> memref<640xf32, #tpu.memory_space<vmem>>
    %dma_wait3A_425 = tpu.memref_slice %arg13[%dma_wait3A_415, %mul3A_2] : memref<16x10240xf32, #tpu.memory_space<vmem_shared>> -> memref<1x640xf32, #tpu.memory_space<vmem_shared>>
    %dma_wait3A_426 = tpu.memref_squeeze %dma_wait3A_425 : memref<1x640xf32, #tpu.memory_space<vmem_shared>> -> memref<640xf32, #tpu.memory_space<vmem_shared>>
    tpu.wait_dma2 semaphore(%arg15 : memref<!tpu.dma_semaphore, #tpu.memory_space<semaphore_mem>>) src(%dma_wait3A_426 : memref<640xf32, #tpu.memory_space<vmem_shared>>) dst(%dma_wait3A_424 : memref<640xf32, #tpu.memory_space<vmem>>)
    %dma_wait3A_427 = arith.constant 11 : i32
    %dma_wait3A_428 = arith.constant 11 : i32
    %dma_wait3A_429 = arith.constant 0 : i32
    %dma_wait3A_430 = tpu.memref_slice %arg11[%dma_wait3A_428, %dma_wait3A_429] : memref<16x640xf32, #tpu.memory_space<vmem>> -> memref<1x640xf32, #tpu.memory_space<vmem>>
    %dma_wait3A_431 = tpu.memref_squeeze %dma_wait3A_430 : memref<1x640xf32, #tpu.memory_space<vmem>> -> memref<640xf32, #tpu.memory_space<vmem>>
    %dma_wait3A_432 = tpu.memref_slice %arg13[%dma_wait3A_427, %mul3A_2] : memref<16x10240xf32, #tpu.memory_space<vmem_shared>> -> memref<1x640xf32, #tpu.memory_space<vmem_shared>>
    %dma_wait3A_433 = tpu.memref_squeeze %dma_wait3A_432 : memref<1x640xf32, #tpu.memory_space<vmem_shared>> -> memref<640xf32, #tpu.memory_space<vmem_shared>>
    %dma_wait3A_434 = arith.constant 0 : i32
    %dma_wait3A_435 = tpu.memref_slice %arg11[%dma_wait3A_428, %dma_wait3A_434] : memref<16x640xf32, #tpu.memory_space<vmem>> -> memref<1x640xf32, #tpu.memory_space<vmem>>
    %dma_wait3A_436 = tpu.memref_squeeze %dma_wait3A_435 : memref<1x640xf32, #tpu.memory_space<vmem>> -> memref<640xf32, #tpu.memory_space<vmem>>
    %dma_wait3A_437 = tpu.memref_slice %arg13[%dma_wait3A_427, %mul3A_2] : memref<16x10240xf32, #tpu.memory_space<vmem_shared>> -> memref<1x640xf32, #tpu.memory_space<vmem_shared>>
    %dma_wait3A_438 = tpu.memref_squeeze %dma_wait3A_437 : memref<1x640xf32, #tpu.memory_space<vmem_shared>> -> memref<640xf32, #tpu.memory_space<vmem_shared>>
    tpu.wait_dma2 semaphore(%arg15 : memref<!tpu.dma_semaphore, #tpu.memory_space<semaphore_mem>>) src(%dma_wait3A_438 : memref<640xf32, #tpu.memory_space<vmem_shared>>) dst(%dma_wait3A_436 : memref<640xf32, #tpu.memory_space<vmem>>)
    %dma_wait3A_439 = arith.constant 12 : i32
    %dma_wait3A_440 = arith.constant 12 : i32
    %dma_wait3A_441 = arith.constant 0 : i32
    %dma_wait3A_442 = tpu.memref_slice %arg11[%dma_wait3A_440, %dma_wait3A_441] : memref<16x640xf32, #tpu.memory_space<vmem>> -> memref<1x640xf32, #tpu.memory_space<vmem>>
    %dma_wait3A_443 = tpu.memref_squeeze %dma_wait3A_442 : memref<1x640xf32, #tpu.memory_space<vmem>> -> memref<640xf32, #tpu.memory_space<vmem>>
    %dma_wait3A_444 = tpu.memref_slice %arg13[%dma_wait3A_439, %mul3A_2] : memref<16x10240xf32, #tpu.memory_space<vmem_shared>> -> memref<1x640xf32, #tpu.memory_space<vmem_shared>>
    %dma_wait3A_445 = tpu.memref_squeeze %dma_wait3A_444 : memref<1x640xf32, #tpu.memory_space<vmem_shared>> -> memref<640xf32, #tpu.memory_space<vmem_shared>>
    %dma_wait3A_446 = arith.constant 0 : i32
    %dma_wait3A_447 = tpu.memref_slice %arg11[%dma_wait3A_440, %dma_wait3A_446] : memref<16x640xf32, #tpu.memory_space<vmem>> -> memref<1x640xf32, #tpu.memory_space<vmem>>
    %dma_wait3A_448 = tpu.memref_squeeze %dma_wait3A_447 : memref<1x640xf32, #tpu.memory_space<vmem>> -> memref<640xf32, #tpu.memory_space<vmem>>
    %dma_wait3A_449 = tpu.memref_slice %arg13[%dma_wait3A_439, %mul3A_2] : memref<16x10240xf32, #tpu.memory_space<vmem_shared>> -> memref<1x640xf32, #tpu.memory_space<vmem_shared>>
    %dma_wait3A_450 = tpu.memref_squeeze %dma_wait3A_449 : memref<1x640xf32, #tpu.memory_space<vmem_shared>> -> memref<640xf32, #tpu.memory_space<vmem_shared>>
    tpu.wait_dma2 semaphore(%arg15 : memref<!tpu.dma_semaphore, #tpu.memory_space<semaphore_mem>>) src(%dma_wait3A_450 : memref<640xf32, #tpu.memory_space<vmem_shared>>) dst(%dma_wait3A_448 : memref<640xf32, #tpu.memory_space<vmem>>)
    %dma_wait3A_451 = arith.constant 13 : i32
    %dma_wait3A_452 = arith.constant 13 : i32
    %dma_wait3A_453 = arith.constant 0 : i32
    %dma_wait3A_454 = tpu.memref_slice %arg11[%dma_wait3A_452, %dma_wait3A_453] : memref<16x640xf32, #tpu.memory_space<vmem>> -> memref<1x640xf32, #tpu.memory_space<vmem>>
    %dma_wait3A_455 = tpu.memref_squeeze %dma_wait3A_454 : memref<1x640xf32, #tpu.memory_space<vmem>> -> memref<640xf32, #tpu.memory_space<vmem>>
    %dma_wait3A_456 = tpu.memref_slice %arg13[%dma_wait3A_451, %mul3A_2] : memref<16x10240xf32, #tpu.memory_space<vmem_shared>> -> memref<1x640xf32, #tpu.memory_space<vmem_shared>>
    %dma_wait3A_457 = tpu.memref_squeeze %dma_wait3A_456 : memref<1x640xf32, #tpu.memory_space<vmem_shared>> -> memref<640xf32, #tpu.memory_space<vmem_shared>>
    %dma_wait3A_458 = arith.constant 0 : i32
    %dma_wait3A_459 = tpu.memref_slice %arg11[%dma_wait3A_452, %dma_wait3A_458] : memref<16x640xf32, #tpu.memory_space<vmem>> -> memref<1x640xf32, #tpu.memory_space<vmem>>
    %dma_wait3A_460 = tpu.memref_squeeze %dma_wait3A_459 : memref<1x640xf32, #tpu.memory_space<vmem>> -> memref<640xf32, #tpu.memory_space<vmem>>
    %dma_wait3A_461 = tpu.memref_slice %arg13[%dma_wait3A_451, %mul3A_2] : memref<16x10240xf32, #tpu.memory_space<vmem_shared>> -> memref<1x640xf32, #tpu.memory_space<vmem_shared>>
    %dma_wait3A_462 = tpu.memref_squeeze %dma_wait3A_461 : memref<1x640xf32, #tpu.memory_space<vmem_shared>> -> memref<640xf32, #tpu.memory_space<vmem_shared>>
    tpu.wait_dma2 semaphore(%arg15 : memref<!tpu.dma_semaphore, #tpu.memory_space<semaphore_mem>>) src(%dma_wait3A_462 : memref<640xf32, #tpu.memory_space<vmem_shared>>) dst(%dma_wait3A_460 : memref<640xf32, #tpu.memory_space<vmem>>)
    %dma_wait3A_463 = arith.constant 14 : i32
    %dma_wait3A_464 = arith.constant 14 : i32
    %dma_wait3A_465 = arith.constant 0 : i32
    %dma_wait3A_466 = tpu.memref_slice %arg11[%dma_wait3A_464, %dma_wait3A_465] : memref<16x640xf32, #tpu.memory_space<vmem>> -> memref<1x640xf32, #tpu.memory_space<vmem>>
    %dma_wait3A_467 = tpu.memref_squeeze %dma_wait3A_466 : memref<1x640xf32, #tpu.memory_space<vmem>> -> memref<640xf32, #tpu.memory_space<vmem>>
    %dma_wait3A_468 = tpu.memref_slice %arg13[%dma_wait3A_463, %mul3A_2] : memref<16x10240xf32, #tpu.memory_space<vmem_shared>> -> memref<1x640xf32, #tpu.memory_space<vmem_shared>>
    %dma_wait3A_469 = tpu.memref_squeeze %dma_wait3A_468 : memref<1x640xf32, #tpu.memory_space<vmem_shared>> -> memref<640xf32, #tpu.memory_space<vmem_shared>>
    %dma_wait3A_470 = arith.constant 0 : i32
    %dma_wait3A_471 = tpu.memref_slice %arg11[%dma_wait3A_464, %dma_wait3A_470] : memref<16x640xf32, #tpu.memory_space<vmem>> -> memref<1x640xf32, #tpu.memory_space<vmem>>
    %dma_wait3A_472 = tpu.memref_squeeze %dma_wait3A_471 : memref<1x640xf32, #tpu.memory_space<vmem>> -> memref<640xf32, #tpu.memory_space<vmem>>
    %dma_wait3A_473 = tpu.memref_slice %arg13[%dma_wait3A_463, %mul3A_2] : memref<16x10240xf32, #tpu.memory_space<vmem_shared>> -> memref<1x640xf32, #tpu.memory_space<vmem_shared>>
    %dma_wait3A_474 = tpu.memref_squeeze %dma_wait3A_473 : memref<1x640xf32, #tpu.memory_space<vmem_shared>> -> memref<640xf32, #tpu.memory_space<vmem_shared>>
    tpu.wait_dma2 semaphore(%arg15 : memref<!tpu.dma_semaphore, #tpu.memory_space<semaphore_mem>>) src(%dma_wait3A_474 : memref<640xf32, #tpu.memory_space<vmem_shared>>) dst(%dma_wait3A_472 : memref<640xf32, #tpu.memory_space<vmem>>)
    %dma_wait3A_475 = arith.constant 15 : i32
    %dma_wait3A_476 = arith.constant 15 : i32
    %dma_wait3A_477 = arith.constant 0 : i32
    %dma_wait3A_478 = tpu.memref_slice %arg11[%dma_wait3A_476, %dma_wait3A_477] : memref<16x640xf32, #tpu.memory_space<vmem>> -> memref<1x640xf32, #tpu.memory_space<vmem>>
    %dma_wait3A_479 = tpu.memref_squeeze %dma_wait3A_478 : memref<1x640xf32, #tpu.memory_space<vmem>> -> memref<640xf32, #tpu.memory_space<vmem>>
    %dma_wait3A_480 = tpu.memref_slice %arg13[%dma_wait3A_475, %mul3A_2] : memref<16x10240xf32, #tpu.memory_space<vmem_shared>> -> memref<1x640xf32, #tpu.memory_space<vmem_shared>>
    %dma_wait3A_481 = tpu.memref_squeeze %dma_wait3A_480 : memref<1x640xf32, #tpu.memory_space<vmem_shared>> -> memref<640xf32, #tpu.memory_space<vmem_shared>>
    %dma_wait3A_482 = arith.constant 0 : i32
    %dma_wait3A_483 = tpu.memref_slice %arg11[%dma_wait3A_476, %dma_wait3A_482] : memref<16x640xf32, #tpu.memory_space<vmem>> -> memref<1x640xf32, #tpu.memory_space<vmem>>
    %dma_wait3A_484 = tpu.memref_squeeze %dma_wait3A_483 : memref<1x640xf32, #tpu.memory_space<vmem>> -> memref<640xf32, #tpu.memory_space<vmem>>
    %dma_wait3A_485 = tpu.memref_slice %arg13[%dma_wait3A_475, %mul3A_2] : memref<16x10240xf32, #tpu.memory_space<vmem_shared>> -> memref<1x640xf32, #tpu.memory_space<vmem_shared>>
    %dma_wait3A_486 = tpu.memref_squeeze %dma_wait3A_485 : memref<1x640xf32, #tpu.memory_space<vmem_shared>> -> memref<640xf32, #tpu.memory_space<vmem_shared>>
    tpu.wait_dma2 semaphore(%arg15 : memref<!tpu.dma_semaphore, #tpu.memory_space<semaphore_mem>>) src(%dma_wait3A_486 : memref<640xf32, #tpu.memory_space<vmem_shared>>) dst(%dma_wait3A_484 : memref<640xf32, #tpu.memory_space<vmem>>)
    %scan3A_487 = arith.constant 0 : i32
    %scan3A_488 = arith.constant 0 : i32
    %scan3A_489 = arith.constant 40 : i32
    %scan3A_490 = arith.addi %scan3A_488, %scan3A_489 : i32
    %scan3A_491 = arith.constant 1 : i32
    %scan3A_492 = scf.for %scan3A_497 = %scan3A_488 to %scan3A_490 step %scan3A_491 iter_args(%scan3A_498 = %scan3A_487) -> (i32)  : i32 {
      %mul3A_499 = arith.constant 16 : i32
      %mul3A_500 = arith.muli %scan3A_497, %mul3A_499 : i32
      %get3A = arith.constant 0 : i32
      %get3A_501 = arith.index_cast %get3A : i32 to index
      %get3A_502 = arith.index_cast %mul3A_500 : i32 to index
      %get3A_503 = tpu.vector_load %arg11[%get3A_501, %get3A_502] {strides = array<i32>} : memref<16x640xf32, #tpu.memory_space<vmem>>, vector<16xf32>,
      %mul3A_504 = arith.constant 16 : i32
      %mul3A_505 = arith.muli %scan3A_497, %mul3A_504 : i32
      %get3A_506 = arith.constant 1 : i32
      %get3A_507 = arith.index_cast %get3A_506 : i32 to index
      %get3A_508 = arith.index_cast %mul3A_505 : i32 to index
      %get3A_509 = tpu.vector_load %arg11[%get3A_507, %get3A_508] {strides = array<i32>} : memref<16x640xf32, #tpu.memory_space<vmem>>, vector<16xf32>,
      %add3A_510 = arith.addf %get3A_503, %get3A_509 : vector<16xf32>
      %mul3A_511 = arith.constant 16 : i32
      %mul3A_512 = arith.muli %scan3A_497, %mul3A_511 : i32
      %get3A_513 = arith.constant 2 : i32
      %get3A_514 = arith.index_cast %get3A_513 : i32 to index
      %get3A_515 = arith.index_cast %mul3A_512 : i32 to index
      %get3A_516 = tpu.vector_load %arg11[%get3A_514, %get3A_515] {strides = array<i32>} : memref<16x640xf32, #tpu.memory_space<vmem>>, vector<16xf32>,
      %add3A_517 = arith.addf %add3A_510, %get3A_516 : vector<16xf32>
      %mul3A_518 = arith.constant 16 : i32
      %mul3A_519 = arith.muli %scan3A_497, %mul3A_518 : i32
      %get3A_520 = arith.constant 3 : i32
      %get3A_521 = arith.index_cast %get3A_520 : i32 to index
      %get3A_522 = arith.index_cast %mul3A_519 : i32 to index
      %get3A_523 = tpu.vector_load %arg11[%get3A_521, %get3A_522] {strides = array<i32>} : memref<16x640xf32, #tpu.memory_space<vmem>>, vector<16xf32>,
      %add3A_524 = arith.addf %add3A_517, %get3A_523 : vector<16xf32>
      %mul3A_525 = arith.constant 16 : i32
      %mul3A_526 = arith.muli %scan3A_497, %mul3A_525 : i32
      %get3A_527 = arith.constant 4 : i32
      %get3A_528 = arith.index_cast %get3A_527 : i32 to index
      %get3A_529 = arith.index_cast %mul3A_526 : i32 to index
      %get3A_530 = tpu.vector_load %arg11[%get3A_528, %get3A_529] {strides = array<i32>} : memref<16x640xf32, #tpu.memory_space<vmem>>, vector<16xf32>,
      %add3A_531 = arith.addf %add3A_524, %get3A_530 : vector<16xf32>
      %mul3A_532 = arith.constant 16 : i32
      %mul3A_533 = arith.muli %scan3A_497, %mul3A_532 : i32
      %get3A_534 = arith.constant 5 : i32
      %get3A_535 = arith.index_cast %get3A_534 : i32 to index
      %get3A_536 = arith.index_cast %mul3A_533 : i32 to index
      %get3A_537 = tpu.vector_load %arg11[%get3A_535, %get3A_536] {strides = array<i32>} : memref<16x640xf32, #tpu.memory_space<vmem>>, vector<16xf32>,
      %add3A_538 = arith.addf %add3A_531, %get3A_537 : vector<16xf32>
      %mul3A_539 = arith.constant 16 : i32
      %mul3A_540 = arith.muli %scan3A_497, %mul3A_539 : i32
      %get3A_541 = arith.constant 6 : i32
      %get3A_542 = arith.index_cast %get3A_541 : i32 to index
      %get3A_543 = arith.index_cast %mul3A_540 : i32 to index
      %get3A_544 = tpu.vector_load %arg11[%get3A_542, %get3A_543] {strides = array<i32>} : memref<16x640xf32, #tpu.memory_space<vmem>>, vector<16xf32>,
      %add3A_545 = arith.addf %add3A_538, %get3A_544 : vector<16xf32>
      %mul3A_546 = arith.constant 16 : i32
      %mul3A_547 = arith.muli %scan3A_497, %mul3A_546 : i32
      %get3A_548 = arith.constant 7 : i32
      %get3A_549 = arith.index_cast %get3A_548 : i32 to index
      %get3A_550 = arith.index_cast %mul3A_547 : i32 to index
      %get3A_551 = tpu.vector_load %arg11[%get3A_549, %get3A_550] {strides = array<i32>} : memref<16x640xf32, #tpu.memory_space<vmem>>, vector<16xf32>,
      %add3A_552 = arith.addf %add3A_545, %get3A_551 : vector<16xf32>
      %mul3A_553 = arith.constant 16 : i32
      %mul3A_554 = arith.muli %scan3A_497, %mul3A_553 : i32
      %get3A_555 = arith.constant 8 : i32
      %get3A_556 = arith.index_cast %get3A_555 : i32 to index
      %get3A_557 = arith.index_cast %mul3A_554 : i32 to index
      %get3A_558 = tpu.vector_load %arg11[%get3A_556, %get3A_557] {strides = array<i32>} : memref<16x640xf32, #tpu.memory_space<vmem>>, vector<16xf32>,
      %add3A_559 = arith.addf %add3A_552, %get3A_558 : vector<16xf32>
      %mul3A_560 = arith.constant 16 : i32
      %mul3A_561 = arith.muli %scan3A_497, %mul3A_560 : i32
      %get3A_562 = arith.constant 9 : i32
      %get3A_563 = arith.index_cast %get3A_562 : i32 to index
      %get3A_564 = arith.index_cast %mul3A_561 : i32 to index
      %get3A_565 = tpu.vector_load %arg11[%get3A_563, %get3A_564] {strides = array<i32>} : memref<16x640xf32, #tpu.memory_space<vmem>>, vector<16xf32>,
      %add3A_566 = arith.addf %add3A_559, %get3A_565 : vector<16xf32>
      %mul3A_567 = arith.constant 16 : i32
      %mul3A_568 = arith.muli %scan3A_497, %mul3A_567 : i32
      %get3A_569 = arith.constant 10 : i32
      %get3A_570 = arith.index_cast %get3A_569 : i32 to index
      %get3A_571 = arith.index_cast %mul3A_568 : i32 to index
      %get3A_572 = tpu.vector_load %arg11[%get3A_570, %get3A_571] {strides = array<i32>} : memref<16x640xf32, #tpu.memory_space<vmem>>, vector<16xf32>,
      %add3A_573 = arith.addf %add3A_566, %get3A_572 : vector<16xf32>
      %mul3A_574 = arith.constant 16 : i32
      %mul3A_575 = arith.muli %scan3A_497, %mul3A_574 : i32
      %get3A_576 = arith.constant 11 : i32
      %get3A_577 = arith.index_cast %get3A_576 : i32 to index
      %get3A_578 = arith.index_cast %mul3A_575 : i32 to index
      %get3A_579 = tpu.vector_load %arg11[%get3A_577, %get3A_578] {strides = array<i32>} : memref<16x640xf32, #tpu.memory_space<vmem>>, vector<16xf32>,
      %add3A_580 = arith.addf %add3A_573, %get3A_579 : vector<16xf32>
      %mul3A_581 = arith.constant 16 : i32
      %mul3A_582 = arith.muli %scan3A_497, %mul3A_581 : i32
      %get3A_583 = arith.constant 12 : i32
      %get3A_584 = arith.index_cast %get3A_583 : i32 to index
      %get3A_585 = arith.index_cast %mul3A_582 : i32 to index
      %get3A_586 = tpu.vector_load %arg11[%get3A_584, %get3A_585] {strides = array<i32>} : memref<16x640xf32, #tpu.memory_space<vmem>>, vector<16xf32>,
      %add3A_587 = arith.addf %add3A_580, %get3A_586 : vector<16xf32>
      %mul3A_588 = arith.constant 16 : i32
      %mul3A_589 = arith.muli %scan3A_497, %mul3A_588 : i32
      %get3A_590 = arith.constant 13 : i32
      %get3A_591 = arith.index_cast %get3A_590 : i32 to index
      %get3A_592 = arith.index_cast %mul3A_589 : i32 to index
      %get3A_593 = tpu.vector_load %arg11[%get3A_591, %get3A_592] {strides = array<i32>} : memref<16x640xf32, #tpu.memory_space<vmem>>, vector<16xf32>,
      %add3A_594 = arith.addf %add3A_587, %get3A_593 : vector<16xf32>
      %mul3A_595 = arith.constant 16 : i32
      %mul3A_596 = arith.muli %scan3A_497, %mul3A_595 : i32
      %get3A_597 = arith.constant 14 : i32
      %get3A_598 = arith.index_cast %get3A_597 : i32 to index
      %get3A_599 = arith.index_cast %mul3A_596 : i32 to index
      %get3A_600 = tpu.vector_load %arg11[%get3A_598, %get3A_599] {strides = array<i32>} : memref<16x640xf32, #tpu.memory_space<vmem>>, vector<16xf32>,
      %add3A_601 = arith.addf %add3A_594, %get3A_600 : vector<16xf32>
      %mul3A_602 = arith.constant 16 : i32
      %mul3A_603 = arith.muli %scan3A_497, %mul3A_602 : i32
      %get3A_604 = arith.constant 15 : i32
      %get3A_605 = arith.index_cast %get3A_604 : i32 to index
      %get3A_606 = arith.index_cast %mul3A_603 : i32 to index
      %get3A_607 = tpu.vector_load %arg11[%get3A_605, %get3A_606] {strides = array<i32>} : memref<16x640xf32, #tpu.memory_space<vmem>>, vector<16xf32>,
      %add3A_608 = arith.addf %add3A_601, %get3A_607 : vector<16xf32>
      %mul3A_609 = arith.constant 16 : i32
      %mul3A_610 = arith.muli %scan3A_497, %mul3A_609 : i32
      %swap3A = arith.index_cast %mul3A_610 : i32 to index
      %swap3A_611 = tpu.vector_load %arg10[%swap3A] {strides = array<i32>} : memref<10240xf32, #tpu.memory_space<vmem>>, vector<16xf32>,
      tpu.vector_store %arg10[%swap3A], %add3A_608 {strides = array<i32>} : memref<10240xf32, #tpu.memory_space<vmem>>, vector<16xf32>,
      %scan3A_612 = arith.constant 0 : i32
      scf.yield %scan3A_612 : i32
    }
    %scan3A_493 = arith.constant 40 : i32
    %mul3A_494 = arith.constant 10240 : i32
    %mul3A_495 = arith.muli %arg0, %mul3A_494 : i32
    %add3A_496 = arith.addi %mul3A_495, %mul3A_2 : i32
    "tpu.region"() ({
      %run_scoped3A = tpu.sem_alloc : memref<!tpu.dma_semaphore, #tpu.memory_space<semaphore_mem>>
      %dma_start3A_497 = arith.constant 0 : i32
      %dma_start3A_498 = tpu.memref_slice %arg10[%dma_start3A_497] : memref<10240xf32, #tpu.memory_space<vmem>> -> memref<640xf32, #tpu.memory_space<vmem>>
      %dma_start3A_499 = tpu.memref_slice %arg5[%add3A_496] : memref<20480xf32, #tpu.memory_space<hbm>> -> memref<640xf32, #tpu.memory_space<hbm>>
      %dma_start3A_500 = tpu.memref_slice %arg5[%add3A_496] : memref<20480xf32, #tpu.memory_space<hbm>> -> memref<640xf32, #tpu.memory_space<hbm>>
      %dma_start3A_501 = arith.constant 0 : i32
      %dma_start3A_502 = tpu.memref_slice %arg10[%dma_start3A_501] : memref<10240xf32, #tpu.memory_space<vmem>> -> memref<640xf32, #tpu.memory_space<vmem>>
      tpu.enqueue_dma source(%dma_start3A_502 : memref<640xf32, #tpu.memory_space<vmem>>) target(%dma_start3A_500 : memref<640xf32, #tpu.memory_space<hbm>>) target_semaphore(%run_scoped3A : memref<!tpu.dma_semaphore, #tpu.memory_space<semaphore_mem>>)
      %dma_wait3A_503 = arith.constant 0 : i32
      %dma_wait3A_504 = tpu.memref_slice %arg10[%dma_wait3A_503] : memref<10240xf32, #tpu.memory_space<vmem>> -> memref<640xf32, #tpu.memory_space<vmem>>
      %dma_wait3A_505 = tpu.memref_slice %arg5[%add3A_496] : memref<20480xf32, #tpu.memory_space<hbm>> -> memref<640xf32, #tpu.memory_space<hbm>>
      %dma_wait3A_506 = tpu.memref_slice %arg5[%add3A_496] : memref<20480xf32, #tpu.memory_space<hbm>> -> memref<640xf32, #tpu.memory_space<hbm>>
      %dma_wait3A_507 = arith.constant 0 : i32
      %dma_wait3A_508 = tpu.memref_slice %arg10[%dma_wait3A_507] : memref<10240xf32, #tpu.memory_space<vmem>> -> memref<640xf32, #tpu.memory_space<vmem>>
      tpu.wait_dma2 semaphore(%run_scoped3A : memref<!tpu.dma_semaphore, #tpu.memory_space<semaphore_mem>>) src(%dma_wait3A_508 : memref<640xf32, #tpu.memory_space<vmem>>) dst(%dma_wait3A_506 : memref<640xf32, #tpu.memory_space<hbm>>)
      tpu.yield
    }) : () -> ()
    "tpu.region"() ({
      %run_scoped3A = tpu.sem_alloc : memref<!tpu.dma_semaphore, #tpu.memory_space<semaphore_mem>>
      %dma_start3A_497 = arith.constant 0 : i32
      %dma_start3A_498 = tpu.memref_slice %arg4[%add3A_496, %dma_start3A_497] : memref<20480x16xf32, #tpu.memory_space<hbm>> -> memref<640x16xf32, #tpu.memory_space<hbm>>
      %dma_start3A_499 = arith.constant 0 : i32
      %dma_start3A_500 = tpu.memref_slice %arg12[%mul3A_2, %dma_start3A_499] : memref<10240x16xf32, #tpu.memory_space<vmem_shared>> -> memref<640x16xf32, #tpu.memory_space<vmem_shared>>
      tpu.enqueue_dma source(%dma_start3A_500 : memref<640x16xf32, #tpu.memory_space<vmem_shared>>) target(%dma_start3A_498 : memref<640x16xf32, #tpu.memory_space<hbm>>) target_semaphore(%run_scoped3A : memref<!tpu.dma_semaphore, #tpu.memory_space<semaphore_mem>>)
      %dma_wait3A_501 = arith.constant 0 : i32
      %dma_wait3A_502 = tpu.memref_slice %arg4[%add3A_496, %dma_wait3A_501] : memref<20480x16xf32, #tpu.memory_space<hbm>> -> memref<640x16xf32, #tpu.memory_space<hbm>>
      %dma_wait3A_503 = arith.constant 0 : i32
      %dma_wait3A_504 = tpu.memref_slice %arg12[%mul3A_2, %dma_wait3A_503] : memref<10240x16xf32, #tpu.memory_space<vmem_shared>> -> memref<640x16xf32, #tpu.memory_space<vmem_shared>>
      tpu.wait_dma2 semaphore(%run_scoped3A : memref<!tpu.dma_semaphore, #tpu.memory_space<semaphore_mem>>) src(%dma_wait3A_504 : memref<640x16xf32, #tpu.memory_space<vmem_shared>>) dst(%dma_wait3A_502 : memref<640x16xf32, #tpu.memory_space<hbm>>)
      tpu.yield
    }) : () -> ()
    return
  }
}

#map = affine_map<(d0, d1) -> (0, 0)>
#map1 = affine_map<(d0, d1) -> (0)>
module attributes {stable_mosaic.version = 14 : i64} {
  func.func @_sc_l2_body(%arg0: i32, %arg1: i32, %arg2: memref<20480x16xf32, #tpu.memory_space<hbm>>, %arg3: memref<20480xf32, #tpu.memory_space<hbm>>, %arg4: memref<2x320000xi32, #tpu.memory_space<hbm>>, %arg5: memref<1x16xf32, #tpu.memory_space<hbm>>, %arg6: memref<20480x16xf32, #tpu.memory_space<hbm>>, %arg7: memref<10240xi32, #tpu.memory_space<vmem>>, %arg8: memref<10240xi32, #tpu.memory_space<vmem>>, %arg9: memref<4x512x16xf32, #tpu.memory_space<vmem>>, %arg10: memref<640x16xf32, #tpu.memory_space<vmem>>, %arg11: memref<640x16xf32, #tpu.memory_space<vmem>>, %arg12: memref<640x16xf32, #tpu.memory_space<vmem>>, %arg13: memref<640xf32, #tpu.memory_space<vmem>>, %arg14: memref<640xf32, #tpu.memory_space<vmem>>, %arg15: memref<1x16xf32, #tpu.memory_space<vmem>>, %arg16: memref<10240x16xf32, #tpu.memory_space<vmem_shared>>, %arg17: memref<10240x16xf32, #tpu.memory_space<vmem_shared>>, %arg18: memref<!tpu.dma_semaphore, #tpu.memory_space<semaphore_mem>>, %arg19: memref<!tpu.dma_semaphore, #tpu.memory_space<semaphore_mem>>, %arg20: memref<!tpu.dma_semaphore, #tpu.memory_space<semaphore_mem>>, %arg21: memref<!tpu.dma_semaphore, #tpu.memory_space<semaphore_mem>>, %arg22: memref<!tpu.dma_semaphore, #tpu.memory_space<semaphore_mem>>, %arg23: memref<!tpu.dma_semaphore, #tpu.memory_space<semaphore_mem>>, %arg24: memref<!tpu.dma_semaphore, #tpu.memory_space<semaphore_mem>>, %arg25: memref<!tpu.dma_semaphore, #tpu.memory_space<semaphore_mem>>, %arg26: memref<!tpu.dma_semaphore, #tpu.memory_space<semaphore_mem>>, %arg27: memref<!tpu.dma_semaphore, #tpu.memory_space<semaphore_mem>>) attributes {dimension_semantics = [#tpu.dimension_semantics<core_parallel>, #tpu.dimension_semantics<subcore_parallel>], iteration_bounds = array<i64: 2, 16>, scalar_prefetch = 0 : i64, scratch_operands = 21 : i64, tpu.core_type = #tpu.core_type<sc_vector_subcore>, window_params = [{transform_indices = #map}, {transform_indices = #map1}, {transform_indices = #map}, {transform_indices = #map}, {transform_indices = #map}]} {
    %mul3A = arith.constant 2 : i32
    %mul3A_0 = arith.muli %arg1, %mul3A : i32
    %add3A = arith.addi %mul3A_0, %arg0 : i32
    %mul3A_1 = arith.constant 640 : i32
    %mul3A_2 = arith.muli %arg1, %mul3A_1 : i32
    %lt3A = arith.constant 17 : i32
    %lt3A_3 = arith.cmpi slt, %add3A, %lt3A : i32
    %convert_element_type3A = arith.extui %lt3A_3 : i1 to i32
    %add3A_4 = arith.constant 19 : i32
    %add3A_5 = arith.addi %add3A_4, %convert_element_type3A : i32
    %mul3A_6 = arith.constant 19 : i32
    %mul3A_7 = arith.muli %add3A, %mul3A_6 : i32
    %min3A = arith.constant 17 : i32
    %min3A_8 = arith.minsi %add3A, %min3A : i32
    %add3A_9 = arith.addi %mul3A_7, %min3A_8 : i32
    %mul3A_10 = arith.constant 512 : i32
    %mul3A_11 = arith.muli %add3A_9, %mul3A_10 : i32
    %dma_start3A = arith.constant 0 : i32
    %dma_start3A_12 = arith.constant 0 : i32
    %dma_start3A_13 = tpu.memref_slice %arg7[%dma_start3A_12] : memref<10240xi32, #tpu.memory_space<vmem>> -> memref<9728xi32, #tpu.memory_space<vmem>>
    %dma_start3A_14 = tpu.memref_slice %arg4[%dma_start3A, %mul3A_11] : memref<2x320000xi32, #tpu.memory_space<hbm>> -> memref<1x9728xi32, #tpu.memory_space<hbm>>
    %dma_start3A_15 = tpu.memref_squeeze %dma_start3A_14 : memref<1x9728xi32, #tpu.memory_space<hbm>> -> memref<9728xi32, #tpu.memory_space<hbm>>
    %dma_start3A_16 = arith.constant 0 : i32
    %dma_start3A_17 = tpu.memref_slice %arg7[%dma_start3A_16] : memref<10240xi32, #tpu.memory_space<vmem>> -> memref<9728xi32, #tpu.memory_space<vmem>>
    %dma_start3A_18 = tpu.memref_slice %arg4[%dma_start3A, %mul3A_11] : memref<2x320000xi32, #tpu.memory_space<hbm>> -> memref<1x9728xi32, #tpu.memory_space<hbm>>
    %dma_start3A_19 = tpu.memref_squeeze %dma_start3A_18 : memref<1x9728xi32, #tpu.memory_space<hbm>> -> memref<9728xi32, #tpu.memory_space<hbm>>
    tpu.enqueue_dma source(%dma_start3A_19 : memref<9728xi32, #tpu.memory_space<hbm>>) target(%dma_start3A_17 : memref<9728xi32, #tpu.memory_space<vmem>>) target_semaphore(%arg18 : memref<!tpu.dma_semaphore, #tpu.memory_space<semaphore_mem>>)
    %mul3A_20 = arith.constant 512 : i32
    %mul3A_21 = arith.muli %add3A_9, %mul3A_20 : i32
    %dma_start3A_22 = arith.constant 1 : i32
    %dma_start3A_23 = arith.constant 0 : i32
    %dma_start3A_24 = tpu.memref_slice %arg8[%dma_start3A_23] : memref<10240xi32, #tpu.memory_space<vmem>> -> memref<9728xi32, #tpu.memory_space<vmem>>
    %dma_start3A_25 = tpu.memref_slice %arg4[%dma_start3A_22, %mul3A_21] : memref<2x320000xi32, #tpu.memory_space<hbm>> -> memref<1x9728xi32, #tpu.memory_space<hbm>>
    %dma_start3A_26 = tpu.memref_squeeze %dma_start3A_25 : memref<1x9728xi32, #tpu.memory_space<hbm>> -> memref<9728xi32, #tpu.memory_space<hbm>>
    %dma_start3A_27 = arith.constant 0 : i32
    %dma_start3A_28 = tpu.memref_slice %arg8[%dma_start3A_27] : memref<10240xi32, #tpu.memory_space<vmem>> -> memref<9728xi32, #tpu.memory_space<vmem>>
    %dma_start3A_29 = tpu.memref_slice %arg4[%dma_start3A_22, %mul3A_21] : memref<2x320000xi32, #tpu.memory_space<hbm>> -> memref<1x9728xi32, #tpu.memory_space<hbm>>
    %dma_start3A_30 = tpu.memref_squeeze %dma_start3A_29 : memref<1x9728xi32, #tpu.memory_space<hbm>> -> memref<9728xi32, #tpu.memory_space<hbm>>
    tpu.enqueue_dma source(%dma_start3A_30 : memref<9728xi32, #tpu.memory_space<hbm>>) target(%dma_start3A_28 : memref<9728xi32, #tpu.memory_space<vmem>>) target_semaphore(%arg18 : memref<!tpu.dma_semaphore, #tpu.memory_space<semaphore_mem>>)
    %lt3A_31 = arith.constant 17 : i32
    %lt3A_32 = arith.cmpi slt, %add3A, %lt3A_31 : i32
    %convert_element_type3A_33 = arith.extui %lt3A_32 : i1 to i32
    %cond3A = arith.constant 0 : i32
    %cond3A_34 = arith.cmpi ne, %convert_element_type3A_33, %cond3A : i32
    scf.if %cond3A_34 {
      %add3A_144 = arith.constant 19 : i32
      %add3A_145 = arith.addi %add3A_9, %add3A_144 : i32
      %mul3A_146 = arith.constant 512 : i32
      %mul3A_147 = arith.muli %add3A_145, %mul3A_146 : i32
      %dma_start3A_148 = arith.constant 0 : i32
      %dma_start3A_149 = arith.constant 9728 : i32
      %dma_start3A_150 = tpu.memref_slice %arg7[%dma_start3A_149] : memref<10240xi32, #tpu.memory_space<vmem>> -> memref<512xi32, #tpu.memory_space<vmem>>
      %dma_start3A_151 = tpu.memref_slice %arg4[%dma_start3A_148, %mul3A_147] : memref<2x320000xi32, #tpu.memory_space<hbm>> -> memref<1x512xi32, #tpu.memory_space<hbm>>
      %dma_start3A_152 = tpu.memref_squeeze %dma_start3A_151 : memref<1x512xi32, #tpu.memory_space<hbm>> -> memref<512xi32, #tpu.memory_space<hbm>>
      %dma_start3A_153 = arith.constant 9728 : i32
      %dma_start3A_154 = tpu.memref_slice %arg7[%dma_start3A_153] : memref<10240xi32, #tpu.memory_space<vmem>> -> memref<512xi32, #tpu.memory_space<vmem>>
      %dma_start3A_155 = tpu.memref_slice %arg4[%dma_start3A_148, %mul3A_147] : memref<2x320000xi32, #tpu.memory_space<hbm>> -> memref<1x512xi32, #tpu.memory_space<hbm>>
      %dma_start3A_156 = tpu.memref_squeeze %dma_start3A_155 : memref<1x512xi32, #tpu.memory_space<hbm>> -> memref<512xi32, #tpu.memory_space<hbm>>
      tpu.enqueue_dma source(%dma_start3A_156 : memref<512xi32, #tpu.memory_space<hbm>>) target(%dma_start3A_154 : memref<512xi32, #tpu.memory_space<vmem>>) target_semaphore(%arg18 : memref<!tpu.dma_semaphore, #tpu.memory_space<semaphore_mem>>)
      %add3A_157 = arith.constant 19 : i32
      %add3A_158 = arith.addi %add3A_9, %add3A_157 : i32
      %mul3A_159 = arith.constant 512 : i32
      %mul3A_160 = arith.muli %add3A_158, %mul3A_159 : i32
      %dma_start3A_161 = arith.constant 1 : i32
      %dma_start3A_162 = arith.constant 9728 : i32
      %dma_start3A_163 = tpu.memref_slice %arg8[%dma_start3A_162] : memref<10240xi32, #tpu.memory_space<vmem>> -> memref<512xi32, #tpu.memory_space<vmem>>
      %dma_start3A_164 = tpu.memref_slice %arg4[%dma_start3A_161, %mul3A_160] : memref<2x320000xi32, #tpu.memory_space<hbm>> -> memref<1x512xi32, #tpu.memory_space<hbm>>
      %dma_start3A_165 = tpu.memref_squeeze %dma_start3A_164 : memref<1x512xi32, #tpu.memory_space<hbm>> -> memref<512xi32, #tpu.memory_space<hbm>>
      %dma_start3A_166 = arith.constant 9728 : i32
      %dma_start3A_167 = tpu.memref_slice %arg8[%dma_start3A_166] : memref<10240xi32, #tpu.memory_space<vmem>> -> memref<512xi32, #tpu.memory_space<vmem>>
      %dma_start3A_168 = tpu.memref_slice %arg4[%dma_start3A_161, %mul3A_160] : memref<2x320000xi32, #tpu.memory_space<hbm>> -> memref<1x512xi32, #tpu.memory_space<hbm>>
      %dma_start3A_169 = tpu.memref_squeeze %dma_start3A_168 : memref<1x512xi32, #tpu.memory_space<hbm>> -> memref<512xi32, #tpu.memory_space<hbm>>
      tpu.enqueue_dma source(%dma_start3A_169 : memref<512xi32, #tpu.memory_space<hbm>>) target(%dma_start3A_167 : memref<512xi32, #tpu.memory_space<vmem>>) target_semaphore(%arg18 : memref<!tpu.dma_semaphore, #tpu.memory_space<semaphore_mem>>)
    } else {
    }
    %dma_start3A_35 = arith.constant 0 : i32
    %dma_start3A_36 = tpu.memref_slice %arg2[%mul3A_2, %dma_start3A_35] : memref<20480x16xf32, #tpu.memory_space<hbm>> -> memref<640x16xf32, #tpu.memory_space<hbm>>
    %dma_start3A_37 = arith.constant 0 : i32
    %dma_start3A_38 = tpu.memref_slice %arg2[%mul3A_2, %dma_start3A_37] : memref<20480x16xf32, #tpu.memory_space<hbm>> -> memref<640x16xf32, #tpu.memory_space<hbm>>
    tpu.enqueue_dma source(%dma_start3A_38 : memref<640x16xf32, #tpu.memory_space<hbm>>) target(%arg11 : memref<640x16xf32, #tpu.memory_space<vmem>>) target_semaphore(%arg19 : memref<!tpu.dma_semaphore, #tpu.memory_space<semaphore_mem>>)
    %add3A_39 = arith.constant 10240 : i32
    %add3A_40 = arith.addi %add3A_39, %mul3A_2 : i32
    %dma_start3A_41 = arith.constant 0 : i32
    %dma_start3A_42 = tpu.memref_slice %arg2[%add3A_40, %dma_start3A_41] : memref<20480x16xf32, #tpu.memory_space<hbm>> -> memref<640x16xf32, #tpu.memory_space<hbm>>
    %dma_start3A_43 = arith.constant 0 : i32
    %dma_start3A_44 = tpu.memref_slice %arg2[%add3A_40, %dma_start3A_43] : memref<20480x16xf32, #tpu.memory_space<hbm>> -> memref<640x16xf32, #tpu.memory_space<hbm>>
    tpu.enqueue_dma source(%dma_start3A_44 : memref<640x16xf32, #tpu.memory_space<hbm>>) target(%arg12 : memref<640x16xf32, #tpu.memory_space<vmem>>) target_semaphore(%arg19 : memref<!tpu.dma_semaphore, #tpu.memory_space<semaphore_mem>>)
    %dma_start3A_45 = tpu.memref_slice %arg3[%mul3A_2] : memref<20480xf32, #tpu.memory_space<hbm>> -> memref<640xf32, #tpu.memory_space<hbm>>
    %dma_start3A_46 = tpu.memref_slice %arg3[%mul3A_2] : memref<20480xf32, #tpu.memory_space<hbm>> -> memref<640xf32, #tpu.memory_space<hbm>>
    tpu.enqueue_dma source(%dma_start3A_46 : memref<640xf32, #tpu.memory_space<hbm>>) target(%arg13 : memref<640xf32, #tpu.memory_space<vmem>>) target_semaphore(%arg19 : memref<!tpu.dma_semaphore, #tpu.memory_space<semaphore_mem>>)
    %add3A_47 = arith.constant 10240 : i32
    %add3A_48 = arith.addi %add3A_47, %mul3A_2 : i32
    %dma_start3A_49 = tpu.memref_slice %arg3[%add3A_48] : memref<20480xf32, #tpu.memory_space<hbm>> -> memref<640xf32, #tpu.memory_space<hbm>>
    %dma_start3A_50 = tpu.memref_slice %arg3[%add3A_48] : memref<20480xf32, #tpu.memory_space<hbm>> -> memref<640xf32, #tpu.memory_space<hbm>>
    tpu.enqueue_dma source(%dma_start3A_50 : memref<640xf32, #tpu.memory_space<hbm>>) target(%arg14 : memref<640xf32, #tpu.memory_space<vmem>>) target_semaphore(%arg19 : memref<!tpu.dma_semaphore, #tpu.memory_space<semaphore_mem>>)
    tpu.enqueue_dma source(%arg5 : memref<1x16xf32, #tpu.memory_space<hbm>>) target(%arg15 : memref<1x16xf32, #tpu.memory_space<vmem>>) target_semaphore(%arg19 : memref<!tpu.dma_semaphore, #tpu.memory_space<semaphore_mem>>)
    %scan3A = arith.constant 0 : i32
    %scan3A_51 = arith.constant 0 : i32
    %scan3A_52 = arith.constant 640 : i32
    %scan3A_53 = arith.addi %scan3A_51, %scan3A_52 : i32
    %scan3A_54 = arith.constant 1 : i32
    %scan3A_55 = scf.for %scan3A_144 = %scan3A_51 to %scan3A_53 step %scan3A_54 iter_args(%scan3A_145 = %scan3A) -> (i32)  : i32 {
      %broadcast_in_dim3A_146 = arith.constant 0.000000e+00 : f32
      %broadcast_in_dim3A_147 = vector.broadcast %broadcast_in_dim3A_146 : f32 to vector<16xf32>
      %swap3A = arith.index_cast %scan3A_144 : i32 to index
      %swap3A_148 = arith.constant 0 : index
      %swap3A_149 = tpu.vector_load %arg10[%swap3A, %swap3A_148] {strides = array<i32>} : memref<640x16xf32, #tpu.memory_space<vmem>>, vector<16xf32>,
      tpu.vector_store %arg10[%swap3A, %swap3A_148], %broadcast_in_dim3A_147 {strides = array<i32>} : memref<640x16xf32, #tpu.memory_space<vmem>>, vector<16xf32>,
      %scan3A_150 = arith.constant 0 : i32
      scf.yield %scan3A_150 : i32
    }
    %scan3A_56 = arith.constant 640 : i32
    "tpu.region"() ({
      %run_scoped3A = tpu.sem_alloc : memref<!tpu.dma_semaphore, #tpu.memory_space<semaphore_mem>>
      %dma_start3A_144 = arith.constant 0 : i32
      %dma_start3A_145 = tpu.memref_slice %arg17[%mul3A_2, %dma_start3A_144] : memref<10240x16xf32, #tpu.memory_space<vmem_shared>> -> memref<640x16xf32, #tpu.memory_space<vmem_shared>>
      %dma_start3A_146 = arith.constant 0 : i32
      %dma_start3A_147 = tpu.memref_slice %arg17[%mul3A_2, %dma_start3A_146] : memref<10240x16xf32, #tpu.memory_space<vmem_shared>> -> memref<640x16xf32, #tpu.memory_space<vmem_shared>>
      tpu.enqueue_dma source(%arg10 : memref<640x16xf32, #tpu.memory_space<vmem>>) target(%dma_start3A_147 : memref<640x16xf32, #tpu.memory_space<vmem_shared>>) target_semaphore(%run_scoped3A : memref<!tpu.dma_semaphore, #tpu.memory_space<semaphore_mem>>)
      %dma_wait3A_148 = arith.constant 0 : i32
      %dma_wait3A_149 = tpu.memref_slice %arg17[%mul3A_2, %dma_wait3A_148] : memref<10240x16xf32, #tpu.memory_space<vmem_shared>> -> memref<640x16xf32, #tpu.memory_space<vmem_shared>>
      %dma_wait3A_150 = arith.constant 0 : i32
      %dma_wait3A_151 = tpu.memref_slice %arg17[%mul3A_2, %dma_wait3A_150] : memref<10240x16xf32, #tpu.memory_space<vmem_shared>> -> memref<640x16xf32, #tpu.memory_space<vmem_shared>>
      tpu.wait_dma2 semaphore(%run_scoped3A : memref<!tpu.dma_semaphore, #tpu.memory_space<semaphore_mem>>) src(%arg10 : memref<640x16xf32, #tpu.memory_space<vmem>>) dst(%dma_wait3A_151 : memref<640x16xf32, #tpu.memory_space<vmem_shared>>)
      tpu.yield
    }) : () -> ()
    %dma_wait3A = arith.constant 0 : i32
    %dma_wait3A_57 = tpu.memref_slice %arg2[%mul3A_2, %dma_wait3A] : memref<20480x16xf32, #tpu.memory_space<hbm>> -> memref<640x16xf32, #tpu.memory_space<hbm>>
    %dma_wait3A_58 = arith.constant 0 : i32
    %dma_wait3A_59 = tpu.memref_slice %arg2[%mul3A_2, %dma_wait3A_58] : memref<20480x16xf32, #tpu.memory_space<hbm>> -> memref<640x16xf32, #tpu.memory_space<hbm>>
    tpu.wait_dma2 semaphore(%arg19 : memref<!tpu.dma_semaphore, #tpu.memory_space<semaphore_mem>>) src(%dma_wait3A_59 : memref<640x16xf32, #tpu.memory_space<hbm>>) dst(%arg11 : memref<640x16xf32, #tpu.memory_space<vmem>>)
    %dma_wait3A_60 = arith.constant 0 : i32
    %dma_wait3A_61 = tpu.memref_slice %arg2[%mul3A_2, %dma_wait3A_60] : memref<20480x16xf32, #tpu.memory_space<hbm>> -> memref<640x16xf32, #tpu.memory_space<hbm>>
    %dma_wait3A_62 = arith.constant 0 : i32
    %dma_wait3A_63 = tpu.memref_slice %arg2[%mul3A_2, %dma_wait3A_62] : memref<20480x16xf32, #tpu.memory_space<hbm>> -> memref<640x16xf32, #tpu.memory_space<hbm>>
    tpu.wait_dma2 semaphore(%arg19 : memref<!tpu.dma_semaphore, #tpu.memory_space<semaphore_mem>>) src(%dma_wait3A_63 : memref<640x16xf32, #tpu.memory_space<hbm>>) dst(%arg12 : memref<640x16xf32, #tpu.memory_space<vmem>>)
    %dma_wait3A_64 = tpu.memref_slice %arg3[%mul3A_2] : memref<20480xf32, #tpu.memory_space<hbm>> -> memref<640xf32, #tpu.memory_space<hbm>>
    %dma_wait3A_65 = tpu.memref_slice %arg3[%mul3A_2] : memref<20480xf32, #tpu.memory_space<hbm>> -> memref<640xf32, #tpu.memory_space<hbm>>
    tpu.wait_dma2 semaphore(%arg19 : memref<!tpu.dma_semaphore, #tpu.memory_space<semaphore_mem>>) src(%dma_wait3A_65 : memref<640xf32, #tpu.memory_space<hbm>>) dst(%arg13 : memref<640xf32, #tpu.memory_space<vmem>>)
    %dma_wait3A_66 = tpu.memref_slice %arg3[%mul3A_2] : memref<20480xf32, #tpu.memory_space<hbm>> -> memref<640xf32, #tpu.memory_space<hbm>>
    %dma_wait3A_67 = tpu.memref_slice %arg3[%mul3A_2] : memref<20480xf32, #tpu.memory_space<hbm>> -> memref<640xf32, #tpu.memory_space<hbm>>
    tpu.wait_dma2 semaphore(%arg19 : memref<!tpu.dma_semaphore, #tpu.memory_space<semaphore_mem>>) src(%dma_wait3A_67 : memref<640xf32, #tpu.memory_space<hbm>>) dst(%arg14 : memref<640xf32, #tpu.memory_space<vmem>>)
    tpu.wait_dma2 semaphore(%arg19 : memref<!tpu.dma_semaphore, #tpu.memory_space<semaphore_mem>>) src(%arg5 : memref<1x16xf32, #tpu.memory_space<hbm>>) dst(%arg15 : memref<1x16xf32, #tpu.memory_space<vmem>>)
    %get3A = arith.constant 0 : i32
    %get3A_68 = arith.index_cast %get3A : i32 to index
    %get3A_69 = arith.constant 0 : index
    %get3A_70 = tpu.vector_load %arg15[%get3A_68, %get3A_69] {strides = array<i32>} : memref<1x16xf32, #tpu.memory_space<vmem>>, vector<16xf32>,
    %scan3A_71 = arith.constant 0 : i32
    %scan3A_72 = arith.constant 0 : i32
    %scan3A_73 = arith.constant 40 : i32
    %scan3A_74 = arith.addi %scan3A_72, %scan3A_73 : i32
    %scan3A_75 = arith.constant 1 : i32
    %scan3A_76 = scf.for %scan3A_144 = %scan3A_72 to %scan3A_74 step %scan3A_75 iter_args(%scan3A_145 = %scan3A_71) -> (i32)  : i32 {
      %mul3A_146 = arith.constant 16 : i32
      %mul3A_147 = arith.muli %scan3A_144, %mul3A_146 : i32
      %get3A_148 = arith.index_cast %mul3A_147 : i32 to index
      %get3A_149 = tpu.vector_load %arg13[%get3A_148] {strides = array<i32>} : memref<640xf32, #tpu.memory_space<vmem>>, vector<16xf32>,
      %mul3A_150 = arith.constant 16 : i32
      %mul3A_151 = arith.muli %scan3A_144, %mul3A_150 : i32
      %get3A_152 = arith.index_cast %mul3A_151 : i32 to index
      %get3A_153 = tpu.vector_load %arg14[%get3A_152] {strides = array<i32>} : memref<640xf32, #tpu.memory_space<vmem>>, vector<16xf32>,
      %add3A_154 = arith.addf %get3A_149, %get3A_153 : vector<16xf32>
      %max3A = arith.constant 1.000000e+00 : f32
      %max3A_155 = vector.broadcast %max3A : f32 to vector<16xf32>
      %max3A_156 = arith.maximumf %add3A_154, %max3A_155 : vector<16xf32>
      %broadcast_in_dim3A_157 = arith.constant 1.000000e+00 : f32
      %broadcast_in_dim3A_158 = vector.broadcast %broadcast_in_dim3A_157 : f32 to vector<16xf32>
      %div3A = arith.divf %broadcast_in_dim3A_158, %max3A_156 : vector<16xf32>
      %mul3A_159 = arith.constant 16 : i32
      %mul3A_160 = arith.muli %scan3A_144, %mul3A_159 : i32
      %add3A_161 = arith.constant 0 : i32
      %add3A_162 = arith.addi %mul3A_160, %add3A_161 : i32
      %slice3A = vector.extract_strided_slice %div3A {offsets = [0], sizes = [1], strides = [1]} : vector<16xf32> to vector<1xf32>
      %squeeze3A = vector.extract %slice3A[0] : f32 from vector<1xf32>
      %broadcast_in_dim3A_163 = vector.broadcast %squeeze3A : f32 to vector<16xf32>
      %get3A_164 = arith.index_cast %add3A_162 : i32 to index
      %get3A_165 = arith.constant 0 : index
      %get3A_166 = tpu.vector_load %arg11[%get3A_164, %get3A_165] {strides = array<i32>} : memref<640x16xf32, #tpu.memory_space<vmem>>, vector<16xf32>,
      %get3A_167 = arith.index_cast %add3A_162 : i32 to index
      %get3A_168 = arith.constant 0 : index
      %get3A_169 = tpu.vector_load %arg12[%get3A_167, %get3A_168] {strides = array<i32>} : memref<640x16xf32, #tpu.memory_space<vmem>>, vector<16xf32>,
      %add3A_170 = arith.addf %get3A_166, %get3A_169 : vector<16xf32>
      %mul3A_171 = arith.mulf %add3A_170, %broadcast_in_dim3A_163 : vector<16xf32>
      %add3A_172 = arith.addf %mul3A_171, %get3A_70 : vector<16xf32>
      %max3A_173 = arith.constant 0.000000e+00 : f32
      %max3A_174 = vector.broadcast %max3A_173 : f32 to vector<16xf32>
      %max3A_175 = arith.maximumf %add3A_172, %max3A_174 : vector<16xf32>
      %swap3A = arith.index_cast %add3A_162 : i32 to index
      %swap3A_176 = arith.constant 0 : index
      %swap3A_177 = tpu.vector_load %arg11[%swap3A, %swap3A_176] {strides = array<i32>} : memref<640x16xf32, #tpu.memory_space<vmem>>, vector<16xf32>,
      tpu.vector_store %arg11[%swap3A, %swap3A_176], %max3A_175 {strides = array<i32>} : memref<640x16xf32, #tpu.memory_space<vmem>>, vector<16xf32>,
      %mul3A_178 = arith.constant 16 : i32
      %mul3A_179 = arith.muli %scan3A_144, %mul3A_178 : i32
      %add3A_180 = arith.constant 1 : i32
      %add3A_181 = arith.addi %mul3A_179, %add3A_180 : i32
      %slice3A_182 = vector.extract_strided_slice %div3A {offsets = [1], sizes = [1], strides = [1]} : vector<16xf32> to vector<1xf32>
      %squeeze3A_183 = vector.extract %slice3A_182[0] : f32 from vector<1xf32>
      %broadcast_in_dim3A_184 = vector.broadcast %squeeze3A_183 : f32 to vector<16xf32>
      %get3A_185 = arith.index_cast %add3A_181 : i32 to index
      %get3A_186 = arith.constant 0 : index
      %get3A_187 = tpu.vector_load %arg11[%get3A_185, %get3A_186] {strides = array<i32>} : memref<640x16xf32, #tpu.memory_space<vmem>>, vector<16xf32>,
      %get3A_188 = arith.index_cast %add3A_181 : i32 to index
      %get3A_189 = arith.constant 0 : index
      %get3A_190 = tpu.vector_load %arg12[%get3A_188, %get3A_189] {strides = array<i32>} : memref<640x16xf32, #tpu.memory_space<vmem>>, vector<16xf32>,
      %add3A_191 = arith.addf %get3A_187, %get3A_190 : vector<16xf32>
      %mul3A_192 = arith.mulf %add3A_191, %broadcast_in_dim3A_184 : vector<16xf32>
      %add3A_193 = arith.addf %mul3A_192, %get3A_70 : vector<16xf32>
      %max3A_194 = arith.constant 0.000000e+00 : f32
      %max3A_195 = vector.broadcast %max3A_194 : f32 to vector<16xf32>
      %max3A_196 = arith.maximumf %add3A_193, %max3A_195 : vector<16xf32>
      %swap3A_197 = arith.index_cast %add3A_181 : i32 to index
      %swap3A_198 = arith.constant 0 : index
      %swap3A_199 = tpu.vector_load %arg11[%swap3A_197, %swap3A_198] {strides = array<i32>} : memref<640x16xf32, #tpu.memory_space<vmem>>, vector<16xf32>,
      tpu.vector_store %arg11[%swap3A_197, %swap3A_198], %max3A_196 {strides = array<i32>} : memref<640x16xf32, #tpu.memory_space<vmem>>, vector<16xf32>,
      %mul3A_200 = arith.constant 16 : i32
      %mul3A_201 = arith.muli %scan3A_144, %mul3A_200 : i32
      %add3A_202 = arith.constant 2 : i32
      %add3A_203 = arith.addi %mul3A_201, %add3A_202 : i32
      %slice3A_204 = vector.extract_strided_slice %div3A {offsets = [2], sizes = [1], strides = [1]} : vector<16xf32> to vector<1xf32>
      %squeeze3A_205 = vector.extract %slice3A_204[0] : f32 from vector<1xf32>
      %broadcast_in_dim3A_206 = vector.broadcast %squeeze3A_205 : f32 to vector<16xf32>
      %get3A_207 = arith.index_cast %add3A_203 : i32 to index
      %get3A_208 = arith.constant 0 : index
      %get3A_209 = tpu.vector_load %arg11[%get3A_207, %get3A_208] {strides = array<i32>} : memref<640x16xf32, #tpu.memory_space<vmem>>, vector<16xf32>,
      %get3A_210 = arith.index_cast %add3A_203 : i32 to index
      %get3A_211 = arith.constant 0 : index
      %get3A_212 = tpu.vector_load %arg12[%get3A_210, %get3A_211] {strides = array<i32>} : memref<640x16xf32, #tpu.memory_space<vmem>>, vector<16xf32>,
      %add3A_213 = arith.addf %get3A_209, %get3A_212 : vector<16xf32>
      %mul3A_214 = arith.mulf %add3A_213, %broadcast_in_dim3A_206 : vector<16xf32>
      %add3A_215 = arith.addf %mul3A_214, %get3A_70 : vector<16xf32>
      %max3A_216 = arith.constant 0.000000e+00 : f32
      %max3A_217 = vector.broadcast %max3A_216 : f32 to vector<16xf32>
      %max3A_218 = arith.maximumf %add3A_215, %max3A_217 : vector<16xf32>
      %swap3A_219 = arith.index_cast %add3A_203 : i32 to index
      %swap3A_220 = arith.constant 0 : index
      %swap3A_221 = tpu.vector_load %arg11[%swap3A_219, %swap3A_220] {strides = array<i32>} : memref<640x16xf32, #tpu.memory_space<vmem>>, vector<16xf32>,
      tpu.vector_store %arg11[%swap3A_219, %swap3A_220], %max3A_218 {strides = array<i32>} : memref<640x16xf32, #tpu.memory_space<vmem>>, vector<16xf32>,
      %mul3A_222 = arith.constant 16 : i32
      %mul3A_223 = arith.muli %scan3A_144, %mul3A_222 : i32
      %add3A_224 = arith.constant 3 : i32
      %add3A_225 = arith.addi %mul3A_223, %add3A_224 : i32
      %slice3A_226 = vector.extract_strided_slice %div3A {offsets = [3], sizes = [1], strides = [1]} : vector<16xf32> to vector<1xf32>
      %squeeze3A_227 = vector.extract %slice3A_226[0] : f32 from vector<1xf32>
      %broadcast_in_dim3A_228 = vector.broadcast %squeeze3A_227 : f32 to vector<16xf32>
      %get3A_229 = arith.index_cast %add3A_225 : i32 to index
      %get3A_230 = arith.constant 0 : index
      %get3A_231 = tpu.vector_load %arg11[%get3A_229, %get3A_230] {strides = array<i32>} : memref<640x16xf32, #tpu.memory_space<vmem>>, vector<16xf32>,
      %get3A_232 = arith.index_cast %add3A_225 : i32 to index
      %get3A_233 = arith.constant 0 : index
      %get3A_234 = tpu.vector_load %arg12[%get3A_232, %get3A_233] {strides = array<i32>} : memref<640x16xf32, #tpu.memory_space<vmem>>, vector<16xf32>,
      %add3A_235 = arith.addf %get3A_231, %get3A_234 : vector<16xf32>
      %mul3A_236 = arith.mulf %add3A_235, %broadcast_in_dim3A_228 : vector<16xf32>
      %add3A_237 = arith.addf %mul3A_236, %get3A_70 : vector<16xf32>
      %max3A_238 = arith.constant 0.000000e+00 : f32
      %max3A_239 = vector.broadcast %max3A_238 : f32 to vector<16xf32>
      %max3A_240 = arith.maximumf %add3A_237, %max3A_239 : vector<16xf32>
      %swap3A_241 = arith.index_cast %add3A_225 : i32 to index
      %swap3A_242 = arith.constant 0 : index
      %swap3A_243 = tpu.vector_load %arg11[%swap3A_241, %swap3A_242] {strides = array<i32>} : memref<640x16xf32, #tpu.memory_space<vmem>>, vector<16xf32>,
      tpu.vector_store %arg11[%swap3A_241, %swap3A_242], %max3A_240 {strides = array<i32>} : memref<640x16xf32, #tpu.memory_space<vmem>>, vector<16xf32>,
      %mul3A_244 = arith.constant 16 : i32
      %mul3A_245 = arith.muli %scan3A_144, %mul3A_244 : i32
      %add3A_246 = arith.constant 4 : i32
      %add3A_247 = arith.addi %mul3A_245, %add3A_246 : i32
      %slice3A_248 = vector.extract_strided_slice %div3A {offsets = [4], sizes = [1], strides = [1]} : vector<16xf32> to vector<1xf32>
      %squeeze3A_249 = vector.extract %slice3A_248[0] : f32 from vector<1xf32>
      %broadcast_in_dim3A_250 = vector.broadcast %squeeze3A_249 : f32 to vector<16xf32>
      %get3A_251 = arith.index_cast %add3A_247 : i32 to index
      %get3A_252 = arith.constant 0 : index
      %get3A_253 = tpu.vector_load %arg11[%get3A_251, %get3A_252] {strides = array<i32>} : memref<640x16xf32, #tpu.memory_space<vmem>>, vector<16xf32>,
      %get3A_254 = arith.index_cast %add3A_247 : i32 to index
      %get3A_255 = arith.constant 0 : index
      %get3A_256 = tpu.vector_load %arg12[%get3A_254, %get3A_255] {strides = array<i32>} : memref<640x16xf32, #tpu.memory_space<vmem>>, vector<16xf32>,
      %add3A_257 = arith.addf %get3A_253, %get3A_256 : vector<16xf32>
      %mul3A_258 = arith.mulf %add3A_257, %broadcast_in_dim3A_250 : vector<16xf32>
      %add3A_259 = arith.addf %mul3A_258, %get3A_70 : vector<16xf32>
      %max3A_260 = arith.constant 0.000000e+00 : f32
      %max3A_261 = vector.broadcast %max3A_260 : f32 to vector<16xf32>
      %max3A_262 = arith.maximumf %add3A_259, %max3A_261 : vector<16xf32>
      %swap3A_263 = arith.index_cast %add3A_247 : i32 to index
      %swap3A_264 = arith.constant 0 : index
      %swap3A_265 = tpu.vector_load %arg11[%swap3A_263, %swap3A_264] {strides = array<i32>} : memref<640x16xf32, #tpu.memory_space<vmem>>, vector<16xf32>,
      tpu.vector_store %arg11[%swap3A_263, %swap3A_264], %max3A_262 {strides = array<i32>} : memref<640x16xf32, #tpu.memory_space<vmem>>, vector<16xf32>,
      %mul3A_266 = arith.constant 16 : i32
      %mul3A_267 = arith.muli %scan3A_144, %mul3A_266 : i32
      %add3A_268 = arith.constant 5 : i32
      %add3A_269 = arith.addi %mul3A_267, %add3A_268 : i32
      %slice3A_270 = vector.extract_strided_slice %div3A {offsets = [5], sizes = [1], strides = [1]} : vector<16xf32> to vector<1xf32>
      %squeeze3A_271 = vector.extract %slice3A_270[0] : f32 from vector<1xf32>
      %broadcast_in_dim3A_272 = vector.broadcast %squeeze3A_271 : f32 to vector<16xf32>
      %get3A_273 = arith.index_cast %add3A_269 : i32 to index
      %get3A_274 = arith.constant 0 : index
      %get3A_275 = tpu.vector_load %arg11[%get3A_273, %get3A_274] {strides = array<i32>} : memref<640x16xf32, #tpu.memory_space<vmem>>, vector<16xf32>,
      %get3A_276 = arith.index_cast %add3A_269 : i32 to index
      %get3A_277 = arith.constant 0 : index
      %get3A_278 = tpu.vector_load %arg12[%get3A_276, %get3A_277] {strides = array<i32>} : memref<640x16xf32, #tpu.memory_space<vmem>>, vector<16xf32>,
      %add3A_279 = arith.addf %get3A_275, %get3A_278 : vector<16xf32>
      %mul3A_280 = arith.mulf %add3A_279, %broadcast_in_dim3A_272 : vector<16xf32>
      %add3A_281 = arith.addf %mul3A_280, %get3A_70 : vector<16xf32>
      %max3A_282 = arith.constant 0.000000e+00 : f32
      %max3A_283 = vector.broadcast %max3A_282 : f32 to vector<16xf32>
      %max3A_284 = arith.maximumf %add3A_281, %max3A_283 : vector<16xf32>
      %swap3A_285 = arith.index_cast %add3A_269 : i32 to index
      %swap3A_286 = arith.constant 0 : index
      %swap3A_287 = tpu.vector_load %arg11[%swap3A_285, %swap3A_286] {strides = array<i32>} : memref<640x16xf32, #tpu.memory_space<vmem>>, vector<16xf32>,
      tpu.vector_store %arg11[%swap3A_285, %swap3A_286], %max3A_284 {strides = array<i32>} : memref<640x16xf32, #tpu.memory_space<vmem>>, vector<16xf32>,
      %mul3A_288 = arith.constant 16 : i32
      %mul3A_289 = arith.muli %scan3A_144, %mul3A_288 : i32
      %add3A_290 = arith.constant 6 : i32
      %add3A_291 = arith.addi %mul3A_289, %add3A_290 : i32
      %slice3A_292 = vector.extract_strided_slice %div3A {offsets = [6], sizes = [1], strides = [1]} : vector<16xf32> to vector<1xf32>
      %squeeze3A_293 = vector.extract %slice3A_292[0] : f32 from vector<1xf32>
      %broadcast_in_dim3A_294 = vector.broadcast %squeeze3A_293 : f32 to vector<16xf32>
      %get3A_295 = arith.index_cast %add3A_291 : i32 to index
      %get3A_296 = arith.constant 0 : index
      %get3A_297 = tpu.vector_load %arg11[%get3A_295, %get3A_296] {strides = array<i32>} : memref<640x16xf32, #tpu.memory_space<vmem>>, vector<16xf32>,
      %get3A_298 = arith.index_cast %add3A_291 : i32 to index
      %get3A_299 = arith.constant 0 : index
      %get3A_300 = tpu.vector_load %arg12[%get3A_298, %get3A_299] {strides = array<i32>} : memref<640x16xf32, #tpu.memory_space<vmem>>, vector<16xf32>,
      %add3A_301 = arith.addf %get3A_297, %get3A_300 : vector<16xf32>
      %mul3A_302 = arith.mulf %add3A_301, %broadcast_in_dim3A_294 : vector<16xf32>
      %add3A_303 = arith.addf %mul3A_302, %get3A_70 : vector<16xf32>
      %max3A_304 = arith.constant 0.000000e+00 : f32
      %max3A_305 = vector.broadcast %max3A_304 : f32 to vector<16xf32>
      %max3A_306 = arith.maximumf %add3A_303, %max3A_305 : vector<16xf32>
      %swap3A_307 = arith.index_cast %add3A_291 : i32 to index
      %swap3A_308 = arith.constant 0 : index
      %swap3A_309 = tpu.vector_load %arg11[%swap3A_307, %swap3A_308] {strides = array<i32>} : memref<640x16xf32, #tpu.memory_space<vmem>>, vector<16xf32>,
      tpu.vector_store %arg11[%swap3A_307, %swap3A_308], %max3A_306 {strides = array<i32>} : memref<640x16xf32, #tpu.memory_space<vmem>>, vector<16xf32>,
      %mul3A_310 = arith.constant 16 : i32
      %mul3A_311 = arith.muli %scan3A_144, %mul3A_310 : i32
      %add3A_312 = arith.constant 7 : i32
      %add3A_313 = arith.addi %mul3A_311, %add3A_312 : i32
      %slice3A_314 = vector.extract_strided_slice %div3A {offsets = [7], sizes = [1], strides = [1]} : vector<16xf32> to vector<1xf32>
      %squeeze3A_315 = vector.extract %slice3A_314[0] : f32 from vector<1xf32>
      %broadcast_in_dim3A_316 = vector.broadcast %squeeze3A_315 : f32 to vector<16xf32>
      %get3A_317 = arith.index_cast %add3A_313 : i32 to index
      %get3A_318 = arith.constant 0 : index
      %get3A_319 = tpu.vector_load %arg11[%get3A_317, %get3A_318] {strides = array<i32>} : memref<640x16xf32, #tpu.memory_space<vmem>>, vector<16xf32>,
      %get3A_320 = arith.index_cast %add3A_313 : i32 to index
      %get3A_321 = arith.constant 0 : index
      %get3A_322 = tpu.vector_load %arg12[%get3A_320, %get3A_321] {strides = array<i32>} : memref<640x16xf32, #tpu.memory_space<vmem>>, vector<16xf32>,
      %add3A_323 = arith.addf %get3A_319, %get3A_322 : vector<16xf32>
      %mul3A_324 = arith.mulf %add3A_323, %broadcast_in_dim3A_316 : vector<16xf32>
      %add3A_325 = arith.addf %mul3A_324, %get3A_70 : vector<16xf32>
      %max3A_326 = arith.constant 0.000000e+00 : f32
      %max3A_327 = vector.broadcast %max3A_326 : f32 to vector<16xf32>
      %max3A_328 = arith.maximumf %add3A_325, %max3A_327 : vector<16xf32>
      %swap3A_329 = arith.index_cast %add3A_313 : i32 to index
      %swap3A_330 = arith.constant 0 : index
      %swap3A_331 = tpu.vector_load %arg11[%swap3A_329, %swap3A_330] {strides = array<i32>} : memref<640x16xf32, #tpu.memory_space<vmem>>, vector<16xf32>,
      tpu.vector_store %arg11[%swap3A_329, %swap3A_330], %max3A_328 {strides = array<i32>} : memref<640x16xf32, #tpu.memory_space<vmem>>, vector<16xf32>,
      %mul3A_332 = arith.constant 16 : i32
      %mul3A_333 = arith.muli %scan3A_144, %mul3A_332 : i32
      %add3A_334 = arith.constant 8 : i32
      %add3A_335 = arith.addi %mul3A_333, %add3A_334 : i32
      %slice3A_336 = vector.extract_strided_slice %div3A {offsets = [8], sizes = [1], strides = [1]} : vector<16xf32> to vector<1xf32>
      %squeeze3A_337 = vector.extract %slice3A_336[0] : f32 from vector<1xf32>
      %broadcast_in_dim3A_338 = vector.broadcast %squeeze3A_337 : f32 to vector<16xf32>
      %get3A_339 = arith.index_cast %add3A_335 : i32 to index
      %get3A_340 = arith.constant 0 : index
      %get3A_341 = tpu.vector_load %arg11[%get3A_339, %get3A_340] {strides = array<i32>} : memref<640x16xf32, #tpu.memory_space<vmem>>, vector<16xf32>,
      %get3A_342 = arith.index_cast %add3A_335 : i32 to index
      %get3A_343 = arith.constant 0 : index
      %get3A_344 = tpu.vector_load %arg12[%get3A_342, %get3A_343] {strides = array<i32>} : memref<640x16xf32, #tpu.memory_space<vmem>>, vector<16xf32>,
      %add3A_345 = arith.addf %get3A_341, %get3A_344 : vector<16xf32>
      %mul3A_346 = arith.mulf %add3A_345, %broadcast_in_dim3A_338 : vector<16xf32>
      %add3A_347 = arith.addf %mul3A_346, %get3A_70 : vector<16xf32>
      %max3A_348 = arith.constant 0.000000e+00 : f32
      %max3A_349 = vector.broadcast %max3A_348 : f32 to vector<16xf32>
      %max3A_350 = arith.maximumf %add3A_347, %max3A_349 : vector<16xf32>
      %swap3A_351 = arith.index_cast %add3A_335 : i32 to index
      %swap3A_352 = arith.constant 0 : index
      %swap3A_353 = tpu.vector_load %arg11[%swap3A_351, %swap3A_352] {strides = array<i32>} : memref<640x16xf32, #tpu.memory_space<vmem>>, vector<16xf32>,
      tpu.vector_store %arg11[%swap3A_351, %swap3A_352], %max3A_350 {strides = array<i32>} : memref<640x16xf32, #tpu.memory_space<vmem>>, vector<16xf32>,
      %mul3A_354 = arith.constant 16 : i32
      %mul3A_355 = arith.muli %scan3A_144, %mul3A_354 : i32
      %add3A_356 = arith.constant 9 : i32
      %add3A_357 = arith.addi %mul3A_355, %add3A_356 : i32
      %slice3A_358 = vector.extract_strided_slice %div3A {offsets = [9], sizes = [1], strides = [1]} : vector<16xf32> to vector<1xf32>
      %squeeze3A_359 = vector.extract %slice3A_358[0] : f32 from vector<1xf32>
      %broadcast_in_dim3A_360 = vector.broadcast %squeeze3A_359 : f32 to vector<16xf32>
      %get3A_361 = arith.index_cast %add3A_357 : i32 to index
      %get3A_362 = arith.constant 0 : index
      %get3A_363 = tpu.vector_load %arg11[%get3A_361, %get3A_362] {strides = array<i32>} : memref<640x16xf32, #tpu.memory_space<vmem>>, vector<16xf32>,
      %get3A_364 = arith.index_cast %add3A_357 : i32 to index
      %get3A_365 = arith.constant 0 : index
      %get3A_366 = tpu.vector_load %arg12[%get3A_364, %get3A_365] {strides = array<i32>} : memref<640x16xf32, #tpu.memory_space<vmem>>, vector<16xf32>,
      %add3A_367 = arith.addf %get3A_363, %get3A_366 : vector<16xf32>
      %mul3A_368 = arith.mulf %add3A_367, %broadcast_in_dim3A_360 : vector<16xf32>
      %add3A_369 = arith.addf %mul3A_368, %get3A_70 : vector<16xf32>
      %max3A_370 = arith.constant 0.000000e+00 : f32
      %max3A_371 = vector.broadcast %max3A_370 : f32 to vector<16xf32>
      %max3A_372 = arith.maximumf %add3A_369, %max3A_371 : vector<16xf32>
      %swap3A_373 = arith.index_cast %add3A_357 : i32 to index
      %swap3A_374 = arith.constant 0 : index
      %swap3A_375 = tpu.vector_load %arg11[%swap3A_373, %swap3A_374] {strides = array<i32>} : memref<640x16xf32, #tpu.memory_space<vmem>>, vector<16xf32>,
      tpu.vector_store %arg11[%swap3A_373, %swap3A_374], %max3A_372 {strides = array<i32>} : memref<640x16xf32, #tpu.memory_space<vmem>>, vector<16xf32>,
      %mul3A_376 = arith.constant 16 : i32
      %mul3A_377 = arith.muli %scan3A_144, %mul3A_376 : i32
      %add3A_378 = arith.constant 10 : i32
      %add3A_379 = arith.addi %mul3A_377, %add3A_378 : i32
      %slice3A_380 = vector.extract_strided_slice %div3A {offsets = [10], sizes = [1], strides = [1]} : vector<16xf32> to vector<1xf32>
      %squeeze3A_381 = vector.extract %slice3A_380[0] : f32 from vector<1xf32>
      %broadcast_in_dim3A_382 = vector.broadcast %squeeze3A_381 : f32 to vector<16xf32>
      %get3A_383 = arith.index_cast %add3A_379 : i32 to index
      %get3A_384 = arith.constant 0 : index
      %get3A_385 = tpu.vector_load %arg11[%get3A_383, %get3A_384] {strides = array<i32>} : memref<640x16xf32, #tpu.memory_space<vmem>>, vector<16xf32>,
      %get3A_386 = arith.index_cast %add3A_379 : i32 to index
      %get3A_387 = arith.constant 0 : index
      %get3A_388 = tpu.vector_load %arg12[%get3A_386, %get3A_387] {strides = array<i32>} : memref<640x16xf32, #tpu.memory_space<vmem>>, vector<16xf32>,
      %add3A_389 = arith.addf %get3A_385, %get3A_388 : vector<16xf32>
      %mul3A_390 = arith.mulf %add3A_389, %broadcast_in_dim3A_382 : vector<16xf32>
      %add3A_391 = arith.addf %mul3A_390, %get3A_70 : vector<16xf32>
      %max3A_392 = arith.constant 0.000000e+00 : f32
      %max3A_393 = vector.broadcast %max3A_392 : f32 to vector<16xf32>
      %max3A_394 = arith.maximumf %add3A_391, %max3A_393 : vector<16xf32>
      %swap3A_395 = arith.index_cast %add3A_379 : i32 to index
      %swap3A_396 = arith.constant 0 : index
      %swap3A_397 = tpu.vector_load %arg11[%swap3A_395, %swap3A_396] {strides = array<i32>} : memref<640x16xf32, #tpu.memory_space<vmem>>, vector<16xf32>,
      tpu.vector_store %arg11[%swap3A_395, %swap3A_396], %max3A_394 {strides = array<i32>} : memref<640x16xf32, #tpu.memory_space<vmem>>, vector<16xf32>,
      %mul3A_398 = arith.constant 16 : i32
      %mul3A_399 = arith.muli %scan3A_144, %mul3A_398 : i32
      %add3A_400 = arith.constant 11 : i32
      %add3A_401 = arith.addi %mul3A_399, %add3A_400 : i32
      %slice3A_402 = vector.extract_strided_slice %div3A {offsets = [11], sizes = [1], strides = [1]} : vector<16xf32> to vector<1xf32>
      %squeeze3A_403 = vector.extract %slice3A_402[0] : f32 from vector<1xf32>
      %broadcast_in_dim3A_404 = vector.broadcast %squeeze3A_403 : f32 to vector<16xf32>
      %get3A_405 = arith.index_cast %add3A_401 : i32 to index
      %get3A_406 = arith.constant 0 : index
      %get3A_407 = tpu.vector_load %arg11[%get3A_405, %get3A_406] {strides = array<i32>} : memref<640x16xf32, #tpu.memory_space<vmem>>, vector<16xf32>,
      %get3A_408 = arith.index_cast %add3A_401 : i32 to index
      %get3A_409 = arith.constant 0 : index
      %get3A_410 = tpu.vector_load %arg12[%get3A_408, %get3A_409] {strides = array<i32>} : memref<640x16xf32, #tpu.memory_space<vmem>>, vector<16xf32>,
      %add3A_411 = arith.addf %get3A_407, %get3A_410 : vector<16xf32>
      %mul3A_412 = arith.mulf %add3A_411, %broadcast_in_dim3A_404 : vector<16xf32>
      %add3A_413 = arith.addf %mul3A_412, %get3A_70 : vector<16xf32>
      %max3A_414 = arith.constant 0.000000e+00 : f32
      %max3A_415 = vector.broadcast %max3A_414 : f32 to vector<16xf32>
      %max3A_416 = arith.maximumf %add3A_413, %max3A_415 : vector<16xf32>
      %swap3A_417 = arith.index_cast %add3A_401 : i32 to index
      %swap3A_418 = arith.constant 0 : index
      %swap3A_419 = tpu.vector_load %arg11[%swap3A_417, %swap3A_418] {strides = array<i32>} : memref<640x16xf32, #tpu.memory_space<vmem>>, vector<16xf32>,
      tpu.vector_store %arg11[%swap3A_417, %swap3A_418], %max3A_416 {strides = array<i32>} : memref<640x16xf32, #tpu.memory_space<vmem>>, vector<16xf32>,
      %mul3A_420 = arith.constant 16 : i32
      %mul3A_421 = arith.muli %scan3A_144, %mul3A_420 : i32
      %add3A_422 = arith.constant 12 : i32
      %add3A_423 = arith.addi %mul3A_421, %add3A_422 : i32
      %slice3A_424 = vector.extract_strided_slice %div3A {offsets = [12], sizes = [1], strides = [1]} : vector<16xf32> to vector<1xf32>
      %squeeze3A_425 = vector.extract %slice3A_424[0] : f32 from vector<1xf32>
      %broadcast_in_dim3A_426 = vector.broadcast %squeeze3A_425 : f32 to vector<16xf32>
      %get3A_427 = arith.index_cast %add3A_423 : i32 to index
      %get3A_428 = arith.constant 0 : index
      %get3A_429 = tpu.vector_load %arg11[%get3A_427, %get3A_428] {strides = array<i32>} : memref<640x16xf32, #tpu.memory_space<vmem>>, vector<16xf32>,
      %get3A_430 = arith.index_cast %add3A_423 : i32 to index
      %get3A_431 = arith.constant 0 : index
      %get3A_432 = tpu.vector_load %arg12[%get3A_430, %get3A_431] {strides = array<i32>} : memref<640x16xf32, #tpu.memory_space<vmem>>, vector<16xf32>,
      %add3A_433 = arith.addf %get3A_429, %get3A_432 : vector<16xf32>
      %mul3A_434 = arith.mulf %add3A_433, %broadcast_in_dim3A_426 : vector<16xf32>
      %add3A_435 = arith.addf %mul3A_434, %get3A_70 : vector<16xf32>
      %max3A_436 = arith.constant 0.000000e+00 : f32
      %max3A_437 = vector.broadcast %max3A_436 : f32 to vector<16xf32>
      %max3A_438 = arith.maximumf %add3A_435, %max3A_437 : vector<16xf32>
      %swap3A_439 = arith.index_cast %add3A_423 : i32 to index
      %swap3A_440 = arith.constant 0 : index
      %swap3A_441 = tpu.vector_load %arg11[%swap3A_439, %swap3A_440] {strides = array<i32>} : memref<640x16xf32, #tpu.memory_space<vmem>>, vector<16xf32>,
      tpu.vector_store %arg11[%swap3A_439, %swap3A_440], %max3A_438 {strides = array<i32>} : memref<640x16xf32, #tpu.memory_space<vmem>>, vector<16xf32>,
      %mul3A_442 = arith.constant 16 : i32
      %mul3A_443 = arith.muli %scan3A_144, %mul3A_442 : i32
      %add3A_444 = arith.constant 13 : i32
      %add3A_445 = arith.addi %mul3A_443, %add3A_444 : i32
      %slice3A_446 = vector.extract_strided_slice %div3A {offsets = [13], sizes = [1], strides = [1]} : vector<16xf32> to vector<1xf32>
      %squeeze3A_447 = vector.extract %slice3A_446[0] : f32 from vector<1xf32>
      %broadcast_in_dim3A_448 = vector.broadcast %squeeze3A_447 : f32 to vector<16xf32>
      %get3A_449 = arith.index_cast %add3A_445 : i32 to index
      %get3A_450 = arith.constant 0 : index
      %get3A_451 = tpu.vector_load %arg11[%get3A_449, %get3A_450] {strides = array<i32>} : memref<640x16xf32, #tpu.memory_space<vmem>>, vector<16xf32>,
      %get3A_452 = arith.index_cast %add3A_445 : i32 to index
      %get3A_453 = arith.constant 0 : index
      %get3A_454 = tpu.vector_load %arg12[%get3A_452, %get3A_453] {strides = array<i32>} : memref<640x16xf32, #tpu.memory_space<vmem>>, vector<16xf32>,
      %add3A_455 = arith.addf %get3A_451, %get3A_454 : vector<16xf32>
      %mul3A_456 = arith.mulf %add3A_455, %broadcast_in_dim3A_448 : vector<16xf32>
      %add3A_457 = arith.addf %mul3A_456, %get3A_70 : vector<16xf32>
      %max3A_458 = arith.constant 0.000000e+00 : f32
      %max3A_459 = vector.broadcast %max3A_458 : f32 to vector<16xf32>
      %max3A_460 = arith.maximumf %add3A_457, %max3A_459 : vector<16xf32>
      %swap3A_461 = arith.index_cast %add3A_445 : i32 to index
      %swap3A_462 = arith.constant 0 : index
      %swap3A_463 = tpu.vector_load %arg11[%swap3A_461, %swap3A_462] {strides = array<i32>} : memref<640x16xf32, #tpu.memory_space<vmem>>, vector<16xf32>,
      tpu.vector_store %arg11[%swap3A_461, %swap3A_462], %max3A_460 {strides = array<i32>} : memref<640x16xf32, #tpu.memory_space<vmem>>, vector<16xf32>,
      %mul3A_464 = arith.constant 16 : i32
      %mul3A_465 = arith.muli %scan3A_144, %mul3A_464 : i32
      %add3A_466 = arith.constant 14 : i32
      %add3A_467 = arith.addi %mul3A_465, %add3A_466 : i32
      %slice3A_468 = vector.extract_strided_slice %div3A {offsets = [14], sizes = [1], strides = [1]} : vector<16xf32> to vector<1xf32>
      %squeeze3A_469 = vector.extract %slice3A_468[0] : f32 from vector<1xf32>
      %broadcast_in_dim3A_470 = vector.broadcast %squeeze3A_469 : f32 to vector<16xf32>
      %get3A_471 = arith.index_cast %add3A_467 : i32 to index
      %get3A_472 = arith.constant 0 : index
      %get3A_473 = tpu.vector_load %arg11[%get3A_471, %get3A_472] {strides = array<i32>} : memref<640x16xf32, #tpu.memory_space<vmem>>, vector<16xf32>,
      %get3A_474 = arith.index_cast %add3A_467 : i32 to index
      %get3A_475 = arith.constant 0 : index
      %get3A_476 = tpu.vector_load %arg12[%get3A_474, %get3A_475] {strides = array<i32>} : memref<640x16xf32, #tpu.memory_space<vmem>>, vector<16xf32>,
      %add3A_477 = arith.addf %get3A_473, %get3A_476 : vector<16xf32>
      %mul3A_478 = arith.mulf %add3A_477, %broadcast_in_dim3A_470 : vector<16xf32>
      %add3A_479 = arith.addf %mul3A_478, %get3A_70 : vector<16xf32>
      %max3A_480 = arith.constant 0.000000e+00 : f32
      %max3A_481 = vector.broadcast %max3A_480 : f32 to vector<16xf32>
      %max3A_482 = arith.maximumf %add3A_479, %max3A_481 : vector<16xf32>
      %swap3A_483 = arith.index_cast %add3A_467 : i32 to index
      %swap3A_484 = arith.constant 0 : index
      %swap3A_485 = tpu.vector_load %arg11[%swap3A_483, %swap3A_484] {strides = array<i32>} : memref<640x16xf32, #tpu.memory_space<vmem>>, vector<16xf32>,
      tpu.vector_store %arg11[%swap3A_483, %swap3A_484], %max3A_482 {strides = array<i32>} : memref<640x16xf32, #tpu.memory_space<vmem>>, vector<16xf32>,
      %mul3A_486 = arith.constant 16 : i32
      %mul3A_487 = arith.muli %scan3A_144, %mul3A_486 : i32
      %add3A_488 = arith.constant 15 : i32
      %add3A_489 = arith.addi %mul3A_487, %add3A_488 : i32
      %slice3A_490 = vector.extract_strided_slice %div3A {offsets = [15], sizes = [1], strides = [1]} : vector<16xf32> to vector<1xf32>
      %squeeze3A_491 = vector.extract %slice3A_490[0] : f32 from vector<1xf32>
      %broadcast_in_dim3A_492 = vector.broadcast %squeeze3A_491 : f32 to vector<16xf32>
      %get3A_493 = arith.index_cast %add3A_489 : i32 to index
      %get3A_494 = arith.constant 0 : index
      %get3A_495 = tpu.vector_load %arg11[%get3A_493, %get3A_494] {strides = array<i32>} : memref<640x16xf32, #tpu.memory_space<vmem>>, vector<16xf32>,
      %get3A_496 = arith.index_cast %add3A_489 : i32 to index
      %get3A_497 = arith.constant 0 : index
      %get3A_498 = tpu.vector_load %arg12[%get3A_496, %get3A_497] {strides = array<i32>} : memref<640x16xf32, #tpu.memory_space<vmem>>, vector<16xf32>,
      %add3A_499 = arith.addf %get3A_495, %get3A_498 : vector<16xf32>
      %mul3A_500 = arith.mulf %add3A_499, %broadcast_in_dim3A_492 : vector<16xf32>
      %add3A_501 = arith.addf %mul3A_500, %get3A_70 : vector<16xf32>
      %max3A_502 = arith.constant 0.000000e+00 : f32
      %max3A_503 = vector.broadcast %max3A_502 : f32 to vector<16xf32>
      %max3A_504 = arith.maximumf %add3A_501, %max3A_503 : vector<16xf32>
      %swap3A_505 = arith.index_cast %add3A_489 : i32 to index
      %swap3A_506 = arith.constant 0 : index
      %swap3A_507 = tpu.vector_load %arg11[%swap3A_505, %swap3A_506] {strides = array<i32>} : memref<640x16xf32, #tpu.memory_space<vmem>>, vector<16xf32>,
      tpu.vector_store %arg11[%swap3A_505, %swap3A_506], %max3A_504 {strides = array<i32>} : memref<640x16xf32, #tpu.memory_space<vmem>>, vector<16xf32>,
      %scan3A_508 = arith.constant 0 : i32
      scf.yield %scan3A_508 : i32
    }
    %scan3A_77 = arith.constant 40 : i32
    "tpu.region"() ({
      %run_scoped3A = tpu.sem_alloc : memref<!tpu.dma_semaphore, #tpu.memory_space<semaphore_mem>>
      %dma_start3A_144 = arith.constant 0 : i32
      %dma_start3A_145 = tpu.memref_slice %arg16[%mul3A_2, %dma_start3A_144] : memref<10240x16xf32, #tpu.memory_space<vmem_shared>> -> memref<640x16xf32, #tpu.memory_space<vmem_shared>>
      %dma_start3A_146 = arith.constant 0 : i32
      %dma_start3A_147 = tpu.memref_slice %arg16[%mul3A_2, %dma_start3A_146] : memref<10240x16xf32, #tpu.memory_space<vmem_shared>> -> memref<640x16xf32, #tpu.memory_space<vmem_shared>>
      tpu.enqueue_dma source(%arg11 : memref<640x16xf32, #tpu.memory_space<vmem>>) target(%dma_start3A_147 : memref<640x16xf32, #tpu.memory_space<vmem_shared>>) target_semaphore(%run_scoped3A : memref<!tpu.dma_semaphore, #tpu.memory_space<semaphore_mem>>)
      %dma_wait3A_148 = arith.constant 0 : i32
      %dma_wait3A_149 = tpu.memref_slice %arg16[%mul3A_2, %dma_wait3A_148] : memref<10240x16xf32, #tpu.memory_space<vmem_shared>> -> memref<640x16xf32, #tpu.memory_space<vmem_shared>>
      %dma_wait3A_150 = arith.constant 0 : i32
      %dma_wait3A_151 = tpu.memref_slice %arg16[%mul3A_2, %dma_wait3A_150] : memref<10240x16xf32, #tpu.memory_space<vmem_shared>> -> memref<640x16xf32, #tpu.memory_space<vmem_shared>>
      tpu.wait_dma2 semaphore(%run_scoped3A : memref<!tpu.dma_semaphore, #tpu.memory_space<semaphore_mem>>) src(%arg11 : memref<640x16xf32, #tpu.memory_space<vmem>>) dst(%dma_wait3A_151 : memref<640x16xf32, #tpu.memory_space<vmem_shared>>)
      tpu.yield
    }) : () -> ()
    %mul3A_78 = arith.constant 512 : i32
    %mul3A_79 = arith.muli %add3A_9, %mul3A_78 : i32
    %dma_wait3A_80 = arith.constant 0 : i32
    %dma_wait3A_81 = arith.constant 0 : i32
    %dma_wait3A_82 = tpu.memref_slice %arg7[%dma_wait3A_81] : memref<10240xi32, #tpu.memory_space<vmem>> -> memref<9728xi32, #tpu.memory_space<vmem>>
    %dma_wait3A_83 = tpu.memref_slice %arg4[%dma_wait3A_80, %mul3A_79] : memref<2x320000xi32, #tpu.memory_space<hbm>> -> memref<1x9728xi32, #tpu.memory_space<hbm>>
    %dma_wait3A_84 = tpu.memref_squeeze %dma_wait3A_83 : memref<1x9728xi32, #tpu.memory_space<hbm>> -> memref<9728xi32, #tpu.memory_space<hbm>>
    %dma_wait3A_85 = arith.constant 0 : i32
    %dma_wait3A_86 = tpu.memref_slice %arg7[%dma_wait3A_85] : memref<10240xi32, #tpu.memory_space<vmem>> -> memref<9728xi32, #tpu.memory_space<vmem>>
    %dma_wait3A_87 = tpu.memref_slice %arg4[%dma_wait3A_80, %mul3A_79] : memref<2x320000xi32, #tpu.memory_space<hbm>> -> memref<1x9728xi32, #tpu.memory_space<hbm>>
    %dma_wait3A_88 = tpu.memref_squeeze %dma_wait3A_87 : memref<1x9728xi32, #tpu.memory_space<hbm>> -> memref<9728xi32, #tpu.memory_space<hbm>>
    tpu.wait_dma2 semaphore(%arg18 : memref<!tpu.dma_semaphore, #tpu.memory_space<semaphore_mem>>) src(%dma_wait3A_88 : memref<9728xi32, #tpu.memory_space<hbm>>) dst(%dma_wait3A_86 : memref<9728xi32, #tpu.memory_space<vmem>>)
    %mul3A_89 = arith.constant 512 : i32
    %mul3A_90 = arith.muli %add3A_9, %mul3A_89 : i32
    %dma_wait3A_91 = arith.constant 1 : i32
    %dma_wait3A_92 = arith.constant 0 : i32
    %dma_wait3A_93 = tpu.memref_slice %arg8[%dma_wait3A_92] : memref<10240xi32, #tpu.memory_space<vmem>> -> memref<9728xi32, #tpu.memory_space<vmem>>
    %dma_wait3A_94 = tpu.memref_slice %arg4[%dma_wait3A_91, %mul3A_90] : memref<2x320000xi32, #tpu.memory_space<hbm>> -> memref<1x9728xi32, #tpu.memory_space<hbm>>
    %dma_wait3A_95 = tpu.memref_squeeze %dma_wait3A_94 : memref<1x9728xi32, #tpu.memory_space<hbm>> -> memref<9728xi32, #tpu.memory_space<hbm>>
    %dma_wait3A_96 = arith.constant 0 : i32
    %dma_wait3A_97 = tpu.memref_slice %arg8[%dma_wait3A_96] : memref<10240xi32, #tpu.memory_space<vmem>> -> memref<9728xi32, #tpu.memory_space<vmem>>
    %dma_wait3A_98 = tpu.memref_slice %arg4[%dma_wait3A_91, %mul3A_90] : memref<2x320000xi32, #tpu.memory_space<hbm>> -> memref<1x9728xi32, #tpu.memory_space<hbm>>
    %dma_wait3A_99 = tpu.memref_squeeze %dma_wait3A_98 : memref<1x9728xi32, #tpu.memory_space<hbm>> -> memref<9728xi32, #tpu.memory_space<hbm>>
    tpu.wait_dma2 semaphore(%arg18 : memref<!tpu.dma_semaphore, #tpu.memory_space<semaphore_mem>>) src(%dma_wait3A_99 : memref<9728xi32, #tpu.memory_space<hbm>>) dst(%dma_wait3A_97 : memref<9728xi32, #tpu.memory_space<vmem>>)
    %lt3A_100 = arith.constant 17 : i32
    %lt3A_101 = arith.cmpi slt, %add3A, %lt3A_100 : i32
    %convert_element_type3A_102 = arith.extui %lt3A_101 : i1 to i32
    %cond3A_103 = arith.constant 0 : i32
    %cond3A_104 = arith.cmpi ne, %convert_element_type3A_102, %cond3A_103 : i32
    scf.if %cond3A_104 {
      %add3A_144 = arith.constant 19 : i32
      %add3A_145 = arith.addi %add3A_9, %add3A_144 : i32
      %mul3A_146 = arith.constant 512 : i32
      %mul3A_147 = arith.muli %add3A_145, %mul3A_146 : i32
      %dma_wait3A_148 = arith.constant 0 : i32
      %dma_wait3A_149 = arith.constant 9728 : i32
      %dma_wait3A_150 = tpu.memref_slice %arg7[%dma_wait3A_149] : memref<10240xi32, #tpu.memory_space<vmem>> -> memref<512xi32, #tpu.memory_space<vmem>>
      %dma_wait3A_151 = tpu.memref_slice %arg4[%dma_wait3A_148, %mul3A_147] : memref<2x320000xi32, #tpu.memory_space<hbm>> -> memref<1x512xi32, #tpu.memory_space<hbm>>
      %dma_wait3A_152 = tpu.memref_squeeze %dma_wait3A_151 : memref<1x512xi32, #tpu.memory_space<hbm>> -> memref<512xi32, #tpu.memory_space<hbm>>
      %dma_wait3A_153 = arith.constant 9728 : i32
      %dma_wait3A_154 = tpu.memref_slice %arg7[%dma_wait3A_153] : memref<10240xi32, #tpu.memory_space<vmem>> -> memref<512xi32, #tpu.memory_space<vmem>>
      %dma_wait3A_155 = tpu.memref_slice %arg4[%dma_wait3A_148, %mul3A_147] : memref<2x320000xi32, #tpu.memory_space<hbm>> -> memref<1x512xi32, #tpu.memory_space<hbm>>
      %dma_wait3A_156 = tpu.memref_squeeze %dma_wait3A_155 : memref<1x512xi32, #tpu.memory_space<hbm>> -> memref<512xi32, #tpu.memory_space<hbm>>
      tpu.wait_dma2 semaphore(%arg18 : memref<!tpu.dma_semaphore, #tpu.memory_space<semaphore_mem>>) src(%dma_wait3A_156 : memref<512xi32, #tpu.memory_space<hbm>>) dst(%dma_wait3A_154 : memref<512xi32, #tpu.memory_space<vmem>>)
      %add3A_157 = arith.constant 19 : i32
      %add3A_158 = arith.addi %add3A_9, %add3A_157 : i32
      %mul3A_159 = arith.constant 512 : i32
      %mul3A_160 = arith.muli %add3A_158, %mul3A_159 : i32
      %dma_wait3A_161 = arith.constant 1 : i32
      %dma_wait3A_162 = arith.constant 9728 : i32
      %dma_wait3A_163 = tpu.memref_slice %arg8[%dma_wait3A_162] : memref<10240xi32, #tpu.memory_space<vmem>> -> memref<512xi32, #tpu.memory_space<vmem>>
      %dma_wait3A_164 = tpu.memref_slice %arg4[%dma_wait3A_161, %mul3A_160] : memref<2x320000xi32, #tpu.memory_space<hbm>> -> memref<1x512xi32, #tpu.memory_space<hbm>>
      %dma_wait3A_165 = tpu.memref_squeeze %dma_wait3A_164 : memref<1x512xi32, #tpu.memory_space<hbm>> -> memref<512xi32, #tpu.memory_space<hbm>>
      %dma_wait3A_166 = arith.constant 9728 : i32
      %dma_wait3A_167 = tpu.memref_slice %arg8[%dma_wait3A_166] : memref<10240xi32, #tpu.memory_space<vmem>> -> memref<512xi32, #tpu.memory_space<vmem>>
      %dma_wait3A_168 = tpu.memref_slice %arg4[%dma_wait3A_161, %mul3A_160] : memref<2x320000xi32, #tpu.memory_space<hbm>> -> memref<1x512xi32, #tpu.memory_space<hbm>>
      %dma_wait3A_169 = tpu.memref_squeeze %dma_wait3A_168 : memref<1x512xi32, #tpu.memory_space<hbm>> -> memref<512xi32, #tpu.memory_space<hbm>>
      tpu.wait_dma2 semaphore(%arg18 : memref<!tpu.dma_semaphore, #tpu.memory_space<semaphore_mem>>) src(%dma_wait3A_169 : memref<512xi32, #tpu.memory_space<hbm>>) dst(%dma_wait3A_167 : memref<512xi32, #tpu.memory_space<vmem>>)
    } else {
    }
    %barrier3A = arith.constant 0 : index
    tpu.barrier barrier_id(%barrier3A)
    %broadcast_in_dim3A = arith.constant 1.000000e+00 : f32
    %broadcast_in_dim3A_105 = vector.broadcast %broadcast_in_dim3A : f32 to vector<16xf32>
    %dma_start3A_106 = arith.constant 0 : i32
    %dma_start3A_107 = arith.constant 0 : i32
    %dma_start3A_108 = arith.constant 0 : i32
    %dma_start3A_109 = tpu.memref_slice %arg9[%dma_start3A_106, %dma_start3A_107, %dma_start3A_108] : memref<4x512x16xf32, #tpu.memory_space<vmem>> -> memref<1x512x16xf32, #tpu.memory_space<vmem>>
    %dma_start3A_110 = tpu.memref_squeeze %dma_start3A_109 : memref<1x512x16xf32, #tpu.memory_space<vmem>> -> memref<512x16xf32, #tpu.memory_space<vmem>>
    %dma_start3A_111 = arith.constant 0 : i32
    %dma_start3A_112 = tpu.memref_slice %arg7[%dma_start3A_111] : memref<10240xi32, #tpu.memory_space<vmem>> -> memref<512xi32, #tpu.memory_space<vmem>>
    %dma_start3A_113 = arith.constant 0 : i32
    %dma_start3A_114 = arith.constant 0 : i32
    %dma_start3A_115 = tpu.memref_slice %arg16[%dma_start3A_113, %dma_start3A_114] : memref<10240x16xf32, #tpu.memory_space<vmem_shared>> -> memref<10240x16xf32, #tpu.memory_space<vmem_shared>>
    tpu.enqueue_indirect_dma source(%dma_start3A_115 : memref<10240x16xf32, #tpu.memory_space<vmem_shared>>) target(%dma_start3A_110 : memref<512x16xf32, #tpu.memory_space<vmem>>) offsets(%dma_start3A_112 : memref<512xi32, #tpu.memory_space<vmem>>) semaphore(%arg20 : memref<!tpu.dma_semaphore, #tpu.memory_space<semaphore_mem>>)
    %dma_start3A_116 = arith.constant 1 : i32
    %dma_start3A_117 = arith.constant 0 : i32
    %dma_start3A_118 = arith.constant 0 : i32
    %dma_start3A_119 = tpu.memref_slice %arg9[%dma_start3A_116, %dma_start3A_117, %dma_start3A_118] : memref<4x512x16xf32, #tpu.memory_space<vmem>> -> memref<1x512x16xf32, #tpu.memory_space<vmem>>
    %dma_start3A_120 = tpu.memref_squeeze %dma_start3A_119 : memref<1x512x16xf32, #tpu.memory_space<vmem>> -> memref<512x16xf32, #tpu.memory_space<vmem>>
    %dma_start3A_121 = arith.constant 512 : i32
    %dma_start3A_122 = tpu.memref_slice %arg7[%dma_start3A_121] : memref<10240xi32, #tpu.memory_space<vmem>> -> memref<512xi32, #tpu.memory_space<vmem>>
    %dma_start3A_123 = arith.constant 0 : i32
    %dma_start3A_124 = arith.constant 0 : i32
    %dma_start3A_125 = tpu.memref_slice %arg16[%dma_start3A_123, %dma_start3A_124] : memref<10240x16xf32, #tpu.memory_space<vmem_shared>> -> memref<10240x16xf32, #tpu.memory_space<vmem_shared>>
    tpu.enqueue_indirect_dma source(%dma_start3A_125 : memref<10240x16xf32, #tpu.memory_space<vmem_shared>>) target(%dma_start3A_120 : memref<512x16xf32, #tpu.memory_space<vmem>>) offsets(%dma_start3A_122 : memref<512xi32, #tpu.memory_space<vmem>>) semaphore(%arg21 : memref<!tpu.dma_semaphore, #tpu.memory_space<semaphore_mem>>)
    %scan3A_126 = arith.constant 0 : i32
    %scan3A_127 = arith.constant 0 : i32
    %scan3A_128 = arith.constant 6 : i32
    %scan3A_129 = arith.addi %scan3A_127, %scan3A_128 : i32
    %scan3A_130 = arith.constant 1 : i32
    %scan3A_131 = scf.for %scan3A_144 = %scan3A_127 to %scan3A_129 step %scan3A_130 iter_args(%scan3A_145 = %scan3A_126) -> (i32)  : i32 {
      %mul3A_146 = arith.constant 4 : i32
      %mul3A_147 = arith.muli %scan3A_144, %mul3A_146 : i32
      %add3A_148 = arith.constant 0 : i32
      %add3A_149 = arith.addi %mul3A_147, %add3A_148 : i32
      %ge3A = arith.constant 2 : i32
      %ge3A_150 = arith.cmpi sge, %add3A_149, %ge3A : i32
      %sub3A = arith.constant 2 : i32
      %sub3A_151 = arith.subi %add3A_149, %sub3A : i32
      %lt3A_152 = arith.cmpi slt, %sub3A_151, %add3A_5 : i32
      %and3A = arith.andi %ge3A_150, %lt3A_152 : i1
      %convert_element_type3A_153 = arith.extui %and3A : i1 to i32
      %cond3A_154 = arith.constant 0 : i32
      %cond3A_155 = arith.cmpi ne, %convert_element_type3A_153, %cond3A_154 : i32
      scf.if %cond3A_155 {
        %dma_wait3A_236 = arith.constant 2 : i32
        %dma_wait3A_237 = arith.constant 0 : i32
        %dma_wait3A_238 = arith.constant 0 : i32
        %dma_wait3A_239 = tpu.memref_slice %arg9[%dma_wait3A_236, %dma_wait3A_237, %dma_wait3A_238] : memref<4x512x16xf32, #tpu.memory_space<vmem>> -> memref<1x512x16xf32, #tpu.memory_space<vmem>>
        %dma_wait3A_240 = tpu.memref_squeeze %dma_wait3A_239 : memref<1x512x16xf32, #tpu.memory_space<vmem>> -> memref<512x16xf32, #tpu.memory_space<vmem>>
        %dma_wait3A_241 = arith.constant 0 : i32
        %dma_wait3A_242 = tpu.memref_slice %arg8[%dma_wait3A_241] : memref<10240xi32, #tpu.memory_space<vmem>> -> memref<512xi32, #tpu.memory_space<vmem>>
        %dma_wait3A_243 = arith.constant 0 : i32
        %dma_wait3A_244 = arith.constant 0 : i32
        %dma_wait3A_245 = tpu.memref_slice %arg17[%dma_wait3A_243, %dma_wait3A_244] : memref<10240x16xf32, #tpu.memory_space<vmem_shared>> -> memref<10240x16xf32, #tpu.memory_space<vmem_shared>>
        tpu.wait_indirect_dma semaphore(%arg26 : memref<!tpu.dma_semaphore, #tpu.memory_space<semaphore_mem>>) src(%dma_wait3A_240 : memref<512x16xf32, #tpu.memory_space<vmem>>) dst(%dma_wait3A_245 : memref<10240x16xf32, #tpu.memory_space<vmem_shared>>)
      } else {
      }
      %add3A_156 = arith.constant 2 : i32
      %add3A_157 = arith.addi %add3A_149, %add3A_156 : i32
      %lt3A_158 = arith.cmpi slt, %add3A_157, %add3A_5 : i32
      %convert_element_type3A_159 = arith.extui %lt3A_158 : i1 to i32
      %cond3A_160 = arith.constant 0 : i32
      %cond3A_161 = arith.cmpi ne, %convert_element_type3A_159, %cond3A_160 : i32
      scf.if %cond3A_161 {
        %add3A_236 = arith.constant 2 : i32
        %add3A_237 = arith.addi %add3A_149, %add3A_236 : i32
        %mul3A_238 = arith.constant 512 : i32
        %mul3A_239 = arith.muli %add3A_237, %mul3A_238 : i32
        %dma_start3A_240 = arith.constant 2 : i32
        %dma_start3A_241 = arith.constant 0 : i32
        %dma_start3A_242 = arith.constant 0 : i32
        %dma_start3A_243 = tpu.memref_slice %arg9[%dma_start3A_240, %dma_start3A_241, %dma_start3A_242] : memref<4x512x16xf32, #tpu.memory_space<vmem>> -> memref<1x512x16xf32, #tpu.memory_space<vmem>>
        %dma_start3A_244 = tpu.memref_squeeze %dma_start3A_243 : memref<1x512x16xf32, #tpu.memory_space<vmem>> -> memref<512x16xf32, #tpu.memory_space<vmem>>
        %dma_start3A_245 = tpu.memref_slice %arg7[%mul3A_239] : memref<10240xi32, #tpu.memory_space<vmem>> -> memref<512xi32, #tpu.memory_space<vmem>>
        %dma_start3A_246 = arith.constant 0 : i32
        %dma_start3A_247 = arith.constant 0 : i32
        %dma_start3A_248 = tpu.memref_slice %arg16[%dma_start3A_246, %dma_start3A_247] : memref<10240x16xf32, #tpu.memory_space<vmem_shared>> -> memref<10240x16xf32, #tpu.memory_space<vmem_shared>>
        tpu.enqueue_indirect_dma source(%dma_start3A_248 : memref<10240x16xf32, #tpu.memory_space<vmem_shared>>) target(%dma_start3A_244 : memref<512x16xf32, #tpu.memory_space<vmem>>) offsets(%dma_start3A_245 : memref<512xi32, #tpu.memory_space<vmem>>) semaphore(%arg22 : memref<!tpu.dma_semaphore, #tpu.memory_space<semaphore_mem>>)
      } else {
      }
      %lt3A_162 = arith.cmpi slt, %add3A_149, %add3A_5 : i32
      %convert_element_type3A_163 = arith.extui %lt3A_162 : i1 to i32
      %cond3A_164 = arith.constant 0 : i32
      %cond3A_165 = arith.cmpi ne, %convert_element_type3A_163, %cond3A_164 : i32
      scf.if %cond3A_165 {
        %dma_wait3A_236 = arith.constant 0 : i32
        %dma_wait3A_237 = arith.constant 0 : i32
        %dma_wait3A_238 = arith.constant 0 : i32
        %dma_wait3A_239 = tpu.memref_slice %arg9[%dma_wait3A_236, %dma_wait3A_237, %dma_wait3A_238] : memref<4x512x16xf32, #tpu.memory_space<vmem>> -> memref<1x512x16xf32, #tpu.memory_space<vmem>>
        %dma_wait3A_240 = tpu.memref_squeeze %dma_wait3A_239 : memref<1x512x16xf32, #tpu.memory_space<vmem>> -> memref<512x16xf32, #tpu.memory_space<vmem>>
        %dma_wait3A_241 = arith.constant 0 : i32
        %dma_wait3A_242 = tpu.memref_slice %arg7[%dma_wait3A_241] : memref<10240xi32, #tpu.memory_space<vmem>> -> memref<512xi32, #tpu.memory_space<vmem>>
        %dma_wait3A_243 = arith.constant 0 : i32
        %dma_wait3A_244 = arith.constant 0 : i32
        %dma_wait3A_245 = tpu.memref_slice %arg16[%dma_wait3A_243, %dma_wait3A_244] : memref<10240x16xf32, #tpu.memory_space<vmem_shared>> -> memref<10240x16xf32, #tpu.memory_space<vmem_shared>>
        tpu.wait_indirect_dma semaphore(%arg20 : memref<!tpu.dma_semaphore, #tpu.memory_space<semaphore_mem>>) src(%dma_wait3A_245 : memref<10240x16xf32, #tpu.memory_space<vmem_shared>>) dst(%dma_wait3A_240 : memref<512x16xf32, #tpu.memory_space<vmem>>)
        %mul3A_246 = arith.constant 512 : i32
        %mul3A_247 = arith.muli %add3A_149, %mul3A_246 : i32
        %dma_start3A_248 = arith.constant 0 : i32
        %dma_start3A_249 = arith.constant 0 : i32
        %dma_start3A_250 = arith.constant 0 : i32
        %dma_start3A_251 = tpu.memref_slice %arg9[%dma_start3A_248, %dma_start3A_249, %dma_start3A_250] : memref<4x512x16xf32, #tpu.memory_space<vmem>> -> memref<1x512x16xf32, #tpu.memory_space<vmem>>
        %dma_start3A_252 = tpu.memref_squeeze %dma_start3A_251 : memref<1x512x16xf32, #tpu.memory_space<vmem>> -> memref<512x16xf32, #tpu.memory_space<vmem>>
        %dma_start3A_253 = tpu.memref_slice %arg8[%mul3A_247] : memref<10240xi32, #tpu.memory_space<vmem>> -> memref<512xi32, #tpu.memory_space<vmem>>
        %dma_start3A_254 = arith.constant 0 : i32
        %dma_start3A_255 = arith.constant 0 : i32
        %dma_start3A_256 = tpu.memref_slice %arg17[%dma_start3A_254, %dma_start3A_255] : memref<10240x16xf32, #tpu.memory_space<vmem_shared>> -> memref<10240x16xf32, #tpu.memory_space<vmem_shared>>
        tpu.enqueue_indirect_dma source(%dma_start3A_252 : memref<512x16xf32, #tpu.memory_space<vmem>>) target(%dma_start3A_256 : memref<10240x16xf32, #tpu.memory_space<vmem_shared>>) offsets(%dma_start3A_253 : memref<512xi32, #tpu.memory_space<vmem>>) semaphore(%arg24 : memref<!tpu.dma_semaphore, #tpu.memory_space<semaphore_mem>>) {add = true}
      } else {
      }
      %mul3A_166 = arith.constant 4 : i32
      %mul3A_167 = arith.muli %scan3A_144, %mul3A_166 : i32
      %add3A_168 = arith.constant 1 : i32
      %add3A_169 = arith.addi %mul3A_167, %add3A_168 : i32
      %ge3A_170 = arith.constant 2 : i32
      %ge3A_171 = arith.cmpi sge, %add3A_169, %ge3A_170 : i32
      %sub3A_172 = arith.constant 2 : i32
      %sub3A_173 = arith.subi %add3A_169, %sub3A_172 : i32
      %lt3A_174 = arith.cmpi slt, %sub3A_173, %add3A_5 : i32
      %and3A_175 = arith.andi %ge3A_171, %lt3A_174 : i1
      %convert_element_type3A_176 = arith.extui %and3A_175 : i1 to i32
      %cond3A_177 = arith.constant 0 : i32
      %cond3A_178 = arith.cmpi ne, %convert_element_type3A_176, %cond3A_177 : i32
      scf.if %cond3A_178 {
        %dma_wait3A_236 = arith.constant 3 : i32
        %dma_wait3A_237 = arith.constant 0 : i32
        %dma_wait3A_238 = arith.constant 0 : i32
        %dma_wait3A_239 = tpu.memref_slice %arg9[%dma_wait3A_236, %dma_wait3A_237, %dma_wait3A_238] : memref<4x512x16xf32, #tpu.memory_space<vmem>> -> memref<1x512x16xf32, #tpu.memory_space<vmem>>
        %dma_wait3A_240 = tpu.memref_squeeze %dma_wait3A_239 : memref<1x512x16xf32, #tpu.memory_space<vmem>> -> memref<512x16xf32, #tpu.memory_space<vmem>>
        %dma_wait3A_241 = arith.constant 0 : i32
        %dma_wait3A_242 = tpu.memref_slice %arg8[%dma_wait3A_241] : memref<10240xi32, #tpu.memory_space<vmem>> -> memref<512xi32, #tpu.memory_space<vmem>>
        %dma_wait3A_243 = arith.constant 0 : i32
        %dma_wait3A_244 = arith.constant 0 : i32
        %dma_wait3A_245 = tpu.memref_slice %arg17[%dma_wait3A_243, %dma_wait3A_244] : memref<10240x16xf32, #tpu.memory_space<vmem_shared>> -> memref<10240x16xf32, #tpu.memory_space<vmem_shared>>
        tpu.wait_indirect_dma semaphore(%arg27 : memref<!tpu.dma_semaphore, #tpu.memory_space<semaphore_mem>>) src(%dma_wait3A_240 : memref<512x16xf32, #tpu.memory_space<vmem>>) dst(%dma_wait3A_245 : memref<10240x16xf32, #tpu.memory_space<vmem_shared>>)
      } else {
      }
      %add3A_179 = arith.constant 2 : i32
      %add3A_180 = arith.addi %add3A_169, %add3A_179 : i32
      %lt3A_181 = arith.cmpi slt, %add3A_180, %add3A_5 : i32
      %convert_element_type3A_182 = arith.extui %lt3A_181 : i1 to i32
      %cond3A_183 = arith.constant 0 : i32
      %cond3A_184 = arith.cmpi ne, %convert_element_type3A_182, %cond3A_183 : i32
      scf.if %cond3A_184 {
        %add3A_236 = arith.constant 2 : i32
        %add3A_237 = arith.addi %add3A_169, %add3A_236 : i32
        %mul3A_238 = arith.constant 512 : i32
        %mul3A_239 = arith.muli %add3A_237, %mul3A_238 : i32
        %dma_start3A_240 = arith.constant 3 : i32
        %dma_start3A_241 = arith.constant 0 : i32
        %dma_start3A_242 = arith.constant 0 : i32
        %dma_start3A_243 = tpu.memref_slice %arg9[%dma_start3A_240, %dma_start3A_241, %dma_start3A_242] : memref<4x512x16xf32, #tpu.memory_space<vmem>> -> memref<1x512x16xf32, #tpu.memory_space<vmem>>
        %dma_start3A_244 = tpu.memref_squeeze %dma_start3A_243 : memref<1x512x16xf32, #tpu.memory_space<vmem>> -> memref<512x16xf32, #tpu.memory_space<vmem>>
        %dma_start3A_245 = tpu.memref_slice %arg7[%mul3A_239] : memref<10240xi32, #tpu.memory_space<vmem>> -> memref<512xi32, #tpu.memory_space<vmem>>
        %dma_start3A_246 = arith.constant 0 : i32
        %dma_start3A_247 = arith.constant 0 : i32
        %dma_start3A_248 = tpu.memref_slice %arg16[%dma_start3A_246, %dma_start3A_247] : memref<10240x16xf32, #tpu.memory_space<vmem_shared>> -> memref<10240x16xf32, #tpu.memory_space<vmem_shared>>
        tpu.enqueue_indirect_dma source(%dma_start3A_248 : memref<10240x16xf32, #tpu.memory_space<vmem_shared>>) target(%dma_start3A_244 : memref<512x16xf32, #tpu.memory_space<vmem>>) offsets(%dma_start3A_245 : memref<512xi32, #tpu.memory_space<vmem>>) semaphore(%arg23 : memref<!tpu.dma_semaphore, #tpu.memory_space<semaphore_mem>>)
      } else {
      }
      %lt3A_185 = arith.cmpi slt, %add3A_169, %add3A_5 : i32
      %convert_element_type3A_186 = arith.extui %lt3A_185 : i1 to i32
      %cond3A_187 = arith.constant 0 : i32
      %cond3A_188 = arith.cmpi ne, %convert_element_type3A_186, %cond3A_187 : i32
      scf.if %cond3A_188 {
        %dma_wait3A_236 = arith.constant 1 : i32
        %dma_wait3A_237 = arith.constant 0 : i32
        %dma_wait3A_238 = arith.constant 0 : i32
        %dma_wait3A_239 = tpu.memref_slice %arg9[%dma_wait3A_236, %dma_wait3A_237, %dma_wait3A_238] : memref<4x512x16xf32, #tpu.memory_space<vmem>> -> memref<1x512x16xf32, #tpu.memory_space<vmem>>
        %dma_wait3A_240 = tpu.memref_squeeze %dma_wait3A_239 : memref<1x512x16xf32, #tpu.memory_space<vmem>> -> memref<512x16xf32, #tpu.memory_space<vmem>>
        %dma_wait3A_241 = arith.constant 0 : i32
        %dma_wait3A_242 = tpu.memref_slice %arg7[%dma_wait3A_241] : memref<10240xi32, #tpu.memory_space<vmem>> -> memref<512xi32, #tpu.memory_space<vmem>>
        %dma_wait3A_243 = arith.constant 0 : i32
        %dma_wait3A_244 = arith.constant 0 : i32
        %dma_wait3A_245 = tpu.memref_slice %arg16[%dma_wait3A_243, %dma_wait3A_244] : memref<10240x16xf32, #tpu.memory_space<vmem_shared>> -> memref<10240x16xf32, #tpu.memory_space<vmem_shared>>
        tpu.wait_indirect_dma semaphore(%arg21 : memref<!tpu.dma_semaphore, #tpu.memory_space<semaphore_mem>>) src(%dma_wait3A_245 : memref<10240x16xf32, #tpu.memory_space<vmem_shared>>) dst(%dma_wait3A_240 : memref<512x16xf32, #tpu.memory_space<vmem>>)
        %mul3A_246 = arith.constant 512 : i32
        %mul3A_247 = arith.muli %add3A_169, %mul3A_246 : i32
        %dma_start3A_248 = arith.constant 1 : i32
        %dma_start3A_249 = arith.constant 0 : i32
        %dma_start3A_250 = arith.constant 0 : i32
        %dma_start3A_251 = tpu.memref_slice %arg9[%dma_start3A_248, %dma_start3A_249, %dma_start3A_250] : memref<4x512x16xf32, #tpu.memory_space<vmem>> -> memref<1x512x16xf32, #tpu.memory_space<vmem>>
        %dma_start3A_252 = tpu.memref_squeeze %dma_start3A_251 : memref<1x512x16xf32, #tpu.memory_space<vmem>> -> memref<512x16xf32, #tpu.memory_space<vmem>>
        %dma_start3A_253 = tpu.memref_slice %arg8[%mul3A_247] : memref<10240xi32, #tpu.memory_space<vmem>> -> memref<512xi32, #tpu.memory_space<vmem>>
        %dma_start3A_254 = arith.constant 0 : i32
        %dma_start3A_255 = arith.constant 0 : i32
        %dma_start3A_256 = tpu.memref_slice %arg17[%dma_start3A_254, %dma_start3A_255] : memref<10240x16xf32, #tpu.memory_space<vmem_shared>> -> memref<10240x16xf32, #tpu.memory_space<vmem_shared>>
        tpu.enqueue_indirect_dma source(%dma_start3A_252 : memref<512x16xf32, #tpu.memory_space<vmem>>) target(%dma_start3A_256 : memref<10240x16xf32, #tpu.memory_space<vmem_shared>>) offsets(%dma_start3A_253 : memref<512xi32, #tpu.memory_space<vmem>>) semaphore(%arg25 : memref<!tpu.dma_semaphore, #tpu.memory_space<semaphore_mem>>) {add = true}
      } else {
      }
      %mul3A_189 = arith.constant 4 : i32
      %mul3A_190 = arith.muli %scan3A_144, %mul3A_189 : i32
      %add3A_191 = arith.constant 2 : i32
      %add3A_192 = arith.addi %mul3A_190, %add3A_191 : i32
      %ge3A_193 = arith.constant 2 : i32
      %ge3A_194 = arith.cmpi sge, %add3A_192, %ge3A_193 : i32
      %sub3A_195 = arith.constant 2 : i32
      %sub3A_196 = arith.subi %add3A_192, %sub3A_195 : i32
      %lt3A_197 = arith.cmpi slt, %sub3A_196, %add3A_5 : i32
      %and3A_198 = arith.andi %ge3A_194, %lt3A_197 : i1
      %convert_element_type3A_199 = arith.extui %and3A_198 : i1 to i32
      %cond3A_200 = arith.constant 0 : i32
      %cond3A_201 = arith.cmpi ne, %convert_element_type3A_199, %cond3A_200 : i32
      scf.if %cond3A_201 {
        %dma_wait3A_236 = arith.constant 0 : i32
        %dma_wait3A_237 = arith.constant 0 : i32
        %dma_wait3A_238 = arith.constant 0 : i32
        %dma_wait3A_239 = tpu.memref_slice %arg9[%dma_wait3A_236, %dma_wait3A_237, %dma_wait3A_238] : memref<4x512x16xf32, #tpu.memory_space<vmem>> -> memref<1x512x16xf32, #tpu.memory_space<vmem>>
        %dma_wait3A_240 = tpu.memref_squeeze %dma_wait3A_239 : memref<1x512x16xf32, #tpu.memory_space<vmem>> -> memref<512x16xf32, #tpu.memory_space<vmem>>
        %dma_wait3A_241 = arith.constant 0 : i32
        %dma_wait3A_242 = tpu.memref_slice %arg8[%dma_wait3A_241] : memref<10240xi32, #tpu.memory_space<vmem>> -> memref<512xi32, #tpu.memory_space<vmem>>
        %dma_wait3A_243 = arith.constant 0 : i32
        %dma_wait3A_244 = arith.constant 0 : i32
        %dma_wait3A_245 = tpu.memref_slice %arg17[%dma_wait3A_243, %dma_wait3A_244] : memref<10240x16xf32, #tpu.memory_space<vmem_shared>> -> memref<10240x16xf32, #tpu.memory_space<vmem_shared>>
        tpu.wait_indirect_dma semaphore(%arg24 : memref<!tpu.dma_semaphore, #tpu.memory_space<semaphore_mem>>) src(%dma_wait3A_240 : memref<512x16xf32, #tpu.memory_space<vmem>>) dst(%dma_wait3A_245 : memref<10240x16xf32, #tpu.memory_space<vmem_shared>>)
      } else {
      }
      %add3A_202 = arith.constant 2 : i32
      %add3A_203 = arith.addi %add3A_192, %add3A_202 : i32
      %lt3A_204 = arith.cmpi slt, %add3A_203, %add3A_5 : i32
      %convert_element_type3A_205 = arith.extui %lt3A_204 : i1 to i32
      %cond3A_206 = arith.constant 0 : i32
      %cond3A_207 = arith.cmpi ne, %convert_element_type3A_205, %cond3A_206 : i32
      scf.if %cond3A_207 {
        %add3A_236 = arith.constant 2 : i32
        %add3A_237 = arith.addi %add3A_192, %add3A_236 : i32
        %mul3A_238 = arith.constant 512 : i32
        %mul3A_239 = arith.muli %add3A_237, %mul3A_238 : i32
        %dma_start3A_240 = arith.constant 0 : i32
        %dma_start3A_241 = arith.constant 0 : i32
        %dma_start3A_242 = arith.constant 0 : i32
        %dma_start3A_243 = tpu.memref_slice %arg9[%dma_start3A_240, %dma_start3A_241, %dma_start3A_242] : memref<4x512x16xf32, #tpu.memory_space<vmem>> -> memref<1x512x16xf32, #tpu.memory_space<vmem>>
        %dma_start3A_244 = tpu.memref_squeeze %dma_start3A_243 : memref<1x512x16xf32, #tpu.memory_space<vmem>> -> memref<512x16xf32, #tpu.memory_space<vmem>>
        %dma_start3A_245 = tpu.memref_slice %arg7[%mul3A_239] : memref<10240xi32, #tpu.memory_space<vmem>> -> memref<512xi32, #tpu.memory_space<vmem>>
        %dma_start3A_246 = arith.constant 0 : i32
        %dma_start3A_247 = arith.constant 0 : i32
        %dma_start3A_248 = tpu.memref_slice %arg16[%dma_start3A_246, %dma_start3A_247] : memref<10240x16xf32, #tpu.memory_space<vmem_shared>> -> memref<10240x16xf32, #tpu.memory_space<vmem_shared>>
        tpu.enqueue_indirect_dma source(%dma_start3A_248 : memref<10240x16xf32, #tpu.memory_space<vmem_shared>>) target(%dma_start3A_244 : memref<512x16xf32, #tpu.memory_space<vmem>>) offsets(%dma_start3A_245 : memref<512xi32, #tpu.memory_space<vmem>>) semaphore(%arg20 : memref<!tpu.dma_semaphore, #tpu.memory_space<semaphore_mem>>)
      } else {
      }
      %lt3A_208 = arith.cmpi slt, %add3A_192, %add3A_5 : i32
      %convert_element_type3A_209 = arith.extui %lt3A_208 : i1 to i32
      %cond3A_210 = arith.constant 0 : i32
      %cond3A_211 = arith.cmpi ne, %convert_element_type3A_209, %cond3A_210 : i32
      scf.if %cond3A_211 {
        %dma_wait3A_236 = arith.constant 2 : i32
        %dma_wait3A_237 = arith.constant 0 : i32
        %dma_wait3A_238 = arith.constant 0 : i32
        %dma_wait3A_239 = tpu.memref_slice %arg9[%dma_wait3A_236, %dma_wait3A_237, %dma_wait3A_238] : memref<4x512x16xf32, #tpu.memory_space<vmem>> -> memref<1x512x16xf32, #tpu.memory_space<vmem>>
        %dma_wait3A_240 = tpu.memref_squeeze %dma_wait3A_239 : memref<1x512x16xf32, #tpu.memory_space<vmem>> -> memref<512x16xf32, #tpu.memory_space<vmem>>
        %dma_wait3A_241 = arith.constant 0 : i32
        %dma_wait3A_242 = tpu.memref_slice %arg7[%dma_wait3A_241] : memref<10240xi32, #tpu.memory_space<vmem>> -> memref<512xi32, #tpu.memory_space<vmem>>
        %dma_wait3A_243 = arith.constant 0 : i32
        %dma_wait3A_244 = arith.constant 0 : i32
        %dma_wait3A_245 = tpu.memref_slice %arg16[%dma_wait3A_243, %dma_wait3A_244] : memref<10240x16xf32, #tpu.memory_space<vmem_shared>> -> memref<10240x16xf32, #tpu.memory_space<vmem_shared>>
        tpu.wait_indirect_dma semaphore(%arg22 : memref<!tpu.dma_semaphore, #tpu.memory_space<semaphore_mem>>) src(%dma_wait3A_245 : memref<10240x16xf32, #tpu.memory_space<vmem_shared>>) dst(%dma_wait3A_240 : memref<512x16xf32, #tpu.memory_space<vmem>>)
        %mul3A_246 = arith.constant 512 : i32
        %mul3A_247 = arith.muli %add3A_192, %mul3A_246 : i32
        %dma_start3A_248 = arith.constant 2 : i32
        %dma_start3A_249 = arith.constant 0 : i32
        %dma_start3A_250 = arith.constant 0 : i32
        %dma_start3A_251 = tpu.memref_slice %arg9[%dma_start3A_248, %dma_start3A_249, %dma_start3A_250] : memref<4x512x16xf32, #tpu.memory_space<vmem>> -> memref<1x512x16xf32, #tpu.memory_space<vmem>>
        %dma_start3A_252 = tpu.memref_squeeze %dma_start3A_251 : memref<1x512x16xf32, #tpu.memory_space<vmem>> -> memref<512x16xf32, #tpu.memory_space<vmem>>
        %dma_start3A_253 = tpu.memref_slice %arg8[%mul3A_247] : memref<10240xi32, #tpu.memory_space<vmem>> -> memref<512xi32, #tpu.memory_space<vmem>>
        %dma_start3A_254 = arith.constant 0 : i32
        %dma_start3A_255 = arith.constant 0 : i32
        %dma_start3A_256 = tpu.memref_slice %arg17[%dma_start3A_254, %dma_start3A_255] : memref<10240x16xf32, #tpu.memory_space<vmem_shared>> -> memref<10240x16xf32, #tpu.memory_space<vmem_shared>>
        tpu.enqueue_indirect_dma source(%dma_start3A_252 : memref<512x16xf32, #tpu.memory_space<vmem>>) target(%dma_start3A_256 : memref<10240x16xf32, #tpu.memory_space<vmem_shared>>) offsets(%dma_start3A_253 : memref<512xi32, #tpu.memory_space<vmem>>) semaphore(%arg26 : memref<!tpu.dma_semaphore, #tpu.memory_space<semaphore_mem>>) {add = true}
      } else {
      }
      %mul3A_212 = arith.constant 4 : i32
      %mul3A_213 = arith.muli %scan3A_144, %mul3A_212 : i32
      %add3A_214 = arith.constant 3 : i32
      %add3A_215 = arith.addi %mul3A_213, %add3A_214 : i32
      %ge3A_216 = arith.constant 2 : i32
      %ge3A_217 = arith.cmpi sge, %add3A_215, %ge3A_216 : i32
      %sub3A_218 = arith.constant 2 : i32
      %sub3A_219 = arith.subi %add3A_215, %sub3A_218 : i32
      %lt3A_220 = arith.cmpi slt, %sub3A_219, %add3A_5 : i32
      %and3A_221 = arith.andi %ge3A_217, %lt3A_220 : i1
      %convert_element_type3A_222 = arith.extui %and3A_221 : i1 to i32
      %cond3A_223 = arith.constant 0 : i32
      %cond3A_224 = arith.cmpi ne, %convert_element_type3A_222, %cond3A_223 : i32
      scf.if %cond3A_224 {
        %dma_wait3A_236 = arith.constant 1 : i32
        %dma_wait3A_237 = arith.constant 0 : i32
        %dma_wait3A_238 = arith.constant 0 : i32
        %dma_wait3A_239 = tpu.memref_slice %arg9[%dma_wait3A_236, %dma_wait3A_237, %dma_wait3A_238] : memref<4x512x16xf32, #tpu.memory_space<vmem>> -> memref<1x512x16xf32, #tpu.memory_space<vmem>>
        %dma_wait3A_240 = tpu.memref_squeeze %dma_wait3A_239 : memref<1x512x16xf32, #tpu.memory_space<vmem>> -> memref<512x16xf32, #tpu.memory_space<vmem>>
        %dma_wait3A_241 = arith.constant 0 : i32
        %dma_wait3A_242 = tpu.memref_slice %arg8[%dma_wait3A_241] : memref<10240xi32, #tpu.memory_space<vmem>> -> memref<512xi32, #tpu.memory_space<vmem>>
        %dma_wait3A_243 = arith.constant 0 : i32
        %dma_wait3A_244 = arith.constant 0 : i32
        %dma_wait3A_245 = tpu.memref_slice %arg17[%dma_wait3A_243, %dma_wait3A_244] : memref<10240x16xf32, #tpu.memory_space<vmem_shared>> -> memref<10240x16xf32, #tpu.memory_space<vmem_shared>>
        tpu.wait_indirect_dma semaphore(%arg25 : memref<!tpu.dma_semaphore, #tpu.memory_space<semaphore_mem>>) src(%dma_wait3A_240 : memref<512x16xf32, #tpu.memory_space<vmem>>) dst(%dma_wait3A_245 : memref<10240x16xf32, #tpu.memory_space<vmem_shared>>)
      } else {
      }
      %add3A_225 = arith.constant 2 : i32
      %add3A_226 = arith.addi %add3A_215, %add3A_225 : i32
      %lt3A_227 = arith.cmpi slt, %add3A_226, %add3A_5 : i32
      %convert_element_type3A_228 = arith.extui %lt3A_227 : i1 to i32
      %cond3A_229 = arith.constant 0 : i32
      %cond3A_230 = arith.cmpi ne, %convert_element_type3A_228, %cond3A_229 : i32
      scf.if %cond3A_230 {
        %add3A_236 = arith.constant 2 : i32
        %add3A_237 = arith.addi %add3A_215, %add3A_236 : i32
        %mul3A_238 = arith.constant 512 : i32
        %mul3A_239 = arith.muli %add3A_237, %mul3A_238 : i32
        %dma_start3A_240 = arith.constant 1 : i32
        %dma_start3A_241 = arith.constant 0 : i32
        %dma_start3A_242 = arith.constant 0 : i32
        %dma_start3A_243 = tpu.memref_slice %arg9[%dma_start3A_240, %dma_start3A_241, %dma_start3A_242] : memref<4x512x16xf32, #tpu.memory_space<vmem>> -> memref<1x512x16xf32, #tpu.memory_space<vmem>>
        %dma_start3A_244 = tpu.memref_squeeze %dma_start3A_243 : memref<1x512x16xf32, #tpu.memory_space<vmem>> -> memref<512x16xf32, #tpu.memory_space<vmem>>
        %dma_start3A_245 = tpu.memref_slice %arg7[%mul3A_239] : memref<10240xi32, #tpu.memory_space<vmem>> -> memref<512xi32, #tpu.memory_space<vmem>>
        %dma_start3A_246 = arith.constant 0 : i32
        %dma_start3A_247 = arith.constant 0 : i32
        %dma_start3A_248 = tpu.memref_slice %arg16[%dma_start3A_246, %dma_start3A_247] : memref<10240x16xf32, #tpu.memory_space<vmem_shared>> -> memref<10240x16xf32, #tpu.memory_space<vmem_shared>>
        tpu.enqueue_indirect_dma source(%dma_start3A_248 : memref<10240x16xf32, #tpu.memory_space<vmem_shared>>) target(%dma_start3A_244 : memref<512x16xf32, #tpu.memory_space<vmem>>) offsets(%dma_start3A_245 : memref<512xi32, #tpu.memory_space<vmem>>) semaphore(%arg21 : memref<!tpu.dma_semaphore, #tpu.memory_space<semaphore_mem>>)
      } else {
      }
      %lt3A_231 = arith.cmpi slt, %add3A_215, %add3A_5 : i32
      %convert_element_type3A_232 = arith.extui %lt3A_231 : i1 to i32
      %cond3A_233 = arith.constant 0 : i32
      %cond3A_234 = arith.cmpi ne, %convert_element_type3A_232, %cond3A_233 : i32
      scf.if %cond3A_234 {
        %dma_wait3A_236 = arith.constant 3 : i32
        %dma_wait3A_237 = arith.constant 0 : i32
        %dma_wait3A_238 = arith.constant 0 : i32
        %dma_wait3A_239 = tpu.memref_slice %arg9[%dma_wait3A_236, %dma_wait3A_237, %dma_wait3A_238] : memref<4x512x16xf32, #tpu.memory_space<vmem>> -> memref<1x512x16xf32, #tpu.memory_space<vmem>>
        %dma_wait3A_240 = tpu.memref_squeeze %dma_wait3A_239 : memref<1x512x16xf32, #tpu.memory_space<vmem>> -> memref<512x16xf32, #tpu.memory_space<vmem>>
        %dma_wait3A_241 = arith.constant 0 : i32
        %dma_wait3A_242 = tpu.memref_slice %arg7[%dma_wait3A_241] : memref<10240xi32, #tpu.memory_space<vmem>> -> memref<512xi32, #tpu.memory_space<vmem>>
        %dma_wait3A_243 = arith.constant 0 : i32
        %dma_wait3A_244 = arith.constant 0 : i32
        %dma_wait3A_245 = tpu.memref_slice %arg16[%dma_wait3A_243, %dma_wait3A_244] : memref<10240x16xf32, #tpu.memory_space<vmem_shared>> -> memref<10240x16xf32, #tpu.memory_space<vmem_shared>>
        tpu.wait_indirect_dma semaphore(%arg23 : memref<!tpu.dma_semaphore, #tpu.memory_space<semaphore_mem>>) src(%dma_wait3A_245 : memref<10240x16xf32, #tpu.memory_space<vmem_shared>>) dst(%dma_wait3A_240 : memref<512x16xf32, #tpu.memory_space<vmem>>)
        %mul3A_246 = arith.constant 512 : i32
        %mul3A_247 = arith.muli %add3A_215, %mul3A_246 : i32
        %dma_start3A_248 = arith.constant 3 : i32
        %dma_start3A_249 = arith.constant 0 : i32
        %dma_start3A_250 = arith.constant 0 : i32
        %dma_start3A_251 = tpu.memref_slice %arg9[%dma_start3A_248, %dma_start3A_249, %dma_start3A_250] : memref<4x512x16xf32, #tpu.memory_space<vmem>> -> memref<1x512x16xf32, #tpu.memory_space<vmem>>
        %dma_start3A_252 = tpu.memref_squeeze %dma_start3A_251 : memref<1x512x16xf32, #tpu.memory_space<vmem>> -> memref<512x16xf32, #tpu.memory_space<vmem>>
        %dma_start3A_253 = tpu.memref_slice %arg8[%mul3A_247] : memref<10240xi32, #tpu.memory_space<vmem>> -> memref<512xi32, #tpu.memory_space<vmem>>
        %dma_start3A_254 = arith.constant 0 : i32
        %dma_start3A_255 = arith.constant 0 : i32
        %dma_start3A_256 = tpu.memref_slice %arg17[%dma_start3A_254, %dma_start3A_255] : memref<10240x16xf32, #tpu.memory_space<vmem_shared>> -> memref<10240x16xf32, #tpu.memory_space<vmem_shared>>
        tpu.enqueue_indirect_dma source(%dma_start3A_252 : memref<512x16xf32, #tpu.memory_space<vmem>>) target(%dma_start3A_256 : memref<10240x16xf32, #tpu.memory_space<vmem_shared>>) offsets(%dma_start3A_253 : memref<512xi32, #tpu.memory_space<vmem>>) semaphore(%arg27 : memref<!tpu.dma_semaphore, #tpu.memory_space<semaphore_mem>>) {add = true}
      } else {
      }
      %scan3A_235 = arith.constant 0 : i32
      scf.yield %scan3A_235 : i32
    }
    %scan3A_132 = arith.constant 6 : i32
    %barrier3A_133 = arith.constant 0 : index
    tpu.barrier barrier_id(%barrier3A_133)
    "tpu.region"() ({
      %run_scoped3A = tpu.sem_alloc : memref<!tpu.dma_semaphore, #tpu.memory_space<semaphore_mem>>
      %dma_start3A_144 = arith.constant 0 : i32
      %dma_start3A_145 = tpu.memref_slice %arg17[%mul3A_2, %dma_start3A_144] : memref<10240x16xf32, #tpu.memory_space<vmem_shared>> -> memref<640x16xf32, #tpu.memory_space<vmem_shared>>
      %dma_start3A_146 = arith.constant 0 : i32
      %dma_start3A_147 = tpu.memref_slice %arg17[%mul3A_2, %dma_start3A_146] : memref<10240x16xf32, #tpu.memory_space<vmem_shared>> -> memref<640x16xf32, #tpu.memory_space<vmem_shared>>
      tpu.enqueue_dma source(%dma_start3A_147 : memref<640x16xf32, #tpu.memory_space<vmem_shared>>) target(%arg10 : memref<640x16xf32, #tpu.memory_space<vmem>>) target_semaphore(%run_scoped3A : memref<!tpu.dma_semaphore, #tpu.memory_space<semaphore_mem>>)
      %dma_wait3A_148 = arith.constant 0 : i32
      %dma_wait3A_149 = tpu.memref_slice %arg17[%mul3A_2, %dma_wait3A_148] : memref<10240x16xf32, #tpu.memory_space<vmem_shared>> -> memref<640x16xf32, #tpu.memory_space<vmem_shared>>
      %dma_wait3A_150 = arith.constant 0 : i32
      %dma_wait3A_151 = tpu.memref_slice %arg17[%mul3A_2, %dma_wait3A_150] : memref<10240x16xf32, #tpu.memory_space<vmem_shared>> -> memref<640x16xf32, #tpu.memory_space<vmem_shared>>
      tpu.wait_dma2 semaphore(%run_scoped3A : memref<!tpu.dma_semaphore, #tpu.memory_space<semaphore_mem>>) src(%dma_wait3A_151 : memref<640x16xf32, #tpu.memory_space<vmem_shared>>) dst(%arg10 : memref<640x16xf32, #tpu.memory_space<vmem>>)
      tpu.yield
    }) : () -> ()
    %scan3A_134 = arith.constant 0 : i32
    %scan3A_135 = arith.constant 0 : i32
    %scan3A_136 = arith.constant 40 : i32
    %scan3A_137 = arith.addi %scan3A_135, %scan3A_136 : i32
    %scan3A_138 = arith.constant 1 : i32
    %scan3A_139 = scf.for %scan3A_144 = %scan3A_135 to %scan3A_137 step %scan3A_138 iter_args(%scan3A_145 = %scan3A_134) -> (i32)  : i32 {
      %mul3A_146 = arith.constant 16 : i32
      %mul3A_147 = arith.muli %scan3A_144, %mul3A_146 : i32
      %get3A_148 = arith.index_cast %mul3A_147 : i32 to index
      %get3A_149 = tpu.vector_load %arg13[%get3A_148] {strides = array<i32>} : memref<640xf32, #tpu.memory_space<vmem>>, vector<16xf32>,
      %mul3A_150 = arith.constant 16 : i32
      %mul3A_151 = arith.muli %scan3A_144, %mul3A_150 : i32
      %get3A_152 = arith.index_cast %mul3A_151 : i32 to index
      %get3A_153 = tpu.vector_load %arg14[%get3A_152] {strides = array<i32>} : memref<640xf32, #tpu.memory_space<vmem>>, vector<16xf32>,
      %add3A_154 = arith.addf %get3A_149, %get3A_153 : vector<16xf32>
      %max3A = arith.constant 1.000000e+00 : f32
      %max3A_155 = vector.broadcast %max3A : f32 to vector<16xf32>
      %max3A_156 = arith.maximumf %add3A_154, %max3A_155 : vector<16xf32>
      %broadcast_in_dim3A_157 = arith.constant 1.000000e+00 : f32
      %broadcast_in_dim3A_158 = vector.broadcast %broadcast_in_dim3A_157 : f32 to vector<16xf32>
      %div3A = arith.divf %broadcast_in_dim3A_158, %max3A_156 : vector<16xf32>
      %mul3A_159 = arith.constant 16 : i32
      %mul3A_160 = arith.muli %scan3A_144, %mul3A_159 : i32
      %add3A_161 = arith.constant 0 : i32
      %add3A_162 = arith.addi %mul3A_160, %add3A_161 : i32
      %get3A_163 = arith.index_cast %add3A_162 : i32 to index
      %get3A_164 = arith.constant 0 : index
      %get3A_165 = tpu.vector_load %arg10[%get3A_163, %get3A_164] {strides = array<i32>} : memref<640x16xf32, #tpu.memory_space<vmem>>, vector<16xf32>,
      %slice3A = vector.extract_strided_slice %div3A {offsets = [0], sizes = [1], strides = [1]} : vector<16xf32> to vector<1xf32>
      %squeeze3A = vector.extract %slice3A[0] : f32 from vector<1xf32>
      %broadcast_in_dim3A_166 = vector.broadcast %squeeze3A : f32 to vector<16xf32>
      %mul3A_167 = arith.mulf %get3A_165, %broadcast_in_dim3A_166 : vector<16xf32>
      %swap3A = arith.index_cast %add3A_162 : i32 to index
      %swap3A_168 = arith.constant 0 : index
      %swap3A_169 = tpu.vector_load %arg10[%swap3A, %swap3A_168] {strides = array<i32>} : memref<640x16xf32, #tpu.memory_space<vmem>>, vector<16xf32>,
      tpu.vector_store %arg10[%swap3A, %swap3A_168], %mul3A_167 {strides = array<i32>} : memref<640x16xf32, #tpu.memory_space<vmem>>, vector<16xf32>,
      %mul3A_170 = arith.constant 16 : i32
      %mul3A_171 = arith.muli %scan3A_144, %mul3A_170 : i32
      %add3A_172 = arith.constant 1 : i32
      %add3A_173 = arith.addi %mul3A_171, %add3A_172 : i32
      %get3A_174 = arith.index_cast %add3A_173 : i32 to index
      %get3A_175 = arith.constant 0 : index
      %get3A_176 = tpu.vector_load %arg10[%get3A_174, %get3A_175] {strides = array<i32>} : memref<640x16xf32, #tpu.memory_space<vmem>>, vector<16xf32>,
      %slice3A_177 = vector.extract_strided_slice %div3A {offsets = [1], sizes = [1], strides = [1]} : vector<16xf32> to vector<1xf32>
      %squeeze3A_178 = vector.extract %slice3A_177[0] : f32 from vector<1xf32>
      %broadcast_in_dim3A_179 = vector.broadcast %squeeze3A_178 : f32 to vector<16xf32>
      %mul3A_180 = arith.mulf %get3A_176, %broadcast_in_dim3A_179 : vector<16xf32>
      %swap3A_181 = arith.index_cast %add3A_173 : i32 to index
      %swap3A_182 = arith.constant 0 : index
      %swap3A_183 = tpu.vector_load %arg10[%swap3A_181, %swap3A_182] {strides = array<i32>} : memref<640x16xf32, #tpu.memory_space<vmem>>, vector<16xf32>,
      tpu.vector_store %arg10[%swap3A_181, %swap3A_182], %mul3A_180 {strides = array<i32>} : memref<640x16xf32, #tpu.memory_space<vmem>>, vector<16xf32>,
      %mul3A_184 = arith.constant 16 : i32
      %mul3A_185 = arith.muli %scan3A_144, %mul3A_184 : i32
      %add3A_186 = arith.constant 2 : i32
      %add3A_187 = arith.addi %mul3A_185, %add3A_186 : i32
      %get3A_188 = arith.index_cast %add3A_187 : i32 to index
      %get3A_189 = arith.constant 0 : index
      %get3A_190 = tpu.vector_load %arg10[%get3A_188, %get3A_189] {strides = array<i32>} : memref<640x16xf32, #tpu.memory_space<vmem>>, vector<16xf32>,
      %slice3A_191 = vector.extract_strided_slice %div3A {offsets = [2], sizes = [1], strides = [1]} : vector<16xf32> to vector<1xf32>
      %squeeze3A_192 = vector.extract %slice3A_191[0] : f32 from vector<1xf32>
      %broadcast_in_dim3A_193 = vector.broadcast %squeeze3A_192 : f32 to vector<16xf32>
      %mul3A_194 = arith.mulf %get3A_190, %broadcast_in_dim3A_193 : vector<16xf32>
      %swap3A_195 = arith.index_cast %add3A_187 : i32 to index
      %swap3A_196 = arith.constant 0 : index
      %swap3A_197 = tpu.vector_load %arg10[%swap3A_195, %swap3A_196] {strides = array<i32>} : memref<640x16xf32, #tpu.memory_space<vmem>>, vector<16xf32>,
      tpu.vector_store %arg10[%swap3A_195, %swap3A_196], %mul3A_194 {strides = array<i32>} : memref<640x16xf32, #tpu.memory_space<vmem>>, vector<16xf32>,
      %mul3A_198 = arith.constant 16 : i32
      %mul3A_199 = arith.muli %scan3A_144, %mul3A_198 : i32
      %add3A_200 = arith.constant 3 : i32
      %add3A_201 = arith.addi %mul3A_199, %add3A_200 : i32
      %get3A_202 = arith.index_cast %add3A_201 : i32 to index
      %get3A_203 = arith.constant 0 : index
      %get3A_204 = tpu.vector_load %arg10[%get3A_202, %get3A_203] {strides = array<i32>} : memref<640x16xf32, #tpu.memory_space<vmem>>, vector<16xf32>,
      %slice3A_205 = vector.extract_strided_slice %div3A {offsets = [3], sizes = [1], strides = [1]} : vector<16xf32> to vector<1xf32>
      %squeeze3A_206 = vector.extract %slice3A_205[0] : f32 from vector<1xf32>
      %broadcast_in_dim3A_207 = vector.broadcast %squeeze3A_206 : f32 to vector<16xf32>
      %mul3A_208 = arith.mulf %get3A_204, %broadcast_in_dim3A_207 : vector<16xf32>
      %swap3A_209 = arith.index_cast %add3A_201 : i32 to index
      %swap3A_210 = arith.constant 0 : index
      %swap3A_211 = tpu.vector_load %arg10[%swap3A_209, %swap3A_210] {strides = array<i32>} : memref<640x16xf32, #tpu.memory_space<vmem>>, vector<16xf32>,
      tpu.vector_store %arg10[%swap3A_209, %swap3A_210], %mul3A_208 {strides = array<i32>} : memref<640x16xf32, #tpu.memory_space<vmem>>, vector<16xf32>,
      %mul3A_212 = arith.constant 16 : i32
      %mul3A_213 = arith.muli %scan3A_144, %mul3A_212 : i32
      %add3A_214 = arith.constant 4 : i32
      %add3A_215 = arith.addi %mul3A_213, %add3A_214 : i32
      %get3A_216 = arith.index_cast %add3A_215 : i32 to index
      %get3A_217 = arith.constant 0 : index
      %get3A_218 = tpu.vector_load %arg10[%get3A_216, %get3A_217] {strides = array<i32>} : memref<640x16xf32, #tpu.memory_space<vmem>>, vector<16xf32>,
      %slice3A_219 = vector.extract_strided_slice %div3A {offsets = [4], sizes = [1], strides = [1]} : vector<16xf32> to vector<1xf32>
      %squeeze3A_220 = vector.extract %slice3A_219[0] : f32 from vector<1xf32>
      %broadcast_in_dim3A_221 = vector.broadcast %squeeze3A_220 : f32 to vector<16xf32>
      %mul3A_222 = arith.mulf %get3A_218, %broadcast_in_dim3A_221 : vector<16xf32>
      %swap3A_223 = arith.index_cast %add3A_215 : i32 to index
      %swap3A_224 = arith.constant 0 : index
      %swap3A_225 = tpu.vector_load %arg10[%swap3A_223, %swap3A_224] {strides = array<i32>} : memref<640x16xf32, #tpu.memory_space<vmem>>, vector<16xf32>,
      tpu.vector_store %arg10[%swap3A_223, %swap3A_224], %mul3A_222 {strides = array<i32>} : memref<640x16xf32, #tpu.memory_space<vmem>>, vector<16xf32>,
      %mul3A_226 = arith.constant 16 : i32
      %mul3A_227 = arith.muli %scan3A_144, %mul3A_226 : i32
      %add3A_228 = arith.constant 5 : i32
      %add3A_229 = arith.addi %mul3A_227, %add3A_228 : i32
      %get3A_230 = arith.index_cast %add3A_229 : i32 to index
      %get3A_231 = arith.constant 0 : index
      %get3A_232 = tpu.vector_load %arg10[%get3A_230, %get3A_231] {strides = array<i32>} : memref<640x16xf32, #tpu.memory_space<vmem>>, vector<16xf32>,
      %slice3A_233 = vector.extract_strided_slice %div3A {offsets = [5], sizes = [1], strides = [1]} : vector<16xf32> to vector<1xf32>
      %squeeze3A_234 = vector.extract %slice3A_233[0] : f32 from vector<1xf32>
      %broadcast_in_dim3A_235 = vector.broadcast %squeeze3A_234 : f32 to vector<16xf32>
      %mul3A_236 = arith.mulf %get3A_232, %broadcast_in_dim3A_235 : vector<16xf32>
      %swap3A_237 = arith.index_cast %add3A_229 : i32 to index
      %swap3A_238 = arith.constant 0 : index
      %swap3A_239 = tpu.vector_load %arg10[%swap3A_237, %swap3A_238] {strides = array<i32>} : memref<640x16xf32, #tpu.memory_space<vmem>>, vector<16xf32>,
      tpu.vector_store %arg10[%swap3A_237, %swap3A_238], %mul3A_236 {strides = array<i32>} : memref<640x16xf32, #tpu.memory_space<vmem>>, vector<16xf32>,
      %mul3A_240 = arith.constant 16 : i32
      %mul3A_241 = arith.muli %scan3A_144, %mul3A_240 : i32
      %add3A_242 = arith.constant 6 : i32
      %add3A_243 = arith.addi %mul3A_241, %add3A_242 : i32
      %get3A_244 = arith.index_cast %add3A_243 : i32 to index
      %get3A_245 = arith.constant 0 : index
      %get3A_246 = tpu.vector_load %arg10[%get3A_244, %get3A_245] {strides = array<i32>} : memref<640x16xf32, #tpu.memory_space<vmem>>, vector<16xf32>,
      %slice3A_247 = vector.extract_strided_slice %div3A {offsets = [6], sizes = [1], strides = [1]} : vector<16xf32> to vector<1xf32>
      %squeeze3A_248 = vector.extract %slice3A_247[0] : f32 from vector<1xf32>
      %broadcast_in_dim3A_249 = vector.broadcast %squeeze3A_248 : f32 to vector<16xf32>
      %mul3A_250 = arith.mulf %get3A_246, %broadcast_in_dim3A_249 : vector<16xf32>
      %swap3A_251 = arith.index_cast %add3A_243 : i32 to index
      %swap3A_252 = arith.constant 0 : index
      %swap3A_253 = tpu.vector_load %arg10[%swap3A_251, %swap3A_252] {strides = array<i32>} : memref<640x16xf32, #tpu.memory_space<vmem>>, vector<16xf32>,
      tpu.vector_store %arg10[%swap3A_251, %swap3A_252], %mul3A_250 {strides = array<i32>} : memref<640x16xf32, #tpu.memory_space<vmem>>, vector<16xf32>,
      %mul3A_254 = arith.constant 16 : i32
      %mul3A_255 = arith.muli %scan3A_144, %mul3A_254 : i32
      %add3A_256 = arith.constant 7 : i32
      %add3A_257 = arith.addi %mul3A_255, %add3A_256 : i32
      %get3A_258 = arith.index_cast %add3A_257 : i32 to index
      %get3A_259 = arith.constant 0 : index
      %get3A_260 = tpu.vector_load %arg10[%get3A_258, %get3A_259] {strides = array<i32>} : memref<640x16xf32, #tpu.memory_space<vmem>>, vector<16xf32>,
      %slice3A_261 = vector.extract_strided_slice %div3A {offsets = [7], sizes = [1], strides = [1]} : vector<16xf32> to vector<1xf32>
      %squeeze3A_262 = vector.extract %slice3A_261[0] : f32 from vector<1xf32>
      %broadcast_in_dim3A_263 = vector.broadcast %squeeze3A_262 : f32 to vector<16xf32>
      %mul3A_264 = arith.mulf %get3A_260, %broadcast_in_dim3A_263 : vector<16xf32>
      %swap3A_265 = arith.index_cast %add3A_257 : i32 to index
      %swap3A_266 = arith.constant 0 : index
      %swap3A_267 = tpu.vector_load %arg10[%swap3A_265, %swap3A_266] {strides = array<i32>} : memref<640x16xf32, #tpu.memory_space<vmem>>, vector<16xf32>,
      tpu.vector_store %arg10[%swap3A_265, %swap3A_266], %mul3A_264 {strides = array<i32>} : memref<640x16xf32, #tpu.memory_space<vmem>>, vector<16xf32>,
      %mul3A_268 = arith.constant 16 : i32
      %mul3A_269 = arith.muli %scan3A_144, %mul3A_268 : i32
      %add3A_270 = arith.constant 8 : i32
      %add3A_271 = arith.addi %mul3A_269, %add3A_270 : i32
      %get3A_272 = arith.index_cast %add3A_271 : i32 to index
      %get3A_273 = arith.constant 0 : index
      %get3A_274 = tpu.vector_load %arg10[%get3A_272, %get3A_273] {strides = array<i32>} : memref<640x16xf32, #tpu.memory_space<vmem>>, vector<16xf32>,
      %slice3A_275 = vector.extract_strided_slice %div3A {offsets = [8], sizes = [1], strides = [1]} : vector<16xf32> to vector<1xf32>
      %squeeze3A_276 = vector.extract %slice3A_275[0] : f32 from vector<1xf32>
      %broadcast_in_dim3A_277 = vector.broadcast %squeeze3A_276 : f32 to vector<16xf32>
      %mul3A_278 = arith.mulf %get3A_274, %broadcast_in_dim3A_277 : vector<16xf32>
      %swap3A_279 = arith.index_cast %add3A_271 : i32 to index
      %swap3A_280 = arith.constant 0 : index
      %swap3A_281 = tpu.vector_load %arg10[%swap3A_279, %swap3A_280] {strides = array<i32>} : memref<640x16xf32, #tpu.memory_space<vmem>>, vector<16xf32>,
      tpu.vector_store %arg10[%swap3A_279, %swap3A_280], %mul3A_278 {strides = array<i32>} : memref<640x16xf32, #tpu.memory_space<vmem>>, vector<16xf32>,
      %mul3A_282 = arith.constant 16 : i32
      %mul3A_283 = arith.muli %scan3A_144, %mul3A_282 : i32
      %add3A_284 = arith.constant 9 : i32
      %add3A_285 = arith.addi %mul3A_283, %add3A_284 : i32
      %get3A_286 = arith.index_cast %add3A_285 : i32 to index
      %get3A_287 = arith.constant 0 : index
      %get3A_288 = tpu.vector_load %arg10[%get3A_286, %get3A_287] {strides = array<i32>} : memref<640x16xf32, #tpu.memory_space<vmem>>, vector<16xf32>,
      %slice3A_289 = vector.extract_strided_slice %div3A {offsets = [9], sizes = [1], strides = [1]} : vector<16xf32> to vector<1xf32>
      %squeeze3A_290 = vector.extract %slice3A_289[0] : f32 from vector<1xf32>
      %broadcast_in_dim3A_291 = vector.broadcast %squeeze3A_290 : f32 to vector<16xf32>
      %mul3A_292 = arith.mulf %get3A_288, %broadcast_in_dim3A_291 : vector<16xf32>
      %swap3A_293 = arith.index_cast %add3A_285 : i32 to index
      %swap3A_294 = arith.constant 0 : index
      %swap3A_295 = tpu.vector_load %arg10[%swap3A_293, %swap3A_294] {strides = array<i32>} : memref<640x16xf32, #tpu.memory_space<vmem>>, vector<16xf32>,
      tpu.vector_store %arg10[%swap3A_293, %swap3A_294], %mul3A_292 {strides = array<i32>} : memref<640x16xf32, #tpu.memory_space<vmem>>, vector<16xf32>,
      %mul3A_296 = arith.constant 16 : i32
      %mul3A_297 = arith.muli %scan3A_144, %mul3A_296 : i32
      %add3A_298 = arith.constant 10 : i32
      %add3A_299 = arith.addi %mul3A_297, %add3A_298 : i32
      %get3A_300 = arith.index_cast %add3A_299 : i32 to index
      %get3A_301 = arith.constant 0 : index
      %get3A_302 = tpu.vector_load %arg10[%get3A_300, %get3A_301] {strides = array<i32>} : memref<640x16xf32, #tpu.memory_space<vmem>>, vector<16xf32>,
      %slice3A_303 = vector.extract_strided_slice %div3A {offsets = [10], sizes = [1], strides = [1]} : vector<16xf32> to vector<1xf32>
      %squeeze3A_304 = vector.extract %slice3A_303[0] : f32 from vector<1xf32>
      %broadcast_in_dim3A_305 = vector.broadcast %squeeze3A_304 : f32 to vector<16xf32>
      %mul3A_306 = arith.mulf %get3A_302, %broadcast_in_dim3A_305 : vector<16xf32>
      %swap3A_307 = arith.index_cast %add3A_299 : i32 to index
      %swap3A_308 = arith.constant 0 : index
      %swap3A_309 = tpu.vector_load %arg10[%swap3A_307, %swap3A_308] {strides = array<i32>} : memref<640x16xf32, #tpu.memory_space<vmem>>, vector<16xf32>,
      tpu.vector_store %arg10[%swap3A_307, %swap3A_308], %mul3A_306 {strides = array<i32>} : memref<640x16xf32, #tpu.memory_space<vmem>>, vector<16xf32>,
      %mul3A_310 = arith.constant 16 : i32
      %mul3A_311 = arith.muli %scan3A_144, %mul3A_310 : i32
      %add3A_312 = arith.constant 11 : i32
      %add3A_313 = arith.addi %mul3A_311, %add3A_312 : i32
      %get3A_314 = arith.index_cast %add3A_313 : i32 to index
      %get3A_315 = arith.constant 0 : index
      %get3A_316 = tpu.vector_load %arg10[%get3A_314, %get3A_315] {strides = array<i32>} : memref<640x16xf32, #tpu.memory_space<vmem>>, vector<16xf32>,
      %slice3A_317 = vector.extract_strided_slice %div3A {offsets = [11], sizes = [1], strides = [1]} : vector<16xf32> to vector<1xf32>
      %squeeze3A_318 = vector.extract %slice3A_317[0] : f32 from vector<1xf32>
      %broadcast_in_dim3A_319 = vector.broadcast %squeeze3A_318 : f32 to vector<16xf32>
      %mul3A_320 = arith.mulf %get3A_316, %broadcast_in_dim3A_319 : vector<16xf32>
      %swap3A_321 = arith.index_cast %add3A_313 : i32 to index
      %swap3A_322 = arith.constant 0 : index
      %swap3A_323 = tpu.vector_load %arg10[%swap3A_321, %swap3A_322] {strides = array<i32>} : memref<640x16xf32, #tpu.memory_space<vmem>>, vector<16xf32>,
      tpu.vector_store %arg10[%swap3A_321, %swap3A_322], %mul3A_320 {strides = array<i32>} : memref<640x16xf32, #tpu.memory_space<vmem>>, vector<16xf32>,
      %mul3A_324 = arith.constant 16 : i32
      %mul3A_325 = arith.muli %scan3A_144, %mul3A_324 : i32
      %add3A_326 = arith.constant 12 : i32
      %add3A_327 = arith.addi %mul3A_325, %add3A_326 : i32
      %get3A_328 = arith.index_cast %add3A_327 : i32 to index
      %get3A_329 = arith.constant 0 : index
      %get3A_330 = tpu.vector_load %arg10[%get3A_328, %get3A_329] {strides = array<i32>} : memref<640x16xf32, #tpu.memory_space<vmem>>, vector<16xf32>,
      %slice3A_331 = vector.extract_strided_slice %div3A {offsets = [12], sizes = [1], strides = [1]} : vector<16xf32> to vector<1xf32>
      %squeeze3A_332 = vector.extract %slice3A_331[0] : f32 from vector<1xf32>
      %broadcast_in_dim3A_333 = vector.broadcast %squeeze3A_332 : f32 to vector<16xf32>
      %mul3A_334 = arith.mulf %get3A_330, %broadcast_in_dim3A_333 : vector<16xf32>
      %swap3A_335 = arith.index_cast %add3A_327 : i32 to index
      %swap3A_336 = arith.constant 0 : index
      %swap3A_337 = tpu.vector_load %arg10[%swap3A_335, %swap3A_336] {strides = array<i32>} : memref<640x16xf32, #tpu.memory_space<vmem>>, vector<16xf32>,
      tpu.vector_store %arg10[%swap3A_335, %swap3A_336], %mul3A_334 {strides = array<i32>} : memref<640x16xf32, #tpu.memory_space<vmem>>, vector<16xf32>,
      %mul3A_338 = arith.constant 16 : i32
      %mul3A_339 = arith.muli %scan3A_144, %mul3A_338 : i32
      %add3A_340 = arith.constant 13 : i32
      %add3A_341 = arith.addi %mul3A_339, %add3A_340 : i32
      %get3A_342 = arith.index_cast %add3A_341 : i32 to index
      %get3A_343 = arith.constant 0 : index
      %get3A_344 = tpu.vector_load %arg10[%get3A_342, %get3A_343] {strides = array<i32>} : memref<640x16xf32, #tpu.memory_space<vmem>>, vector<16xf32>,
      %slice3A_345 = vector.extract_strided_slice %div3A {offsets = [13], sizes = [1], strides = [1]} : vector<16xf32> to vector<1xf32>
      %squeeze3A_346 = vector.extract %slice3A_345[0] : f32 from vector<1xf32>
      %broadcast_in_dim3A_347 = vector.broadcast %squeeze3A_346 : f32 to vector<16xf32>
      %mul3A_348 = arith.mulf %get3A_344, %broadcast_in_dim3A_347 : vector<16xf32>
      %swap3A_349 = arith.index_cast %add3A_341 : i32 to index
      %swap3A_350 = arith.constant 0 : index
      %swap3A_351 = tpu.vector_load %arg10[%swap3A_349, %swap3A_350] {strides = array<i32>} : memref<640x16xf32, #tpu.memory_space<vmem>>, vector<16xf32>,
      tpu.vector_store %arg10[%swap3A_349, %swap3A_350], %mul3A_348 {strides = array<i32>} : memref<640x16xf32, #tpu.memory_space<vmem>>, vector<16xf32>,
      %mul3A_352 = arith.constant 16 : i32
      %mul3A_353 = arith.muli %scan3A_144, %mul3A_352 : i32
      %add3A_354 = arith.constant 14 : i32
      %add3A_355 = arith.addi %mul3A_353, %add3A_354 : i32
      %get3A_356 = arith.index_cast %add3A_355 : i32 to index
      %get3A_357 = arith.constant 0 : index
      %get3A_358 = tpu.vector_load %arg10[%get3A_356, %get3A_357] {strides = array<i32>} : memref<640x16xf32, #tpu.memory_space<vmem>>, vector<16xf32>,
      %slice3A_359 = vector.extract_strided_slice %div3A {offsets = [14], sizes = [1], strides = [1]} : vector<16xf32> to vector<1xf32>
      %squeeze3A_360 = vector.extract %slice3A_359[0] : f32 from vector<1xf32>
      %broadcast_in_dim3A_361 = vector.broadcast %squeeze3A_360 : f32 to vector<16xf32>
      %mul3A_362 = arith.mulf %get3A_358, %broadcast_in_dim3A_361 : vector<16xf32>
      %swap3A_363 = arith.index_cast %add3A_355 : i32 to index
      %swap3A_364 = arith.constant 0 : index
      %swap3A_365 = tpu.vector_load %arg10[%swap3A_363, %swap3A_364] {strides = array<i32>} : memref<640x16xf32, #tpu.memory_space<vmem>>, vector<16xf32>,
      tpu.vector_store %arg10[%swap3A_363, %swap3A_364], %mul3A_362 {strides = array<i32>} : memref<640x16xf32, #tpu.memory_space<vmem>>, vector<16xf32>,
      %mul3A_366 = arith.constant 16 : i32
      %mul3A_367 = arith.muli %scan3A_144, %mul3A_366 : i32
      %add3A_368 = arith.constant 15 : i32
      %add3A_369 = arith.addi %mul3A_367, %add3A_368 : i32
      %get3A_370 = arith.index_cast %add3A_369 : i32 to index
      %get3A_371 = arith.constant 0 : index
      %get3A_372 = tpu.vector_load %arg10[%get3A_370, %get3A_371] {strides = array<i32>} : memref<640x16xf32, #tpu.memory_space<vmem>>, vector<16xf32>,
      %slice3A_373 = vector.extract_strided_slice %div3A {offsets = [15], sizes = [1], strides = [1]} : vector<16xf32> to vector<1xf32>
      %squeeze3A_374 = vector.extract %slice3A_373[0] : f32 from vector<1xf32>
      %broadcast_in_dim3A_375 = vector.broadcast %squeeze3A_374 : f32 to vector<16xf32>
      %mul3A_376 = arith.mulf %get3A_372, %broadcast_in_dim3A_375 : vector<16xf32>
      %swap3A_377 = arith.index_cast %add3A_369 : i32 to index
      %swap3A_378 = arith.constant 0 : index
      %swap3A_379 = tpu.vector_load %arg10[%swap3A_377, %swap3A_378] {strides = array<i32>} : memref<640x16xf32, #tpu.memory_space<vmem>>, vector<16xf32>,
      tpu.vector_store %arg10[%swap3A_377, %swap3A_378], %mul3A_376 {strides = array<i32>} : memref<640x16xf32, #tpu.memory_space<vmem>>, vector<16xf32>,
      %scan3A_380 = arith.constant 0 : i32
      scf.yield %scan3A_380 : i32
    }
    %scan3A_140 = arith.constant 40 : i32
    %mul3A_141 = arith.constant 10240 : i32
    %mul3A_142 = arith.muli %arg0, %mul3A_141 : i32
    %add3A_143 = arith.addi %mul3A_142, %mul3A_2 : i32
    "tpu.region"() ({
      %run_scoped3A = tpu.sem_alloc : memref<!tpu.dma_semaphore, #tpu.memory_space<semaphore_mem>>
      %dma_start3A_144 = arith.constant 0 : i32
      %dma_start3A_145 = tpu.memref_slice %arg6[%add3A_143, %dma_start3A_144] : memref<20480x16xf32, #tpu.memory_space<hbm>> -> memref<640x16xf32, #tpu.memory_space<hbm>>
      %dma_start3A_146 = arith.constant 0 : i32
      %dma_start3A_147 = tpu.memref_slice %arg6[%add3A_143, %dma_start3A_146] : memref<20480x16xf32, #tpu.memory_space<hbm>> -> memref<640x16xf32, #tpu.memory_space<hbm>>
      tpu.enqueue_dma source(%arg10 : memref<640x16xf32, #tpu.memory_space<vmem>>) target(%dma_start3A_147 : memref<640x16xf32, #tpu.memory_space<hbm>>) target_semaphore(%run_scoped3A : memref<!tpu.dma_semaphore, #tpu.memory_space<semaphore_mem>>)
      %dma_wait3A_148 = arith.constant 0 : i32
      %dma_wait3A_149 = tpu.memref_slice %arg6[%add3A_143, %dma_wait3A_148] : memref<20480x16xf32, #tpu.memory_space<hbm>> -> memref<640x16xf32, #tpu.memory_space<hbm>>
      %dma_wait3A_150 = arith.constant 0 : i32
      %dma_wait3A_151 = tpu.memref_slice %arg6[%add3A_143, %dma_wait3A_150] : memref<20480x16xf32, #tpu.memory_space<hbm>> -> memref<640x16xf32, #tpu.memory_space<hbm>>
      tpu.wait_dma2 semaphore(%run_scoped3A : memref<!tpu.dma_semaphore, #tpu.memory_space<semaphore_mem>>) src(%arg10 : memref<640x16xf32, #tpu.memory_space<vmem>>) dst(%dma_wait3A_151 : memref<640x16xf32, #tpu.memory_space<hbm>>)
      tpu.yield
    }) : () -> ()
    return
  }
}

module attributes {stable_mosaic.version = 14 : i64} {
  func.func @_mm_body(%arg0: i32, %arg1: memref<2048x128xf32, #tpu.memory_space<vmem>>, %arg2: memref<128x16xf32, #tpu.memory_space<vmem>>, %arg3: memref<2048x16xf32, #tpu.memory_space<vmem>>) attributes {dimension_semantics = [#tpu.dimension_semantics<arbitrary>], iteration_bounds = array<i64: 5>, scalar_prefetch = 0 : i64, scratch_operands = 0 : i64, tpu.core_type = #tpu.core_type<tc>, window_params = [{transform_indices = @transform_0, window_bounds = array<i64: 2048, 128>}, {pipeline_mode = #tpu.pipeline_mode<synchronous>, transform_indices = @transform_1, window_bounds = array<i64: 128, 16>}, {transform_indices = @transform_2, window_bounds = array<i64: 2048, 16>}]} {
    %get3A = arith.constant 0 : index
    %get3A_0 = arith.constant 0 : index
    %get3A_1 = vector.load %arg1[%get3A, %get3A_0] : memref<2048x128xf32, #tpu.memory_space<vmem>>, vector<2048x128xf32>
    %get3A_2 = arith.constant 0 : index
    %get3A_3 = arith.constant 0 : index
    %get3A_4 = vector.load %arg2[%get3A_2, %get3A_3] : memref<128x16xf32, #tpu.memory_space<vmem>>, vector<128x16xf32>
    %dot_general3A = arith.constant dense<0.000000e+00> : vector<2048x16xf32>
    %dot_general3A_5 = tpu.matmul %get3A_1, %get3A_4, %dot_general3A {dimension_numbers = #tpu.dot_dimension_numbers<[1], [0], [0], [1], [0, 0, 1, 1], [], []>, transpose_lhs_hint = false} : vector<2048x128xf32>, vector<128x16xf32>, vector<2048x16xf32> -> vector<2048x16xf32>
    %swap3A = arith.constant 0 : index
    %swap3A_6 = arith.constant 0 : index
    %swap3A_7 = vector.load %arg3[%swap3A, %swap3A_6] : memref<2048x16xf32, #tpu.memory_space<vmem>>, vector<2048x16xf32>
    tpu.vector_store %arg3[%swap3A, %swap3A_6], %dot_general3A_5 {strides = array<i32>} : memref<2048x16xf32, #tpu.memory_space<vmem>>, vector<2048x16xf32>,
    return
  }
  func.func @transform_0(%arg0: i32) -> (i32, i32) {
    %c0_i32 = arith.constant 0 : i32
    %c0_i32_0 = arith.constant 0 : i32
    return %arg0, %c0_i32 : i32, i32
  }
  func.func @transform_1(%arg0: i32) -> (i32, i32) {
    %c0_i32 = arith.constant 0 : i32
    %c0_i32_0 = arith.constant 0 : i32
    %c0_i32_1 = arith.constant 0 : i32
    return %c0_i32, %c0_i32_0 : i32, i32
  }
  func.func @transform_2(%arg0: i32) -> (i32, i32) {
    %c0_i32 = arith.constant 0 : i32
    %c0_i32_0 = arith.constant 0 : i32
    return %arg0, %c0_i32 : i32, i32
  }
}

module attributes {stable_mosaic.version = 14 : i64} {
  func.func @_out_body(%arg0: i32, %arg1: memref<2048x16xf32, #tpu.memory_space<vmem>>, %arg2: memref<2048x16xf32, #tpu.memory_space<vmem>>, %arg3: memref<16x40xf32, #tpu.memory_space<vmem>>, %arg4: memref<1x40xf32, #tpu.memory_space<vmem>>, %arg5: memref<2048x40xf32, #tpu.memory_space<vmem>>) attributes {dimension_semantics = [#tpu.dimension_semantics<arbitrary>], iteration_bounds = array<i64: 5>, scalar_prefetch = 0 : i64, scratch_operands = 0 : i64, tpu.core_type = #tpu.core_type<tc>, window_params = [{transform_indices = @transform_0, window_bounds = array<i64: 2048, 16>}, {transform_indices = @transform_1, window_bounds = array<i64: 2048, 16>}, {pipeline_mode = #tpu.pipeline_mode<synchronous>, transform_indices = @transform_2, window_bounds = array<i64: 16, 40>}, {pipeline_mode = #tpu.pipeline_mode<synchronous>, transform_indices = @transform_3, window_bounds = array<i64: 1, 40>}, {transform_indices = @transform_4, window_bounds = array<i64: 2048, 40>}]} {
    %get3A = arith.constant 0 : index
    %get3A_0 = arith.constant 0 : index
    %get3A_1 = vector.load %arg1[%get3A, %get3A_0] : memref<2048x16xf32, #tpu.memory_space<vmem>>, vector<2048x16xf32>
    %get3A_2 = arith.constant 0 : index
    %get3A_3 = arith.constant 0 : index
    %get3A_4 = vector.load %arg2[%get3A_2, %get3A_3] : memref<2048x16xf32, #tpu.memory_space<vmem>>, vector<2048x16xf32>
    %add3A = arith.addf %get3A_1, %get3A_4 : vector<2048x16xf32>
    %get3A_5 = arith.constant 0 : index
    %get3A_6 = arith.constant 0 : index
    %get3A_7 = vector.load %arg3[%get3A_5, %get3A_6] : memref<16x40xf32, #tpu.memory_space<vmem>>, vector<16x40xf32>
    %dot_general3A = arith.constant dense<0.000000e+00> : vector<2048x40xf32>
    %dot_general3A_8 = tpu.matmul %add3A, %get3A_7, %dot_general3A {dimension_numbers = #tpu.dot_dimension_numbers<[1], [0], [0], [1], [0, 0, 1, 1], [], []>, transpose_lhs_hint = false} : vector<2048x16xf32>, vector<16x40xf32>, vector<2048x40xf32> -> vector<2048x40xf32>
    %get3A_9 = arith.constant 0 : index
    %get3A_10 = arith.constant 0 : index
    %get3A_11 = vector.load %arg4[%get3A_9, %get3A_10] : memref<1x40xf32, #tpu.memory_space<vmem>>, vector<1x40xf32>
    %add3A_12 = vector.broadcast %get3A_11 : vector<1x40xf32> to vector<2048x40xf32>
    %add3A_13 = arith.addf %dot_general3A_8, %add3A_12 : vector<2048x40xf32>
    %reduce_max3A = arith.constant dense<0xFF800000> : vector<2048xf32>
    %reduce_max3A_14 = vector.multi_reduction <maximumf>, %add3A_13, %reduce_max3A [1] : vector<2048x40xf32> to vector<2048xf32>
    %broadcast_in_dim3A = vector.shape_cast %reduce_max3A_14 : vector<2048xf32> to vector<2048x1xf32>
    %sub3A = vector.broadcast %broadcast_in_dim3A : vector<2048x1xf32> to vector<2048x40xf32>
    %sub3A_15 = arith.subf %add3A_13, %sub3A : vector<2048x40xf32>
    %exp3A = math.exp %sub3A_15 : vector<2048x40xf32>
    %reduce_sum3A = arith.constant dense<0.000000e+00> : vector<2048xf32>
    %reduce_sum3A_16 = vector.multi_reduction <add>, %exp3A, %reduce_sum3A [1] : vector<2048x40xf32> to vector<2048xf32>
    %broadcast_in_dim3A_17 = vector.shape_cast %reduce_sum3A_16 : vector<2048xf32> to vector<2048x1xf32>
    %log3A = math.log %broadcast_in_dim3A_17 : vector<2048x1xf32>
    %add3A_18 = arith.addf %log3A, %broadcast_in_dim3A : vector<2048x1xf32>
    %sub3A_19 = vector.broadcast %add3A_18 : vector<2048x1xf32> to vector<2048x40xf32>
    %sub3A_20 = arith.subf %add3A_13, %sub3A_19 : vector<2048x40xf32>
    %swap3A = arith.constant 0 : index
    %swap3A_21 = arith.constant 0 : index
    %swap3A_22 = vector.load %arg5[%swap3A, %swap3A_21] : memref<2048x40xf32, #tpu.memory_space<vmem>>, vector<2048x40xf32>
    tpu.vector_store %arg5[%swap3A, %swap3A_21], %sub3A_20 {strides = array<i32>} : memref<2048x40xf32, #tpu.memory_space<vmem>>, vector<2048x40xf32>,
    return
  }
  func.func @transform_0(%arg0: i32) -> (i32, i32) {
    %add3A = arith.constant 0 : i32
    %add3A_0 = arith.addi %arg0, %add3A : i32
    %c0_i32 = arith.constant 0 : i32
    %c0_i32_1 = arith.constant 0 : i32
    return %add3A_0, %c0_i32 : i32, i32
  }
  func.func @transform_1(%arg0: i32) -> (i32, i32) {
    %add3A = arith.constant 5 : i32
    %add3A_0 = arith.addi %arg0, %add3A : i32
    %c0_i32 = arith.constant 0 : i32
    %c0_i32_1 = arith.constant 0 : i32
    return %add3A_0, %c0_i32 : i32, i32
  }
  func.func @transform_2(%arg0: i32) -> (i32, i32) {
    %c0_i32 = arith.constant 0 : i32
    %c0_i32_0 = arith.constant 0 : i32
    %c0_i32_1 = arith.constant 0 : i32
    return %c0_i32, %c0_i32_0 : i32, i32
  }
  func.func @transform_3(%arg0: i32) -> (i32, i32) {
    %c0_i32 = arith.constant 0 : i32
    %c0_i32_0 = arith.constant 0 : i32
    %c0_i32_1 = arith.constant 0 : i32
    return %c0_i32, %c0_i32_0 : i32, i32
  }
  func.func @transform_4(%arg0: i32) -> (i32, i32) {
    %c0_i32 = arith.constant 0 : i32
    %c0_i32_0 = arith.constant 0 : i32
    return %arg0, %c0_i32 : i32, i32
  }
}

</mosaic_0001>

<sc_bundles>
// kernel: kernel.6.cloned.1.call-start
scs
__scs_entry_jumppad:
0x0: {  	(pc) =	sbr.rel $0x88, $3  }
0x1: {  	(tag) =	ssettag $0x0;
	lr =	simm.s32 $0x1  }
0x2: {  	[smem:$0x3F9B] =	sst lr;
	_ =	strace $0xD0000000  }
0x3: {  	_ = 	snop  }
0x4: {  	_ = 	snop  }
0x5: {  	_ = 	snop  }
0x6: {  	_ = 	snop  }
0x7: {  	_ = 	snop  }
__scs_overlays_trampoline_lowered:
0x8: {  	[smem:$0x3FAA] =	sst s0  }
0x9: {  	[smem:$0x3FAB] =	sst s1  }
0xa: {  	[smem:$0x3FAC] =	sst s2  }
0xb: {  	[smem:$0x3FAD] =	sst s3  }
0xc: {  	[smem:$0x3FAE] =	sst s4  }
0xd: {  	[smem:$0x3FAF] =	sst s5  }
0xe: {  	[smem:$0x3FB0] =	sst s6  }
0xf: {  	[smem:$0x3FB1] =	sst s7  }
0x10: {  	[smem:$0x3FB2] =	sst s8  }
0x11: {  	[smem:$0x3FB3] =	sst s9;
	s0 =	simm.s32 @!p0 $0x0  }
0x12: {  	s1 =	sld [smem:$0x3F99];
	s0 =	simm.s32 @p0 $0x1  }
0x13: {  	[smem:$0x3FB4] =	sst s0;
	s0 =	simm.s32 @!p1 $0x0  }
0x14: {  	s2 =	sld [smem:$0x3F98];
	s0 =	simm.s32 @p1 $0x1  }
0x15: {  	[smem:$0x3FB5] =	sst s0;
	s0 =	simm.s32 @!p2 $0x0  }
0x16: {  	s3 =	sld [smem:$0x3FDB];
	s0 =	simm.s32 @p2 $0x1  }
0x17: {  	s4 =	simm.s32 $0x1BF5;
	[smem:$0x3FB7] =	sst s0  }
0x18: {  	s0 =	sld [smem:$0x3F9A];
	_ =	swait.ge [sflag:s4], $0x0  }
0x19: {  	s7 =	sld [smem:$0x3F9B]  }
0x1a: {  	s8 =	sadd.s32 $0xFFFFE003, lr  }
0x1b: {  	s9 =	sadd.s32 $0xFFFFFEF7, lr;
	s5 =	simm.s32 $0xFFFFFFFF;
	p2 =	slt.u32 s8, $0xFFFFF086  }
0x1c: {  	p1 =	slt.u32 s9, $0xF7A;
	s5 =	simm.s32 @!p2 $0x0  }
0x1d: {  	s5 =	simm.s32 @p1 $0x1;
	p0 =	seq.s32 s7, s2  }
0x1e: {  	s7 =	smul.u32 @!p0 $0xF7A, s2;
	p2 =	seq.s32 @!p0 s5, $0x0  }
0x1f: {  	s9 =	smul.u32 $0xF7A, s1;
	s8 =	simm.s32 @!p0 $0x1BF5;
	p2 =	por !p2, p0  }
0x20: {  	[sflag:s8] =	ssyncset.s32 @!p0 $0xFFFFF086;
	s6 =	sadd.s32 @!p0 s3, s7;
	s7 =	simm.s32 @!p0 $0x108  }
0x21: {  	s3 =	sadd.s32 s3, s9;
	s6 =	sadd.s32 @!p0 $0x88, s6;
	s7 =	simm.s32 @p2 $0x1082  }
0x22: {  	[simem:s7], [sflag:s8] =	dma.local @!p0 [hbm:s6], $0xF7A  }
0x23: {  	s9 =	sor.u32 $0xD0000000, s2;
	s6 =	simm.s32 $0x108;
	_ =	swait.ge @!p0 [sflag:s8], $0x0  }
0x24: {  	s3 =	sadd.s32 $0x88, s3;
	s6 =	simm.s32 @!p1 $0x1082;
	[sflag:s4] =	ssyncset.s32 $0xFFFFF086  }
0x25: {  	[simem:s6], [sflag:s4] =	dma.local [hbm:s3], $0xF7A  }
0x26: {  	[smem:$0x3F9B] =	sst s1;
	(tag) =	ssettag s2;
	_ =	strace s9  }
0x27: {  	s1 =	sld [smem:$0x3FAB]  }
0x28: {  	s2 =	sld [smem:$0x3FAC]  }
0x29: {  	s4 =	sld [smem:$0x3FAE]  }
0x2a: {  	p0 =	seq.s32 s5, $0x0;
	s5 =	sld [smem:$0x3FAF]  }
0x2b: {  	s6 =	sld [smem:$0x3FB0]  }
0x2c: {  	s7 =	sld [smem:$0x3FB1]  }
0x2d: {  	s3 =	simm.s32 $0x108;
	s8 =	sld [smem:$0x3FB2]  }
0x2e: {  	s3 =	simm.s32 @!p0 $0x1082;
	s9 =	sld [smem:$0x3FB3]  }
0x2f: {  	lr =	sadd.s32 s0, s3;
	s0 =	sld [smem:$0x3FAA]  }
0x30: {  	s3 =	sld [smem:$0x3FAD]  }
0x31: {  	[smem:$0x3FB6] =	sst s10  }
0x32: {  	s10 =	sld [smem:$0x3FB4];
	_ =	sdelay $0x3  }
0x33: {  	p0 =	seq.s32 s10, $0x1;
	s10 =	sld [smem:$0x3FB6];
	_ =	sdelay $0x3  }
0x34: {  	[smem:$0x3FB6] =	sst s10  }
0x35: {  	s10 =	sld [smem:$0x3FB5];
	_ =	sdelay $0x3  }
0x36: {  	p1 =	seq.s32 s10, $0x1;
	s10 =	sld [smem:$0x3FB6];
	_ =	sdelay $0x3  }
0x37: {  	[smem:$0x3FB6] =	sst s10  }
0x38: {  	s10 =	sld [smem:$0x3FB7]  }
0x39: {  	_ = 	snop;
	(pc) =	sbr.ind lr, $3  }
0x3a: {  	_ = 	snop  }
0x3b: {  	_ = 	snop  }
0x3c: {  	p2 =	seq.s32 s10, $0x1;
	s10 =	sld [smem:$0x3FB6]  }
0x3d: {  	_ =	shalt  }
0x3e: {  	_ =	shalt  }
0x3f: {  	_ =	shalt  }
0x40: {  	_ =	shalt  }
0x41: {  	_ =	shalt  }
0x42: {  	_ =	shalt  }
0x43: {  	_ =	shalt  }
0x44: {  	_ =	shalt  }
0x45: {  	_ =	shalt  }
0x46: {  	_ =	shalt  }
0x47: {  	_ =	shalt  }
0x48: {  	_ =	shalt  }
0x49: {  	_ =	shalt  }
0x4a: {  	_ =	shalt  }
0x4b: {  	_ =	shalt  }
0x4c: {  	_ =	shalt  }
0x4d: {  	_ =	shalt  }
0x4e: {  	_ =	shalt  }
0x4f: {  	_ =	shalt  }
0x50: {  	_ =	shalt  }
0x51: {  	_ =	shalt  }
0x52: {  	_ =	shalt  }
0x53: {  	_ =	shalt  }
0x54: {  	_ =	shalt  }
0x55: {  	_ =	shalt  }
0x56: {  	_ =	shalt  }
0x57: {  	_ =	shalt  }
0x58: {  	_ =	shalt  }
0x59: {  	_ =	shalt  }
0x5a: {  	_ =	shalt  }
0x5b: {  	_ =	shalt  }
0x5c: {  	_ =	shalt  }
0x5d: {  	_ =	shalt  }
0x5e: {  	_ =	shalt  }
0x5f: {  	_ =	shalt  }
0x60: {  	_ =	shalt  }
0x61: {  	_ =	shalt  }
0x62: {  	_ =	shalt  }
0x63: {  	_ =	shalt  }
0x64: {  	_ =	shalt  }
0x65: {  	_ =	shalt  }
0x66: {  	_ =	shalt  }
0x67: {  	_ =	shalt  }
0x68: {  	_ =	shalt  }
0x69: {  	_ =	shalt  }
0x6a: {  	_ =	shalt  }
0x6b: {  	_ =	shalt  }
0x6c: {  	_ =	shalt  }
0x6d: {  	_ =	shalt  }
0x6e: {  	_ =	shalt  }
0x6f: {  	_ =	shalt  }
0x70: {  	_ =	shalt  }
0x71: {  	_ =	shalt  }
0x72: {  	_ =	shalt  }
0x73: {  	_ =	shalt  }
0x74: {  	_ =	shalt  }
0x75: {  	_ =	shalt  }
0x76: {  	_ =	shalt  }
0x77: {  	_ =	shalt  }
0x78: {  	_ =	shalt  }
0x79: {  	_ =	shalt  }
0x7a: {  	_ =	shalt  }
0x7b: {  	_ =	shalt  }
0x7c: {  	_ =	shalt  }
0x7d: {  	_ =	shalt  }
0x7e: {  	_ =	shalt  }
0x7f: {  	_ =	shalt  }
0x80: {  	_ =	shalt  }
0x81: {  	_ =	shalt  }
0x82: {  	_ =	shalt  }
0x83: {  	_ =	shalt  }
0x84: {  	_ =	shalt  }
0x85: {  	_ =	shalt  }
0x86: {  	_ =	shalt  }
0x87: {  	_ =	shalt  }
.Lfunc_end0:
.L_simem_size_0:
called_computation_lowered:
.L_overlay_start_0:
0x88: {  	s2 =	sld [smem:$0x3FD9]  }
0x89: {  	s3 =	sld [smem:$0x3FFE];
	_ =	sdelay $0x1  }
0x8a: {  	s1 =	srdreg.scid  }
0x8b: {  	s0 =	sand.u32 $0x1, s1  }
0x8c: {  	s17 =	sshll.u32 s0, $0xA;
	s2 =	sadd.s32 s3, s2  }
0x8d: {  	s2 =	sadd.s32 s2, s17  }
0x8e: {  	[smem:$0x3FC2] =	sst s2  }
0x8f: {  	_ = 	snop  }
0x90: {  	s2 =	sld [smem:$0x3FD0];
	(tm) =	ssettm $0x1  }
0x91: {  	s18 =	sld [smem:$0x3FFB];
	_ =	sdelay $0x3  }
0x92: {  	_ =	strace s18  }
0x93: {  	s3 =	sld [smem:$0x3FFC];
	_ =	sdelay $0x3  }
0x94: {  	_ =	strace s3  }
0x95: {  	s3 =	sld [smem:$0x3FFD];
	_ =	sdelay $0x3  }
0x96: {  	_ =	strace s3  }
0x97: {  	_ =	strace $0x8FFFFFFF  }
0x98: {  	s19 =	sld [smem:$0x3FDB];
	_ =	sdelay $0x1  }
0x99: {  	s4 =	simm.s32 $_scs_section_size  }
0x9a: {  	s5 =	simm.s32 $_size__tile_overlayer_lowered;
	s6 =	simm.s32 $_tile_overlayer_lowered  }
0x9b: {  	s22 =	simm.s32 $0x1BFF;
	s21 =	sshll.u32 s6, $0x1;
	s3 =	sadd.s32 s4, s19  }
0x9c: {  	s7 =	simm.s32 $0x0;
	s20 =	sshll.u32 s5, $0x1;
	s5 =	sadd.s32 s21, s3  }
0x9d: {  	[timem:s7], [sflag:s22] =	dma.local [hbm:s5], s20  }
0x9e: {  	_ =	swait.ge [sflag:s22], s20  }
0x9f: {  	s4 =	ssub.s32 $0x0, s20;
	[sflag:s22] =	ssyncset.done $0x0  }
0xa0: {  	[sflag:s22] =	ssyncadd.s32 s4;
	_ =	sdelay $0x1  }
0xa1: {  	s23 =	simm.s32 $0x1B8B  }
0xa2: {  	_ =	swait.ge [sflag:s23], $0x1  }
0xa3: {  	[sflag:s23] =	ssyncset.done $0x0  }
0xa4: {  	s25 =	simm.s32 $0x1B8E;
	s24 =	sld [smem:$0x3FFE];
	[sflag:s23] =	ssyncadd.s32 $0xFFFFFFFF  }
0xa5: {  	s26 =	simm.s32 $execute0_lowered;
	[smem:$0x3FD2] =	sst s25  }
0xa6: {  	s5 =	sshll.u32 s26, $0x1;
	_ =	strace $0x80000046;
	[dreg:$0x1] =	wrdreg $0xFFFFFFFF  }
0xa7: {  	s28 =	simm.s32 $_size_execute0_lowered;
	s3 =	sadd.s32 s3, s5;
	[dreg:$0x0] =	wrdreg $0x0  }
0xa8: {  	s5 =	sshll.u32 s28, $0x1;
	[dreg:$0x2] =	wrdreg s3  }
0xa9: {  	[dreg:$0x3] =	wrdreg s5  }
0xaa: {  	[dreg:$0x4] =	wrdreg $0xC0  }
0xab: {  	_ =	task [dreg:s7], $0x5FFFF  }
0xac: {  	[dreg:$0x1] =	wrdreg $0xFFFFFFFF  }
0xad: {  	[dreg:$0x0] =	wrdreg $0x60  }
0xae: {  	[dreg:$0x2] =	wrdreg s2  }
0xaf: {  	[dreg:$0x3] =	wrdreg s24  }
0xb0: {  	[dreg:$0x4] =	wrdreg $0x148000  }
0xb1: {  	[dreg:$0x5] =	wrdreg $0x170000  }
0xb2: {  	[dreg:$0x6] =	wrdreg $0x9  }
0xb3: {  	_ =	task.clear_ibuf [dreg:s7], $0x7FFFF;
	_ =	strace $0x90000046  }
0xb4: {  	s29 =	simm.s32 $0x9;
	_ =	strace $0x80000048  }
0xb5: {  	_ =	swait.ge [sflag:s29], $0x1  }
0xb6: {  	[sflag:s29] =	ssyncadd.s32 $0xFFFFFFFF  }
0xb7: {  	_ =	strace $0x90000048  }
0xb8: {  	_ =	sfence  }
0xb9: {  	s30 =	sld [smem:$0x0];
	_ =	sdelay $0x2  }
0xba: {  	s31 =	sshll.u32 s1, $0xD;
	s1 =	sshrl.u32 s1, $0x2  }
0xbb: {  	s3 =	sand.u32 $0x4000, s31;
	s1 =	sadd.s32 s1, s30  }
0xbc: {  	s0 =	sor.u32 s3, s0;
	s1 =	sshll.u32 s1, $0x11  }
0xbd: {  	s0 =	sor.u32 s1, s0  }
0xbe: {  	s0 =	sadd.s32 $0x8F2B, s0  }
0xbf: {  	[sflag:s0] =	ssyncadd.remote.s32 $0x1  }
0xc0: {  	_ =	sfence.sel $0xFFFF  }
0xc1: {  	[dreg:$0x0] =	wrdreg $0xFFFFFFFF;
	(pc) =	sbr.abs _section_cstart, $3  }
0xc2: {  	[dreg:$0x1] =	wrdreg $0xFFFFFFFF  }
0xc3: {  	_ =	task.clear_ibuf [dreg:s7], $0x2FFFF;
	_ =	strace $0x9FFFFFFF  }
0xc4: {  	(tm) =	ssettm $0x7FFFFFFF  }
0xc5: {  	_ =	shalt  }
tec
execute0_lowered:
.L_overlay_start_1:
0x0: {  	(tag) =	ssettag $0x1  }
0x1: {  	s1 =	rddreg [dreg:$0x0];
	s0 =	srdreg.scid  }
0x2: {  	s13 =	stileid.u32;
	s2 =	rddreg [dreg:$0x1]  }
0x3: {  	s3 =	rddreg [dreg:$0x2];
	s8 =	smul.u32 $0x280, s13  }
0x4: {  	s0 =	sand.u32 $0x1, s0;
	s4 =	sshll.u32 s13, $0x1;
	s13 =	smul.u32 $0xA000, s13  }
0x5: {  	s7 =	rddreg [dreg:$0x3];
	s6 =	sor.u32 s0, s4;
	s10 =	smul.u32 $0x2800, s0  }
0x6: {  	s4 =	simm.s32 $0x0;
	s0 =	ssub.s32 $0x2, s0;
	s5 =	smul.u32 $0x13, s6  }
0x7: {  	s9 =	smin.u32 s6, $0x11;
	[smem:$0x7FF] =	sst s4;
	s11 =	sshrl.u32 s0, $0x1  }
0x8: {  	p0 =	slt.u32 s6, $0x11;
	s15 =	sshrl.u32 s13, $0x2;
	s13 =	sadd.s32 s8, s7  }
0x9: {  	_ =	strace $0x80000047;
	s26 =	sadd.s32 s8, s10;
	s17 =	sadd.s32 $0x5000, s13  }
0xa: {  	s0 =	ssub.s32 s0, s11;
	s18 =	sadd.s32 $0x7800, s13;
	[dreg:$0xb] =	wrdreg s17  }
0xb: {  	s19 =	sadd.s32 $0xA000, s13;
	s20 =	sadd.s32 $0xC800, s13;
	[dreg:$0xc] =	wrdreg s18  }
0xc: {  	s21 =	sadd.s32 $0xF000, s13;
	s22 =	sadd.s32 $0x11800, s13;
	[dreg:$0xd] =	wrdreg s19  }
0xd: {  	s23 =	sadd.s32 $0x14000, s13;
	s24 =	sadd.s32 $0x16800, s13;
	[dreg:$0xe] =	wrdreg s20  }
0xe: {  	s30 =	sadd.s32 $0x20800, s13;
	s31 =	sadd.s32 $0x23000, s13;
	[dreg:$0xf] =	wrdreg s21  }
0xf: {  	s8 =	simm.s32 $0x5000;
	s5 =	sadd.s32 s9, s5;
	[dreg:$0x10] =	wrdreg s22  }
0x10: {  	s29 =	sshll.u32 s26, $0x1;
	s9 =	sshrl.u32 s26, $0x3;
	[dreg:$0x11] =	wrdreg s23  }
0x11: {  	[dreg:$0x12] =	wrdreg s24;
	s0 =	smax.u32 s0, $0x1;
	s26 =	sadd.s32 $0x19000, s13  }
0x12: {  	s17 =	simm.s32 $0x9000;
	s18 =	simm.s32 $0x6;
	s19 =	simm.s32 $0xB000  }
0x13: {  	s20 =	simm.s32 $0x2;
	s21 =	simm.s32 $0x0;
	[dreg:$0x15] =	wrdreg s0  }
0x14: {  	s5 =	sshll.u32 s5, $0x6;
	s12 =	sadd.s32 s29, s2;
	[dreg:$0x16] =	wrdreg s26  }
0x15: {  	s29 =	sadd.s32 $0x1E000, s13;
	s0 =	simm.s32 $0xB;
	s28 =	sadd.s32 s5, s2  }
0x16: {  	s2 =	sadd.s32 s9, s2;
	s9 =	sadd.s32 s15, s7;
	[dreg:$0x18] =	wrdreg s29  }
0x17: {  	s5 =	simm.s32 $0x14;
	s7 =	sadd.s32 $0x2800, s13;
	[dreg:$0x9] =	wrdreg s9  }
0x18: {  	s25 =	sadd.s32 $0x14C00, s12;
	s12 =	simm.s32 $0xF800;
	[dreg:$0xa] =	wrdreg s7  }
0x19: {  	s5 =	simm.s32 @!p0 $0x13;
	s11 =	sadd.s32 $0x1200, s28;
	[dreg:$0x14] =	wrdreg s25  }
0x1a: {  	s14 =	sadd.s32 $0xAE40, s28;
	s16 =	sadd.s32 $0x16C0, s28;
	[dreg:$0x5] =	wrdreg s11  }
0x1b: {  	s10 =	sadd.s32 $0xB300, s28;
	p0 =	sgt.u32 s6, $0x10;
	[dreg:$0x6] =	wrdreg s14  }
0x1c: {  	s2 =	sadd.s32 $0x1EC00, s2;
	s28 =	sadd.s32 $0x1B800, s13;
	[dreg:$0x7] =	wrdreg s16  }
0x1d: {  	s6 =	simm.s32 $0x1;
	s7 =	simm.s32 $0x200;
	[dreg:$0x8] =	wrdreg s10  }
0x1e: {  	s9 =	simm.s32 $0x7000;
	s10 =	sadd.s32 s15, s3;
	[dreg:$0x13] =	wrdreg s2  }
0x1f: {  	s11 =	sadd.s32 $0x2, s5;
	[dreg:$0x17] =	wrdreg s28;
	s2 =	sadd.s32 $0x25800, s13  }
0x20: {  	v0 =	vimm.f32 $0.0e+00;
	v1 =	vimm.f32 $1.000000000e+00;
	s14 =	simm.s32 $0x3;
	s15 =	simm.s32 $0x4;
	s16 =	simm.s32 $0x5  }
.LBB2_1:
0x21: {  	s22 =	rddreg [dreg:$0x5]  }
0x22: {  	[tilespmem:s4], [sflag:$0x1] =	stream.linear.gather [hbm4b:s22+s4], $0x2600, $0x38;
	[tilespmem:$0x19800] =	vst v63  }
0x23: {  	s29 =	rddreg [dreg:$0x6];
	s23 =	simm.s32 $0x2800  }
0x24: {  	[tilespmem:s23], [sflag:$0x1] =	stream.linear.gather [hbm4b:s29+s4], $0x2600, $0x38;
	[tilespmem:$0x19800] =	vst v63  }
0x25: {  	s24 =	rddreg [dreg:$0x7];
	s22 =	simm.s32 @!p0 $0x0;
	s23 =	simm.s32 @!p0 $0x2600  }
0x26: {  	[tilespmem:s23], [sflag:$0x1] =	stream.linear.gather @!p0 [hbm4b:s24+s22], $0x200, $0x38;
	[tilespmem:$0x19800] =	vst v63  }
0x27: {  	s23 =	simm.s32 @!p0 $0x4E00;
	s24 =	rddreg [dreg:$0x8]  }
0x28: {  	[tilespmem:s23], [sflag:$0x1] =	stream.linear.gather @!p0 [hbm4b:s24+s22], $0x200, $0x38;
	[tilespmem:$0x19800] =	vst v63  }
0x29: {  	s22 =	simm.s32 $0x40;
	s23 =	simm.s32 $0x0  }
.LBB2_2:
0x2a: {  	p1 =	sne.s32 s22, $0x9FC0;
	[tilespmem:s23+$0xD000] =	vst v0;
	s23 =	smov.u32 s22;
	s22 =	sadd.s32 $0x40, s22  }
.Ltmp0:
0x2b: {  	(pc) =	sbr.rel @p1 .LBB2_2-.Ltmp0, $2  }
0x2c: {  	_ =	sdelay $0x2  }
0x2d: {  	s23 =	sshra.s32 s23, $0x2  }
0x2e: {  	[tilespmem:s23+$0xD000] =	vst v0;
	s22 =	simm.s32 $0xD000  }
0x2f: {  	[spmem:s10] =	stream.linear.scatter [tilespmem:s22], [sflag:$0xB], $0x2800, $0x38;
	[tilespmem:$0x19800] =	vst v63  }
0x30: {  	_ =	swait.ge [sflag:s0], $0x2800  }
0x31: {  	[sflag:s0] =	ssyncset.done $0x0  }
0x32: {  	s23 =	simm.s32 $0x0;
	s22 =	simm.s32 $0x40;
	[sflag:s0] =	ssyncadd.s32 $0xFFFFD800  }
.LBB2_4:
0x33: {  	p1 =	sne.s32 s22, $0x9FC0;
	[tilespmem:s23+$0xF800] =	vst v0;
	s23 =	smov.u32 s22;
	s22 =	sadd.s32 $0x40, s22  }
.Ltmp1:
0x34: {  	(pc) =	sbr.rel @p1 .LBB2_4-.Ltmp1, $2  }
0x35: {  	_ =	sdelay $0x2  }
0x36: {  	s23 =	sshra.s32 s23, $0x2  }
0x37: {  	[tilespmem:s23+$0xF800] =	vst v0  }
0x38: {  	_ =	swait.ge [sflag:s6], $0x2600  }
0x39: {  	[sflag:s6] =	ssyncset.done $0x0  }
0x3a: {  	[sflag:s6] =	ssyncadd.s32 $0xFFFFDA00  }
0x3b: {  	_ =	swait.ge [sflag:s6], $0x2600  }
0x3c: {  	[sflag:s6] =	ssyncset.done $0x0  }
0x3d: {  	s22 =	simm.s32 @!p0 $0x1;
	[sflag:s6] =	ssyncadd.s32 $0xFFFFDA00  }
0x3e: {  	_ =	swait.ge @!p0 [sflag:s22], $0x200  }
0x3f: {  	[sflag:s22] =	ssyncset.done @!p0 $0x0  }
0x40: {  	[sflag:s22] =	ssyncadd.s32 @!p0 $0xFFFFFE00  }
0x41: {  	_ =	swait.ge @!p0 [sflag:s22], $0x200  }
0x42: {  	[sflag:s22] =	ssyncset.done @!p0 $0x0  }
.Ltmp2:
0x43: {  	[sflag:s22] =	ssyncadd.s32 @!p0 $0xFFFFFE00;
	(pc) =	sbr.rel .LBB2_6-.Ltmp2, $4  }
0x44: {  	s24 =	simm.s32 $0x0;
	[bflag:$0x0] =	sbarrier.arrive $0xFFFF  }
0x45: {  	[tilespmem:s8], [sflag:$0x3] =	stream.indirect.gather [hbm4b:s1+s7], $0x10, s24, s7, $0xb8;
	[tilespmem:$0x19800] =	vst v63  }
0x46: {  	s22 =	simm.s32 $0x0  }
0x47: {  	[tilespmem:s9], [sflag:$0x4] =	stream.indirect.gather [hbm4b:s1+s7], $0x10, s7, s7, $0xb8;
	[tilespmem:$0x19800] =	vst v63  }
.LBB2_14:
0x48: {  	s22 =	sadd.s32 $0x2000, s22  }
0x49: {  	p1 =	sne.s32 s22, $0xC000  }
.Ltmp3:
0x4a: {  	_ = 	snop;
	(pc) =	sbr.rel @!p1 .LBB2_15-.Ltmp3, $2  }
0x4b: {  	_ =	sdelay $0x2  }
0x4c: {  	s24 =	smov.u32 s25  }
.LBB2_6:
0x4d: {  	p2 =	seq.s32 s22, $0x0  }
0x4e: {  	p1 =	sge.u32 @!p2 s24, s11  }
0x4f: {  	p3 =	por p1, p2  }
0x50: {  	s23 =	simm.s32 @!p3 $0x9  }
0x51: {  	_ =	swait.ge @!p3 [sflag:s23], $0x2000  }
0x52: {  	[sflag:s23] =	ssyncset.done @!p3 $0x0  }
0x53: {  	s25 =	sadd.s32 $0x2, s24;
	[sflag:s23] =	ssyncadd.s32 @!p3 $0xFFFFE000;
	p3 =	sge.u32 s24, s5  }
.Ltmp4:
0x54: {  	p1 =	sge.u32 s25, s5;
	(pc) =	sbr.rel @p3 .LBB2_8-.Ltmp4, $4  }
0x55: {  	s23 =	sshra.s32 @!p1 s22, $0x2  }
0x56: {  	s25 =	simm.s32 @!p1 $0x200;
	s26 =	simm.s32 @!p1 $0x9000;
	s23 =	sadd.s32 @!p1 $0x400, s23  }
0x57: {  	[tilespmem:s26], [sflag:$0x5] =	stream.indirect.gather @!p1 [hbm4b:s1+s25], $0x10, s23, s25, $0xb8;
	[tilespmem:$0x19800] =	vst v63  }
0x58: {  	s23 =	sshra.s32 s22, $0x2  }
0x59: {  	v2 =	vld [tilespmem:s23+$0x2800];
	_ =	sdelay $0x7  }
0x5a: {  	[tilespmem:v2+s12+$0x0] =	vst.idx.add.f32.msk $0xffff, v1  }
0x5b: {  	v2 =	vld [tilespmem:s23+$0x2810];
	_ =	sdelay $0x7  }
0x5c: {  	[tilespmem:v2+s12+$0x0] =	vst.idx.add.f32.msk $0xffff, v1  }
0x5d: {  	v2 =	vld [tilespmem:s23+$0x2820];
	_ =	sdelay $0x7  }
0x5e: {  	[tilespmem:v2+s12+$0x0] =	vst.idx.add.f32.msk $0xffff, v1  }
0x5f: {  	v2 =	vld [tilespmem:s23+$0x2830];
	_ =	sdelay $0x7  }
0x60: {  	[tilespmem:v2+s12+$0x0] =	vst.idx.add.f32.msk $0xffff, v1  }
0x61: {  	v2 =	vld [tilespmem:s23+$0x2840];
	_ =	sdelay $0x7  }
0x62: {  	[tilespmem:v2+s12+$0x0] =	vst.idx.add.f32.msk $0xffff, v1  }
0x63: {  	v2 =	vld [tilespmem:s23+$0x2850];
	_ =	sdelay $0x7  }
0x64: {  	[tilespmem:v2+s12+$0x0] =	vst.idx.add.f32.msk $0xffff, v1  }
0x65: {  	v2 =	vld [tilespmem:s23+$0x2860];
	_ =	sdelay $0x7  }
0x66: {  	[tilespmem:v2+s12+$0x0] =	vst.idx.add.f32.msk $0xffff, v1  }
0x67: {  	v2 =	vld [tilespmem:s23+$0x2870];
	_ =	sdelay $0x7  }
0x68: {  	[tilespmem:v2+s12+$0x0] =	vst.idx.add.f32.msk $0xffff, v1  }
0x69: {  	v2 =	vld [tilespmem:s23+$0x2880];
	_ =	sdelay $0x7  }
0x6a: {  	[tilespmem:v2+s12+$0x0] =	vst.idx.add.f32.msk $0xffff, v1  }
0x6b: {  	v2 =	vld [tilespmem:s23+$0x2890];
	_ =	sdelay $0x7  }
0x6c: {  	[tilespmem:v2+s12+$0x0] =	vst.idx.add.f32.msk $0xffff, v1  }
0x6d: {  	v2 =	vld [tilespmem:s23+$0x28A0];
	_ =	sdelay $0x7  }
0x6e: {  	[tilespmem:v2+s12+$0x0] =	vst.idx.add.f32.msk $0xffff, v1  }
0x6f: {  	v2 =	vld [tilespmem:s23+$0x28B0];
	_ =	sdelay $0x7  }
0x70: {  	[tilespmem:v2+s12+$0x0] =	vst.idx.add.f32.msk $0xffff, v1  }
0x71: {  	v2 =	vld [tilespmem:s23+$0x28C0];
	_ =	sdelay $0x7  }
0x72: {  	[tilespmem:v2+s12+$0x0] =	vst.idx.add.f32.msk $0xffff, v1  }
0x73: {  	v2 =	vld [tilespmem:s23+$0x28D0];
	_ =	sdelay $0x7  }
0x74: {  	[tilespmem:v2+s12+$0x0] =	vst.idx.add.f32.msk $0xffff, v1  }
0x75: {  	v2 =	vld [tilespmem:s23+$0x28E0];
	_ =	sdelay $0x7  }
0x76: {  	[tilespmem:v2+s12+$0x0] =	vst.idx.add.f32.msk $0xffff, v1  }
0x77: {  	v2 =	vld [tilespmem:s23+$0x28F0];
	_ =	sdelay $0x7  }
0x78: {  	[tilespmem:v2+s12+$0x0] =	vst.idx.add.f32.msk $0xffff, v1  }
0x79: {  	v2 =	vld [tilespmem:s23+$0x2900];
	_ =	sdelay $0x7  }
0x7a: {  	[tilespmem:v2+s12+$0x0] =	vst.idx.add.f32.msk $0xffff, v1  }
0x7b: {  	v2 =	vld [tilespmem:s23+$0x2910];
	_ =	sdelay $0x7  }
0x7c: {  	[tilespmem:v2+s12+$0x0] =	vst.idx.add.f32.msk $0xffff, v1  }
0x7d: {  	v2 =	vld [tilespmem:s23+$0x2920];
	_ =	sdelay $0x7  }
0x7e: {  	[tilespmem:v2+s12+$0x0] =	vst.idx.add.f32.msk $0xffff, v1  }
0x7f: {  	v2 =	vld [tilespmem:s23+$0x2930];
	_ =	sdelay $0x7  }
0x80: {  	[tilespmem:v2+s12+$0x0] =	vst.idx.add.f32.msk $0xffff, v1  }
0x81: {  	v2 =	vld [tilespmem:s23+$0x2940];
	_ =	sdelay $0x7  }
0x82: {  	[tilespmem:v2+s12+$0x0] =	vst.idx.add.f32.msk $0xffff, v1  }
0x83: {  	v2 =	vld [tilespmem:s23+$0x2950];
	_ =	sdelay $0x7  }
0x84: {  	[tilespmem:v2+s12+$0x0] =	vst.idx.add.f32.msk $0xffff, v1  }
0x85: {  	v2 =	vld [tilespmem:s23+$0x2960];
	_ =	sdelay $0x7  }
0x86: {  	[tilespmem:v2+s12+$0x0] =	vst.idx.add.f32.msk $0xffff, v1  }
0x87: {  	v2 =	vld [tilespmem:s23+$0x2970];
	_ =	sdelay $0x7  }
0x88: {  	[tilespmem:v2+s12+$0x0] =	vst.idx.add.f32.msk $0xffff, v1  }
0x89: {  	v2 =	vld [tilespmem:s23+$0x2980];
	_ =	sdelay $0x7  }
0x8a: {  	[tilespmem:v2+s12+$0x0] =	vst.idx.add.f32.msk $0xffff, v1  }
0x8b: {  	v2 =	vld [tilespmem:s23+$0x2990];
	_ =	sdelay $0x7  }
0x8c: {  	[tilespmem:v2+s12+$0x0] =	vst.idx.add.f32.msk $0xffff, v1  }
0x8d: {  	v2 =	vld [tilespmem:s23+$0x29A0];
	_ =	sdelay $0x7  }
0x8e: {  	[tilespmem:v2+s12+$0x0] =	vst.idx.add.f32.msk $0xffff, v1  }
0x8f: {  	v2 =	vld [tilespmem:s23+$0x29B0];
	_ =	sdelay $0x7  }
0x90: {  	[tilespmem:v2+s12+$0x0] =	vst.idx.add.f32.msk $0xffff, v1  }
0x91: {  	v2 =	vld [tilespmem:s23+$0x29C0];
	_ =	sdelay $0x7  }
0x92: {  	[tilespmem:v2+s12+$0x0] =	vst.idx.add.f32.msk $0xffff, v1  }
0x93: {  	v2 =	vld [tilespmem:s23+$0x29D0];
	_ =	sdelay $0x7  }
0x94: {  	[tilespmem:v2+s12+$0x0] =	vst.idx.add.f32.msk $0xffff, v1  }
0x95: {  	v2 =	vld [tilespmem:s23+$0x29E0];
	_ =	sdelay $0x7  }
0x96: {  	[tilespmem:v2+s12+$0x0] =	vst.idx.add.f32.msk $0xffff, v1  }
0x97: {  	v2 =	vld [tilespmem:s23+$0x29F0];
	_ =	sdelay $0x7  }
0x98: {  	[tilespmem:v2+s12+$0x0] =	vst.idx.add.f32.msk $0xffff, v1  }
0x99: {  	_ =	swait.ge [sflag:s14], $0x2000  }
0x9a: {  	[sflag:s14] =	ssyncset.done $0x0  }
0x9b: {  	s25 =	sadd.s32 $0x2800, s23;
	[sflag:s14] =	ssyncadd.s32 $0xFFFFE000  }
0x9c: {  	[spmem:s3] =	stream.indirect.scatter.add.f32 [tilespmem:s8], [sflag:$0x7], $0x10, s25, s7, $0xb8;
	[tilespmem:$0x19800] =	vst v63  }
.LBB2_8:
0x9d: {  	p4 =	sgt.u32 @!p2 s24, s5  }
0x9e: {  	p4 =	por p4, p2  }
0x9f: {  	s25 =	simm.s32 @!p4 $0xA  }
0xa0: {  	s26 =	sadd.s32 $0x3, s24;
	_ =	swait.ge @!p4 [sflag:s25], $0x2000  }
0xa1: {  	p2 =	sge.u32 s26, s5;
	s26 =	sadd.s32 $0x1, s24;
	[sflag:s25] =	ssyncset.done @!p4 $0x0  }
0xa2: {  	[sflag:s25] =	ssyncadd.s32 @!p4 $0xFFFFE000;
	p4 =	sge.u32 s26, s5  }
.Ltmp5:
0xa3: {  	_ = 	snop;
	(pc) =	sbr.rel @p4 .LBB2_10-.Ltmp5, $4  }
0xa4: {  	_ = 	snop  }
0xa5: {  	s25 =	sshra.s32 @!p2 s22, $0x2  }
0xa6: {  	s28 =	simm.s32 @!p2 $0x200;
	s29 =	simm.s32 @!p2 $0xB000;
	s25 =	sadd.s32 @!p2 $0x600, s25  }
0xa7: {  	[tilespmem:s29], [sflag:$0x6] =	stream.indirect.gather @!p2 [hbm4b:s1+s28], $0x10, s25, s28, $0xb8;
	[tilespmem:$0x19800] =	vst v63  }
0xa8: {  	v2 =	vld [tilespmem:s23+$0x2A00];
	_ =	sdelay $0x7  }
0xa9: {  	[tilespmem:v2+s12+$0x0] =	vst.idx.add.f32.msk $0xffff, v1  }
0xaa: {  	v2 =	vld [tilespmem:s23+$0x2A10];
	_ =	sdelay $0x7  }
0xab: {  	[tilespmem:v2+s12+$0x0] =	vst.idx.add.f32.msk $0xffff, v1  }
0xac: {  	v2 =	vld [tilespmem:s23+$0x2A20];
	_ =	sdelay $0x7  }
0xad: {  	[tilespmem:v2+s12+$0x0] =	vst.idx.add.f32.msk $0xffff, v1  }
0xae: {  	v2 =	vld [tilespmem:s23+$0x2A30];
	_ =	sdelay $0x7  }
0xaf: {  	[tilespmem:v2+s12+$0x0] =	vst.idx.add.f32.msk $0xffff, v1  }
0xb0: {  	v2 =	vld [tilespmem:s23+$0x2A40];
	_ =	sdelay $0x7  }
0xb1: {  	[tilespmem:v2+s12+$0x0] =	vst.idx.add.f32.msk $0xffff, v1  }
0xb2: {  	v2 =	vld [tilespmem:s23+$0x2A50];
	_ =	sdelay $0x7  }
0xb3: {  	[tilespmem:v2+s12+$0x0] =	vst.idx.add.f32.msk $0xffff, v1  }
0xb4: {  	v2 =	vld [tilespmem:s23+$0x2A60];
	_ =	sdelay $0x7  }
0xb5: {  	[tilespmem:v2+s12+$0x0] =	vst.idx.add.f32.msk $0xffff, v1  }
0xb6: {  	v2 =	vld [tilespmem:s23+$0x2A70];
	_ =	sdelay $0x7  }
0xb7: {  	[tilespmem:v2+s12+$0x0] =	vst.idx.add.f32.msk $0xffff, v1  }
0xb8: {  	v2 =	vld [tilespmem:s23+$0x2A80];
	_ =	sdelay $0x7  }
0xb9: {  	[tilespmem:v2+s12+$0x0] =	vst.idx.add.f32.msk $0xffff, v1  }
0xba: {  	v2 =	vld [tilespmem:s23+$0x2A90];
	_ =	sdelay $0x7  }
0xbb: {  	[tilespmem:v2+s12+$0x0] =	vst.idx.add.f32.msk $0xffff, v1  }
0xbc: {  	v2 =	vld [tilespmem:s23+$0x2AA0];
	_ =	sdelay $0x7  }
0xbd: {  	[tilespmem:v2+s12+$0x0] =	vst.idx.add.f32.msk $0xffff, v1  }
0xbe: {  	v2 =	vld [tilespmem:s23+$0x2AB0];
	_ =	sdelay $0x7  }
0xbf: {  	[tilespmem:v2+s12+$0x0] =	vst.idx.add.f32.msk $0xffff, v1  }
0xc0: {  	v2 =	vld [tilespmem:s23+$0x2AC0];
	_ =	sdelay $0x7  }
0xc1: {  	[tilespmem:v2+s12+$0x0] =	vst.idx.add.f32.msk $0xffff, v1  }
0xc2: {  	v2 =	vld [tilespmem:s23+$0x2AD0];
	_ =	sdelay $0x7  }
0xc3: {  	[tilespmem:v2+s12+$0x0] =	vst.idx.add.f32.msk $0xffff, v1  }
0xc4: {  	v2 =	vld [tilespmem:s23+$0x2AE0];
	_ =	sdelay $0x7  }
0xc5: {  	[tilespmem:v2+s12+$0x0] =	vst.idx.add.f32.msk $0xffff, v1  }
0xc6: {  	v2 =	vld [tilespmem:s23+$0x2AF0];
	_ =	sdelay $0x7  }
0xc7: {  	[tilespmem:v2+s12+$0x0] =	vst.idx.add.f32.msk $0xffff, v1  }
0xc8: {  	v2 =	vld [tilespmem:s23+$0x2B00];
	_ =	sdelay $0x7  }
0xc9: {  	[tilespmem:v2+s12+$0x0] =	vst.idx.add.f32.msk $0xffff, v1  }
0xca: {  	v2 =	vld [tilespmem:s23+$0x2B10];
	_ =	sdelay $0x7  }
0xcb: {  	[tilespmem:v2+s12+$0x0] =	vst.idx.add.f32.msk $0xffff, v1  }
0xcc: {  	v2 =	vld [tilespmem:s23+$0x2B20];
	_ =	sdelay $0x7  }
0xcd: {  	[tilespmem:v2+s12+$0x0] =	vst.idx.add.f32.msk $0xffff, v1  }
0xce: {  	v2 =	vld [tilespmem:s23+$0x2B30];
	_ =	sdelay $0x7  }
0xcf: {  	[tilespmem:v2+s12+$0x0] =	vst.idx.add.f32.msk $0xffff, v1  }
0xd0: {  	v2 =	vld [tilespmem:s23+$0x2B40];
	_ =	sdelay $0x7  }
0xd1: {  	[tilespmem:v2+s12+$0x0] =	vst.idx.add.f32.msk $0xffff, v1  }
0xd2: {  	v2 =	vld [tilespmem:s23+$0x2B50];
	_ =	sdelay $0x7  }
0xd3: {  	[tilespmem:v2+s12+$0x0] =	vst.idx.add.f32.msk $0xffff, v1  }
0xd4: {  	v2 =	vld [tilespmem:s23+$0x2B60];
	_ =	sdelay $0x7  }
0xd5: {  	[tilespmem:v2+s12+$0x0] =	vst.idx.add.f32.msk $0xffff, v1  }
0xd6: {  	v2 =	vld [tilespmem:s23+$0x2B70];
	_ =	sdelay $0x7  }
0xd7: {  	[tilespmem:v2+s12+$0x0] =	vst.idx.add.f32.msk $0xffff, v1  }
0xd8: {  	v2 =	vld [tilespmem:s23+$0x2B80];
	_ =	sdelay $0x7  }
0xd9: {  	[tilespmem:v2+s12+$0x0] =	vst.idx.add.f32.msk $0xffff, v1  }
0xda: {  	v2 =	vld [tilespmem:s23+$0x2B90];
	_ =	sdelay $0x7  }
0xdb: {  	[tilespmem:v2+s12+$0x0] =	vst.idx.add.f32.msk $0xffff, v1  }
0xdc: {  	v2 =	vld [tilespmem:s23+$0x2BA0];
	_ =	sdelay $0x7  }
0xdd: {  	[tilespmem:v2+s12+$0x0] =	vst.idx.add.f32.msk $0xffff, v1  }
0xde: {  	v2 =	vld [tilespmem:s23+$0x2BB0];
	_ =	sdelay $0x7  }
0xdf: {  	[tilespmem:v2+s12+$0x0] =	vst.idx.add.f32.msk $0xffff, v1  }
0xe0: {  	v2 =	vld [tilespmem:s23+$0x2BC0];
	_ =	sdelay $0x7  }
0xe1: {  	[tilespmem:v2+s12+$0x0] =	vst.idx.add.f32.msk $0xffff, v1  }
0xe2: {  	v2 =	vld [tilespmem:s23+$0x2BD0];
	_ =	sdelay $0x7  }
0xe3: {  	[tilespmem:v2+s12+$0x0] =	vst.idx.add.f32.msk $0xffff, v1  }
0xe4: {  	v2 =	vld [tilespmem:s23+$0x2BE0];
	_ =	sdelay $0x7  }
0xe5: {  	[tilespmem:v2+s12+$0x0] =	vst.idx.add.f32.msk $0xffff, v1  }
0xe6: {  	v2 =	vld [tilespmem:s23+$0x2BF0];
	_ =	sdelay $0x7  }
0xe7: {  	[tilespmem:v2+s12+$0x0] =	vst.idx.add.f32.msk $0xffff, v1  }
0xe8: {  	_ =	swait.ge [sflag:s15], $0x2000  }
0xe9: {  	[sflag:s15] =	ssyncset.done $0x0  }
0xea: {  	s25 =	sadd.s32 $0x2A00, s23;
	[sflag:s15] =	ssyncadd.s32 $0xFFFFE000  }
0xeb: {  	[spmem:s3] =	stream.indirect.scatter.add.f32 [tilespmem:s9], [sflag:$0x8], $0x10, s25, s7, $0xb8;
	[tilespmem:$0x19800] =	vst v63  }
.LBB2_10:
0xec: {  	s26 =	simm.s32 @!p3 $0x7  }
.Ltmp6:
0xed: {  	s25 =	sadd.s32 $0x4, s24;
	_ =	swait.ge @!p3 [sflag:s26], $0x2000;
	(pc) =	sbr.rel @p1 .LBB2_12-.Ltmp6, $4  }
0xee: {  	p5 =	sge.u32 s25, s5;
	[sflag:s26] =	ssyncset.done @!p3 $0x0  }
0xef: {  	[sflag:s26] =	ssyncadd.s32 @!p3 $0xFFFFE000;
	s26 =	sshra.s32 @!p5 s22, $0x2  }
0xf0: {  	s28 =	simm.s32 @!p5 $0x200;
	s29 =	simm.s32 @!p5 $0x5000;
	s26 =	sadd.s32 @!p5 $0x800, s26  }
0xf1: {  	[tilespmem:s29], [sflag:$0x3] =	stream.indirect.gather @!p5 [hbm4b:s1+s28], $0x10, s26, s28, $0xb8;
	[tilespmem:$0x19800] =	vst v63  }
0xf2: {  	v2 =	vld [tilespmem:s23+$0x2C00];
	_ =	sdelay $0x7  }
0xf3: {  	[tilespmem:v2+s12+$0x0] =	vst.idx.add.f32.msk $0xffff, v1  }
0xf4: {  	v2 =	vld [tilespmem:s23+$0x2C10];
	_ =	sdelay $0x7  }
0xf5: {  	[tilespmem:v2+s12+$0x0] =	vst.idx.add.f32.msk $0xffff, v1  }
0xf6: {  	v2 =	vld [tilespmem:s23+$0x2C20];
	_ =	sdelay $0x7  }
0xf7: {  	[tilespmem:v2+s12+$0x0] =	vst.idx.add.f32.msk $0xffff, v1  }
0xf8: {  	v2 =	vld [tilespmem:s23+$0x2C30];
	_ =	sdelay $0x7  }
0xf9: {  	[tilespmem:v2+s12+$0x0] =	vst.idx.add.f32.msk $0xffff, v1  }
0xfa: {  	v2 =	vld [tilespmem:s23+$0x2C40];
	_ =	sdelay $0x7  }
0xfb: {  	[tilespmem:v2+s12+$0x0] =	vst.idx.add.f32.msk $0xffff, v1  }
0xfc: {  	v2 =	vld [tilespmem:s23+$0x2C50];
	_ =	sdelay $0x7  }
0xfd: {  	[tilespmem:v2+s12+$0x0] =	vst.idx.add.f32.msk $0xffff, v1  }
0xfe: {  	v2 =	vld [tilespmem:s23+$0x2C60];
	_ =	sdelay $0x7  }
0xff: {  	[tilespmem:v2+s12+$0x0] =	vst.idx.add.f32.msk $0xffff, v1  }
0x100: {  	v2 =	vld [tilespmem:s23+$0x2C70];
	_ =	sdelay $0x7  }
0x101: {  	[tilespmem:v2+s12+$0x0] =	vst.idx.add.f32.msk $0xffff, v1  }
0x102: {  	v2 =	vld [tilespmem:s23+$0x2C80];
	_ =	sdelay $0x7  }
0x103: {  	[tilespmem:v2+s12+$0x0] =	vst.idx.add.f32.msk $0xffff, v1  }
0x104: {  	v2 =	vld [tilespmem:s23+$0x2C90];
	_ =	sdelay $0x7  }
0x105: {  	[tilespmem:v2+s12+$0x0] =	vst.idx.add.f32.msk $0xffff, v1  }
0x106: {  	v2 =	vld [tilespmem:s23+$0x2CA0];
	_ =	sdelay $0x7  }
0x107: {  	[tilespmem:v2+s12+$0x0] =	vst.idx.add.f32.msk $0xffff, v1  }
0x108: {  	v2 =	vld [tilespmem:s23+$0x2CB0];
	_ =	sdelay $0x7  }
0x109: {  	[tilespmem:v2+s12+$0x0] =	vst.idx.add.f32.msk $0xffff, v1  }
0x10a: {  	v2 =	vld [tilespmem:s23+$0x2CC0];
	_ =	sdelay $0x7  }
0x10b: {  	[tilespmem:v2+s12+$0x0] =	vst.idx.add.f32.msk $0xffff, v1  }
0x10c: {  	v2 =	vld [tilespmem:s23+$0x2CD0];
	_ =	sdelay $0x7  }
0x10d: {  	[tilespmem:v2+s12+$0x0] =	vst.idx.add.f32.msk $0xffff, v1  }
0x10e: {  	v2 =	vld [tilespmem:s23+$0x2CE0];
	_ =	sdelay $0x7  }
0x10f: {  	[tilespmem:v2+s12+$0x0] =	vst.idx.add.f32.msk $0xffff, v1  }
0x110: {  	v2 =	vld [tilespmem:s23+$0x2CF0];
	_ =	sdelay $0x7  }
0x111: {  	[tilespmem:v2+s12+$0x0] =	vst.idx.add.f32.msk $0xffff, v1  }
0x112: {  	v2 =	vld [tilespmem:s23+$0x2D00];
	_ =	sdelay $0x7  }
0x113: {  	[tilespmem:v2+s12+$0x0] =	vst.idx.add.f32.msk $0xffff, v1  }
0x114: {  	v2 =	vld [tilespmem:s23+$0x2D10];
	_ =	sdelay $0x7  }
0x115: {  	[tilespmem:v2+s12+$0x0] =	vst.idx.add.f32.msk $0xffff, v1  }
0x116: {  	v2 =	vld [tilespmem:s23+$0x2D20];
	_ =	sdelay $0x7  }
0x117: {  	[tilespmem:v2+s12+$0x0] =	vst.idx.add.f32.msk $0xffff, v1  }
0x118: {  	v2 =	vld [tilespmem:s23+$0x2D30];
	_ =	sdelay $0x7  }
0x119: {  	[tilespmem:v2+s12+$0x0] =	vst.idx.add.f32.msk $0xffff, v1  }
0x11a: {  	v2 =	vld [tilespmem:s23+$0x2D40];
	_ =	sdelay $0x7  }
0x11b: {  	[tilespmem:v2+s12+$0x0] =	vst.idx.add.f32.msk $0xffff, v1  }
0x11c: {  	v2 =	vld [tilespmem:s23+$0x2D50];
	_ =	sdelay $0x7  }
0x11d: {  	[tilespmem:v2+s12+$0x0] =	vst.idx.add.f32.msk $0xffff, v1  }
0x11e: {  	v2 =	vld [tilespmem:s23+$0x2D60];
	_ =	sdelay $0x7  }
0x11f: {  	[tilespmem:v2+s12+$0x0] =	vst.idx.add.f32.msk $0xffff, v1  }
0x120: {  	v2 =	vld [tilespmem:s23+$0x2D70];
	_ =	sdelay $0x7  }
0x121: {  	[tilespmem:v2+s12+$0x0] =	vst.idx.add.f32.msk $0xffff, v1  }
0x122: {  	v2 =	vld [tilespmem:s23+$0x2D80];
	_ =	sdelay $0x7  }
0x123: {  	[tilespmem:v2+s12+$0x0] =	vst.idx.add.f32.msk $0xffff, v1  }
0x124: {  	v2 =	vld [tilespmem:s23+$0x2D90];
	_ =	sdelay $0x7  }
0x125: {  	[tilespmem:v2+s12+$0x0] =	vst.idx.add.f32.msk $0xffff, v1  }
0x126: {  	v2 =	vld [tilespmem:s23+$0x2DA0];
	_ =	sdelay $0x7  }
0x127: {  	[tilespmem:v2+s12+$0x0] =	vst.idx.add.f32.msk $0xffff, v1  }
0x128: {  	v2 =	vld [tilespmem:s23+$0x2DB0];
	_ =	sdelay $0x7  }
0x129: {  	[tilespmem:v2+s12+$0x0] =	vst.idx.add.f32.msk $0xffff, v1  }
0x12a: {  	v2 =	vld [tilespmem:s23+$0x2DC0];
	_ =	sdelay $0x7  }
0x12b: {  	[tilespmem:v2+s12+$0x0] =	vst.idx.add.f32.msk $0xffff, v1  }
0x12c: {  	v2 =	vld [tilespmem:s23+$0x2DD0];
	_ =	sdelay $0x7  }
0x12d: {  	[tilespmem:v2+s12+$0x0] =	vst.idx.add.f32.msk $0xffff, v1  }
0x12e: {  	v2 =	vld [tilespmem:s23+$0x2DE0];
	_ =	sdelay $0x7  }
0x12f: {  	[tilespmem:v2+s12+$0x0] =	vst.idx.add.f32.msk $0xffff, v1  }
0x130: {  	v2 =	vld [tilespmem:s23+$0x2DF0];
	_ =	sdelay $0x7  }
0x131: {  	[tilespmem:v2+s12+$0x0] =	vst.idx.add.f32.msk $0xffff, v1  }
0x132: {  	_ =	swait.ge [sflag:s16], $0x2000  }
0x133: {  	[sflag:s16] =	ssyncset.done $0x0  }
0x134: {  	s26 =	sadd.s32 $0x2C00, s23;
	[sflag:s16] =	ssyncadd.s32 $0xFFFFE000  }
0x135: {  	[spmem:s3] =	stream.indirect.scatter.add.f32 [tilespmem:s17], [sflag:$0x9], $0x10, s26, s7, $0xb8;
	[tilespmem:$0x19800] =	vst v63  }
.LBB2_12:
.Ltmp7:
0x136: {  	s26 =	simm.s32 @!p4 $0x8;
	s24 =	sadd.s32 $0x5, s24;
	(pc) =	sbr.rel @p2 .LBB2_14-.Ltmp7, $4  }
0x137: {  	_ =	swait.ge @!p4 [sflag:s26], $0x2000;
	p1 =	sge.u32 s24, s5  }
0x138: {  	[sflag:s26] =	ssyncset.done @!p4 $0x0;
	s24 =	sshra.s32 @!p1 s22, $0x2;
	s28 =	simm.s32 @!p1 $0x7000  }
0x139: {  	[sflag:s26] =	ssyncadd.s32 @!p4 $0xFFFFE000;
	s24 =	sadd.s32 @!p1 $0xA00, s24;
	s26 =	simm.s32 @!p1 $0x200  }
0x13a: {  	[tilespmem:s28], [sflag:$0x4] =	stream.indirect.gather @!p1 [hbm4b:s1+s26], $0x10, s24, s26, $0xb8;
	[tilespmem:$0x19800] =	vst v63  }
0x13b: {  	v2 =	vld [tilespmem:s23+$0x2E00];
	_ =	sdelay $0x7  }
0x13c: {  	[tilespmem:v2+s12+$0x0] =	vst.idx.add.f32.msk $0xffff, v1  }
0x13d: {  	v2 =	vld [tilespmem:s23+$0x2E10];
	_ =	sdelay $0x7  }
0x13e: {  	[tilespmem:v2+s12+$0x0] =	vst.idx.add.f32.msk $0xffff, v1  }
0x13f: {  	v2 =	vld [tilespmem:s23+$0x2E20];
	_ =	sdelay $0x7  }
0x140: {  	[tilespmem:v2+s12+$0x0] =	vst.idx.add.f32.msk $0xffff, v1  }
0x141: {  	v2 =	vld [tilespmem:s23+$0x2E30];
	_ =	sdelay $0x7  }
0x142: {  	[tilespmem:v2+s12+$0x0] =	vst.idx.add.f32.msk $0xffff, v1  }
0x143: {  	v2 =	vld [tilespmem:s23+$0x2E40];
	_ =	sdelay $0x7  }
0x144: {  	[tilespmem:v2+s12+$0x0] =	vst.idx.add.f32.msk $0xffff, v1  }
0x145: {  	v2 =	vld [tilespmem:s23+$0x2E50];
	_ =	sdelay $0x7  }
0x146: {  	[tilespmem:v2+s12+$0x0] =	vst.idx.add.f32.msk $0xffff, v1  }
0x147: {  	v2 =	vld [tilespmem:s23+$0x2E60];
	_ =	sdelay $0x7  }
0x148: {  	[tilespmem:v2+s12+$0x0] =	vst.idx.add.f32.msk $0xffff, v1  }
0x149: {  	v2 =	vld [tilespmem:s23+$0x2E70];
	_ =	sdelay $0x7  }
0x14a: {  	[tilespmem:v2+s12+$0x0] =	vst.idx.add.f32.msk $0xffff, v1  }
0x14b: {  	v2 =	vld [tilespmem:s23+$0x2E80];
	_ =	sdelay $0x7  }
0x14c: {  	[tilespmem:v2+s12+$0x0] =	vst.idx.add.f32.msk $0xffff, v1  }
0x14d: {  	v2 =	vld [tilespmem:s23+$0x2E90];
	_ =	sdelay $0x7  }
0x14e: {  	[tilespmem:v2+s12+$0x0] =	vst.idx.add.f32.msk $0xffff, v1  }
0x14f: {  	v2 =	vld [tilespmem:s23+$0x2EA0];
	_ =	sdelay $0x7  }
0x150: {  	[tilespmem:v2+s12+$0x0] =	vst.idx.add.f32.msk $0xffff, v1  }
0x151: {  	v2 =	vld [tilespmem:s23+$0x2EB0];
	_ =	sdelay $0x7  }
0x152: {  	[tilespmem:v2+s12+$0x0] =	vst.idx.add.f32.msk $0xffff, v1  }
0x153: {  	v2 =	vld [tilespmem:s23+$0x2EC0];
	_ =	sdelay $0x7  }
0x154: {  	[tilespmem:v2+s12+$0x0] =	vst.idx.add.f32.msk $0xffff, v1  }
0x155: {  	v2 =	vld [tilespmem:s23+$0x2ED0];
	_ =	sdelay $0x7  }
0x156: {  	[tilespmem:v2+s12+$0x0] =	vst.idx.add.f32.msk $0xffff, v1  }
0x157: {  	v2 =	vld [tilespmem:s23+$0x2EE0];
	_ =	sdelay $0x7  }
0x158: {  	[tilespmem:v2+s12+$0x0] =	vst.idx.add.f32.msk $0xffff, v1  }
0x159: {  	v2 =	vld [tilespmem:s23+$0x2EF0];
	_ =	sdelay $0x7  }
0x15a: {  	[tilespmem:v2+s12+$0x0] =	vst.idx.add.f32.msk $0xffff, v1  }
0x15b: {  	v2 =	vld [tilespmem:s23+$0x2F00];
	_ =	sdelay $0x7  }
0x15c: {  	[tilespmem:v2+s12+$0x0] =	vst.idx.add.f32.msk $0xffff, v1  }
0x15d: {  	v2 =	vld [tilespmem:s23+$0x2F10];
	_ =	sdelay $0x7  }
0x15e: {  	[tilespmem:v2+s12+$0x0] =	vst.idx.add.f32.msk $0xffff, v1  }
0x15f: {  	v2 =	vld [tilespmem:s23+$0x2F20];
	_ =	sdelay $0x7  }
0x160: {  	[tilespmem:v2+s12+$0x0] =	vst.idx.add.f32.msk $0xffff, v1  }
0x161: {  	v2 =	vld [tilespmem:s23+$0x2F30];
	_ =	sdelay $0x7  }
0x162: {  	[tilespmem:v2+s12+$0x0] =	vst.idx.add.f32.msk $0xffff, v1  }
0x163: {  	v2 =	vld [tilespmem:s23+$0x2F40];
	_ =	sdelay $0x7  }
0x164: {  	[tilespmem:v2+s12+$0x0] =	vst.idx.add.f32.msk $0xffff, v1  }
0x165: {  	v2 =	vld [tilespmem:s23+$0x2F50];
	_ =	sdelay $0x7  }
0x166: {  	[tilespmem:v2+s12+$0x0] =	vst.idx.add.f32.msk $0xffff, v1  }
0x167: {  	v2 =	vld [tilespmem:s23+$0x2F60];
	_ =	sdelay $0x7  }
0x168: {  	[tilespmem:v2+s12+$0x0] =	vst.idx.add.f32.msk $0xffff, v1  }
0x169: {  	v2 =	vld [tilespmem:s23+$0x2F70];
	_ =	sdelay $0x7  }
0x16a: {  	[tilespmem:v2+s12+$0x0] =	vst.idx.add.f32.msk $0xffff, v1  }
0x16b: {  	v2 =	vld [tilespmem:s23+$0x2F80];
	_ =	sdelay $0x7  }
0x16c: {  	[tilespmem:v2+s12+$0x0] =	vst.idx.add.f32.msk $0xffff, v1  }
0x16d: {  	v2 =	vld [tilespmem:s23+$0x2F90];
	_ =	sdelay $0x7  }
0x16e: {  	[tilespmem:v2+s12+$0x0] =	vst.idx.add.f32.msk $0xffff, v1  }
0x16f: {  	v2 =	vld [tilespmem:s23+$0x2FA0];
	_ =	sdelay $0x7  }
0x170: {  	[tilespmem:v2+s12+$0x0] =	vst.idx.add.f32.msk $0xffff, v1  }
0x171: {  	v2 =	vld [tilespmem:s23+$0x2FB0];
	_ =	sdelay $0x7  }
0x172: {  	[tilespmem:v2+s12+$0x0] =	vst.idx.add.f32.msk $0xffff, v1  }
0x173: {  	v2 =	vld [tilespmem:s23+$0x2FC0];
	_ =	sdelay $0x7  }
0x174: {  	[tilespmem:v2+s12+$0x0] =	vst.idx.add.f32.msk $0xffff, v1  }
0x175: {  	v2 =	vld [tilespmem:s23+$0x2FD0];
	_ =	sdelay $0x7  }
0x176: {  	[tilespmem:v2+s12+$0x0] =	vst.idx.add.f32.msk $0xffff, v1  }
0x177: {  	v2 =	vld [tilespmem:s23+$0x2FE0];
	_ =	sdelay $0x7  }
0x178: {  	[tilespmem:v2+s12+$0x0] =	vst.idx.add.f32.msk $0xffff, v1  }
0x179: {  	v2 =	vld [tilespmem:s23+$0x2FF0];
	_ =	sdelay $0x7  }
.Ltmp8:
0x17a: {  	[tilespmem:v2+s12+$0x0] =	vst.idx.add.f32.msk $0xffff, v1;
	(pc) =	sbr.rel .LBB2_14-.Ltmp8, $4  }
0x17b: {  	_ =	swait.ge [sflag:s18], $0x2000  }
0x17c: {  	[sflag:s18] =	ssyncset.done $0x0  }
0x17d: {  	s29 =	sadd.s32 $0x2E00, s23;
	[sflag:s18] =	ssyncadd.s32 $0xFFFFE000  }
0x17e: {  	[spmem:s3] =	stream.indirect.scatter.add.f32 [tilespmem:s19], [sflag:$0xA], $0x10, s29, s7, $0xb8;
	[tilespmem:$0x19800] =	vst v63  }
.LBB2_15:
0x17f: {  	s22 =	rddreg [dreg:$0x9]  }
0x180: {  	[spmem:s22] =	stream.linear.scatter [tilespmem:s12], [sflag:$0xB], $0x2800, $0x38;
	[tilespmem:$0x19800] =	vst v63  }
0x181: {  	_ =	swait.ge [sflag:s0], $0x2800  }
0x182: {  	[sflag:s0] =	ssyncset.done $0x0  }
0x183: {  	[sflag:s0] =	ssyncadd.s32 $0xFFFFD800  }
0x184: {  	s25 =	simm.s32 $0x12000;
	[bflag:$0x0] =	sbarrier.arrive $0xFFFF  }
0x185: {  	[tilespmem:s25], [sflag:$0x2] =	stream.linear.gather [spmem:s13], $0x280, $0x38;
	[tilespmem:$0x19800] =	vst v63  }
0x186: {  	s23 =	simm.s32 $0x12280;
	s26 =	rddreg [dreg:$0xa]  }
0x187: {  	[tilespmem:s23], [sflag:$0x2] =	stream.linear.gather [spmem:s26], $0x280, $0x38;
	[tilespmem:$0x19800] =	vst v63  }
0x188: {  	s29 =	simm.s32 $0x12500;
	s28 =	rddreg [dreg:$0xb]  }
0x189: {  	[tilespmem:s29], [sflag:$0x2] =	stream.linear.gather [spmem:s28], $0x280, $0x38;
	[tilespmem:$0x19800] =	vst v63  }
0x18a: {  	s24 =	simm.s32 $0x12780;
	s23 =	rddreg [dreg:$0xc]  }
0x18b: {  	[tilespmem:s24], [sflag:$0x2] =	stream.linear.gather [spmem:s23], $0x280, $0x38;
	[tilespmem:$0x19800] =	vst v63  }
0x18c: {  	s25 =	rddreg [dreg:$0xd];
	s26 =	simm.s32 $0x12A00  }
0x18d: {  	[tilespmem:s26], [sflag:$0x2] =	stream.linear.gather [spmem:s25], $0x280, $0x38;
	[tilespmem:$0x19800] =	vst v63  }
0x18e: {  	s28 =	rddreg [dreg:$0xe];
	s29 =	simm.s32 $0x12C80  }
0x18f: {  	[tilespmem:s29], [sflag:$0x2] =	stream.linear.gather [spmem:s28], $0x280, $0x38;
	[tilespmem:$0x19800] =	vst v63  }
0x190: {  	s23 =	rddreg [dreg:$0xf];
	s24 =	simm.s32 $0x12F00  }
0x191: {  	[tilespmem:s24], [sflag:$0x2] =	stream.linear.gather [spmem:s23], $0x280, $0x38;
	[tilespmem:$0x19800] =	vst v63  }
0x192: {  	s25 =	rddreg [dreg:$0x10];
	s26 =	simm.s32 $0x13180  }
0x193: {  	[tilespmem:s26], [sflag:$0x2] =	stream.linear.gather [spmem:s25], $0x280, $0x38;
	[tilespmem:$0x19800] =	vst v63  }
0x194: {  	s28 =	rddreg [dreg:$0x11];
	s29 =	simm.s32 $0x13400  }
0x195: {  	[tilespmem:s29], [sflag:$0x2] =	stream.linear.gather [spmem:s28], $0x280, $0x38;
	[tilespmem:$0x19800] =	vst v63  }
0x196: {  	s23 =	rddreg [dreg:$0x12];
	s24 =	simm.s32 $0x13680  }
0x197: {  	[tilespmem:s24], [sflag:$0x2] =	stream.linear.gather [spmem:s23], $0x280, $0x38;
	[tilespmem:$0x19800] =	vst v63  }
0x198: {  	s25 =	rddreg [dreg:$0x16];
	s26 =	simm.s32 $0x13900  }
0x199: {  	[tilespmem:s26], [sflag:$0x2] =	stream.linear.gather [spmem:s25], $0x280, $0x38;
	[tilespmem:$0x19800] =	vst v63  }
0x19a: {  	s28 =	rddreg [dreg:$0x17];
	s29 =	simm.s32 $0x13B80  }
0x19b: {  	[tilespmem:s29], [sflag:$0x2] =	stream.linear.gather [spmem:s28], $0x280, $0x38;
	[tilespmem:$0x19800] =	vst v63  }
0x19c: {  	s24 =	rddreg [dreg:$0x18];
	s25 =	simm.s32 $0x13E00  }
0x19d: {  	[tilespmem:s25], [sflag:$0x2] =	stream.linear.gather [spmem:s24], $0x280, $0x38;
	[tilespmem:$0x19800] =	vst v63  }
0x19e: {  	s26 =	simm.s32 $0x14080  }
0x19f: {  	[tilespmem:s26], [sflag:$0x2] =	stream.linear.gather [spmem:s30], $0x280, $0x38;
	[tilespmem:$0x19800] =	vst v63  }
0x1a0: {  	s28 =	simm.s32 $0x14300  }
0x1a1: {  	[tilespmem:s28], [sflag:$0x2] =	stream.linear.gather [spmem:s31], $0x280, $0x38;
	[tilespmem:$0x19800] =	vst v63  }
0x1a2: {  	s29 =	simm.s32 $0x14580  }
0x1a3: {  	[tilespmem:s29], [sflag:$0x2] =	stream.linear.gather [spmem:s2], $0x280, $0x38;
	[tilespmem:$0x19800] =	vst v63  }
0x1a4: {  	_ =	swait.ge [sflag:s20], $0x280  }
0x1a5: {  	[sflag:s20] =	ssyncset.done $0x0  }
0x1a6: {  	[sflag:s20] =	ssyncadd.s32 $0xFFFFFD80  }
0x1a7: {  	_ =	swait.ge [sflag:s20], $0x280  }
0x1a8: {  	[sflag:s20] =	ssyncset.done $0x0  }
0x1a9: {  	[sflag:s20] =	ssyncadd.s32 $0xFFFFFD80  }
0x1aa: {  	_ =	swait.ge [sflag:s20], $0x280  }
0x1ab: {  	[sflag:s20] =	ssyncset.done $0x0  }
0x1ac: {  	[sflag:s20] =	ssyncadd.s32 $0xFFFFFD80  }
0x1ad: {  	_ =	swait.ge [sflag:s20], $0x280  }
0x1ae: {  	[sflag:s20] =	ssyncset.done $0x0  }
0x1af: {  	[sflag:s20] =	ssyncadd.s32 $0xFFFFFD80  }
0x1b0: {  	_ =	swait.ge [sflag:s20], $0x280  }
0x1b1: {  	[sflag:s20] =	ssyncset.done $0x0  }
0x1b2: {  	[sflag:s20] =	ssyncadd.s32 $0xFFFFFD80  }
0x1b3: {  	_ =	swait.ge [sflag:s20], $0x280  }
0x1b4: {  	[sflag:s20] =	ssyncset.done $0x0  }
0x1b5: {  	[sflag:s20] =	ssyncadd.s32 $0xFFFFFD80  }
0x1b6: {  	_ =	swait.ge [sflag:s20], $0x280  }
0x1b7: {  	[sflag:s20] =	ssyncset.done $0x0  }
0x1b8: {  	[sflag:s20] =	ssyncadd.s32 $0xFFFFFD80  }
0x1b9: {  	_ =	swait.ge [sflag:s20], $0x280  }
0x1ba: {  	[sflag:s20] =	ssyncset.done $0x0  }
0x1bb: {  	[sflag:s20] =	ssyncadd.s32 $0xFFFFFD80  }
0x1bc: {  	_ =	swait.ge [sflag:s20], $0x280  }
0x1bd: {  	[sflag:s20] =	ssyncset.done $0x0  }
0x1be: {  	[sflag:s20] =	ssyncadd.s32 $0xFFFFFD80  }
0x1bf: {  	_ =	swait.ge [sflag:s20], $0x280  }
0x1c0: {  	[sflag:s20] =	ssyncset.done $0x0  }
0x1c1: {  	[sflag:s20] =	ssyncadd.s32 $0xFFFFFD80  }
0x1c2: {  	_ =	swait.ge [sflag:s20], $0x280  }
0x1c3: {  	[sflag:s20] =	ssyncset.done $0x0  }
0x1c4: {  	[sflag:s20] =	ssyncadd.s32 $0xFFFFFD80  }
0x1c5: {  	_ =	swait.ge [sflag:s20], $0x280  }
0x1c6: {  	[sflag:s20] =	ssyncset.done $0x0  }
0x1c7: {  	[sflag:s20] =	ssyncadd.s32 $0xFFFFFD80  }
0x1c8: {  	_ =	swait.ge [sflag:s20], $0x280  }
0x1c9: {  	[sflag:s20] =	ssyncset.done $0x0  }
0x1ca: {  	[sflag:s20] =	ssyncadd.s32 $0xFFFFFD80  }
0x1cb: {  	_ =	swait.ge [sflag:s20], $0x280  }
0x1cc: {  	[sflag:s20] =	ssyncset.done $0x0  }
0x1cd: {  	[sflag:s20] =	ssyncadd.s32 $0xFFFFFD80  }
0x1ce: {  	_ =	swait.ge [sflag:s20], $0x280  }
0x1cf: {  	[sflag:s20] =	ssyncset.done $0x0  }
0x1d0: {  	[sflag:s20] =	ssyncadd.s32 $0xFFFFFD80  }
0x1d1: {  	_ =	swait.ge [sflag:s20], $0x280  }
0x1d2: {  	[sflag:s20] =	ssyncset.done $0x0  }
0x1d3: {  	s23 =	simm.s32 $0x0;
	[sflag:s20] =	ssyncadd.s32 $0xFFFFFD80  }
0x1d4: {  	v2 =	vld [tilespmem:s23+$0x12000]  }
0x1d5: {  	v3 =	vld [tilespmem:s23+$0x12280];
	_ =	sdelay $0x1  }
0x1d6: {  	v4 =	vld [tilespmem:s23+$0x12500];
	_ =	sdelay $0x1  }
0x1d7: {  	v5 =	vld [tilespmem:s23+$0x12780]  }
0x1d8: {  	v2 =	vadd.f32 v3, v2  }
0x1d9: {  	v3 =	vld [tilespmem:s23+$0x12A00]  }
0x1da: {  	v2 =	vadd.f32 v4, v2  }
0x1db: {  	v4 =	vld [tilespmem:s23+$0x12C80]  }
0x1dc: {  	v2 =	vadd.f32 v5, v2  }
0x1dd: {  	v5 =	vld [tilespmem:s23+$0x12F00]  }
0x1de: {  	v2 =	vadd.f32 v3, v2  }
0x1df: {  	v3 =	vld [tilespmem:s23+$0x13180]  }
0x1e0: {  	s22 =	simm.s32 $0x10;
	v6 =	vld [tilespmem:s23+$0x13400];
	v2 =	vadd.f32 v4, v2  }
0x1e1: {  	v7 =	vld [tilespmem:s22+$0x12000]  }
0x1e2: {  	v4 =	vld [tilespmem:s23+$0x13680];
	v2 =	vadd.f32 v5, v2  }
0x1e3: {  	v5 =	vld [tilespmem:s22+$0x12280]  }
0x1e4: {  	v8 =	vld [tilespmem:s22+$0x12500];
	v2 =	vadd.f32 v3, v2  }
0x1e5: {  	v3 =	vld [tilespmem:s23+$0x13900]  }
0x1e6: {  	v9 =	vld [tilespmem:s22+$0x12780];
	v2 =	vadd.f32 v6, v2  }
0x1e7: {  	v6 =	vld [tilespmem:s23+$0x13B80]  }
0x1e8: {  	v5 =	vadd.f32 v5, v7;
	v7 =	vld [tilespmem:s22+$0x12A00];
	v2 =	vadd.f32 v4, v2  }
0x1e9: {  	v4 =	vld [tilespmem:s23+$0x13E00]  }
0x1ea: {  	v5 =	vadd.f32 v8, v5;
	v8 =	vld [tilespmem:s22+$0x12C80];
	v2 =	vadd.f32 v3, v2  }
0x1eb: {  	v3 =	vld [tilespmem:s23+$0x14080]  }
0x1ec: {  	v10 =	vld [tilespmem:s22+$0x12F00];
	v5 =	vadd.f32 v9, v5;
	v2 =	vadd.f32 v6, v2  }
0x1ed: {  	v9 =	vld [tilespmem:s23+$0x14300]  }
0x1ee: {  	v6 =	vadd.f32 v7, v5;
	v5 =	vld [tilespmem:s22+$0x13180];
	v7 =	vadd.f32 v4, v2  }
0x1ef: {  	v4 =	vld [tilespmem:s23+$0x14580]  }
0x1f0: {  	v2 =	vld [tilespmem:s22+$0x13680];
	v8 =	vadd.f32 v8, v6;
	v11 =	vadd.f32 v3, v7  }
0x1f1: {  	s24 =	simm.s32 $0x20;
	v6 =	vld [tilespmem:s22+$0x13400]  }
0x1f2: {  	s25 =	simm.s32 $0xC0;
	v3 =	vld [tilespmem:s24+$0x12000];
	v7 =	vadd.f32 v10, v8;
	v8 =	vadd.f32 v9, v11  }
.LBB2_16:
0x1f3: {  	p1 =	sne.s32 s25, $0x9C0;
	v9 =	vld [tilespmem:s24+$0x12280]  }
0x1f4: {  	v5 =	vadd.f32 v5, v7;
	v7 =	vld [tilespmem:s22+$0x13900];
	v4 =	vadd.f32 v4, v8  }
0x1f5: {  	v8 =	vld [tilespmem:s24+$0x12500]  }
0x1f6: {  	v5 =	vadd.f32 v6, v5;
	v6 =	vld [tilespmem:s22+$0x13B80];
	[tilespmem:s23+$0xF800] =	vst v4;
	s23 =	smov.u32 s22;
	s22 =	smov.u32 s24  }
0x1f7: {  	v4 =	vld [tilespmem:s22+$0x12780]  }
0x1f8: {  	v3 =	vadd.f32 v9, v3;
	v2 =	vadd.f32 v2, v5;
	v5 =	vld [tilespmem:s23+$0x13E00]  }
0x1f9: {  	v9 =	vld [tilespmem:s22+$0x12A00]  }
0x1fa: {  	v3 =	vadd.f32 v8, v3;
	v2 =	vadd.f32 v7, v2;
	v7 =	vld [tilespmem:s23+$0x14080]  }
0x1fb: {  	v8 =	vld [tilespmem:s22+$0x12C80]  }
0x1fc: {  	v3 =	vadd.f32 v4, v3;
	v2 =	vadd.f32 v6, v2;
	v10 =	vld [tilespmem:s23+$0x14300]  }
0x1fd: {  	v11 =	vld [tilespmem:s22+$0x12F00]  }
.Ltmp9:
0x1fe: {  	v3 =	vadd.f32 v9, v3;
	v6 =	vadd.f32 v5, v2;
	v4 =	vld [tilespmem:s23+$0x14580];
	(pc) =	sbr.rel @p1 .LBB2_16-.Ltmp9, $4  }
0x1ff: {  	v5 =	vld [tilespmem:s22+$0x13180]  }
0x200: {  	v8 =	vadd.f32 v8, v3;
	v2 =	vld [tilespmem:s22+$0x13680];
	v9 =	vadd.f32 v7, v6  }
0x201: {  	s24 =	sshra.s32 s25, $0x2;
	v6 =	vld [tilespmem:s22+$0x13400]  }
0x202: {  	s25 =	sadd.s32 $0x40, s25;
	v3 =	vld [tilespmem:s24+$0x12000];
	v7 =	vadd.f32 v11, v8;
	v8 =	vadd.f32 v10, v9  }
0x203: {  	v9 =	vld [tilespmem:s24+$0x12280]  }
0x204: {  	v10 =	vld [tilespmem:s22+$0x13900];
	v4 =	vadd.f32 v4, v8  }
0x205: {  	v49 =	vld [tilespmem:s24+$0x12500]  }
0x206: {  	v11 =	vld [tilespmem:s22+$0x13B80];
	v5 =	vadd.f32 v5, v7;
	[tilespmem:s23+$0xF800] =	vst v4  }
0x207: {  	v4 =	vld [tilespmem:s24+$0x12780]  }
0x208: {  	v5 =	vadd.f32 v6, v5;
	v3 =	vadd.f32 v9, v3  }
0x209: {  	v50 =	vld [tilespmem:s24+$0x12A00]  }
0x20a: {  	v51 =	vld [tilespmem:s22+$0x13E00];
	v2 =	vadd.f32 v2, v5;
	v3 =	vadd.f32 v49, v3  }
0x20b: {  	v52 =	vld [tilespmem:s24+$0x12C80]  }
0x20c: {  	v53 =	vld [tilespmem:s22+$0x14080];
	v2 =	vadd.f32 v10, v2;
	v3 =	vadd.f32 v4, v3  }
0x20d: {  	v54 =	vld [tilespmem:s24+$0x12F00]  }
0x20e: {  	v55 =	vld [tilespmem:s22+$0x14300];
	v2 =	vadd.f32 v11, v2;
	v3 =	vadd.f32 v50, v3  }
0x20f: {  	v56 =	vld [tilespmem:s24+$0x13180]  }
0x210: {  	v57 =	vld [tilespmem:s22+$0x14580];
	v2 =	vadd.f32 v51, v2;
	v3 =	vadd.f32 v52, v3  }
0x211: {  	v58 =	vld [tilespmem:s24+$0x13400]  }
0x212: {  	v2 =	vadd.f32 v53, v2;
	v3 =	vadd.f32 v54, v3  }
0x213: {  	v59 =	vld [tilespmem:s24+$0x13680]  }
0x214: {  	v2 =	vadd.f32 v55, v2;
	v3 =	vadd.f32 v56, v3  }
0x215: {  	v60 =	vld [tilespmem:s24+$0x13900]  }
0x216: {  	v2 =	vadd.f32 v57, v2;
	v3 =	vadd.f32 v58, v3  }
0x217: {  	v61 =	vld [tilespmem:s24+$0x13B80]  }
0x218: {  	[tilespmem:s22+$0xF800] =	vst v2;
	v2 =	vadd.f32 v59, v3  }
0x219: {  	v3 =	vld [tilespmem:s24+$0x13E00]  }
0x21a: {  	v2 =	vadd.f32 v60, v2  }
0x21b: {  	v62 =	vld [tilespmem:s24+$0x14080]  }
0x21c: {  	v2 =	vadd.f32 v61, v2  }
0x21d: {  	v63 =	vld [tilespmem:s24+$0x14300]  }
0x21e: {  	v2 =	vadd.f32 v3, v2  }
0x21f: {  	v3 =	vld [tilespmem:s24+$0x14580]  }
0x220: {  	v2 =	vadd.f32 v62, v2;
	_ =	sdelay $0x1  }
0x221: {  	v2 =	vadd.f32 v63, v2;
	_ =	sdelay $0x1  }
0x222: {  	v2 =	vadd.f32 v3, v2;
	_ =	sdelay $0x1  }
0x223: {  	[tilespmem:s24+$0xF800] =	vst v2;
	s24 =	rddreg [dreg:$0x13]  }
0x224: {  	[hbm4b:s24+s4] =	stream.linear.scatter [tilespmem:s12], [sflag:$0xB], $0x280, $0x38;
	[tilespmem:$0x19800] =	vst v63  }
0x225: {  	s25 =	stileid.u32;
	_ =	swait.ge [sflag:s0], $0x280  }
0x226: {  	s26 =	sshrl.u32 s10, $0x3;
	s22 =	sshll.u32 s25, $0x6;
	[sflag:s0] =	ssyncset.done $0x0  }
0x227: {  	s22 =	sor.u32 $0x1C0B, s22;
	s28 =	rddreg [dreg:$0x14];
	[sflag:s0] =	ssyncadd.s32 $0xFFFFFD80  }
0x228: {  	[hbm:s28], [sflag:s22] =	dma.local [spmem:s26], $0x500  }
0x229: {  	_ =	swait.ge [sflag:s0], $0x500  }
0x22a: {  	s21 =	sadd.s32 $0x1, s21;
	s29 =	rddreg [dreg:$0x15]  }
0x22b: {  	p1 =	sne.s32 s21, s29  }
.Ltmp10:
0x22c: {  	_ = 	snop;
	(pc) =	sbr.rel @p1 .LBB2_1-.Ltmp10, $3  }
0x22d: {  	_ =	sdelay $0x1  }
0x22e: {  	[sflag:s0] =	ssyncset.done $0x0  }
0x22f: {  	[sflag:s0] =	ssyncadd.s32 $0xFFFFFB00  }
0x230: {  	_ =	sfence.sel $0x180000  }
0x231: {  	[bflag:$0x0] =	sbarrier.arrive $0xFFFF  }
0x232: {  	_ =	strace $0x90000047  }
0x233: {  	s0 =	stileid.u32;
	[bflag:$0x2] =	sbarrier.arrive $0xFFFF  }
0x234: {  	p0 =	sne.s32 s0, $0x0;
	s0 =	rddreg [dreg:$0x4]  }
0x235: {  	s0 =	sadd.s32 @!p0 $0x100000, s0  }
0x236: {  	[sflag:s0] =	ssyncadd.tile.s32 @!p0 $0x1;
	_ =	shalt  }
.Lfunc_end2:
_tile_overlayer_lowered:
.L_overlay_start_2:
0x237: {  	(tag) =	ssettag $0x2  }
0x238: {  	s0 =	rddreg [dreg:$0x0];
	s2 =	stileid.u32  }
0x239: {  	s1 =	rddreg [dreg:$0x1];
	p0 =	sne.s32 s2, $0x0  }
0x23a: {  	s3 =	rddreg [dreg:$0x2];
	[bflag:$0x3] =	sbarrier.arrive $0xFFFF;
	s2 =	simm.s32 @!p0 $0x1C0B  }
0x23b: {  	[timem:s3], [sflag:s2] =	dma.local @!p0 [hbm:s0], s1  }
0x23c: {  	s0 =	simm.s32 @!p0 $0xB  }
0x23d: {  	_ =	swait.ge @!p0 [sflag:s0], s1  }
0x23e: {  	s1 =	ssub.s32 @!p0 $0x0, s1;
	[sflag:s0] =	ssyncset.done @!p0 $0x0  }
0x23f: {  	[sflag:s0] =	ssyncadd.s32 @!p0 s1  }
0x240: {  	[bflag:$0x3] =	sbarrier.arrive $0xFFFF  }
0x241: {  	_ =	shalt  }

// kernel: kernel.9.cloned.1.call-start
scs
__scs_entry_jumppad:
0x0: {  	(pc) =	sbr.rel $0x88, $3  }
0x1: {  	(tag) =	ssettag $0x0;
	lr =	simm.s32 $0x1  }
0x2: {  	[smem:$0x3F9B] =	sst lr;
	_ =	strace $0xD0000000  }
0x3: {  	_ = 	snop  }
0x4: {  	_ = 	snop  }
0x5: {  	_ = 	snop  }
0x6: {  	_ = 	snop  }
0x7: {  	_ = 	snop  }
__scs_overlays_trampoline_lowered:
0x8: {  	[smem:$0x3FAA] =	sst s0  }
0x9: {  	[smem:$0x3FAB] =	sst s1  }
0xa: {  	[smem:$0x3FAC] =	sst s2  }
0xb: {  	[smem:$0x3FAD] =	sst s3  }
0xc: {  	[smem:$0x3FAE] =	sst s4  }
0xd: {  	[smem:$0x3FAF] =	sst s5  }
0xe: {  	[smem:$0x3FB0] =	sst s6  }
0xf: {  	[smem:$0x3FB1] =	sst s7  }
0x10: {  	[smem:$0x3FB2] =	sst s8  }
0x11: {  	[smem:$0x3FB3] =	sst s9;
	s0 =	simm.s32 @!p0 $0x0  }
0x12: {  	s1 =	sld [smem:$0x3F99];
	s0 =	simm.s32 @p0 $0x1  }
0x13: {  	[smem:$0x3FB4] =	sst s0;
	s0 =	simm.s32 @!p1 $0x0  }
0x14: {  	s2 =	sld [smem:$0x3F98];
	s0 =	simm.s32 @p1 $0x1  }
0x15: {  	[smem:$0x3FB5] =	sst s0;
	s0 =	simm.s32 @!p2 $0x0  }
0x16: {  	s3 =	sld [smem:$0x3FDB];
	s0 =	simm.s32 @p2 $0x1  }
0x17: {  	s4 =	simm.s32 $0x1BF5;
	[smem:$0x3FB7] =	sst s0  }
0x18: {  	s0 =	sld [smem:$0x3F9A];
	_ =	swait.ge [sflag:s4], $0x0  }
0x19: {  	s7 =	sld [smem:$0x3F9B]  }
0x1a: {  	s8 =	sadd.s32 $0xFFFFE003, lr  }
0x1b: {  	s9 =	sadd.s32 $0xFFFFFEF7, lr;
	s5 =	simm.s32 $0xFFFFFFFF;
	p2 =	slt.u32 s8, $0xFFFFF086  }
0x1c: {  	p1 =	slt.u32 s9, $0xF7A;
	s5 =	simm.s32 @!p2 $0x0  }
0x1d: {  	s5 =	simm.s32 @p1 $0x1;
	p0 =	seq.s32 s7, s2  }
0x1e: {  	s7 =	smul.u32 @!p0 $0xF7A, s2;
	p2 =	seq.s32 @!p0 s5, $0x0  }
0x1f: {  	s9 =	smul.u32 $0xF7A, s1;
	s8 =	simm.s32 @!p0 $0x1BF5;
	p2 =	por !p2, p0  }
0x20: {  	[sflag:s8] =	ssyncset.s32 @!p0 $0xFFFFF086;
	s6 =	sadd.s32 @!p0 s3, s7;
	s7 =	simm.s32 @!p0 $0x108  }
0x21: {  	s3 =	sadd.s32 s3, s9;
	s6 =	sadd.s32 @!p0 $0x88, s6;
	s7 =	simm.s32 @p2 $0x1082  }
0x22: {  	[simem:s7], [sflag:s8] =	dma.local @!p0 [hbm:s6], $0xF7A  }
0x23: {  	s9 =	sor.u32 $0xD0000000, s2;
	s6 =	simm.s32 $0x108;
	_ =	swait.ge @!p0 [sflag:s8], $0x0  }
0x24: {  	s3 =	sadd.s32 $0x88, s3;
	s6 =	simm.s32 @!p1 $0x1082;
	[sflag:s4] =	ssyncset.s32 $0xFFFFF086  }
0x25: {  	[simem:s6], [sflag:s4] =	dma.local [hbm:s3], $0xF7A  }
0x26: {  	[smem:$0x3F9B] =	sst s1;
	(tag) =	ssettag s2;
	_ =	strace s9  }
0x27: {  	s1 =	sld [smem:$0x3FAB]  }
0x28: {  	s2 =	sld [smem:$0x3FAC]  }
0x29: {  	s4 =	sld [smem:$0x3FAE]  }
0x2a: {  	p0 =	seq.s32 s5, $0x0;
	s5 =	sld [smem:$0x3FAF]  }
0x2b: {  	s6 =	sld [smem:$0x3FB0]  }
0x2c: {  	s7 =	sld [smem:$0x3FB1]  }
0x2d: {  	s3 =	simm.s32 $0x108;
	s8 =	sld [smem:$0x3FB2]  }
0x2e: {  	s3 =	simm.s32 @!p0 $0x1082;
	s9 =	sld [smem:$0x3FB3]  }
0x2f: {  	lr =	sadd.s32 s0, s3;
	s0 =	sld [smem:$0x3FAA]  }
0x30: {  	s3 =	sld [smem:$0x3FAD]  }
0x31: {  	[smem:$0x3FB6] =	sst s10  }
0x32: {  	s10 =	sld [smem:$0x3FB4];
	_ =	sdelay $0x3  }
0x33: {  	p0 =	seq.s32 s10, $0x1;
	s10 =	sld [smem:$0x3FB6];
	_ =	sdelay $0x3  }
0x34: {  	[smem:$0x3FB6] =	sst s10  }
0x35: {  	s10 =	sld [smem:$0x3FB5];
	_ =	sdelay $0x3  }
0x36: {  	p1 =	seq.s32 s10, $0x1;
	s10 =	sld [smem:$0x3FB6];
	_ =	sdelay $0x3  }
0x37: {  	[smem:$0x3FB6] =	sst s10  }
0x38: {  	s10 =	sld [smem:$0x3FB7]  }
0x39: {  	_ = 	snop;
	(pc) =	sbr.ind lr, $3  }
0x3a: {  	_ = 	snop  }
0x3b: {  	_ = 	snop  }
0x3c: {  	p2 =	seq.s32 s10, $0x1;
	s10 =	sld [smem:$0x3FB6]  }
0x3d: {  	_ =	shalt  }
0x3e: {  	_ =	shalt  }
0x3f: {  	_ =	shalt  }
0x40: {  	_ =	shalt  }
0x41: {  	_ =	shalt  }
0x42: {  	_ =	shalt  }
0x43: {  	_ =	shalt  }
0x44: {  	_ =	shalt  }
0x45: {  	_ =	shalt  }
0x46: {  	_ =	shalt  }
0x47: {  	_ =	shalt  }
0x48: {  	_ =	shalt  }
0x49: {  	_ =	shalt  }
0x4a: {  	_ =	shalt  }
0x4b: {  	_ =	shalt  }
0x4c: {  	_ =	shalt  }
0x4d: {  	_ =	shalt  }
0x4e: {  	_ =	shalt  }
0x4f: {  	_ =	shalt  }
0x50: {  	_ =	shalt  }
0x51: {  	_ =	shalt  }
0x52: {  	_ =	shalt  }
0x53: {  	_ =	shalt  }
0x54: {  	_ =	shalt  }
0x55: {  	_ =	shalt  }
0x56: {  	_ =	shalt  }
0x57: {  	_ =	shalt  }
0x58: {  	_ =	shalt  }
0x59: {  	_ =	shalt  }
0x5a: {  	_ =	shalt  }
0x5b: {  	_ =	shalt  }
0x5c: {  	_ =	shalt  }
0x5d: {  	_ =	shalt  }
0x5e: {  	_ =	shalt  }
0x5f: {  	_ =	shalt  }
0x60: {  	_ =	shalt  }
0x61: {  	_ =	shalt  }
0x62: {  	_ =	shalt  }
0x63: {  	_ =	shalt  }
0x64: {  	_ =	shalt  }
0x65: {  	_ =	shalt  }
0x66: {  	_ =	shalt  }
0x67: {  	_ =	shalt  }
0x68: {  	_ =	shalt  }
0x69: {  	_ =	shalt  }
0x6a: {  	_ =	shalt  }
0x6b: {  	_ =	shalt  }
0x6c: {  	_ =	shalt  }
0x6d: {  	_ =	shalt  }
0x6e: {  	_ =	shalt  }
0x6f: {  	_ =	shalt  }
0x70: {  	_ =	shalt  }
0x71: {  	_ =	shalt  }
0x72: {  	_ =	shalt  }
0x73: {  	_ =	shalt  }
0x74: {  	_ =	shalt  }
0x75: {  	_ =	shalt  }
0x76: {  	_ =	shalt  }
0x77: {  	_ =	shalt  }
0x78: {  	_ =	shalt  }
0x79: {  	_ =	shalt  }
0x7a: {  	_ =	shalt  }
0x7b: {  	_ =	shalt  }
0x7c: {  	_ =	shalt  }
0x7d: {  	_ =	shalt  }
0x7e: {  	_ =	shalt  }
0x7f: {  	_ =	shalt  }
0x80: {  	_ =	shalt  }
0x81: {  	_ =	shalt  }
0x82: {  	_ =	shalt  }
0x83: {  	_ =	shalt  }
0x84: {  	_ =	shalt  }
0x85: {  	_ =	shalt  }
0x86: {  	_ =	shalt  }
0x87: {  	_ =	shalt  }
.Lfunc_end0:
.L_simem_size_0:
called_computation.1_lowered:
.L_overlay_start_0:
0x88: {  	s2 =	sld [smem:$0x3FD9]  }
0x89: {  	s3 =	sld [smem:$0x3FFE];
	_ =	sdelay $0x1  }
0x8a: {  	s1 =	srdreg.scid  }
0x8b: {  	s0 =	sand.u32 $0x1, s1  }
0x8c: {  	s17 =	sshll.u32 s0, $0xA;
	s2 =	sadd.s32 s3, s2  }
0x8d: {  	s2 =	sadd.s32 s2, s17  }
0x8e: {  	[smem:$0x3FC2] =	sst s2  }
0x8f: {  	_ = 	snop  }
0x90: {  	s2 =	sld [smem:$0x3FC6]  }
0x91: {  	s18 =	sld [smem:$0x3FD0];
	(tm) =	ssettm $0x1  }
0x92: {  	s4 =	sld [smem:$0x3FFB];
	_ =	sdelay $0x3  }
0x93: {  	_ =	strace s4  }
0x94: {  	s4 =	sld [smem:$0x3FFC];
	_ =	sdelay $0x3  }
0x95: {  	_ =	strace s4  }
0x96: {  	s4 =	sld [smem:$0x3FFD];
	_ =	sdelay $0x3  }
0x97: {  	_ =	strace s4  }
0x98: {  	_ =	strace $0x8FFFFFFF  }
0x99: {  	s19 =	sld [smem:$0x3FDB];
	_ =	sdelay $0x1  }
0x9a: {  	s5 =	simm.s32 $_scs_section_size  }
0x9b: {  	s6 =	simm.s32 $_size__tile_overlayer_lowered;
	s7 =	simm.s32 $_tile_overlayer_lowered  }
0x9c: {  	s22 =	simm.s32 $0x1BFF;
	s21 =	sshll.u32 s7, $0x1;
	s4 =	sadd.s32 s5, s19  }
0x9d: {  	s8 =	simm.s32 $0x0;
	s20 =	sshll.u32 s6, $0x1;
	s6 =	sadd.s32 s21, s4  }
0x9e: {  	[timem:s8], [sflag:s22] =	dma.local [hbm:s6], s20  }
0x9f: {  	_ =	swait.ge [sflag:s22], s20  }
0xa0: {  	s5 =	ssub.s32 $0x0, s20;
	[sflag:s22] =	ssyncset.done $0x0  }
0xa1: {  	[sflag:s22] =	ssyncadd.s32 s5;
	_ =	sdelay $0x1  }
0xa2: {  	s23 =	simm.s32 $0x1B8B  }
0xa3: {  	_ =	swait.ge [sflag:s23], $0x1  }
0xa4: {  	[sflag:s23] =	ssyncset.done $0x0  }
0xa5: {  	s25 =	simm.s32 $0x1B8E;
	s24 =	sld [smem:$0x3FFE];
	[sflag:s23] =	ssyncadd.s32 $0xFFFFFFFF  }
0xa6: {  	s26 =	simm.s32 $execute0_lowered;
	[smem:$0x3FD2] =	sst s25  }
0xa7: {  	s6 =	sshll.u32 s26, $0x1;
	_ =	strace $0x80000049;
	[dreg:$0x1] =	wrdreg $0xFFFFFFFF  }
0xa8: {  	s28 =	simm.s32 $_size_execute0_lowered;
	s4 =	sadd.s32 s4, s6;
	[dreg:$0x0] =	wrdreg $0x0  }
0xa9: {  	s6 =	sshll.u32 s28, $0x1;
	[dreg:$0x2] =	wrdreg s4  }
0xaa: {  	[dreg:$0x3] =	wrdreg s6  }
0xab: {  	[dreg:$0x4] =	wrdreg $0xC0  }
0xac: {  	_ =	task [dreg:s8], $0x5FFFF  }
0xad: {  	[dreg:$0x1] =	wrdreg $0xFFFFFFFF  }
0xae: {  	[dreg:$0x0] =	wrdreg $0x60  }
0xaf: {  	[dreg:$0x2] =	wrdreg s24  }
0xb0: {  	[dreg:$0x3] =	wrdreg s2  }
0xb1: {  	[dreg:$0x4] =	wrdreg s18  }
0xb2: {  	[dreg:$0x5] =	wrdreg $0x175100  }
0xb3: {  	[dreg:$0x6] =	wrdreg $0x14D100  }
0xb4: {  	[dreg:$0x7] =	wrdreg $0x9  }
0xb5: {  	_ =	task.clear_ibuf [dreg:s8], $0x8FFFF;
	_ =	strace $0x90000049  }
0xb6: {  	s29 =	simm.s32 $0x9;
	_ =	strace $0x8000004B  }
0xb7: {  	_ =	swait.ge [sflag:s29], $0x1  }
0xb8: {  	[sflag:s29] =	ssyncadd.s32 $0xFFFFFFFF  }
0xb9: {  	_ =	strace $0x9000004B  }
0xba: {  	_ =	sfence  }
0xbb: {  	s30 =	sld [smem:$0x0];
	_ =	sdelay $0x2  }
0xbc: {  	s31 =	sshll.u32 s1, $0xD;
	s1 =	sshrl.u32 s1, $0x2  }
0xbd: {  	s3 =	sand.u32 $0x4000, s31;
	s1 =	sadd.s32 s1, s30  }
0xbe: {  	s0 =	sor.u32 s3, s0;
	s1 =	sshll.u32 s1, $0x11  }
0xbf: {  	s0 =	sor.u32 s1, s0  }
0xc0: {  	s0 =	sadd.s32 $0x8F2B, s0  }
0xc1: {  	[sflag:s0] =	ssyncadd.remote.s32 $0x1  }
0xc2: {  	_ =	sfence.sel $0xFFFF  }
0xc3: {  	[dreg:$0x0] =	wrdreg $0xFFFFFFFF;
	(pc) =	sbr.abs _section_cstart, $3  }
0xc4: {  	[dreg:$0x1] =	wrdreg $0xFFFFFFFF  }
0xc5: {  	_ =	task.clear_ibuf [dreg:s8], $0x2FFFF;
	_ =	strace $0x9FFFFFFF  }
0xc6: {  	(tm) =	ssettm $0x7FFFFFFF  }
0xc7: {  	_ =	shalt  }
tec
execute0_lowered:
.L_overlay_start_1:
0x0: {  	(tag) =	ssettag $0x1  }
0x1: {  	s0 =	rddreg [dreg:$0x0]  }
0x2: {  	s1 =	rddreg [dreg:$0x2]  }
0x3: {  	s3 =	rddreg [dreg:$0x3]  }
0x4: {  	s2 =	srdreg.scid;
	s12 =	stileid.u32  }
0x5: {  	s4 =	rddreg [dreg:$0x4];
	s5 =	simm.s32 $0x0;
	s28 =	simm.s32 $0x1  }
0x6: {  	s29 =	simm.s32 $0x200;
	s30 =	simm.s32 $0x5000;
	s31 =	simm.s32 $0x7000  }
0x7: {  	s2 =	sand.u32 $0x1, s2;
	s6 =	sshll.u32 s12, $0x1;
	s18 =	smul.u32 $0x280, s12  }
0x8: {  	[smem:$0x7FF] =	sst s5;
	s9 =	sadd.s32 $0x14C00, s0;
	s21 =	smul.u32 $0x2800, s12  }
0x9: {  	s6 =	sor.u32 s2, s6;
	s16 =	ssub.s32 $0x2, s2;
	s2 =	smul.u32 $0x2800, s2  }
0xa: {  	s10 =	sadd.s32 $0x1EC00, s0;
	_ =	strace $0x8000004A;
	s7 =	smul.u32 $0x13, s6  }
0xb: {  	s8 =	smin.u32 s6, $0x11;
	s11 =	sshrl.u32 s16, $0x1;
	s23 =	sadd.s32 $0x2800, s18  }
0xc: {  	s24 =	sshrl.u32 s21, $0x3;
	s25 =	sshrl.u32 s18, $0x3;
	s14 =	sadd.s32 s21, s3  }
0xd: {  	s15 =	sadd.s32 s21, s4;
	p0 =	sgt.u32 s6, $0x10;
	s21 =	simm.s32 $0xB000  }
0xe: {  	s6 =	simm.s32 $0x6;
	s17 =	ssub.s32 s16, s11;
	s13 =	sshll.u32 s23, $0x1  }
0xf: {  	s12 =	sadd.s32 s9, s24;
	s2 =	sadd.s32 s18, s2;
	s24 =	simm.s32 $0xD000  }
0x10: {  	s7 =	sadd.s32 s8, s7;
	[dreg:$0xa] =	wrdreg s12;
	s9 =	sadd.s32 s9, s13  }
0x11: {  	s26 =	sshll.u32 s2, $0x1;
	s17 =	smax.u32 s17, $0x1;
	s2 =	simm.s32 $0x7  }
0x12: {  	s8 =	simm.s32 $0xA;
	s7 =	sshll.u32 s7, $0x6;
	[dreg:$0xb] =	wrdreg s9  }
0x13: {  	s9 =	sadd.s32 s10, s25;
	s16 =	sadd.s32 s1, s26;
	s0 =	sadd.s32 s7, s0  }
0x14: {  	s25 =	simm.s32 $0xB;
	[dreg:$0xc] =	wrdreg s9;
	s19 =	sadd.s32 $0x1200, s0  }
0x15: {  	s26 =	simm.s32 $0x2;
	s20 =	sadd.s32 $0xAE40, s0;
	[dreg:$0x6] =	wrdreg s19  }
0x16: {  	s1 =	simm.s32 $0x3;
	s22 =	sadd.s32 $0x16C0, s0;
	[dreg:$0x7] =	wrdreg s20  }
0x17: {  	s7 =	simm.s32 $0x9;
	s0 =	sadd.s32 $0xB300, s0;
	[dreg:$0x8] =	wrdreg s22  }
0x18: {  	s9 =	simm.s32 $0x0;
	[dreg:$0x9] =	wrdreg s0;
	s0 =	sshrl.u32 s23, $0x3  }
0x19: {  	s19 =	simm.s32 $0x2800;
	s22 =	simm.s32 $0x4;
	s23 =	simm.s32 $0x5  }
0x1a: {  	v0 =	vimm.f32 $0.0e+00;
	s20 =	simm.s32 $0x8;
	s13 =	sadd.s32 s10, s0;
	s0 =	simm.s32 $0x9000  }
.LBB2_1:
0x1b: {  	s10 =	rddreg [dreg:$0x6]  }
0x1c: {  	[tilespmem:s5], [sflag:$0x1] =	stream.linear.gather [hbm4b:s10+s5], $0x2600, $0x38;
	[tilespmem:$0x19D10] =	vst v63  }
0x1d: {  	s12 =	rddreg [dreg:$0x7]  }
0x1e: {  	[tilespmem:s19], [sflag:$0x1] =	stream.linear.gather [hbm4b:s12+s5], $0x2600, $0x38;
	[tilespmem:$0x19D10] =	vst v63  }
0x1f: {  	s11 =	simm.s32 @!p0 $0x2600;
	s10 =	simm.s32 @!p0 $0x0;
	s12 =	rddreg [dreg:$0x8]  }
0x20: {  	[tilespmem:s11], [sflag:$0x1] =	stream.linear.gather @!p0 [hbm4b:s12+s10], $0x200, $0x38;
	[tilespmem:$0x19D10] =	vst v63  }
0x21: {  	s11 =	simm.s32 @!p0 $0x4E00;
	s12 =	rddreg [dreg:$0x9]  }
0x22: {  	[tilespmem:s11], [sflag:$0x1] =	stream.linear.gather @!p0 [hbm4b:s12+s10], $0x200, $0x38;
	[tilespmem:$0x19D10] =	vst v63  }
0x23: {  	s18 =	rddreg [dreg:$0xa];
	s19 =	simm.s32 $0xF800  }
0x24: {  	[tilespmem:s19], [sflag:$0x2] =	stream.linear.gather [hbm4b:s18+s5], $0x2800, $0x38;
	[tilespmem:$0x19D10] =	vst v63  }
0x25: {  	s11 =	rddreg [dreg:$0xb];
	s12 =	simm.s32 $0x12000  }
0x26: {  	[tilespmem:s12], [sflag:$0x2] =	stream.linear.gather [hbm4b:s11+s5], $0x2800, $0x38;
	[tilespmem:$0x19D10] =	vst v63  }
0x27: {  	s18 =	rddreg [dreg:$0xc];
	s19 =	simm.s32 $0x14800  }
0x28: {  	[tilespmem:s19], [sflag:$0x2] =	stream.linear.gather [hbm4b:s18+s5], $0x280, $0x38;
	[tilespmem:$0x19D10] =	vst v63  }
0x29: {  	s10 =	simm.s32 $0x40;
	s12 =	simm.s32 $0x14A80  }
0x2a: {  	[tilespmem:s12], [sflag:$0x2] =	stream.linear.gather [hbm4b:s13+s5], $0x280, $0x38;
	[tilespmem:$0x19D10] =	vst v63  }
0x2b: {  	s11 =	simm.s32 $0x0;
	s18 =	rddreg [dreg:$0x1];
	s19 =	simm.s32 $0x14D00  }
0x2c: {  	[tilespmem:s19], [sflag:$0x2] =	stream.linear.gather [hbm4b:s18+s5], $0x10, $0x38;
	[tilespmem:$0x19D10] =	vst v63  }
.LBB2_2:
0x2d: {  	p1 =	sne.s32 s10, $0x9FC0;
	[tilespmem:s11+$0xD000] =	vst v0;
	s11 =	smov.u32 s10;
	s10 =	sadd.s32 $0x40, s10  }
.Ltmp0:
0x2e: {  	(pc) =	sbr.rel @p1 .LBB2_2-.Ltmp0, $2  }
0x2f: {  	_ =	sdelay $0x2  }
0x30: {  	s11 =	sshra.s32 s11, $0x2  }
0x31: {  	[tilespmem:s11+$0xD000] =	vst v0  }
0x32: {  	[spmem:s14] =	stream.linear.scatter [tilespmem:s24], [sflag:$0xB], $0x2800, $0x38;
	[tilespmem:$0x19D10] =	vst v63  }
0x33: {  	_ =	swait.ge [sflag:s25], $0x2800  }
0x34: {  	[sflag:s25] =	ssyncset.done $0x0  }
0x35: {  	[sflag:s25] =	ssyncadd.s32 $0xFFFFD800  }
0x36: {  	_ =	swait.ge [sflag:s26], $0x2800  }
0x37: {  	[sflag:s26] =	ssyncset.done $0x0  }
0x38: {  	[sflag:s26] =	ssyncadd.s32 $0xFFFFD800  }
0x39: {  	_ =	swait.ge [sflag:s26], $0x2800  }
0x3a: {  	[sflag:s26] =	ssyncset.done $0x0  }
0x3b: {  	[sflag:s26] =	ssyncadd.s32 $0xFFFFD800  }
0x3c: {  	_ =	swait.ge [sflag:s26], $0x280  }
0x3d: {  	[sflag:s26] =	ssyncset.done $0x0  }
0x3e: {  	[sflag:s26] =	ssyncadd.s32 $0xFFFFFD80  }
0x3f: {  	_ =	swait.ge [sflag:s26], $0x280  }
0x40: {  	[sflag:s26] =	ssyncset.done $0x0  }
0x41: {  	[sflag:s26] =	ssyncadd.s32 $0xFFFFFD80  }
0x42: {  	_ =	swait.ge [sflag:s26], $0x10  }
0x43: {  	[sflag:s26] =	ssyncset.done $0x0  }
0x44: {  	s10 =	simm.s32 $0x0;
	[sflag:s26] =	ssyncadd.s32 $0xFFFFFFF0  }
0x45: {  	v1 =	vld [tilespmem:s10+$0x14800]  }
0x46: {  	v2 =	vld [tilespmem:s10+$0x14A80];
	_ =	sdelay $0x4  }
0x47: {  	v1 =	vadd.f32 v2, v1;
	_ =	sdelay $0x1  }
0x48: {  	v1 =	vmax.f32 v1, $1.000000000e+00  }
0x49: {  	(erf) = vrcp.f32 v1;
	_ =	sdelay $0x2  }
0x4a: {  	s19 =	simm.s32 $0x12080  }
0x4b: {  	s18 =	simm.s32 $0xF880;
	v3 =	vld [tilespmem:s19+$0xFFFFFF80]  }
0x4c: {  	v2 =	vld [tilespmem:s18+$0xFFFFFF80];
	_ =	sdelay $0x3  }
0x4d: {  	v1 =	vld [tilespmem:$0x14D00];
	v4 =	vpop (erf)  }
0x4e: {  	v2 =	vadd.f32 v3, v2;
	v3 =	vbroadcast v4, $0x0;
	_ =	sdelay $0x1  }
0x4f: {  	v2 =	vmul.f32 v3, v2;
	_ =	sdelay $0x1  }
0x50: {  	v2 =	vadd.f32 v2, v1;
	_ =	sdelay $0x1  }
0x51: {  	v2 =	vmax.f32 v2, $0.0e+00  }
0x52: {  	[tilespmem:s18+$0xFFFFFF80] =	vst v2;
	v2 =	vld [tilespmem:s18+$0xFFFFFF90]  }
0x53: {  	v3 =	vld [tilespmem:s19+$0xFFFFFF90];
	_ =	sdelay $0x4  }
0x54: {  	v5 =	vbroadcast v4, $0x1;
	v2 =	vadd.f32 v3, v2;
	_ =	sdelay $0x1  }
0x55: {  	v2 =	vmul.f32 v2, v5;
	_ =	sdelay $0x1  }
0x56: {  	v2 =	vadd.f32 v2, v1;
	_ =	sdelay $0x1  }
0x57: {  	v2 =	vmax.f32 v2, $0.0e+00  }
0x58: {  	[tilespmem:s18+$0xFFFFFF90] =	vst v2;
	v2 =	vld [tilespmem:s18+$0xFFFFFFA0]  }
0x59: {  	v3 =	vld [tilespmem:s19+$0xFFFFFFA0];
	_ =	sdelay $0x4  }
0x5a: {  	v51 =	vbroadcast v4, $0x2;
	v2 =	vadd.f32 v3, v2;
	_ =	sdelay $0x1  }
0x5b: {  	v2 =	vmul.f32 v2, v51;
	_ =	sdelay $0x1  }
0x5c: {  	v2 =	vadd.f32 v2, v1;
	_ =	sdelay $0x1  }
0x5d: {  	v2 =	vmax.f32 v2, $0.0e+00  }
0x5e: {  	[tilespmem:s18+$0xFFFFFFA0] =	vst v2;
	v2 =	vld [tilespmem:s18+$0xFFFFFFB0]  }
0x5f: {  	v3 =	vld [tilespmem:s19+$0xFFFFFFB0];
	_ =	sdelay $0x4  }
0x60: {  	v52 =	vbroadcast v4, $0x3;
	v2 =	vadd.f32 v3, v2;
	_ =	sdelay $0x1  }
0x61: {  	v2 =	vmul.f32 v2, v52;
	_ =	sdelay $0x1  }
0x62: {  	v2 =	vadd.f32 v2, v1;
	_ =	sdelay $0x1  }
0x63: {  	v2 =	vmax.f32 v2, $0.0e+00  }
0x64: {  	[tilespmem:s18+$0xFFFFFFB0] =	vst v2;
	v2 =	vld [tilespmem:s18+$0xFFFFFFC0]  }
0x65: {  	v3 =	vld [tilespmem:s19+$0xFFFFFFC0];
	_ =	sdelay $0x4  }
0x66: {  	v53 =	vbroadcast v4, $0x4;
	v2 =	vadd.f32 v3, v2;
	_ =	sdelay $0x1  }
0x67: {  	v2 =	vmul.f32 v2, v53;
	_ =	sdelay $0x1  }
0x68: {  	v2 =	vadd.f32 v2, v1;
	_ =	sdelay $0x1  }
0x69: {  	v2 =	vmax.f32 v2, $0.0e+00  }
0x6a: {  	[tilespmem:s18+$0xFFFFFFC0] =	vst v2;
	v2 =	vld [tilespmem:s18+$0xFFFFFFD0]  }
0x6b: {  	v3 =	vld [tilespmem:s19+$0xFFFFFFD0];
	_ =	sdelay $0x4  }
0x6c: {  	v54 =	vbroadcast v4, $0x5;
	v2 =	vadd.f32 v3, v2;
	_ =	sdelay $0x1  }
0x6d: {  	v2 =	vmul.f32 v2, v54;
	_ =	sdelay $0x1  }
0x6e: {  	v2 =	vadd.f32 v2, v1;
	_ =	sdelay $0x1  }
0x6f: {  	v2 =	vmax.f32 v2, $0.0e+00  }
0x70: {  	[tilespmem:s18+$0xFFFFFFD0] =	vst v2;
	v2 =	vld [tilespmem:s18+$0xFFFFFFE0]  }
0x71: {  	v3 =	vld [tilespmem:s19+$0xFFFFFFE0];
	_ =	sdelay $0x4  }
0x72: {  	v55 =	vbroadcast v4, $0x6;
	v2 =	vadd.f32 v3, v2;
	_ =	sdelay $0x1  }
0x73: {  	v2 =	vmul.f32 v2, v55;
	_ =	sdelay $0x1  }
0x74: {  	v2 =	vadd.f32 v2, v1;
	_ =	sdelay $0x1  }
0x75: {  	v2 =	vmax.f32 v2, $0.0e+00  }
0x76: {  	[tilespmem:s18+$0xFFFFFFE0] =	vst v2;
	v2 =	vld [tilespmem:s18+$0xFFFFFFF0]  }
0x77: {  	v3 =	vld [tilespmem:s19+$0xFFFFFFF0];
	_ =	sdelay $0x4  }
0x78: {  	v56 =	vbroadcast v4, $0x7;
	v2 =	vadd.f32 v3, v2;
	_ =	sdelay $0x1  }
0x79: {  	v2 =	vmul.f32 v2, v56;
	_ =	sdelay $0x1  }
0x7a: {  	v2 =	vadd.f32 v2, v1;
	_ =	sdelay $0x1  }
0x7b: {  	v2 =	vmax.f32 v2, $0.0e+00  }
0x7c: {  	[tilespmem:s18+$0xFFFFFFF0] =	vst v2;
	v2 =	vld [tilespmem:s18+$0x0]  }
0x7d: {  	v3 =	vld [tilespmem:s19+$0x0];
	_ =	sdelay $0x4  }
0x7e: {  	v57 =	vbroadcast v4, $0x8;
	v2 =	vadd.f32 v3, v2;
	_ =	sdelay $0x1  }
0x7f: {  	v2 =	vmul.f32 v2, v57;
	_ =	sdelay $0x1  }
0x80: {  	v2 =	vadd.f32 v2, v1;
	_ =	sdelay $0x1  }
0x81: {  	v2 =	vmax.f32 v2, $0.0e+00  }
0x82: {  	[tilespmem:s18+$0x0] =	vst v2;
	v2 =	vld [tilespmem:s18+$0x10]  }
0x83: {  	v3 =	vld [tilespmem:s19+$0x10];
	_ =	sdelay $0x4  }
0x84: {  	v58 =	vbroadcast v4, $0x9;
	v2 =	vadd.f32 v3, v2;
	_ =	sdelay $0x1  }
0x85: {  	v2 =	vmul.f32 v2, v58;
	_ =	sdelay $0x1  }
0x86: {  	v2 =	vadd.f32 v2, v1;
	_ =	sdelay $0x1  }
0x87: {  	v2 =	vmax.f32 v2, $0.0e+00  }
0x88: {  	[tilespmem:s18+$0x10] =	vst v2;
	v2 =	vld [tilespmem:s18+$0x20]  }
0x89: {  	v3 =	vld [tilespmem:s19+$0x20];
	_ =	sdelay $0x4  }
0x8a: {  	v59 =	vbroadcast v4, $0xA;
	v2 =	vadd.f32 v3, v2;
	_ =	sdelay $0x1  }
0x8b: {  	v2 =	vmul.f32 v2, v59;
	_ =	sdelay $0x1  }
0x8c: {  	v2 =	vadd.f32 v2, v1;
	_ =	sdelay $0x1  }
0x8d: {  	v2 =	vmax.f32 v2, $0.0e+00  }
0x8e: {  	[tilespmem:s18+$0x20] =	vst v2;
	v2 =	vld [tilespmem:s18+$0x30]  }
0x8f: {  	v3 =	vld [tilespmem:s19+$0x30];
	_ =	sdelay $0x4  }
0x90: {  	v60 =	vbroadcast v4, $0xB;
	v2 =	vadd.f32 v3, v2;
	_ =	sdelay $0x1  }
0x91: {  	v2 =	vmul.f32 v2, v60;
	_ =	sdelay $0x1  }
0x92: {  	v2 =	vadd.f32 v2, v1;
	_ =	sdelay $0x1  }
0x93: {  	v2 =	vmax.f32 v2, $0.0e+00  }
0x94: {  	[tilespmem:s18+$0x30] =	vst v2;
	v2 =	vld [tilespmem:s18+$0x40]  }
0x95: {  	v3 =	vld [tilespmem:s19+$0x40];
	_ =	sdelay $0x4  }
0x96: {  	v61 =	vbroadcast v4, $0xC;
	v2 =	vadd.f32 v3, v2;
	_ =	sdelay $0x1  }
0x97: {  	v2 =	vmul.f32 v2, v61;
	_ =	sdelay $0x1  }
0x98: {  	v2 =	vadd.f32 v2, v1;
	_ =	sdelay $0x1  }
0x99: {  	v2 =	vmax.f32 v2, $0.0e+00  }
0x9a: {  	[tilespmem:s18+$0x40] =	vst v2;
	v2 =	vld [tilespmem:s18+$0x50]  }
0x9b: {  	v3 =	vld [tilespmem:s19+$0x50];
	_ =	sdelay $0x4  }
0x9c: {  	v62 =	vbroadcast v4, $0xD;
	v2 =	vadd.f32 v3, v2;
	_ =	sdelay $0x1  }
0x9d: {  	v2 =	vmul.f32 v2, v62;
	_ =	sdelay $0x1  }
0x9e: {  	v2 =	vadd.f32 v2, v1;
	_ =	sdelay $0x1  }
0x9f: {  	v2 =	vmax.f32 v2, $0.0e+00  }
0xa0: {  	[tilespmem:s18+$0x50] =	vst v2;
	v2 =	vld [tilespmem:s18+$0x60]  }
0xa1: {  	v3 =	vld [tilespmem:s19+$0x60];
	_ =	sdelay $0x4  }
0xa2: {  	v63 =	vbroadcast v4, $0xE;
	v2 =	vadd.f32 v3, v2;
	_ =	sdelay $0x1  }
0xa3: {  	v2 =	vmul.f32 v2, v63;
	_ =	sdelay $0x1  }
0xa4: {  	v2 =	vadd.f32 v2, v1;
	_ =	sdelay $0x1  }
0xa5: {  	v2 =	vmax.f32 v2, $0.0e+00  }
0xa6: {  	[tilespmem:s18+$0x60] =	vst v2;
	v2 =	vld [tilespmem:s18+$0x70]  }
0xa7: {  	v3 =	vld [tilespmem:s19+$0x70];
	_ =	sdelay $0x4  }
0xa8: {  	v4 =	vbroadcast v4, $0xF;
	v2 =	vadd.f32 v3, v2;
	_ =	sdelay $0x1  }
0xa9: {  	v2 =	vmul.f32 v2, v4;
	_ =	sdelay $0x1  }
0xaa: {  	s11 =	simm.s32 $0xF880;
	s10 =	simm.s32 $0x40;
	v2 =	vadd.f32 v2, v1  }
.LBB2_4:
0xab: {  	_ = 	snop  }
0xac: {  	p1 =	sne.s32 s10, $0x9C0;
	s18 =	sadd.s32 $0x100, s18;
	s19 =	sadd.s32 $0x100, s19;
	v2 =	vmax.f32 v2, $0.0e+00  }
0xad: {  	s12 =	sshra.s32 s10, $0x2;
	s10 =	sadd.s32 $0x40, s10;
	[tilespmem:s11+$0x70] =	vst v2;
	s11 =	smov.u32 s18  }
0xae: {  	v2 =	vld [tilespmem:s12+$0x14800]  }
0xaf: {  	v3 =	vld [tilespmem:s12+$0x14A80];
	_ =	sdelay $0x4  }
0xb0: {  	v2 =	vadd.f32 v3, v2;
	_ =	sdelay $0x1  }
0xb1: {  	v2 =	vmax.f32 v2, $1.000000000e+00  }
0xb2: {  	(erf) = vrcp.f32 v2;
	_ =	sdelay $0x2  }
0xb3: {  	v2 =	vld [tilespmem:s18+$0xFFFFFF80]  }
0xb4: {  	v3 =	vld [tilespmem:s19+$0xFFFFFF80];
	_ =	sdelay $0x4  }
0xb5: {  	v3 =	vadd.f32 v3, v2;
	v2 =	vpop (erf)  }
0xb6: {  	v4 =	vbroadcast v2, $0x0;
	_ =	sdelay $0x1  }
0xb7: {  	v3 =	vmul.f32 v4, v3;
	_ =	sdelay $0x1  }
0xb8: {  	v3 =	vadd.f32 v3, v1;
	_ =	sdelay $0x1  }
0xb9: {  	v3 =	vmax.f32 v3, $0.0e+00  }
0xba: {  	[tilespmem:s18+$0xFFFFFF80] =	vst v3;
	v3 =	vld [tilespmem:s18+$0xFFFFFF90]  }
0xbb: {  	v4 =	vld [tilespmem:s19+$0xFFFFFF90];
	_ =	sdelay $0x3  }
0xbc: {  	v5 =	vbroadcast v2, $0x1  }
0xbd: {  	v3 =	vadd.f32 v4, v3;
	_ =	sdelay $0x1  }
0xbe: {  	v3 =	vmul.f32 v3, v5;
	_ =	sdelay $0x1  }
0xbf: {  	v3 =	vadd.f32 v3, v1;
	_ =	sdelay $0x1  }
0xc0: {  	v3 =	vmax.f32 v3, $0.0e+00  }
0xc1: {  	[tilespmem:s18+$0xFFFFFF90] =	vst v3;
	v3 =	vld [tilespmem:s18+$0xFFFFFFA0]  }
0xc2: {  	v4 =	vld [tilespmem:s19+$0xFFFFFFA0];
	_ =	sdelay $0x3  }
0xc3: {  	v5 =	vbroadcast v2, $0x2  }
0xc4: {  	v3 =	vadd.f32 v4, v3;
	_ =	sdelay $0x1  }
0xc5: {  	v3 =	vmul.f32 v3, v5;
	_ =	sdelay $0x1  }
0xc6: {  	v3 =	vadd.f32 v3, v1;
	_ =	sdelay $0x1  }
0xc7: {  	v3 =	vmax.f32 v3, $0.0e+00  }
0xc8: {  	[tilespmem:s18+$0xFFFFFFA0] =	vst v3;
	v3 =	vld [tilespmem:s18+$0xFFFFFFB0]  }
0xc9: {  	v4 =	vld [tilespmem:s19+$0xFFFFFFB0];
	_ =	sdelay $0x3  }
0xca: {  	v5 =	vbroadcast v2, $0x3  }
0xcb: {  	v3 =	vadd.f32 v4, v3;
	_ =	sdelay $0x1  }
0xcc: {  	v3 =	vmul.f32 v3, v5;
	_ =	sdelay $0x1  }
0xcd: {  	v3 =	vadd.f32 v3, v1;
	_ =	sdelay $0x1  }
0xce: {  	v3 =	vmax.f32 v3, $0.0e+00  }
0xcf: {  	[tilespmem:s18+$0xFFFFFFB0] =	vst v3;
	v3 =	vld [tilespmem:s18+$0xFFFFFFC0]  }
0xd0: {  	v4 =	vld [tilespmem:s19+$0xFFFFFFC0];
	_ =	sdelay $0x3  }
0xd1: {  	v5 =	vbroadcast v2, $0x4  }
0xd2: {  	v3 =	vadd.f32 v4, v3;
	_ =	sdelay $0x1  }
0xd3: {  	v3 =	vmul.f32 v3, v5;
	_ =	sdelay $0x1  }
0xd4: {  	v3 =	vadd.f32 v3, v1;
	_ =	sdelay $0x1  }
0xd5: {  	v3 =	vmax.f32 v3, $0.0e+00  }
0xd6: {  	[tilespmem:s18+$0xFFFFFFC0] =	vst v3;
	v3 =	vld [tilespmem:s18+$0xFFFFFFD0]  }
0xd7: {  	v4 =	vld [tilespmem:s19+$0xFFFFFFD0];
	_ =	sdelay $0x3  }
0xd8: {  	v5 =	vbroadcast v2, $0x5  }
0xd9: {  	v3 =	vadd.f32 v4, v3;
	_ =	sdelay $0x1  }
0xda: {  	v3 =	vmul.f32 v3, v5;
	_ =	sdelay $0x1  }
0xdb: {  	v3 =	vadd.f32 v3, v1;
	_ =	sdelay $0x1  }
0xdc: {  	v3 =	vmax.f32 v3, $0.0e+00  }
0xdd: {  	[tilespmem:s18+$0xFFFFFFD0] =	vst v3;
	v3 =	vld [tilespmem:s18+$0xFFFFFFE0]  }
0xde: {  	v4 =	vld [tilespmem:s19+$0xFFFFFFE0];
	_ =	sdelay $0x3  }
0xdf: {  	v5 =	vbroadcast v2, $0x6  }
0xe0: {  	v3 =	vadd.f32 v4, v3;
	_ =	sdelay $0x1  }
0xe1: {  	v3 =	vmul.f32 v3, v5;
	_ =	sdelay $0x1  }
0xe2: {  	v3 =	vadd.f32 v3, v1;
	_ =	sdelay $0x1  }
0xe3: {  	v3 =	vmax.f32 v3, $0.0e+00  }
0xe4: {  	[tilespmem:s18+$0xFFFFFFE0] =	vst v3;
	v3 =	vld [tilespmem:s18+$0xFFFFFFF0]  }
0xe5: {  	v4 =	vld [tilespmem:s19+$0xFFFFFFF0];
	_ =	sdelay $0x3  }
0xe6: {  	v5 =	vbroadcast v2, $0x7  }
0xe7: {  	v3 =	vadd.f32 v4, v3;
	_ =	sdelay $0x1  }
0xe8: {  	v3 =	vmul.f32 v3, v5;
	_ =	sdelay $0x1  }
0xe9: {  	v3 =	vadd.f32 v3, v1;
	_ =	sdelay $0x1  }
0xea: {  	v3 =	vmax.f32 v3, $0.0e+00  }
0xeb: {  	[tilespmem:s18+$0xFFFFFFF0] =	vst v3;
	v3 =	vld [tilespmem:s18+$0x0]  }
0xec: {  	v4 =	vld [tilespmem:s19+$0x0];
	_ =	sdelay $0x3  }
0xed: {  	v5 =	vbroadcast v2, $0x8  }
0xee: {  	v3 =	vadd.f32 v4, v3;
	_ =	sdelay $0x1  }
0xef: {  	v3 =	vmul.f32 v3, v5;
	_ =	sdelay $0x1  }
0xf0: {  	v3 =	vadd.f32 v3, v1;
	_ =	sdelay $0x1  }
0xf1: {  	v3 =	vmax.f32 v3, $0.0e+00  }
0xf2: {  	[tilespmem:s18+$0x0] =	vst v3;
	v3 =	vld [tilespmem:s18+$0x10]  }
0xf3: {  	v4 =	vld [tilespmem:s19+$0x10];
	_ =	sdelay $0x3  }
0xf4: {  	v5 =	vbroadcast v2, $0x9  }
0xf5: {  	v3 =	vadd.f32 v4, v3;
	_ =	sdelay $0x1  }
0xf6: {  	v3 =	vmul.f32 v3, v5;
	_ =	sdelay $0x1  }
0xf7: {  	v3 =	vadd.f32 v3, v1;
	_ =	sdelay $0x1  }
0xf8: {  	v3 =	vmax.f32 v3, $0.0e+00  }
0xf9: {  	[tilespmem:s18+$0x10] =	vst v3;
	v3 =	vld [tilespmem:s18+$0x20]  }
0xfa: {  	v4 =	vld [tilespmem:s19+$0x20];
	_ =	sdelay $0x3  }
0xfb: {  	v5 =	vbroadcast v2, $0xA  }
0xfc: {  	v3 =	vadd.f32 v4, v3;
	_ =	sdelay $0x1  }
0xfd: {  	v3 =	vmul.f32 v3, v5;
	_ =	sdelay $0x1  }
0xfe: {  	v3 =	vadd.f32 v3, v1;
	_ =	sdelay $0x1  }
0xff: {  	v3 =	vmax.f32 v3, $0.0e+00  }
0x100: {  	[tilespmem:s18+$0x20] =	vst v3;
	v3 =	vld [tilespmem:s18+$0x30]  }
0x101: {  	v4 =	vld [tilespmem:s19+$0x30];
	_ =	sdelay $0x3  }
0x102: {  	v5 =	vbroadcast v2, $0xB  }
0x103: {  	v3 =	vadd.f32 v4, v3;
	_ =	sdelay $0x1  }
0x104: {  	v3 =	vmul.f32 v3, v5;
	_ =	sdelay $0x1  }
0x105: {  	v3 =	vadd.f32 v3, v1;
	_ =	sdelay $0x1  }
0x106: {  	v3 =	vmax.f32 v3, $0.0e+00  }
0x107: {  	[tilespmem:s18+$0x30] =	vst v3;
	v3 =	vld [tilespmem:s18+$0x40]  }
0x108: {  	v4 =	vld [tilespmem:s19+$0x40];
	_ =	sdelay $0x3  }
0x109: {  	v5 =	vbroadcast v2, $0xC  }
0x10a: {  	v3 =	vadd.f32 v4, v3;
	_ =	sdelay $0x1  }
0x10b: {  	v3 =	vmul.f32 v3, v5;
	_ =	sdelay $0x1  }
0x10c: {  	v3 =	vadd.f32 v3, v1;
	_ =	sdelay $0x1  }
0x10d: {  	v3 =	vmax.f32 v3, $0.0e+00  }
0x10e: {  	[tilespmem:s18+$0x40] =	vst v3;
	v3 =	vld [tilespmem:s18+$0x50]  }
0x10f: {  	v4 =	vld [tilespmem:s19+$0x50];
	_ =	sdelay $0x3  }
0x110: {  	v5 =	vbroadcast v2, $0xD  }
0x111: {  	v3 =	vadd.f32 v4, v3;
	_ =	sdelay $0x1  }
0x112: {  	v3 =	vmul.f32 v3, v5;
	_ =	sdelay $0x1  }
0x113: {  	v3 =	vadd.f32 v3, v1;
	_ =	sdelay $0x1  }
0x114: {  	v3 =	vmax.f32 v3, $0.0e+00  }
0x115: {  	[tilespmem:s18+$0x50] =	vst v3;
	v3 =	vld [tilespmem:s18+$0x60]  }
0x116: {  	v4 =	vld [tilespmem:s19+$0x60];
	_ =	sdelay $0x3  }
0x117: {  	v5 =	vbroadcast v2, $0xE  }
0x118: {  	v3 =	vadd.f32 v4, v3;
	_ =	sdelay $0x1  }
0x119: {  	v3 =	vmul.f32 v3, v5;
	_ =	sdelay $0x1  }
0x11a: {  	v3 =	vadd.f32 v3, v1;
	_ =	sdelay $0x1  }
0x11b: {  	v3 =	vmax.f32 v3, $0.0e+00  }
0x11c: {  	[tilespmem:s18+$0x60] =	vst v3;
	v3 =	vld [tilespmem:s18+$0x70]  }
0x11d: {  	v4 =	vld [tilespmem:s19+$0x70];
	_ =	sdelay $0x3  }
0x11e: {  	v2 =	vbroadcast v2, $0xF  }
.Ltmp1:
0x11f: {  	v3 =	vadd.f32 v4, v3;
	(pc) =	sbr.rel @p1 .LBB2_4-.Ltmp1, $3  }
0x120: {  	_ = 	snop  }
0x121: {  	v2 =	vmul.f32 v3, v2;
	_ =	sdelay $0x1  }
0x122: {  	v2 =	vadd.f32 v2, v1  }
0x123: {  	_ = 	snop  }
0x124: {  	v1 =	vmax.f32 v2, $0.0e+00  }
0x125: {  	s10 =	simm.s32 $0xF800;
	[tilespmem:s11+$0x70] =	vst v1  }
0x126: {  	[spmem:s15] =	stream.linear.scatter [tilespmem:s10], [sflag:$0xB], $0x2800, $0x38;
	[tilespmem:$0x19D10] =	vst v63  }
0x127: {  	_ =	swait.ge [sflag:s25], $0x2800  }
0x128: {  	[sflag:s25] =	ssyncset.done $0x0  }
0x129: {  	[sflag:s25] =	ssyncadd.s32 $0xFFFFD800  }
0x12a: {  	_ =	swait.ge [sflag:s28], $0x2600  }
0x12b: {  	[sflag:s28] =	ssyncset.done $0x0  }
0x12c: {  	[sflag:s28] =	ssyncadd.s32 $0xFFFFDA00  }
0x12d: {  	_ =	swait.ge [sflag:s28], $0x2600  }
0x12e: {  	[sflag:s28] =	ssyncset.done $0x0  }
0x12f: {  	s10 =	simm.s32 @!p0 $0x1;
	[sflag:s28] =	ssyncadd.s32 $0xFFFFDA00  }
0x130: {  	_ =	swait.ge @!p0 [sflag:s10], $0x200  }
0x131: {  	[sflag:s10] =	ssyncset.done @!p0 $0x0  }
0x132: {  	[sflag:s10] =	ssyncadd.s32 @!p0 $0xFFFFFE00  }
0x133: {  	_ =	swait.ge @!p0 [sflag:s10], $0x200  }
0x134: {  	[sflag:s10] =	ssyncset.done @!p0 $0x0  }
0x135: {  	[sflag:s10] =	ssyncadd.s32 @!p0 $0xFFFFFE00  }
0x136: {  	[bflag:$0x0] =	sbarrier.arrive $0xFFFF  }
0x137: {  	[tilespmem:s30], [sflag:$0x3] =	stream.indirect.gather [spmem:s4], $0x10, s5, s29, $0xb8;
	[tilespmem:$0x19D10] =	vst v63  }
0x138: {  	_ = 	snop  }
0x139: {  	[tilespmem:s31], [sflag:$0x4] =	stream.indirect.gather [spmem:s4], $0x10, s29, s29, $0xb8;
	[tilespmem:$0x19D10] =	vst v63  }
0x13a: {  	s19 =	simm.s32 $0x400  }
0x13b: {  	[tilespmem:s0], [sflag:$0x5] =	stream.indirect.gather [spmem:s4], $0x10, s19, s29, $0xb8;
	[tilespmem:$0x19D10] =	vst v63  }
0x13c: {  	_ =	swait.ge [sflag:s1], $0x2000  }
0x13d: {  	[sflag:s1] =	ssyncset.done $0x0  }
0x13e: {  	s19 =	simm.s32 $0x2800;
	[sflag:s1] =	ssyncadd.s32 $0xFFFFE000  }
0x13f: {  	[spmem:s3] =	stream.indirect.scatter.add.f32 [tilespmem:s30], [sflag:$0x7], $0x10, s19, s29, $0xb8;
	[tilespmem:$0x19D10] =	vst v63  }
0x140: {  	s11 =	simm.s32 $0x600  }
0x141: {  	[tilespmem:s21], [sflag:$0x6] =	stream.indirect.gather [spmem:s4], $0x10, s11, s29, $0xb8;
	[tilespmem:$0x19D10] =	vst v63  }
0x142: {  	_ =	swait.ge [sflag:s22], $0x2000  }
0x143: {  	[sflag:s22] =	ssyncset.done $0x0  }
0x144: {  	s12 =	simm.s32 $0x2A00;
	[sflag:s22] =	ssyncadd.s32 $0xFFFFE000  }
0x145: {  	[spmem:s3] =	stream.indirect.scatter.add.f32 [tilespmem:s31], [sflag:$0x8], $0x10, s12, s29, $0xb8;
	[tilespmem:$0x19D10] =	vst v63  }
0x146: {  	_ =	swait.ge [sflag:s2], $0x2000  }
0x147: {  	[sflag:s2] =	ssyncset.done $0x0  }
0x148: {  	s18 =	simm.s32 $0x800;
	[sflag:s2] =	ssyncadd.s32 $0xFFFFE000  }
0x149: {  	[tilespmem:s30], [sflag:$0x3] =	stream.indirect.gather [spmem:s4], $0x10, s18, s29, $0xb8;
	[tilespmem:$0x19D10] =	vst v63  }
0x14a: {  	_ =	swait.ge [sflag:s23], $0x2000  }
0x14b: {  	[sflag:s23] =	ssyncset.done $0x0  }
0x14c: {  	s11 =	simm.s32 $0x2C00;
	[sflag:s23] =	ssyncadd.s32 $0xFFFFE000  }
0x14d: {  	[spmem:s3] =	stream.indirect.scatter.add.f32 [tilespmem:s0], [sflag:$0x9], $0x10, s11, s29, $0xb8;
	[tilespmem:$0x19D10] =	vst v63  }
0x14e: {  	_ =	swait.ge [sflag:s20], $0x2000  }
0x14f: {  	[sflag:s20] =	ssyncset.done $0x0  }
0x150: {  	s12 =	simm.s32 $0xA00;
	[sflag:s20] =	ssyncadd.s32 $0xFFFFE000  }
0x151: {  	[tilespmem:s31], [sflag:$0x4] =	stream.indirect.gather [spmem:s4], $0x10, s12, s29, $0xb8;
	[tilespmem:$0x19D10] =	vst v63  }
0x152: {  	_ =	swait.ge [sflag:s6], $0x2000  }
0x153: {  	[sflag:s6] =	ssyncset.done $0x0  }
0x154: {  	s18 =	simm.s32 $0x2E00;
	[sflag:s6] =	ssyncadd.s32 $0xFFFFE000  }
0x155: {  	[spmem:s3] =	stream.indirect.scatter.add.f32 [tilespmem:s21], [sflag:$0xA], $0x10, s18, s29, $0xb8;
	[tilespmem:$0x19D10] =	vst v63  }
0x156: {  	_ =	swait.ge [sflag:s7], $0x2000  }
0x157: {  	[sflag:s7] =	ssyncset.done $0x0  }
0x158: {  	s11 =	simm.s32 $0xC00;
	[sflag:s7] =	ssyncadd.s32 $0xFFFFE000  }
0x159: {  	[tilespmem:s0], [sflag:$0x5] =	stream.indirect.gather [spmem:s4], $0x10, s11, s29, $0xb8;
	[tilespmem:$0x19D10] =	vst v63  }
0x15a: {  	_ =	swait.ge [sflag:s1], $0x2000  }
0x15b: {  	[sflag:s1] =	ssyncset.done $0x0  }
0x15c: {  	s12 =	simm.s32 $0x3000;
	[sflag:s1] =	ssyncadd.s32 $0xFFFFE000  }
0x15d: {  	[spmem:s3] =	stream.indirect.scatter.add.f32 [tilespmem:s30], [sflag:$0x7], $0x10, s12, s29, $0xb8;
	[tilespmem:$0x19D10] =	vst v63  }
0x15e: {  	_ =	swait.ge [sflag:s8], $0x2000  }
0x15f: {  	[sflag:s8] =	ssyncset.done $0x0  }
0x160: {  	s18 =	simm.s32 $0xE00;
	[sflag:s8] =	ssyncadd.s32 $0xFFFFE000  }
0x161: {  	[tilespmem:s21], [sflag:$0x6] =	stream.indirect.gather [spmem:s4], $0x10, s18, s29, $0xb8;
	[tilespmem:$0x19D10] =	vst v63  }
0x162: {  	_ =	swait.ge [sflag:s22], $0x2000  }
0x163: {  	[sflag:s22] =	ssyncset.done $0x0  }
0x164: {  	s11 =	simm.s32 $0x3200;
	[sflag:s22] =	ssyncadd.s32 $0xFFFFE000  }
0x165: {  	[spmem:s3] =	stream.indirect.scatter.add.f32 [tilespmem:s31], [sflag:$0x8], $0x10, s11, s29, $0xb8;
	[tilespmem:$0x19D10] =	vst v63  }
0x166: {  	_ =	swait.ge [sflag:s2], $0x2000  }
0x167: {  	[sflag:s2] =	ssyncset.done $0x0  }
0x168: {  	s12 =	simm.s32 $0x1000;
	[sflag:s2] =	ssyncadd.s32 $0xFFFFE000  }
0x169: {  	[tilespmem:s30], [sflag:$0x3] =	stream.indirect.gather [spmem:s4], $0x10, s12, s29, $0xb8;
	[tilespmem:$0x19D10] =	vst v63  }
0x16a: {  	_ =	swait.ge [sflag:s23], $0x2000  }
0x16b: {  	[sflag:s23] =	ssyncset.done $0x0  }
0x16c: {  	s18 =	simm.s32 $0x3400;
	[sflag:s23] =	ssyncadd.s32 $0xFFFFE000  }
0x16d: {  	[spmem:s3] =	stream.indirect.scatter.add.f32 [tilespmem:s0], [sflag:$0x9], $0x10, s18, s29, $0xb8;
	[tilespmem:$0x19D10] =	vst v63  }
0x16e: {  	_ =	swait.ge [sflag:s20], $0x2000  }
0x16f: {  	[sflag:s20] =	ssyncset.done $0x0  }
0x170: {  	s11 =	simm.s32 $0x1200;
	[sflag:s20] =	ssyncadd.s32 $0xFFFFE000  }
0x171: {  	[tilespmem:s31], [sflag:$0x4] =	stream.indirect.gather [spmem:s4], $0x10, s11, s29, $0xb8;
	[tilespmem:$0x19D10] =	vst v63  }
0x172: {  	_ =	swait.ge [sflag:s6], $0x2000  }
0x173: {  	[sflag:s6] =	ssyncset.done $0x0  }
0x174: {  	s12 =	simm.s32 $0x3600;
	[sflag:s6] =	ssyncadd.s32 $0xFFFFE000  }
0x175: {  	[spmem:s3] =	stream.indirect.scatter.add.f32 [tilespmem:s21], [sflag:$0xA], $0x10, s12, s29, $0xb8;
	[tilespmem:$0x19D10] =	vst v63  }
0x176: {  	_ =	swait.ge [sflag:s7], $0x2000  }
0x177: {  	[sflag:s7] =	ssyncset.done $0x0  }
0x178: {  	s18 =	simm.s32 $0x1400;
	[sflag:s7] =	ssyncadd.s32 $0xFFFFE000  }
0x179: {  	[tilespmem:s0], [sflag:$0x5] =	stream.indirect.gather [spmem:s4], $0x10, s18, s29, $0xb8;
	[tilespmem:$0x19D10] =	vst v63  }
0x17a: {  	_ =	swait.ge [sflag:s1], $0x2000  }
0x17b: {  	[sflag:s1] =	ssyncset.done $0x0  }
0x17c: {  	s11 =	simm.s32 $0x3800;
	[sflag:s1] =	ssyncadd.s32 $0xFFFFE000  }
0x17d: {  	[spmem:s3] =	stream.indirect.scatter.add.f32 [tilespmem:s30], [sflag:$0x7], $0x10, s11, s29, $0xb8;
	[tilespmem:$0x19D10] =	vst v63  }
0x17e: {  	_ =	swait.ge [sflag:s8], $0x2000  }
0x17f: {  	[sflag:s8] =	ssyncset.done $0x0  }
0x180: {  	s12 =	simm.s32 $0x1600;
	[sflag:s8] =	ssyncadd.s32 $0xFFFFE000  }
0x181: {  	[tilespmem:s21], [sflag:$0x6] =	stream.indirect.gather [spmem:s4], $0x10, s12, s29, $0xb8;
	[tilespmem:$0x19D10] =	vst v63  }
0x182: {  	_ =	swait.ge [sflag:s22], $0x2000  }
0x183: {  	[sflag:s22] =	ssyncset.done $0x0  }
0x184: {  	s18 =	simm.s32 $0x3A00;
	[sflag:s22] =	ssyncadd.s32 $0xFFFFE000  }
0x185: {  	[spmem:s3] =	stream.indirect.scatter.add.f32 [tilespmem:s31], [sflag:$0x8], $0x10, s18, s29, $0xb8;
	[tilespmem:$0x19D10] =	vst v63  }
0x186: {  	_ =	swait.ge [sflag:s2], $0x2000  }
0x187: {  	[sflag:s2] =	ssyncset.done $0x0  }
0x188: {  	s11 =	simm.s32 $0x1800;
	[sflag:s2] =	ssyncadd.s32 $0xFFFFE000  }
0x189: {  	[tilespmem:s30], [sflag:$0x3] =	stream.indirect.gather [spmem:s4], $0x10, s11, s29, $0xb8;
	[tilespmem:$0x19D10] =	vst v63  }
0x18a: {  	_ =	swait.ge [sflag:s23], $0x2000  }
0x18b: {  	[sflag:s23] =	ssyncset.done $0x0  }
0x18c: {  	s12 =	simm.s32 $0x3C00;
	[sflag:s23] =	ssyncadd.s32 $0xFFFFE000  }
0x18d: {  	[spmem:s3] =	stream.indirect.scatter.add.f32 [tilespmem:s0], [sflag:$0x9], $0x10, s12, s29, $0xb8;
	[tilespmem:$0x19D10] =	vst v63  }
0x18e: {  	_ =	swait.ge [sflag:s20], $0x2000  }
0x18f: {  	[sflag:s20] =	ssyncset.done $0x0  }
0x190: {  	s18 =	simm.s32 $0x1A00;
	[sflag:s20] =	ssyncadd.s32 $0xFFFFE000  }
0x191: {  	[tilespmem:s31], [sflag:$0x4] =	stream.indirect.gather [spmem:s4], $0x10, s18, s29, $0xb8;
	[tilespmem:$0x19D10] =	vst v63  }
0x192: {  	_ =	swait.ge [sflag:s6], $0x2000  }
0x193: {  	[sflag:s6] =	ssyncset.done $0x0  }
0x194: {  	s11 =	simm.s32 $0x3E00;
	[sflag:s6] =	ssyncadd.s32 $0xFFFFE000  }
0x195: {  	[spmem:s3] =	stream.indirect.scatter.add.f32 [tilespmem:s21], [sflag:$0xA], $0x10, s11, s29, $0xb8;
	[tilespmem:$0x19D10] =	vst v63  }
0x196: {  	_ =	swait.ge [sflag:s7], $0x2000  }
0x197: {  	[sflag:s7] =	ssyncset.done $0x0  }
0x198: {  	s12 =	simm.s32 $0x1C00;
	[sflag:s7] =	ssyncadd.s32 $0xFFFFE000  }
0x199: {  	[tilespmem:s0], [sflag:$0x5] =	stream.indirect.gather [spmem:s4], $0x10, s12, s29, $0xb8;
	[tilespmem:$0x19D10] =	vst v63  }
0x19a: {  	_ =	swait.ge [sflag:s1], $0x2000  }
0x19b: {  	[sflag:s1] =	ssyncset.done $0x0  }
0x19c: {  	s18 =	simm.s32 $0x4000;
	[sflag:s1] =	ssyncadd.s32 $0xFFFFE000  }
0x19d: {  	[spmem:s3] =	stream.indirect.scatter.add.f32 [tilespmem:s30], [sflag:$0x7], $0x10, s18, s29, $0xb8;
	[tilespmem:$0x19D10] =	vst v63  }
0x19e: {  	_ =	swait.ge [sflag:s8], $0x2000  }
0x19f: {  	[sflag:s8] =	ssyncset.done $0x0  }
0x1a0: {  	s11 =	simm.s32 $0x1E00;
	[sflag:s8] =	ssyncadd.s32 $0xFFFFE000  }
0x1a1: {  	[tilespmem:s21], [sflag:$0x6] =	stream.indirect.gather [spmem:s4], $0x10, s11, s29, $0xb8;
	[tilespmem:$0x19D10] =	vst v63  }
0x1a2: {  	_ =	swait.ge [sflag:s22], $0x2000  }
0x1a3: {  	[sflag:s22] =	ssyncset.done $0x0  }
0x1a4: {  	s12 =	simm.s32 $0x4200;
	[sflag:s22] =	ssyncadd.s32 $0xFFFFE000  }
0x1a5: {  	[spmem:s3] =	stream.indirect.scatter.add.f32 [tilespmem:s31], [sflag:$0x8], $0x10, s12, s29, $0xb8;
	[tilespmem:$0x19D10] =	vst v63  }
0x1a6: {  	_ =	swait.ge [sflag:s2], $0x2000  }
0x1a7: {  	[sflag:s2] =	ssyncset.done $0x0  }
0x1a8: {  	s18 =	simm.s32 $0x2000;
	[sflag:s2] =	ssyncadd.s32 $0xFFFFE000  }
0x1a9: {  	[tilespmem:s30], [sflag:$0x3] =	stream.indirect.gather [spmem:s4], $0x10, s18, s29, $0xb8;
	[tilespmem:$0x19D10] =	vst v63  }
0x1aa: {  	_ =	swait.ge [sflag:s23], $0x2000  }
0x1ab: {  	[sflag:s23] =	ssyncset.done $0x0  }
0x1ac: {  	s11 =	simm.s32 $0x4400;
	[sflag:s23] =	ssyncadd.s32 $0xFFFFE000  }
0x1ad: {  	[spmem:s3] =	stream.indirect.scatter.add.f32 [tilespmem:s0], [sflag:$0x9], $0x10, s11, s29, $0xb8;
	[tilespmem:$0x19D10] =	vst v63  }
0x1ae: {  	_ =	swait.ge [sflag:s20], $0x2000  }
0x1af: {  	[sflag:s20] =	ssyncset.done $0x0  }
0x1b0: {  	s12 =	simm.s32 $0x2200;
	[sflag:s20] =	ssyncadd.s32 $0xFFFFE000  }
0x1b1: {  	[tilespmem:s31], [sflag:$0x4] =	stream.indirect.gather [spmem:s4], $0x10, s12, s29, $0xb8;
	[tilespmem:$0x19D10] =	vst v63  }
0x1b2: {  	_ =	swait.ge [sflag:s6], $0x2000  }
0x1b3: {  	[sflag:s6] =	ssyncset.done $0x0  }
0x1b4: {  	s18 =	simm.s32 $0x4600;
	[sflag:s6] =	ssyncadd.s32 $0xFFFFE000  }
0x1b5: {  	[spmem:s3] =	stream.indirect.scatter.add.f32 [tilespmem:s21], [sflag:$0xA], $0x10, s18, s29, $0xb8;
	[tilespmem:$0x19D10] =	vst v63  }
0x1b6: {  	_ =	swait.ge [sflag:s7], $0x2000  }
0x1b7: {  	[sflag:s7] =	ssyncset.done $0x0  }
0x1b8: {  	s11 =	simm.s32 $0x2400;
	[sflag:s7] =	ssyncadd.s32 $0xFFFFE000  }
0x1b9: {  	[tilespmem:s0], [sflag:$0x5] =	stream.indirect.gather [spmem:s4], $0x10, s11, s29, $0xb8;
	[tilespmem:$0x19D10] =	vst v63  }
0x1ba: {  	_ =	swait.ge [sflag:s1], $0x2000  }
0x1bb: {  	[sflag:s1] =	ssyncset.done $0x0  }
0x1bc: {  	s12 =	simm.s32 $0x4800;
	[sflag:s1] =	ssyncadd.s32 $0xFFFFE000  }
0x1bd: {  	[spmem:s3] =	stream.indirect.scatter.add.f32 [tilespmem:s30], [sflag:$0x7], $0x10, s12, s29, $0xb8;
	[tilespmem:$0x19D10] =	vst v63  }
0x1be: {  	_ =	swait.ge [sflag:s8], $0x2000  }
0x1bf: {  	s10 =	simm.s32 @!p0 $0x200;
	[sflag:s8] =	ssyncset.done $0x0  }
0x1c0: {  	s11 =	simm.s32 @!p0 $0x2600;
	s12 =	simm.s32 @!p0 $0xB000;
	[sflag:s8] =	ssyncadd.s32 $0xFFFFE000  }
0x1c1: {  	[tilespmem:s12], [sflag:$0x6] =	stream.indirect.gather @!p0 [spmem:s4], $0x10, s11, s10, $0xb8;
	[tilespmem:$0x19D10] =	vst v63  }
0x1c2: {  	_ =	swait.ge [sflag:s22], $0x2000  }
0x1c3: {  	[sflag:s22] =	ssyncset.done $0x0  }
0x1c4: {  	s18 =	simm.s32 $0x4A00;
	[sflag:s22] =	ssyncadd.s32 $0xFFFFE000  }
0x1c5: {  	[spmem:s3] =	stream.indirect.scatter.add.f32 [tilespmem:s31], [sflag:$0x8], $0x10, s18, s29, $0xb8;
	[tilespmem:$0x19D10] =	vst v63  }
0x1c6: {  	_ =	swait.ge [sflag:s2], $0x2000  }
0x1c7: {  	[sflag:s2] =	ssyncset.done $0x0  }
0x1c8: {  	[sflag:s2] =	ssyncadd.s32 $0xFFFFE000  }
0x1c9: {  	_ =	swait.ge [sflag:s23], $0x2000  }
0x1ca: {  	[sflag:s23] =	ssyncset.done $0x0  }
0x1cb: {  	s18 =	simm.s32 $0x4C00;
	[sflag:s23] =	ssyncadd.s32 $0xFFFFE000  }
0x1cc: {  	[spmem:s3] =	stream.indirect.scatter.add.f32 [tilespmem:s0], [sflag:$0x9], $0x10, s18, s29, $0xb8;
	[tilespmem:$0x19D10] =	vst v63  }
0x1cd: {  	_ =	swait.ge [sflag:s20], $0x2000  }
0x1ce: {  	[sflag:s20] =	ssyncset.done $0x0  }
0x1cf: {  	s11 =	simm.s32 @!p0 $0x6;
	[sflag:s20] =	ssyncadd.s32 $0xFFFFE000  }
0x1d0: {  	_ =	swait.ge @!p0 [sflag:s11], $0x2000  }
0x1d1: {  	[sflag:s11] =	ssyncset.done @!p0 $0x0  }
0x1d2: {  	[sflag:s11] =	ssyncadd.s32 @!p0 $0xFFFFE000;
	s11 =	simm.s32 @!p0 $0x4E00  }
0x1d3: {  	[spmem:s3] =	stream.indirect.scatter.add.f32 @!p0 [tilespmem:s12], [sflag:$0xA], $0x10, s11, s10, $0xb8;
	[tilespmem:$0x19D10] =	vst v63  }
0x1d4: {  	s10 =	simm.s32 @!p0 $0x9  }
0x1d5: {  	_ =	swait.ge @!p0 [sflag:s10], $0x2000  }
0x1d6: {  	s11 =	simm.s32 @!p0 $0xA;
	[sflag:s10] =	ssyncset.done @!p0 $0x0  }
0x1d7: {  	s11 =	simm.s32 @p0 $0x9;
	[sflag:s10] =	ssyncadd.s32 @!p0 $0xFFFFE000  }
0x1d8: {  	_ =	swait.ge [sflag:s11], $0x2000  }
0x1d9: {  	[sflag:s11] =	ssyncset.done $0x0  }
0x1da: {  	[sflag:s11] =	ssyncadd.s32 $0xFFFFE000  }
0x1db: {  	[bflag:$0x0] =	sbarrier.arrive $0xFFFF  }
0x1dc: {  	[tilespmem:s24], [sflag:$0xB] =	stream.linear.gather [spmem:s14], $0x2800, $0x38;
	[tilespmem:$0x19D10] =	vst v63  }
0x1dd: {  	_ =	swait.ge [sflag:s25], $0x2800  }
0x1de: {  	[sflag:s25] =	ssyncset.done $0x0  }
0x1df: {  	s18 =	simm.s32 $0x0;
	[sflag:s25] =	ssyncadd.s32 $0xFFFFD800  }
0x1e0: {  	v1 =	vld [tilespmem:s18+$0x14A80]  }
0x1e1: {  	v2 =	vld [tilespmem:s18+$0x14800];
	_ =	sdelay $0x4  }
0x1e2: {  	v1 =	vadd.f32 v1, v2;
	_ =	sdelay $0x1  }
0x1e3: {  	v1 =	vmax.f32 v1, $1.000000000e+00  }
0x1e4: {  	(erf) = vrcp.f32 v1;
	_ =	sdelay $0x5  }
0x1e5: {  	s10 =	simm.s32 $0xD080  }
0x1e6: {  	v1 =	vld [tilespmem:s10+$0xFFFFFF80]  }
0x1e7: {  	v2 =	vld [tilespmem:s10+$0xFFFFFF90]  }
0x1e8: {  	v3 =	vld [tilespmem:s10+$0xFFFFFFA0];
	v4 =	vpop (erf)  }
0x1e9: {  	v5 =	vld [tilespmem:s10+$0xFFFFFFB0];
	v6 =	vbroadcast v4, $0x0  }
0x1ea: {  	v9 =	vld [tilespmem:s10+$0xFFFFFFD0];
	v7 =	vbroadcast v4, $0x1  }
0x1eb: {  	v8 =	vld [tilespmem:s10+$0xFFFFFFC0];
	v10 =	vbroadcast v4, $0x2;
	v1 =	vmul.f32 v6, v1  }
0x1ec: {  	v51 =	vld [tilespmem:s10+$0xFFFFFFE0];
	v50 =	vbroadcast v4, $0x3;
	v2 =	vmul.f32 v7, v2  }
0x1ed: {  	v53 =	vld [tilespmem:s10+$0x10];
	v52 =	vbroadcast v4, $0x5;
	v3 =	vmul.f32 v3, v10;
	[tilespmem:s10+$0xFFFFFF80] =	vst v1  }
0x1ee: {  	v11 =	vld [tilespmem:s10+$0xFFFFFFF0];
	v5 =	vmul.f32 v5, v50;
	v1 =	vbroadcast v4, $0x4;
	[tilespmem:s10+$0xFFFFFF90] =	vst v2  }
0x1ef: {  	v12 =	vbroadcast v4, $0x6;
	v6 =	vmul.f32 v9, v52;
	v2 =	vld [tilespmem:s10+$0x0];
	[tilespmem:s10+$0xFFFFFFA0] =	vst v3  }
0x1f0: {  	v58 =	vld [tilespmem:s10+$0x50];
	v56 =	vbroadcast v4, $0x9;
	[tilespmem:s10+$0xFFFFFFB0] =	vst v5;
	v1 =	vmul.f32 v8, v1  }
0x1f1: {  	v54 =	vld [tilespmem:s10+$0x20];
	v7 =	vmul.f32 v51, v12;
	v3 =	vbroadcast v4, $0x7;
	[tilespmem:s10+$0xFFFFFFD0] =	vst v6  }
0x1f2: {  	v55 =	vld [tilespmem:s10+$0x30];
	v60 =	vmul.f32 v53, v56;
	[tilespmem:s10+$0xFFFFFFC0] =	vst v1;
	v1 =	vbroadcast v4, $0x8  }
0x1f3: {  	v57 =	vld [tilespmem:s10+$0x40];
	v62 =	vbroadcast v4, $0xD;
	[tilespmem:s10+$0xFFFFFFE0] =	vst v7;
	v3 =	vmul.f32 v11, v3  }
0x1f4: {  	v61 =	vld [tilespmem:s10+$0x60];
	v59 =	vbroadcast v4, $0xA;
	[tilespmem:s10+$0x10] =	vst v60;
	v1 =	vmul.f32 v2, v1  }
0x1f5: {  	v5 =	vmul.f32 v58, v62;
	[tilespmem:s10+$0xFFFFFFF0] =	vst v3;
	v3 =	vld [tilespmem:s10+$0x70];
	v2 =	vbroadcast v4, $0xB  }
0x1f6: {  	v8 =	vmul.f32 v54, v59;
	[tilespmem:s10+$0x0] =	vst v1;
	v1 =	vbroadcast v4, $0xC  }
0x1f7: {  	v63 =	vbroadcast v4, $0xE;
	[tilespmem:s10+$0x50] =	vst v5;
	v2 =	vmul.f32 v55, v2  }
0x1f8: {  	[tilespmem:s10+$0x20] =	vst v8;
	v4 =	vbroadcast v4, $0xF;
	v1 =	vmul.f32 v57, v1  }
0x1f9: {  	[tilespmem:s10+$0x30] =	vst v2;
	v2 =	vmul.f32 v61, v63  }
0x1fa: {  	[tilespmem:s10+$0x40] =	vst v1;
	v1 =	vmul.f32 v3, v4  }
0x1fb: {  	[tilespmem:s10+$0x60] =	vst v2  }
0x1fc: {  	s18 =	simm.s32 $0x10;
	[tilespmem:s10+$0x70] =	vst v1  }
0x1fd: {  	s11 =	simm.s32 $0x80;
	v1 =	vld [tilespmem:s18+$0x14A80]  }
.LBB2_6:
0x1fe: {  	p1 =	sne.s32 s11, $0x9C0;
	v2 =	vld [tilespmem:s18+$0x14800];
	_ =	sdelay $0x4  }
0x1ff: {  	v1 =	vadd.f32 v1, v2;
	_ =	sdelay $0x1  }
0x200: {  	v1 =	vmax.f32 v1, $1.000000000e+00  }
0x201: {  	(erf) = vrcp.f32 v1;
	_ =	sdelay $0x3  }
0x202: {  	s10 =	sadd.s32 $0x100, s10  }
0x203: {  	v1 =	vld [tilespmem:s10+$0xFFFFFF80]  }
0x204: {  	v2 =	vld [tilespmem:s10+$0xFFFFFFB0]  }
0x205: {  	v3 =	vld [tilespmem:s10+$0xFFFFFF90]  }
0x206: {  	v4 =	vld [tilespmem:s10+$0xFFFFFFA0]  }
0x207: {  	v5 =	vld [tilespmem:s10+$0xFFFFFFF0];
	v6 =	vpop (erf)  }
0x208: {  	v7 =	vbroadcast v6, $0x0;
	v8 =	vbroadcast v6, $0x1;
	v9 =	vld [tilespmem:s10+$0xFFFFFFD0]  }
0x209: {  	v10 =	vbroadcast v6, $0x2;
	v11 =	vbroadcast v6, $0x3;
	v12 =	vld [tilespmem:s10+$0xFFFFFFC0]  }
0x20a: {  	v1 =	vmul.f32 v7, v1;
	v3 =	vmul.f32 v8, v3;
	v7 =	vld [tilespmem:s10+$0xFFFFFFE0]  }
0x20b: {  	v2 =	vmul.f32 v2, v11;
	v4 =	vmul.f32 v4, v10;
	v8 =	vld [tilespmem:s10+$0x30]  }
0x20c: {  	v10 =	vbroadcast v6, $0x5;
	[tilespmem:s10+$0xFFFFFF80] =	vst v1;
	v1 =	vbroadcast v6, $0x4;
	v11 =	vld [tilespmem:s10+$0x10]  }
0x20d: {  	v13 =	vbroadcast v6, $0x7;
	[tilespmem:s10+$0xFFFFFF90] =	vst v3;
	v3 =	vbroadcast v6, $0x6;
	v14 =	vld [tilespmem:s10+$0x0]  }
0x20e: {  	[tilespmem:s10+$0xFFFFFFA0] =	vst v4;
	v1 =	vmul.f32 v12, v1;
	v4 =	vmul.f32 v9, v10;
	v9 =	vld [tilespmem:s10+$0x20]  }
0x20f: {  	[tilespmem:s10+$0xFFFFFFB0] =	vst v2;
	v2 =	vmul.f32 v7, v3;
	v3 =	vmul.f32 v5, v13;
	v5 =	vld [tilespmem:s10+$0x70]  }
0x210: {  	v7 =	vbroadcast v6, $0x9;
	[tilespmem:s10+$0xFFFFFFC0] =	vst v1;
	v1 =	vbroadcast v6, $0x8;
	v10 =	vld [tilespmem:s10+$0x50]  }
0x211: {  	v12 =	vbroadcast v6, $0xB;
	[tilespmem:s10+$0xFFFFFFD0] =	vst v4;
	v4 =	vbroadcast v6, $0xA;
	v13 =	vld [tilespmem:s10+$0x40]  }
0x212: {  	[tilespmem:s10+$0xFFFFFFE0] =	vst v2;
	v1 =	vmul.f32 v14, v1;
	v2 =	vmul.f32 v11, v7;
	v7 =	vld [tilespmem:s10+$0x60]  }
0x213: {  	[tilespmem:s10+$0xFFFFFFF0] =	vst v3;
	v3 =	vmul.f32 v9, v4;
	v4 =	vmul.f32 v8, v12  }
0x214: {  	v8 =	vbroadcast v6, $0xD;
	[tilespmem:s10+$0x0] =	vst v1;
	v1 =	vbroadcast v6, $0xC  }
0x215: {  	[tilespmem:s10+$0x10] =	vst v2;
	v2 =	vbroadcast v6, $0xE;
	v6 =	vbroadcast v6, $0xF  }
0x216: {  	[tilespmem:s10+$0x20] =	vst v3;
	v1 =	vmul.f32 v13, v1;
	v3 =	vmul.f32 v10, v8  }
0x217: {  	[tilespmem:s10+$0x30] =	vst v4;
	v2 =	vmul.f32 v7, v2;
	v4 =	vmul.f32 v5, v6  }
.Ltmp2:
0x218: {  	[tilespmem:s10+$0x40] =	vst v1;
	(pc) =	sbr.rel @p1 .LBB2_6-.Ltmp2, $4  }
0x219: {  	[tilespmem:s10+$0x50] =	vst v3  }
0x21a: {  	[tilespmem:s10+$0x60] =	vst v2  }
0x21b: {  	s18 =	sshra.s32 s11, $0x2;
	[tilespmem:s10+$0x70] =	vst v4  }
0x21c: {  	s11 =	sadd.s32 $0x40, s11;
	v1 =	vld [tilespmem:s18+$0x14A80]  }
0x21d: {  	v2 =	vld [tilespmem:s18+$0x14800];
	_ =	sdelay $0x4  }
0x21e: {  	v1 =	vadd.f32 v1, v2;
	_ =	sdelay $0x1  }
0x21f: {  	v1 =	vmax.f32 v1, $1.000000000e+00  }
0x220: {  	(erf) = vrcp.f32 v1;
	_ =	sdelay $0x5  }
0x221: {  	s10 =	sadd.s32 $0x100, s10  }
0x222: {  	v1 =	vld [tilespmem:s10+$0xFFFFFF80]  }
0x223: {  	v2 =	vld [tilespmem:s10+$0xFFFFFF90]  }
0x224: {  	v3 =	vld [tilespmem:s10+$0xFFFFFFA0];
	v4 =	vpop (erf)  }
0x225: {  	v5 =	vld [tilespmem:s10+$0xFFFFFFB0];
	v6 =	vbroadcast v4, $0x0  }
0x226: {  	v9 =	vld [tilespmem:s10+$0xFFFFFFD0];
	v7 =	vbroadcast v4, $0x1  }
0x227: {  	v8 =	vld [tilespmem:s10+$0xFFFFFFC0];
	v10 =	vbroadcast v4, $0x2;
	v1 =	vmul.f32 v6, v1  }
0x228: {  	v51 =	vld [tilespmem:s10+$0xFFFFFFE0];
	v50 =	vbroadcast v4, $0x3;
	v2 =	vmul.f32 v7, v2  }
0x229: {  	v53 =	vld [tilespmem:s10+$0x10];
	v52 =	vbroadcast v4, $0x5;
	v3 =	vmul.f32 v3, v10;
	[tilespmem:s10+$0xFFFFFF80] =	vst v1  }
0x22a: {  	v11 =	vld [tilespmem:s10+$0xFFFFFFF0];
	v5 =	vmul.f32 v5, v50;
	v1 =	vbroadcast v4, $0x4;
	[tilespmem:s10+$0xFFFFFF90] =	vst v2  }
0x22b: {  	v12 =	vbroadcast v4, $0x6;
	v6 =	vmul.f32 v9, v52;
	v2 =	vld [tilespmem:s10+$0x0];
	[tilespmem:s10+$0xFFFFFFA0] =	vst v3  }
0x22c: {  	v58 =	vld [tilespmem:s10+$0x50];
	v56 =	vbroadcast v4, $0x9;
	[tilespmem:s10+$0xFFFFFFB0] =	vst v5;
	v1 =	vmul.f32 v8, v1  }
0x22d: {  	v54 =	vld [tilespmem:s10+$0x20];
	v7 =	vmul.f32 v51, v12;
	v3 =	vbroadcast v4, $0x7;
	[tilespmem:s10+$0xFFFFFFD0] =	vst v6  }
0x22e: {  	v55 =	vld [tilespmem:s10+$0x30];
	v60 =	vmul.f32 v53, v56;
	[tilespmem:s10+$0xFFFFFFC0] =	vst v1;
	v1 =	vbroadcast v4, $0x8  }
0x22f: {  	v57 =	vld [tilespmem:s10+$0x40];
	v62 =	vbroadcast v4, $0xD;
	[tilespmem:s10+$0xFFFFFFE0] =	vst v7;
	v3 =	vmul.f32 v11, v3  }
0x230: {  	v61 =	vld [tilespmem:s10+$0x60];
	v59 =	vbroadcast v4, $0xA;
	[tilespmem:s10+$0x10] =	vst v60;
	v1 =	vmul.f32 v2, v1  }
0x231: {  	v5 =	vmul.f32 v58, v62;
	[tilespmem:s10+$0xFFFFFFF0] =	vst v3;
	v3 =	vld [tilespmem:s10+$0x70];
	v2 =	vbroadcast v4, $0xB  }
0x232: {  	v8 =	vmul.f32 v54, v59;
	[tilespmem:s10+$0x0] =	vst v1;
	v1 =	vbroadcast v4, $0xC  }
0x233: {  	v63 =	vbroadcast v4, $0xE;
	[tilespmem:s10+$0x50] =	vst v5;
	v2 =	vmul.f32 v55, v2  }
0x234: {  	[tilespmem:s10+$0x20] =	vst v8;
	v4 =	vbroadcast v4, $0xF;
	v1 =	vmul.f32 v57, v1  }
0x235: {  	[tilespmem:s10+$0x30] =	vst v2;
	v2 =	vmul.f32 v61, v63  }
0x236: {  	s9 =	sadd.s32 $0x1, s9;
	[tilespmem:s10+$0x40] =	vst v1;
	v1 =	vmul.f32 v3, v4  }
0x237: {  	p1 =	sne.s32 s9, s17;
	[tilespmem:s10+$0x60] =	vst v2  }
.Ltmp3:
0x238: {  	[tilespmem:s10+$0x70] =	vst v1;
	(pc) =	sbr.rel @p1 .LBB2_1-.Ltmp3, $4  }
0x239: {  	[hbm4b:s16+s5] =	stream.linear.scatter [tilespmem:s24], [sflag:$0xB], $0x2800, $0x38;
	[tilespmem:$0x19D10] =	vst v63  }
0x23a: {  	_ =	swait.ge [sflag:s25], $0x2800  }
0x23b: {  	[sflag:s25] =	ssyncset.done $0x0  }
0x23c: {  	[sflag:s25] =	ssyncadd.s32 $0xFFFFD800  }
0x23d: {  	_ =	sfence.sel $0x180000  }
0x23e: {  	[bflag:$0x0] =	sbarrier.arrive $0xFFFF  }
0x23f: {  	_ =	strace $0x9000004A  }
0x240: {  	s0 =	stileid.u32;
	[bflag:$0x2] =	sbarrier.arrive $0xFFFF  }
0x241: {  	p0 =	sne.s32 s0, $0x0;
	s0 =	rddreg [dreg:$0x5]  }
0x242: {  	s0 =	sadd.s32 @!p0 $0x100000, s0  }
0x243: {  	[sflag:s0] =	ssyncadd.tile.s32 @!p0 $0x1;
	_ =	shalt  }
.Lfunc_end2:
_tile_overlayer_lowered:
.L_overlay_start_2:
0x244: {  	(tag) =	ssettag $0x2  }
0x245: {  	s0 =	rddreg [dreg:$0x0];
	s2 =	stileid.u32  }
0x246: {  	s1 =	rddreg [dreg:$0x1];
	p0 =	sne.s32 s2, $0x0  }
0x247: {  	s3 =	rddreg [dreg:$0x2];
	[bflag:$0x3] =	sbarrier.arrive $0xFFFF;
	s2 =	simm.s32 @!p0 $0x1C0B  }
0x248: {  	[timem:s3], [sflag:s2] =	dma.local @!p0 [hbm:s0], s1  }
0x249: {  	s0 =	simm.s32 @!p0 $0xB  }
0x24a: {  	_ =	swait.ge @!p0 [sflag:s0], s1  }
0x24b: {  	s1 =	ssub.s32 @!p0 $0x0, s1;
	[sflag:s0] =	ssyncset.done @!p0 $0x0  }
0x24c: {  	[sflag:s0] =	ssyncadd.s32 @!p0 s1  }
0x24d: {  	[bflag:$0x3] =	sbarrier.arrive $0xFFFF  }
0x24e: {  	_ =	shalt  }

</sc_bundles>
